<compile_context>
chip_gen: v7x
topology: tpu7x:2x2x1
jax: 0.10.2.dev20260603
libtpu: 0.0.44.dev20260713+nightly
codegen_flags: <defaults>
</compile_context>

<pallas_src>
import jax
import jax.numpy as jnp
from jax import lax
from jax.experimental import pallas as pl
from jax.experimental.pallas import tpu as pltpu
from jax.experimental.pallas import tpu_sc as plsc

HASH_LENGTH = 32

_L = 16
_NW = 32
_CHUNK = 128
_CAP = 512
_NSTAT = 4
_G = 8
_NCHCAP = 64

_BB_A = 256
_OB = 2560


def _mm_kernel(x_ref, w_ref, act_ref):
    act_ref[...] = lax.dot_general(
        x_ref[...].astype(jnp.bfloat16), w_ref[...].astype(jnp.bfloat16),
        (((1,), (1,)), ((), ())),
        preferred_element_type=jnp.float32)


def _cm_kernel(act_ref, cm_ref):
    a = act_ref[...]
    r = a.reshape(a.shape[0], a.shape[1] // _CHUNK, _CHUNK)
    cm_ref[...] = jnp.max(r, axis=2)


def _splat(ref, idx):
    return plsc.load_gather(ref, [jnp.full((_L,), idx, jnp.int32)])


def _bcast_last(v):
    return v.at[jnp.full((_L,), _L - 1, jnp.int32)].get(
        mode="promise_in_bounds")


def _make_sc_topk(B, O):
    rows_pw = B // _NW
    nch = O // _CHUNK
    nvec = O // _L
    mesh = plsc.VectorSubcoreMesh(core_axis_name="c", subcore_axis_name="s",
                                  num_cores=2, num_subcores=16)

    def body(act_hbm, cm_hbm, out_ref,
             row_buf, cm_all, chid_a, chid_b, cand_va, cand_ia,
             cand_vb, cand_ib, kept_v, kept_i,
             scat_v, scat_i, in_sem, scat_sem):
        wid = lax.axis_index("s") * 2 + lax.axis_index("c")
        r0 = wid * rows_pw
        iota = lax.iota(jnp.int32, _L)
        ones = jnp.ones((_L,), jnp.int32)
        zeros_i = jnp.zeros((_L,), jnp.int32)

        pltpu.sync_copy(cm_hbm.at[pl.ds(r0, rows_pw)], cm_all)
        for q in range(4):
            pltpu.async_copy(act_hbm.at[r0 + q], row_buf.at[q],
                             in_sem.at[q])

        def pair_body(g, c):
            pg = lax.rem(g, 2)
            ia = 2 * g
            ib = ia + 1
            ra = r0 + ia
            rb = ra + 1
            ba = 2 * pg
            bb = ba + 1
            pltpu.make_async_copy(
                act_hbm.at[ra], row_buf.at[ba], in_sem.at[ba]).wait()
            pltpu.make_async_copy(
                act_hbm.at[rb], row_buf.at[bb], in_sem.at[bb]).wait()

            def cm_count(ii, pb):
                pbv = jnp.full((_L,), pb, jnp.int32)
                acc = zeros_i
                for j in range(nch // _L):
                    v = plsc.bitcast(cm_all[ii, pl.ds(j * _L, _L)],
                                     jnp.int32)
                    acc = acc + jnp.where(v >= pbv, ones, zeros_i)
                return jnp.sum(acc)

            def cm_probe(s, tt):
                ta, tb = tt
                bit = lax.shift_left(jnp.int32(1), jnp.int32(30) - s)
                pa = ta | bit
                pb_ = tb | bit
                ca = cm_count(ia, pa)
                cb = cm_count(ib, pb_)
                return (jnp.where(ca >= HASH_LENGTH, pa, ta),
                        jnp.where(cb >= HASH_LENGTH, pb_, tb))
            tcma, tcmb = lax.fori_loop(
                0, 16, cm_probe, (jnp.int32(0), jnp.int32(0)))

            def collect(ii, bslot, tcm, chid, cand_v, cand_i):
                tcm_v = jnp.full((_L,), tcm, jnp.int32)
                off_ch = zeros_i
                for j in range(nch // _L):
                    v = plsc.bitcast(cm_all[ii, pl.ds(j * _L, _L)],
                                     jnp.int32)
                    m = v >= tcm_v
                    csum = plsc.cumsum(jnp.where(m, ones, zeros_i))
                    pos = jnp.minimum(off_ch + csum - 1, _NCHCAP - 1)
                    plsc.store_scatter(chid, [pos], iota + j * _L, mask=m)
                    off_ch = off_ch + _bcast_last(csum)
                nch_i = jnp.minimum(jnp.max(off_ch), jnp.int32(_NCHCAP))

                for q in range(_NSTAT + 1):
                    cand_v[pl.ds(q * _L, _L)] = jnp.full((_L,), -1,
                                                         jnp.int32)
                bfull = jnp.full((_L,), bslot, jnp.int32)
                def chunk_body(j, off):
                    cb_ = _splat(chid, j) * _CHUNK
                    for q in range(_CHUNK // _L):
                        colv = cb_ + (iota + q * _L)
                        v = plsc.bitcast(
                            plsc.load_gather(row_buf, [bfull, colv]),
                            jnp.int32)
                        m = v >= tcm_v
                        csum = plsc.cumsum(jnp.where(m, ones, zeros_i))
                        pos = jnp.minimum(off + csum - 1, _CAP - 1)
                        plsc.store_scatter(cand_v, [pos], v, mask=m)
                        plsc.store_scatter(cand_i, [pos], colv, mask=m)
                        off = off + _bcast_last(csum)
                    return off
                offv = lax.fori_loop(0, nch_i, chunk_body, zeros_i)
                off = jnp.minimum(jnp.max(offv), jnp.int32(_CAP))
                cand_v[pl.ds(off, _L)] = jnp.full((_L,), -1, jnp.int32)
                return (off + _L - 1) // _L
            nva = collect(ia, ba, tcma, chid_a, cand_va, cand_ia)
            nvb = collect(ib, bb, tcmb, chid_b, cand_vb, cand_ib)

            def cand_count(cand_v, nv, pb):
                pbv = jnp.full((_L,), pb, jnp.int32)
                acc = zeros_i
                for q in range(_NSTAT):
                    v = cand_v[pl.ds(q * _L, _L)]
                    acc = acc + jnp.where(v >= pbv, ones, zeros_i)
                def cnt(j, a):
                    v = cand_v[pl.ds(j * _L, _L)]
                    return a + jnp.where(v >= pbv, ones, zeros_i)
                return jnp.sum(lax.fori_loop(_NSTAT, nv, cnt, acc))

            def probe_body(s, tt):
                ta, tb = tt
                bit = lax.shift_left(jnp.int32(1), jnp.int32(30) - s)
                pa = ta | bit
                pb_ = tb | bit
                ca = cand_count(cand_va, nva, pa)
                cb = cand_count(cand_vb, nvb, pb_)
                return (jnp.where(ca >= HASH_LENGTH, pa, ta),
                        jnp.where(cb >= HASH_LENGTH, pb_, tb))
            tba, tbb = lax.fori_loop(
                0, 31, probe_body, (jnp.int32(0), jnp.int32(0)))

            def select(i, tb_, nv, cand_v, cand_i):
                tbv = jnp.full((_L,), tb_, jnp.int32)
                acc = zeros_i
                for q in range(_NSTAT):
                    v = cand_v[pl.ds(q * _L, _L)]
                    acc = acc + jnp.where(v > tbv, ones, zeros_i)
                def cnt_strict(j, a):
                    v = cand_v[pl.ds(j * _L, _L)]
                    return a + jnp.where(v > tbv, ones, zeros_i)
                nstrict = jnp.sum(
                    lax.fori_loop(_NSTAT, nv, cnt_strict, acc))
                quota_v = jnp.full((_L,), HASH_LENGTH - nstrict, jnp.int32)

                def sel_one(sl, carry):
                    koff, eqtot = carry
                    v = cand_v[sl]
                    ci = cand_i[sl]
                    gt = v > tbv
                    eq = v == tbv
                    eqc = plsc.cumsum(jnp.where(eq, ones, zeros_i))
                    keep = gt | (eq & ((eqc + eqtot) <= quota_v))
                    kc = plsc.cumsum(jnp.where(keep, ones, zeros_i))
                    pos = jnp.minimum(koff + kc - 1,
                                      jnp.int32(HASH_LENGTH + _L - 1))
                    plsc.store_scatter(kept_v, [pos], v, mask=keep)
                    plsc.store_scatter(kept_i, [pos], ci, mask=keep)
                    return (koff + _bcast_last(kc),
                            eqtot + _bcast_last(eqc))
                carry = (zeros_i, zeros_i)
                for q in range(_NSTAT):
                    carry = sel_one(pl.ds(q * _L, _L), carry)
                lax.fori_loop(_NSTAT, nv,
                              lambda j, cc: sel_one(pl.ds(j * _L, _L), cc),
                              carry)

                outbase = (r0 + i) * O
                for q in range(HASH_LENGTH // _L):
                    kv = plsc.bitcast(kept_v[pl.ds(q * _L, _L)],
                                      jnp.float32)
                    ki = kept_i[pl.ds(q * _L, _L)] + outbase
                    scat_v[pl.ds(i * HASH_LENGTH + q * _L, _L)] = kv
                    scat_i[i // 4,
                           pl.ds(lax.rem(i, 4) * HASH_LENGTH + q * _L,
                                 _L)] = ki
            select(ia, tba, nva, cand_va, cand_ia)
            select(ib, tbb, nvb, cand_vb, cand_ib)

            @pl.when(ia + 4 < rows_pw)
            def _():
                pltpu.async_copy(
                    act_hbm.at[ra + 4], row_buf.at[ba], in_sem.at[ba])
                pltpu.async_copy(
                    act_hbm.at[rb + 4], row_buf.at[bb], in_sem.at[bb])
            return c
        lax.fori_loop(0, rows_pw // 2, pair_body, 0)

        nbatch = (rows_pw * HASH_LENGTH) // _CHUNK
        for b in range(nbatch):
            pltpu.async_copy(scat_v.at[pl.ds(b * _CHUNK, _CHUNK)],
                             out_ref.at[scat_i.at[b]], scat_sem)
        for b in range(nbatch):
            pltpu.make_async_copy(scat_v.at[pl.ds(b * _CHUNK, _CHUNK)],
                                  out_ref.at[scat_i.at[b]], scat_sem).wait()

    return pl.kernel(
        body,
        out_type=(),
        mesh=mesh,
        compiler_params=pltpu.CompilerParams(needs_layout_passes=False),
        scratch_types=[
            pltpu.VMEM((4, O), jnp.float32),
            pltpu.VMEM((rows_pw, nch), jnp.float32),
            pltpu.VMEM((_NCHCAP,), jnp.int32),
            pltpu.VMEM((_NCHCAP,), jnp.int32),
            pltpu.VMEM((_CAP + _L,), jnp.int32),
            pltpu.VMEM((_CAP + _L,), jnp.int32),
            pltpu.VMEM((_CAP + _L,), jnp.int32),
            pltpu.VMEM((_CAP + _L,), jnp.int32),
            pltpu.VMEM((HASH_LENGTH + _L,), jnp.int32),
            pltpu.VMEM((HASH_LENGTH + _L,), jnp.int32),
            pltpu.VMEM((rows_pw * HASH_LENGTH,), jnp.float32),
            pltpu.VMEM((rows_pw * HASH_LENGTH // _CHUNK, _CHUNK),
                       jnp.int32),
            pltpu.SemaphoreType.DMA((4,)),
            pltpu.SemaphoreType.DMA,
        ],
    )


def _matmul_chunkmax(x, W):
    B, K = x.shape
    O = W.shape[0]
    act = pl.pallas_call(
        _mm_kernel,
        grid=(O // _OB, B // _BB_A),
        in_specs=[
            pl.BlockSpec((_BB_A, K), lambda o, b: (b, 0)),
            pl.BlockSpec((_OB, K), lambda o, b: (o, 0)),
        ],
        out_specs=pl.BlockSpec((_BB_A, _OB), lambda o, b: (b, o)),
        out_shape=jax.ShapeDtypeStruct((B, O), jnp.float32),
    )(x, W)
    bb_c = 128
    cm = pl.pallas_call(
        _cm_kernel,
        grid=(B // bb_c,),
        in_specs=[pl.BlockSpec((bb_c, O), lambda b: (b, 0))],
        out_specs=pl.BlockSpec((bb_c, O // _CHUNK), lambda b: (b, 0)),
        out_shape=jax.ShapeDtypeStruct((B, O // _CHUNK), jnp.float32),
    )(act)
    return act, cm


def kernel(x, W):
    B, _ = x.shape
    O = W.shape[0]
    act, cm = _matmul_chunkmax(x, W)
    out_flat = jax.new_ref(jnp.zeros((B * O,), jnp.float32))
    _make_sc_topk(B, O)(act, cm, out_flat)
    return out_flat[...].reshape(B, O)

# --- scband reference (transcript-rebuilt; emitter-appended) ---
"""Pipeline reference for scband-mb-projection-71725953843846 (READ-ONLY COPY).

The authoritative reference and input builder live on the scoring server;
editing this copy changes nothing except your own understanding.
"""

import jax, jax.numpy as jnp
import numpy as np

IN_FEATURES = 512
DIM_EXPLOSION_FACTOR = 40
OUT_FEATURES = IN_FEATURES * DIM_EXPLOSION_FACTOR  # 20480
NB_PROJ_ENTRIES = 6
HASH_LENGTH = 32
BATCH = 2048


def setup_inputs(seed: int = 0) -> dict:
    key = jax.random.key(seed)
    k1, k2 = jax.random.split(key)
    x = jax.random.uniform(k1, (BATCH, IN_FEATURES), dtype=jnp.float32)
    # Sparse random binary projection matrix: each output row connects to
    # NB_PROJ_ENTRIES random input features (FlyHash-style olfactory projection).
    cols = jax.random.randint(k2, (OUT_FEATURES, NB_PROJ_ENTRIES), 0, IN_FEATURES)
    rows = jnp.repeat(jnp.arange(OUT_FEATURES), NB_PROJ_ENTRIES)
    W = jnp.zeros((OUT_FEATURES, IN_FEATURES), dtype=jnp.float32)
    W = W.at[rows, cols.reshape(-1)].set(1.0)
    return {"x": x, "W": W}


def reference(x, W):
    # x: [B, in_features]; W: [out_features, in_features] (sparse binary, stored dense)
    # torch.sparse.mm(weight, input.t()).t() == x @ W.T
    act = x @ W.T  # [B, out_features]
    # MB_sparsify: winner-take-all, keep top HASH_LENGTH activations per sample,
    # zero everything else (output returned as sparse COO in torch; dense-masked here).
    _, idx = jax.lax.top_k(act, HASH_LENGTH)  # [B, HASH_LENGTH]
    rows = jnp.arange(act.shape[0])[:, None]
    mask = jnp.zeros_like(act).at[rows, idx].set(1.0)
    return act * mask

if __name__ == "__main__":
    import jax
    _d = setup_inputs()
    print(jax.jit(kernel)(*tuple(_d.values())))

</pallas_src>

<mosaic_0001>
#map = affine_map<(d0, d1) -> (0, 0)>
#map1 = affine_map<(d0, d1) -> (0)>
module attributes {stable_mosaic.version = 14 : i64} {
  func.func @new_body(%arg0: i32, %arg1: i32, %arg2: memref<2048x20480xf32, #tpu.memory_space<hbm>>, %arg3: memref<2048x160xf32, #tpu.memory_space<hbm>>, %arg4: memref<41943040xf32, #tpu.memory_space<hbm>>, %arg5: memref<41943040xf32, #tpu.memory_space<hbm>>, %arg6: memref<4x20480xf32, #tpu.memory_space<vmem>>, %arg7: memref<64x160xf32, #tpu.memory_space<vmem>>, %arg8: memref<64xi32, #tpu.memory_space<vmem>>, %arg9: memref<64xi32, #tpu.memory_space<vmem>>, %arg10: memref<528xi32, #tpu.memory_space<vmem>>, %arg11: memref<528xi32, #tpu.memory_space<vmem>>, %arg12: memref<528xi32, #tpu.memory_space<vmem>>, %arg13: memref<528xi32, #tpu.memory_space<vmem>>, %arg14: memref<48xi32, #tpu.memory_space<vmem>>, %arg15: memref<48xi32, #tpu.memory_space<vmem>>, %arg16: memref<2048xf32, #tpu.memory_space<vmem>>, %arg17: memref<16x128xi32, #tpu.memory_space<vmem>>, %arg18: memref<4x!tpu.dma_semaphore, #tpu.memory_space<semaphore_mem>>, %arg19: memref<!tpu.dma_semaphore, #tpu.memory_space<semaphore_mem>>) attributes {dimension_semantics = [#tpu.dimension_semantics<core_parallel>, #tpu.dimension_semantics<subcore_parallel>], iteration_bounds = array<i64: 2, 16>, scalar_prefetch = 0 : i64, scratch_operands = 14 : i64, tpu.core_type = #tpu.core_type<sc_vector_subcore>, window_params = [{transform_indices = #map}, {transform_indices = #map}, {transform_indices = #map1}, {transform_indices = #map1}]} {
    %mul3A = arith.constant 2 : i32
    %mul3A_0 = arith.muli %arg1, %mul3A : i32
    %add3A = arith.addi %mul3A_0, %arg0 : i32
    %mul3A_1 = arith.constant 64 : i32
    %mul3A_2 = arith.muli %add3A, %mul3A_1 : i32
    %iota3A = tpu.iota {dimensions = array<i32: 0>} : vector<16xi32>
    %broadcast_in_dim3A = arith.constant 1 : i32
    %broadcast_in_dim3A_3 = vector.broadcast %broadcast_in_dim3A : i32 to vector<16xi32>
    %broadcast_in_dim3A_4 = arith.constant 0 : i32
    %broadcast_in_dim3A_5 = vector.broadcast %broadcast_in_dim3A_4 : i32 to vector<16xi32>
    "tpu.region"() ({
      %run_scoped3A = tpu.sem_alloc : memref<!tpu.dma_semaphore, #tpu.memory_space<semaphore_mem>>
      %dma_start3A_337 = arith.constant 0 : i32
      %dma_start3A_338 = tpu.memref_slice %arg3[%mul3A_2, %dma_start3A_337] : memref<2048x160xf32, #tpu.memory_space<hbm>> -> memref<64x160xf32, #tpu.memory_space<hbm>>
      %dma_start3A_339 = arith.constant 0 : i32
      %dma_start3A_340 = tpu.memref_slice %arg3[%mul3A_2, %dma_start3A_339] : memref<2048x160xf32, #tpu.memory_space<hbm>> -> memref<64x160xf32, #tpu.memory_space<hbm>>
      tpu.enqueue_dma source(%dma_start3A_340 : memref<64x160xf32, #tpu.memory_space<hbm>>) target(%arg7 : memref<64x160xf32, #tpu.memory_space<vmem>>) target_semaphore(%run_scoped3A : memref<!tpu.dma_semaphore, #tpu.memory_space<semaphore_mem>>)
      %dma_wait3A_341 = arith.constant 0 : i32
      %dma_wait3A_342 = tpu.memref_slice %arg3[%mul3A_2, %dma_wait3A_341] : memref<2048x160xf32, #tpu.memory_space<hbm>> -> memref<64x160xf32, #tpu.memory_space<hbm>>
      %dma_wait3A_343 = arith.constant 0 : i32
      %dma_wait3A_344 = tpu.memref_slice %arg3[%mul3A_2, %dma_wait3A_343] : memref<2048x160xf32, #tpu.memory_space<hbm>> -> memref<64x160xf32, #tpu.memory_space<hbm>>
      tpu.wait_dma2 semaphore(%run_scoped3A : memref<!tpu.dma_semaphore, #tpu.memory_space<semaphore_mem>>) src(%dma_wait3A_344 : memref<64x160xf32, #tpu.memory_space<hbm>>) dst(%arg7 : memref<64x160xf32, #tpu.memory_space<vmem>>)
      tpu.yield
    }) : () -> ()
    %add3A_6 = arith.constant 0 : i32
    %add3A_7 = arith.addi %mul3A_2, %add3A_6 : i32
    %dma_start3A = arith.constant 0 : i32
    %dma_start3A_8 = arith.constant 0 : i32
    %dma_start3A_9 = arith.constant 0 : i32
    %dma_start3A_10 = tpu.memref_slice %arg6[%dma_start3A, %dma_start3A_9] : memref<4x20480xf32, #tpu.memory_space<vmem>> -> memref<1x20480xf32, #tpu.memory_space<vmem>>
    %dma_start3A_11 = tpu.memref_squeeze %dma_start3A_10 : memref<1x20480xf32, #tpu.memory_space<vmem>> -> memref<20480xf32, #tpu.memory_space<vmem>>
    %dma_start3A_12 = arith.constant 0 : i32
    %dma_start3A_13 = tpu.memref_slice %arg2[%add3A_7, %dma_start3A_12] : memref<2048x20480xf32, #tpu.memory_space<hbm>> -> memref<1x20480xf32, #tpu.memory_space<hbm>>
    %dma_start3A_14 = tpu.memref_squeeze %dma_start3A_13 : memref<1x20480xf32, #tpu.memory_space<hbm>> -> memref<20480xf32, #tpu.memory_space<hbm>>
    %dma_start3A_15 = tpu.memref_slice %arg18[%dma_start3A_8] : memref<4x!tpu.dma_semaphore, #tpu.memory_space<semaphore_mem>> -> memref<1x!tpu.dma_semaphore, #tpu.memory_space<semaphore_mem>>
    %dma_start3A_16 = tpu.memref_squeeze %dma_start3A_15 : memref<1x!tpu.dma_semaphore, #tpu.memory_space<semaphore_mem>> -> memref<!tpu.dma_semaphore, #tpu.memory_space<semaphore_mem>>
    %dma_start3A_17 = arith.constant 0 : i32
    %dma_start3A_18 = tpu.memref_slice %arg6[%dma_start3A, %dma_start3A_17] : memref<4x20480xf32, #tpu.memory_space<vmem>> -> memref<1x20480xf32, #tpu.memory_space<vmem>>
    %dma_start3A_19 = tpu.memref_squeeze %dma_start3A_18 : memref<1x20480xf32, #tpu.memory_space<vmem>> -> memref<20480xf32, #tpu.memory_space<vmem>>
    %dma_start3A_20 = arith.constant 0 : i32
    %dma_start3A_21 = tpu.memref_slice %arg2[%add3A_7, %dma_start3A_20] : memref<2048x20480xf32, #tpu.memory_space<hbm>> -> memref<1x20480xf32, #tpu.memory_space<hbm>>
    %dma_start3A_22 = tpu.memref_squeeze %dma_start3A_21 : memref<1x20480xf32, #tpu.memory_space<hbm>> -> memref<20480xf32, #tpu.memory_space<hbm>>
    tpu.enqueue_dma source(%dma_start3A_22 : memref<20480xf32, #tpu.memory_space<hbm>>) target(%dma_start3A_19 : memref<20480xf32, #tpu.memory_space<vmem>>) target_semaphore(%dma_start3A_16 : memref<!tpu.dma_semaphore, #tpu.memory_space<semaphore_mem>>)
    %add3A_23 = arith.constant 1 : i32
    %add3A_24 = arith.addi %mul3A_2, %add3A_23 : i32
    %dma_start3A_25 = arith.constant 1 : i32
    %dma_start3A_26 = arith.constant 1 : i32
    %dma_start3A_27 = arith.constant 0 : i32
    %dma_start3A_28 = tpu.memref_slice %arg6[%dma_start3A_25, %dma_start3A_27] : memref<4x20480xf32, #tpu.memory_space<vmem>> -> memref<1x20480xf32, #tpu.memory_space<vmem>>
    %dma_start3A_29 = tpu.memref_squeeze %dma_start3A_28 : memref<1x20480xf32, #tpu.memory_space<vmem>> -> memref<20480xf32, #tpu.memory_space<vmem>>
    %dma_start3A_30 = arith.constant 0 : i32
    %dma_start3A_31 = tpu.memref_slice %arg2[%add3A_24, %dma_start3A_30] : memref<2048x20480xf32, #tpu.memory_space<hbm>> -> memref<1x20480xf32, #tpu.memory_space<hbm>>
    %dma_start3A_32 = tpu.memref_squeeze %dma_start3A_31 : memref<1x20480xf32, #tpu.memory_space<hbm>> -> memref<20480xf32, #tpu.memory_space<hbm>>
    %dma_start3A_33 = tpu.memref_slice %arg18[%dma_start3A_26] : memref<4x!tpu.dma_semaphore, #tpu.memory_space<semaphore_mem>> -> memref<1x!tpu.dma_semaphore, #tpu.memory_space<semaphore_mem>>
    %dma_start3A_34 = tpu.memref_squeeze %dma_start3A_33 : memref<1x!tpu.dma_semaphore, #tpu.memory_space<semaphore_mem>> -> memref<!tpu.dma_semaphore, #tpu.memory_space<semaphore_mem>>
    %dma_start3A_35 = arith.constant 0 : i32
    %dma_start3A_36 = tpu.memref_slice %arg6[%dma_start3A_25, %dma_start3A_35] : memref<4x20480xf32, #tpu.memory_space<vmem>> -> memref<1x20480xf32, #tpu.memory_space<vmem>>
    %dma_start3A_37 = tpu.memref_squeeze %dma_start3A_36 : memref<1x20480xf32, #tpu.memory_space<vmem>> -> memref<20480xf32, #tpu.memory_space<vmem>>
    %dma_start3A_38 = arith.constant 0 : i32
    %dma_start3A_39 = tpu.memref_slice %arg2[%add3A_24, %dma_start3A_38] : memref<2048x20480xf32, #tpu.memory_space<hbm>> -> memref<1x20480xf32, #tpu.memory_space<hbm>>
    %dma_start3A_40 = tpu.memref_squeeze %dma_start3A_39 : memref<1x20480xf32, #tpu.memory_space<hbm>> -> memref<20480xf32, #tpu.memory_space<hbm>>
    tpu.enqueue_dma source(%dma_start3A_40 : memref<20480xf32, #tpu.memory_space<hbm>>) target(%dma_start3A_37 : memref<20480xf32, #tpu.memory_space<vmem>>) target_semaphore(%dma_start3A_34 : memref<!tpu.dma_semaphore, #tpu.memory_space<semaphore_mem>>)
    %add3A_41 = arith.constant 2 : i32
    %add3A_42 = arith.addi %mul3A_2, %add3A_41 : i32
    %dma_start3A_43 = arith.constant 2 : i32
    %dma_start3A_44 = arith.constant 2 : i32
    %dma_start3A_45 = arith.constant 0 : i32
    %dma_start3A_46 = tpu.memref_slice %arg6[%dma_start3A_43, %dma_start3A_45] : memref<4x20480xf32, #tpu.memory_space<vmem>> -> memref<1x20480xf32, #tpu.memory_space<vmem>>
    %dma_start3A_47 = tpu.memref_squeeze %dma_start3A_46 : memref<1x20480xf32, #tpu.memory_space<vmem>> -> memref<20480xf32, #tpu.memory_space<vmem>>
    %dma_start3A_48 = arith.constant 0 : i32
    %dma_start3A_49 = tpu.memref_slice %arg2[%add3A_42, %dma_start3A_48] : memref<2048x20480xf32, #tpu.memory_space<hbm>> -> memref<1x20480xf32, #tpu.memory_space<hbm>>
    %dma_start3A_50 = tpu.memref_squeeze %dma_start3A_49 : memref<1x20480xf32, #tpu.memory_space<hbm>> -> memref<20480xf32, #tpu.memory_space<hbm>>
    %dma_start3A_51 = tpu.memref_slice %arg18[%dma_start3A_44] : memref<4x!tpu.dma_semaphore, #tpu.memory_space<semaphore_mem>> -> memref<1x!tpu.dma_semaphore, #tpu.memory_space<semaphore_mem>>
    %dma_start3A_52 = tpu.memref_squeeze %dma_start3A_51 : memref<1x!tpu.dma_semaphore, #tpu.memory_space<semaphore_mem>> -> memref<!tpu.dma_semaphore, #tpu.memory_space<semaphore_mem>>
    %dma_start3A_53 = arith.constant 0 : i32
    %dma_start3A_54 = tpu.memref_slice %arg6[%dma_start3A_43, %dma_start3A_53] : memref<4x20480xf32, #tpu.memory_space<vmem>> -> memref<1x20480xf32, #tpu.memory_space<vmem>>
    %dma_start3A_55 = tpu.memref_squeeze %dma_start3A_54 : memref<1x20480xf32, #tpu.memory_space<vmem>> -> memref<20480xf32, #tpu.memory_space<vmem>>
    %dma_start3A_56 = arith.constant 0 : i32
    %dma_start3A_57 = tpu.memref_slice %arg2[%add3A_42, %dma_start3A_56] : memref<2048x20480xf32, #tpu.memory_space<hbm>> -> memref<1x20480xf32, #tpu.memory_space<hbm>>
    %dma_start3A_58 = tpu.memref_squeeze %dma_start3A_57 : memref<1x20480xf32, #tpu.memory_space<hbm>> -> memref<20480xf32, #tpu.memory_space<hbm>>
    tpu.enqueue_dma source(%dma_start3A_58 : memref<20480xf32, #tpu.memory_space<hbm>>) target(%dma_start3A_55 : memref<20480xf32, #tpu.memory_space<vmem>>) target_semaphore(%dma_start3A_52 : memref<!tpu.dma_semaphore, #tpu.memory_space<semaphore_mem>>)
    %add3A_59 = arith.constant 3 : i32
    %add3A_60 = arith.addi %mul3A_2, %add3A_59 : i32
    %dma_start3A_61 = arith.constant 3 : i32
    %dma_start3A_62 = arith.constant 3 : i32
    %dma_start3A_63 = arith.constant 0 : i32
    %dma_start3A_64 = tpu.memref_slice %arg6[%dma_start3A_61, %dma_start3A_63] : memref<4x20480xf32, #tpu.memory_space<vmem>> -> memref<1x20480xf32, #tpu.memory_space<vmem>>
    %dma_start3A_65 = tpu.memref_squeeze %dma_start3A_64 : memref<1x20480xf32, #tpu.memory_space<vmem>> -> memref<20480xf32, #tpu.memory_space<vmem>>
    %dma_start3A_66 = arith.constant 0 : i32
    %dma_start3A_67 = tpu.memref_slice %arg2[%add3A_60, %dma_start3A_66] : memref<2048x20480xf32, #tpu.memory_space<hbm>> -> memref<1x20480xf32, #tpu.memory_space<hbm>>
    %dma_start3A_68 = tpu.memref_squeeze %dma_start3A_67 : memref<1x20480xf32, #tpu.memory_space<hbm>> -> memref<20480xf32, #tpu.memory_space<hbm>>
    %dma_start3A_69 = tpu.memref_slice %arg18[%dma_start3A_62] : memref<4x!tpu.dma_semaphore, #tpu.memory_space<semaphore_mem>> -> memref<1x!tpu.dma_semaphore, #tpu.memory_space<semaphore_mem>>
    %dma_start3A_70 = tpu.memref_squeeze %dma_start3A_69 : memref<1x!tpu.dma_semaphore, #tpu.memory_space<semaphore_mem>> -> memref<!tpu.dma_semaphore, #tpu.memory_space<semaphore_mem>>
    %dma_start3A_71 = arith.constant 0 : i32
    %dma_start3A_72 = tpu.memref_slice %arg6[%dma_start3A_61, %dma_start3A_71] : memref<4x20480xf32, #tpu.memory_space<vmem>> -> memref<1x20480xf32, #tpu.memory_space<vmem>>
    %dma_start3A_73 = tpu.memref_squeeze %dma_start3A_72 : memref<1x20480xf32, #tpu.memory_space<vmem>> -> memref<20480xf32, #tpu.memory_space<vmem>>
    %dma_start3A_74 = arith.constant 0 : i32
    %dma_start3A_75 = tpu.memref_slice %arg2[%add3A_60, %dma_start3A_74] : memref<2048x20480xf32, #tpu.memory_space<hbm>> -> memref<1x20480xf32, #tpu.memory_space<hbm>>
    %dma_start3A_76 = tpu.memref_squeeze %dma_start3A_75 : memref<1x20480xf32, #tpu.memory_space<hbm>> -> memref<20480xf32, #tpu.memory_space<hbm>>
    tpu.enqueue_dma source(%dma_start3A_76 : memref<20480xf32, #tpu.memory_space<hbm>>) target(%dma_start3A_73 : memref<20480xf32, #tpu.memory_space<vmem>>) target_semaphore(%dma_start3A_70 : memref<!tpu.dma_semaphore, #tpu.memory_space<semaphore_mem>>)
    %scan3A = arith.constant 0 : i32
    %scan3A_77 = arith.constant 0 : i32
    %scan3A_78 = arith.constant 32 : i32
    %scan3A_79 = arith.addi %scan3A_77, %scan3A_78 : i32
    %scan3A_80 = arith.constant 1 : i32
    scf.for %scan3A_337 = %scan3A_77 to %scan3A_79 step %scan3A_80  : i32 {
      %rem3A = arith.constant 2 : i32
      %rem3A_338 = arith.remsi %scan3A_337, %rem3A : i32
      %mul3A_339 = arith.constant 2 : i32
      %mul3A_340 = arith.muli %mul3A_339, %scan3A_337 : i32
      %add3A_341 = arith.constant 1 : i32
      %add3A_342 = arith.addi %mul3A_340, %add3A_341 : i32
      %add3A_343 = arith.addi %mul3A_2, %mul3A_340 : i32
      %add3A_344 = arith.constant 1 : i32
      %add3A_345 = arith.addi %add3A_343, %add3A_344 : i32
      %mul3A_346 = arith.constant 2 : i32
      %mul3A_347 = arith.muli %mul3A_346, %rem3A_338 : i32
      %add3A_348 = arith.constant 1 : i32
      %add3A_349 = arith.addi %mul3A_347, %add3A_348 : i32
      %dma_wait3A_350 = arith.constant 0 : i32
      %dma_wait3A_351 = tpu.memref_slice %arg6[%mul3A_347, %dma_wait3A_350] : memref<4x20480xf32, #tpu.memory_space<vmem>> -> memref<1x20480xf32, #tpu.memory_space<vmem>>
      %dma_wait3A_352 = tpu.memref_squeeze %dma_wait3A_351 : memref<1x20480xf32, #tpu.memory_space<vmem>> -> memref<20480xf32, #tpu.memory_space<vmem>>
      %dma_wait3A_353 = arith.constant 0 : i32
      %dma_wait3A_354 = tpu.memref_slice %arg2[%add3A_343, %dma_wait3A_353] : memref<2048x20480xf32, #tpu.memory_space<hbm>> -> memref<1x20480xf32, #tpu.memory_space<hbm>>
      %dma_wait3A_355 = tpu.memref_squeeze %dma_wait3A_354 : memref<1x20480xf32, #tpu.memory_space<hbm>> -> memref<20480xf32, #tpu.memory_space<hbm>>
      %dma_wait3A_356 = tpu.memref_slice %arg18[%mul3A_347] : memref<4x!tpu.dma_semaphore, #tpu.memory_space<semaphore_mem>> -> memref<1x!tpu.dma_semaphore, #tpu.memory_space<semaphore_mem>>
      %dma_wait3A_357 = tpu.memref_squeeze %dma_wait3A_356 : memref<1x!tpu.dma_semaphore, #tpu.memory_space<semaphore_mem>> -> memref<!tpu.dma_semaphore, #tpu.memory_space<semaphore_mem>>
      %dma_wait3A_358 = arith.constant 0 : i32
      %dma_wait3A_359 = tpu.memref_slice %arg6[%mul3A_347, %dma_wait3A_358] : memref<4x20480xf32, #tpu.memory_space<vmem>> -> memref<1x20480xf32, #tpu.memory_space<vmem>>
      %dma_wait3A_360 = tpu.memref_squeeze %dma_wait3A_359 : memref<1x20480xf32, #tpu.memory_space<vmem>> -> memref<20480xf32, #tpu.memory_space<vmem>>
      %dma_wait3A_361 = arith.constant 0 : i32
      %dma_wait3A_362 = tpu.memref_slice %arg2[%add3A_343, %dma_wait3A_361] : memref<2048x20480xf32, #tpu.memory_space<hbm>> -> memref<1x20480xf32, #tpu.memory_space<hbm>>
      %dma_wait3A_363 = tpu.memref_squeeze %dma_wait3A_362 : memref<1x20480xf32, #tpu.memory_space<hbm>> -> memref<20480xf32, #tpu.memory_space<hbm>>
      tpu.wait_dma2 semaphore(%dma_wait3A_357 : memref<!tpu.dma_semaphore, #tpu.memory_space<semaphore_mem>>) src(%dma_wait3A_363 : memref<20480xf32, #tpu.memory_space<hbm>>) dst(%dma_wait3A_360 : memref<20480xf32, #tpu.memory_space<vmem>>)
      %dma_wait3A_364 = arith.constant 0 : i32
      %dma_wait3A_365 = tpu.memref_slice %arg6[%add3A_349, %dma_wait3A_364] : memref<4x20480xf32, #tpu.memory_space<vmem>> -> memref<1x20480xf32, #tpu.memory_space<vmem>>
      %dma_wait3A_366 = tpu.memref_squeeze %dma_wait3A_365 : memref<1x20480xf32, #tpu.memory_space<vmem>> -> memref<20480xf32, #tpu.memory_space<vmem>>
      %dma_wait3A_367 = arith.constant 0 : i32
      %dma_wait3A_368 = tpu.memref_slice %arg2[%add3A_345, %dma_wait3A_367] : memref<2048x20480xf32, #tpu.memory_space<hbm>> -> memref<1x20480xf32, #tpu.memory_space<hbm>>
      %dma_wait3A_369 = tpu.memref_squeeze %dma_wait3A_368 : memref<1x20480xf32, #tpu.memory_space<hbm>> -> memref<20480xf32, #tpu.memory_space<hbm>>
      %dma_wait3A_370 = tpu.memref_slice %arg18[%add3A_349] : memref<4x!tpu.dma_semaphore, #tpu.memory_space<semaphore_mem>> -> memref<1x!tpu.dma_semaphore, #tpu.memory_space<semaphore_mem>>
      %dma_wait3A_371 = tpu.memref_squeeze %dma_wait3A_370 : memref<1x!tpu.dma_semaphore, #tpu.memory_space<semaphore_mem>> -> memref<!tpu.dma_semaphore, #tpu.memory_space<semaphore_mem>>
      %dma_wait3A_372 = arith.constant 0 : i32
      %dma_wait3A_373 = tpu.memref_slice %arg6[%add3A_349, %dma_wait3A_372] : memref<4x20480xf32, #tpu.memory_space<vmem>> -> memref<1x20480xf32, #tpu.memory_space<vmem>>
      %dma_wait3A_374 = tpu.memref_squeeze %dma_wait3A_373 : memref<1x20480xf32, #tpu.memory_space<vmem>> -> memref<20480xf32, #tpu.memory_space<vmem>>
      %dma_wait3A_375 = arith.constant 0 : i32
      %dma_wait3A_376 = tpu.memref_slice %arg2[%add3A_345, %dma_wait3A_375] : memref<2048x20480xf32, #tpu.memory_space<hbm>> -> memref<1x20480xf32, #tpu.memory_space<hbm>>
      %dma_wait3A_377 = tpu.memref_squeeze %dma_wait3A_376 : memref<1x20480xf32, #tpu.memory_space<hbm>> -> memref<20480xf32, #tpu.memory_space<hbm>>
      tpu.wait_dma2 semaphore(%dma_wait3A_371 : memref<!tpu.dma_semaphore, #tpu.memory_space<semaphore_mem>>) src(%dma_wait3A_377 : memref<20480xf32, #tpu.memory_space<hbm>>) dst(%dma_wait3A_374 : memref<20480xf32, #tpu.memory_space<vmem>>)
      %scan3A_378 = arith.constant 0 : i32
      %scan3A_379 = arith.constant 0 : i32
      %scan3A_380 = arith.constant 0 : i32
      %scan3A_381 = arith.constant 16 : i32
      %scan3A_382 = arith.addi %scan3A_380, %scan3A_381 : i32
      %scan3A_383 = arith.constant 1 : i32
      %scan3A_384:2 = scf.for %scan3A_1885 = %scan3A_380 to %scan3A_382 step %scan3A_383 iter_args(%scan3A_1886 = %scan3A_378, %scan3A_1887 = %scan3A_379) -> (i32, i32)  : i32 {
        %sub3A_1888 = arith.constant 30 : i32
        %sub3A_1889 = arith.subi %sub3A_1888, %scan3A_1885 : i32
        %shift_left3A = arith.constant 1 : i32
        %shift_left3A_1890 = arith.shli %shift_left3A, %sub3A_1889 : i32
        %or3A_1891 = arith.ori %scan3A_1886, %shift_left3A_1890 : i32
        %or3A_1892 = arith.ori %scan3A_1887, %shift_left3A_1890 : i32
        %broadcast_in_dim3A_1893 = vector.broadcast %or3A_1891 : i32 to vector<16xi32>
        %get3A_1894 = arith.index_cast %mul3A_340 : i32 to index
        %get3A_1895 = arith.constant 0 : index
        %get3A_1896 = tpu.vector_load %arg7[%get3A_1894, %get3A_1895] {strides = array<i32>} : memref<64x160xf32, #tpu.memory_space<vmem>>, vector<16xf32>,
        %bitcast3A_1897 = vector.bitcast %get3A_1896 : vector<16xf32> to vector<16xi32>
        %ge3A_1898 = arith.cmpi sge, %bitcast3A_1897, %broadcast_in_dim3A_1893 : vector<16xi32>
        %select_n3A_1899 = arith.select %ge3A_1898, %broadcast_in_dim3A_3, %broadcast_in_dim3A_5 : vector<16xi1>, vector<16xi32>
        %add3A_1900 = arith.addi %broadcast_in_dim3A_5, %select_n3A_1899 : vector<16xi32>
        %get3A_1901 = arith.index_cast %mul3A_340 : i32 to index
        %get3A_1902 = arith.constant 16 : index
        %get3A_1903 = tpu.vector_load %arg7[%get3A_1901, %get3A_1902] {strides = array<i32>} : memref<64x160xf32, #tpu.memory_space<vmem>>, vector<16xf32>,
        %bitcast3A_1904 = vector.bitcast %get3A_1903 : vector<16xf32> to vector<16xi32>
        %ge3A_1905 = arith.cmpi sge, %bitcast3A_1904, %broadcast_in_dim3A_1893 : vector<16xi32>
        %select_n3A_1906 = arith.select %ge3A_1905, %broadcast_in_dim3A_3, %broadcast_in_dim3A_5 : vector<16xi1>, vector<16xi32>
        %add3A_1907 = arith.addi %add3A_1900, %select_n3A_1906 : vector<16xi32>
        %get3A_1908 = arith.index_cast %mul3A_340 : i32 to index
        %get3A_1909 = arith.constant 32 : index
        %get3A_1910 = tpu.vector_load %arg7[%get3A_1908, %get3A_1909] {strides = array<i32>} : memref<64x160xf32, #tpu.memory_space<vmem>>, vector<16xf32>,
        %bitcast3A_1911 = vector.bitcast %get3A_1910 : vector<16xf32> to vector<16xi32>
        %ge3A_1912 = arith.cmpi sge, %bitcast3A_1911, %broadcast_in_dim3A_1893 : vector<16xi32>
        %select_n3A_1913 = arith.select %ge3A_1912, %broadcast_in_dim3A_3, %broadcast_in_dim3A_5 : vector<16xi1>, vector<16xi32>
        %add3A_1914 = arith.addi %add3A_1907, %select_n3A_1913 : vector<16xi32>
        %get3A_1915 = arith.index_cast %mul3A_340 : i32 to index
        %get3A_1916 = arith.constant 48 : index
        %get3A_1917 = tpu.vector_load %arg7[%get3A_1915, %get3A_1916] {strides = array<i32>} : memref<64x160xf32, #tpu.memory_space<vmem>>, vector<16xf32>,
        %bitcast3A_1918 = vector.bitcast %get3A_1917 : vector<16xf32> to vector<16xi32>
        %ge3A_1919 = arith.cmpi sge, %bitcast3A_1918, %broadcast_in_dim3A_1893 : vector<16xi32>
        %select_n3A_1920 = arith.select %ge3A_1919, %broadcast_in_dim3A_3, %broadcast_in_dim3A_5 : vector<16xi1>, vector<16xi32>
        %add3A_1921 = arith.addi %add3A_1914, %select_n3A_1920 : vector<16xi32>
        %get3A_1922 = arith.index_cast %mul3A_340 : i32 to index
        %get3A_1923 = arith.constant 64 : index
        %get3A_1924 = tpu.vector_load %arg7[%get3A_1922, %get3A_1923] {strides = array<i32>} : memref<64x160xf32, #tpu.memory_space<vmem>>, vector<16xf32>,
        %bitcast3A_1925 = vector.bitcast %get3A_1924 : vector<16xf32> to vector<16xi32>
        %ge3A_1926 = arith.cmpi sge, %bitcast3A_1925, %broadcast_in_dim3A_1893 : vector<16xi32>
        %select_n3A_1927 = arith.select %ge3A_1926, %broadcast_in_dim3A_3, %broadcast_in_dim3A_5 : vector<16xi1>, vector<16xi32>
        %add3A_1928 = arith.addi %add3A_1921, %select_n3A_1927 : vector<16xi32>
        %get3A_1929 = arith.index_cast %mul3A_340 : i32 to index
        %get3A_1930 = arith.constant 80 : index
        %get3A_1931 = tpu.vector_load %arg7[%get3A_1929, %get3A_1930] {strides = array<i32>} : memref<64x160xf32, #tpu.memory_space<vmem>>, vector<16xf32>,
        %bitcast3A_1932 = vector.bitcast %get3A_1931 : vector<16xf32> to vector<16xi32>
        %ge3A_1933 = arith.cmpi sge, %bitcast3A_1932, %broadcast_in_dim3A_1893 : vector<16xi32>
        %select_n3A_1934 = arith.select %ge3A_1933, %broadcast_in_dim3A_3, %broadcast_in_dim3A_5 : vector<16xi1>, vector<16xi32>
        %add3A_1935 = arith.addi %add3A_1928, %select_n3A_1934 : vector<16xi32>
        %get3A_1936 = arith.index_cast %mul3A_340 : i32 to index
        %get3A_1937 = arith.constant 96 : index
        %get3A_1938 = tpu.vector_load %arg7[%get3A_1936, %get3A_1937] {strides = array<i32>} : memref<64x160xf32, #tpu.memory_space<vmem>>, vector<16xf32>,
        %bitcast3A_1939 = vector.bitcast %get3A_1938 : vector<16xf32> to vector<16xi32>
        %ge3A_1940 = arith.cmpi sge, %bitcast3A_1939, %broadcast_in_dim3A_1893 : vector<16xi32>
        %select_n3A_1941 = arith.select %ge3A_1940, %broadcast_in_dim3A_3, %broadcast_in_dim3A_5 : vector<16xi1>, vector<16xi32>
        %add3A_1942 = arith.addi %add3A_1935, %select_n3A_1941 : vector<16xi32>
        %get3A_1943 = arith.index_cast %mul3A_340 : i32 to index
        %get3A_1944 = arith.constant 112 : index
        %get3A_1945 = tpu.vector_load %arg7[%get3A_1943, %get3A_1944] {strides = array<i32>} : memref<64x160xf32, #tpu.memory_space<vmem>>, vector<16xf32>,
        %bitcast3A_1946 = vector.bitcast %get3A_1945 : vector<16xf32> to vector<16xi32>
        %ge3A_1947 = arith.cmpi sge, %bitcast3A_1946, %broadcast_in_dim3A_1893 : vector<16xi32>
        %select_n3A_1948 = arith.select %ge3A_1947, %broadcast_in_dim3A_3, %broadcast_in_dim3A_5 : vector<16xi1>, vector<16xi32>
        %add3A_1949 = arith.addi %add3A_1942, %select_n3A_1948 : vector<16xi32>
        %get3A_1950 = arith.index_cast %mul3A_340 : i32 to index
        %get3A_1951 = arith.constant 128 : index
        %get3A_1952 = tpu.vector_load %arg7[%get3A_1950, %get3A_1951] {strides = array<i32>} : memref<64x160xf32, #tpu.memory_space<vmem>>, vector<16xf32>,
        %bitcast3A_1953 = vector.bitcast %get3A_1952 : vector<16xf32> to vector<16xi32>
        %ge3A_1954 = arith.cmpi sge, %bitcast3A_1953, %broadcast_in_dim3A_1893 : vector<16xi32>
        %select_n3A_1955 = arith.select %ge3A_1954, %broadcast_in_dim3A_3, %broadcast_in_dim3A_5 : vector<16xi1>, vector<16xi32>
        %add3A_1956 = arith.addi %add3A_1949, %select_n3A_1955 : vector<16xi32>
        %get3A_1957 = arith.index_cast %mul3A_340 : i32 to index
        %get3A_1958 = arith.constant 144 : index
        %get3A_1959 = tpu.vector_load %arg7[%get3A_1957, %get3A_1958] {strides = array<i32>} : memref<64x160xf32, #tpu.memory_space<vmem>>, vector<16xf32>,
        %bitcast3A_1960 = vector.bitcast %get3A_1959 : vector<16xf32> to vector<16xi32>
        %ge3A_1961 = arith.cmpi sge, %bitcast3A_1960, %broadcast_in_dim3A_1893 : vector<16xi32>
        %select_n3A_1962 = arith.select %ge3A_1961, %broadcast_in_dim3A_3, %broadcast_in_dim3A_5 : vector<16xi1>, vector<16xi32>
        %add3A_1963 = arith.addi %add3A_1956, %select_n3A_1962 : vector<16xi32>
        %reduce_sum3A_1964 = arith.constant true
        %reduce_sum3A_1965 = vector.broadcast %reduce_sum3A_1964 : i1 to vector<16xi1>
        %reduce_sum3A_1966 = tpu.scan <sum>, %add3A_1963 masked %reduce_sum3A_1965 : vector<16xi32>, vector<16xi1> -> vector<16xi32>
        %reduce_sum3A_1967 = vector.extract %reduce_sum3A_1966[15] : i32 from vector<16xi32>
        %broadcast_in_dim3A_1968 = vector.broadcast %or3A_1892 : i32 to vector<16xi32>
        %get3A_1969 = arith.index_cast %add3A_342 : i32 to index
        %get3A_1970 = arith.constant 0 : index
        %get3A_1971 = tpu.vector_load %arg7[%get3A_1969, %get3A_1970] {strides = array<i32>} : memref<64x160xf32, #tpu.memory_space<vmem>>, vector<16xf32>,
        %bitcast3A_1972 = vector.bitcast %get3A_1971 : vector<16xf32> to vector<16xi32>
        %ge3A_1973 = arith.cmpi sge, %bitcast3A_1972, %broadcast_in_dim3A_1968 : vector<16xi32>
        %select_n3A_1974 = arith.select %ge3A_1973, %broadcast_in_dim3A_3, %broadcast_in_dim3A_5 : vector<16xi1>, vector<16xi32>
        %add3A_1975 = arith.addi %broadcast_in_dim3A_5, %select_n3A_1974 : vector<16xi32>
        %get3A_1976 = arith.index_cast %add3A_342 : i32 to index
        %get3A_1977 = arith.constant 16 : index
        %get3A_1978 = tpu.vector_load %arg7[%get3A_1976, %get3A_1977] {strides = array<i32>} : memref<64x160xf32, #tpu.memory_space<vmem>>, vector<16xf32>,
        %bitcast3A_1979 = vector.bitcast %get3A_1978 : vector<16xf32> to vector<16xi32>
        %ge3A_1980 = arith.cmpi sge, %bitcast3A_1979, %broadcast_in_dim3A_1968 : vector<16xi32>
        %select_n3A_1981 = arith.select %ge3A_1980, %broadcast_in_dim3A_3, %broadcast_in_dim3A_5 : vector<16xi1>, vector<16xi32>
        %add3A_1982 = arith.addi %add3A_1975, %select_n3A_1981 : vector<16xi32>
        %get3A_1983 = arith.index_cast %add3A_342 : i32 to index
        %get3A_1984 = arith.constant 32 : index
        %get3A_1985 = tpu.vector_load %arg7[%get3A_1983, %get3A_1984] {strides = array<i32>} : memref<64x160xf32, #tpu.memory_space<vmem>>, vector<16xf32>,
        %bitcast3A_1986 = vector.bitcast %get3A_1985 : vector<16xf32> to vector<16xi32>
        %ge3A_1987 = arith.cmpi sge, %bitcast3A_1986, %broadcast_in_dim3A_1968 : vector<16xi32>
        %select_n3A_1988 = arith.select %ge3A_1987, %broadcast_in_dim3A_3, %broadcast_in_dim3A_5 : vector<16xi1>, vector<16xi32>
        %add3A_1989 = arith.addi %add3A_1982, %select_n3A_1988 : vector<16xi32>
        %get3A_1990 = arith.index_cast %add3A_342 : i32 to index
        %get3A_1991 = arith.constant 48 : index
        %get3A_1992 = tpu.vector_load %arg7[%get3A_1990, %get3A_1991] {strides = array<i32>} : memref<64x160xf32, #tpu.memory_space<vmem>>, vector<16xf32>,
        %bitcast3A_1993 = vector.bitcast %get3A_1992 : vector<16xf32> to vector<16xi32>
        %ge3A_1994 = arith.cmpi sge, %bitcast3A_1993, %broadcast_in_dim3A_1968 : vector<16xi32>
        %select_n3A_1995 = arith.select %ge3A_1994, %broadcast_in_dim3A_3, %broadcast_in_dim3A_5 : vector<16xi1>, vector<16xi32>
        %add3A_1996 = arith.addi %add3A_1989, %select_n3A_1995 : vector<16xi32>
        %get3A_1997 = arith.index_cast %add3A_342 : i32 to index
        %get3A_1998 = arith.constant 64 : index
        %get3A_1999 = tpu.vector_load %arg7[%get3A_1997, %get3A_1998] {strides = array<i32>} : memref<64x160xf32, #tpu.memory_space<vmem>>, vector<16xf32>,
        %bitcast3A_2000 = vector.bitcast %get3A_1999 : vector<16xf32> to vector<16xi32>
        %ge3A_2001 = arith.cmpi sge, %bitcast3A_2000, %broadcast_in_dim3A_1968 : vector<16xi32>
        %select_n3A_2002 = arith.select %ge3A_2001, %broadcast_in_dim3A_3, %broadcast_in_dim3A_5 : vector<16xi1>, vector<16xi32>
        %add3A_2003 = arith.addi %add3A_1996, %select_n3A_2002 : vector<16xi32>
        %get3A_2004 = arith.index_cast %add3A_342 : i32 to index
        %get3A_2005 = arith.constant 80 : index
        %get3A_2006 = tpu.vector_load %arg7[%get3A_2004, %get3A_2005] {strides = array<i32>} : memref<64x160xf32, #tpu.memory_space<vmem>>, vector<16xf32>,
        %bitcast3A_2007 = vector.bitcast %get3A_2006 : vector<16xf32> to vector<16xi32>
        %ge3A_2008 = arith.cmpi sge, %bitcast3A_2007, %broadcast_in_dim3A_1968 : vector<16xi32>
        %select_n3A_2009 = arith.select %ge3A_2008, %broadcast_in_dim3A_3, %broadcast_in_dim3A_5 : vector<16xi1>, vector<16xi32>
        %add3A_2010 = arith.addi %add3A_2003, %select_n3A_2009 : vector<16xi32>
        %get3A_2011 = arith.index_cast %add3A_342 : i32 to index
        %get3A_2012 = arith.constant 96 : index
        %get3A_2013 = tpu.vector_load %arg7[%get3A_2011, %get3A_2012] {strides = array<i32>} : memref<64x160xf32, #tpu.memory_space<vmem>>, vector<16xf32>,
        %bitcast3A_2014 = vector.bitcast %get3A_2013 : vector<16xf32> to vector<16xi32>
        %ge3A_2015 = arith.cmpi sge, %bitcast3A_2014, %broadcast_in_dim3A_1968 : vector<16xi32>
        %select_n3A_2016 = arith.select %ge3A_2015, %broadcast_in_dim3A_3, %broadcast_in_dim3A_5 : vector<16xi1>, vector<16xi32>
        %add3A_2017 = arith.addi %add3A_2010, %select_n3A_2016 : vector<16xi32>
        %get3A_2018 = arith.index_cast %add3A_342 : i32 to index
        %get3A_2019 = arith.constant 112 : index
        %get3A_2020 = tpu.vector_load %arg7[%get3A_2018, %get3A_2019] {strides = array<i32>} : memref<64x160xf32, #tpu.memory_space<vmem>>, vector<16xf32>,
        %bitcast3A_2021 = vector.bitcast %get3A_2020 : vector<16xf32> to vector<16xi32>
        %ge3A_2022 = arith.cmpi sge, %bitcast3A_2021, %broadcast_in_dim3A_1968 : vector<16xi32>
        %select_n3A_2023 = arith.select %ge3A_2022, %broadcast_in_dim3A_3, %broadcast_in_dim3A_5 : vector<16xi1>, vector<16xi32>
        %add3A_2024 = arith.addi %add3A_2017, %select_n3A_2023 : vector<16xi32>
        %get3A_2025 = arith.index_cast %add3A_342 : i32 to index
        %get3A_2026 = arith.constant 128 : index
        %get3A_2027 = tpu.vector_load %arg7[%get3A_2025, %get3A_2026] {strides = array<i32>} : memref<64x160xf32, #tpu.memory_space<vmem>>, vector<16xf32>,
        %bitcast3A_2028 = vector.bitcast %get3A_2027 : vector<16xf32> to vector<16xi32>
        %ge3A_2029 = arith.cmpi sge, %bitcast3A_2028, %broadcast_in_dim3A_1968 : vector<16xi32>
        %select_n3A_2030 = arith.select %ge3A_2029, %broadcast_in_dim3A_3, %broadcast_in_dim3A_5 : vector<16xi1>, vector<16xi32>
        %add3A_2031 = arith.addi %add3A_2024, %select_n3A_2030 : vector<16xi32>
        %get3A_2032 = arith.index_cast %add3A_342 : i32 to index
        %get3A_2033 = arith.constant 144 : index
        %get3A_2034 = tpu.vector_load %arg7[%get3A_2032, %get3A_2033] {strides = array<i32>} : memref<64x160xf32, #tpu.memory_space<vmem>>, vector<16xf32>,
        %bitcast3A_2035 = vector.bitcast %get3A_2034 : vector<16xf32> to vector<16xi32>
        %ge3A_2036 = arith.cmpi sge, %bitcast3A_2035, %broadcast_in_dim3A_1968 : vector<16xi32>
        %select_n3A_2037 = arith.select %ge3A_2036, %broadcast_in_dim3A_3, %broadcast_in_dim3A_5 : vector<16xi1>, vector<16xi32>
        %add3A_2038 = arith.addi %add3A_2031, %select_n3A_2037 : vector<16xi32>
        %reduce_sum3A_2039 = arith.constant true
        %reduce_sum3A_2040 = vector.broadcast %reduce_sum3A_2039 : i1 to vector<16xi1>
        %reduce_sum3A_2041 = tpu.scan <sum>, %add3A_2038 masked %reduce_sum3A_2040 : vector<16xi32>, vector<16xi1> -> vector<16xi32>
        %reduce_sum3A_2042 = vector.extract %reduce_sum3A_2041[15] : i32 from vector<16xi32>
        %ge3A_2043 = arith.constant 32 : i32
        %ge3A_2044 = arith.cmpi sge, %reduce_sum3A_1967, %ge3A_2043 : i32
        %select_n3A_2045 = arith.select %ge3A_2044, %or3A_1891, %scan3A_1886 : i32
        %ge3A_2046 = arith.constant 32 : i32
        %ge3A_2047 = arith.cmpi sge, %reduce_sum3A_2042, %ge3A_2046 : i32
        %select_n3A_2048 = arith.select %ge3A_2047, %or3A_1892, %scan3A_1887 : i32
        scf.yield %select_n3A_2045, %select_n3A_2048 : i32, i32
      }
      %scan3A_385 = arith.constant 16 : i32
      %broadcast_in_dim3A_386 = vector.broadcast %scan3A_384#0 : i32 to vector<16xi32>
      %get3A = arith.index_cast %mul3A_340 : i32 to index
      %get3A_387 = arith.constant 0 : index
      %get3A_388 = tpu.vector_load %arg7[%get3A, %get3A_387] {strides = array<i32>} : memref<64x160xf32, #tpu.memory_space<vmem>>, vector<16xf32>,
      %bitcast3A = vector.bitcast %get3A_388 : vector<16xf32> to vector<16xi32>
      %ge3A = arith.cmpi sge, %bitcast3A, %broadcast_in_dim3A_386 : vector<16xi32>
      %select_n3A = arith.select %ge3A, %broadcast_in_dim3A_3, %broadcast_in_dim3A_5 : vector<16xi1>, vector<16xi32>
      %broadcast_in_dim3A_389 = arith.constant true
      %broadcast_in_dim3A_390 = vector.broadcast %broadcast_in_dim3A_389 : i1 to vector<16xi1>
      %masked_cumsum3A = tpu.scan <sum>, %select_n3A masked %broadcast_in_dim3A_390 : vector<16xi32>, vector<16xi1> -> vector<16xi32>
      %add3A_391 = arith.addi %broadcast_in_dim3A_5, %masked_cumsum3A : vector<16xi32>
      %sub3A = arith.constant 1 : i32
      %sub3A_392 = vector.broadcast %sub3A : i32 to vector<16xi32>
      %sub3A_393 = arith.subi %add3A_391, %sub3A_392 : vector<16xi32>
      %min3A = arith.constant 63 : i32
      %min3A_394 = vector.broadcast %min3A : i32 to vector<16xi32>
      %min3A_395 = arith.minsi %sub3A_393, %min3A_394 : vector<16xi32>
      %add3A_396 = arith.constant 0 : i32
      %add3A_397 = vector.broadcast %add3A_396 : i32 to vector<16xi32>
      %add3A_398 = arith.addi %iota3A, %add3A_397 : vector<16xi32>
      tpu.vector_store_idx %arg8[%min3A_395], %add3A_398 masked %ge3A : memref<64xi32, #tpu.memory_space<vmem>>[vector<16xi32>], vector<16xi32>, vector<16xi1>
      %broadcast_in_dim3A_399 = arith.constant 15 : i32
      %broadcast_in_dim3A_400 = vector.broadcast %broadcast_in_dim3A_399 : i32 to vector<16xi32>
      %lt3A = arith.constant 0 : i32
      %lt3A_401 = vector.broadcast %lt3A : i32 to vector<16xi32>
      %lt3A_402 = arith.cmpi slt, %broadcast_in_dim3A_400, %lt3A_401 : vector<16xi32>
      %add3A_403 = arith.constant 16 : i32
      %add3A_404 = vector.broadcast %add3A_403 : i32 to vector<16xi32>
      %add3A_405 = arith.addi %broadcast_in_dim3A_400, %add3A_404 : vector<16xi32>
      %select_n3A_406 = arith.select %lt3A_402, %add3A_405, %broadcast_in_dim3A_400 : vector<16xi1>, vector<16xi32>
      %broadcast_in_dim3A_407 = vector.shape_cast %select_n3A_406 : vector<16xi32> to vector<16x1xi32>
      %gather3A = vector.shape_cast %broadcast_in_dim3A_407 : vector<16x1xi32> to vector<16xi32>
      %gather3A_408 = tpu.dynamic_gather %masked_cumsum3A[%gather3A] in [0] : vector<16xi32>, vector<16xi32> -> vector<16xi32>
      %add3A_409 = arith.addi %broadcast_in_dim3A_5, %gather3A_408 : vector<16xi32>
      %get3A_410 = arith.index_cast %mul3A_340 : i32 to index
      %get3A_411 = arith.constant 16 : index
      %get3A_412 = tpu.vector_load %arg7[%get3A_410, %get3A_411] {strides = array<i32>} : memref<64x160xf32, #tpu.memory_space<vmem>>, vector<16xf32>,
      %bitcast3A_413 = vector.bitcast %get3A_412 : vector<16xf32> to vector<16xi32>
      %ge3A_414 = arith.cmpi sge, %bitcast3A_413, %broadcast_in_dim3A_386 : vector<16xi32>
      %select_n3A_415 = arith.select %ge3A_414, %broadcast_in_dim3A_3, %broadcast_in_dim3A_5 : vector<16xi1>, vector<16xi32>
      %broadcast_in_dim3A_416 = arith.constant true
      %broadcast_in_dim3A_417 = vector.broadcast %broadcast_in_dim3A_416 : i1 to vector<16xi1>
      %masked_cumsum3A_418 = tpu.scan <sum>, %select_n3A_415 masked %broadcast_in_dim3A_417 : vector<16xi32>, vector<16xi1> -> vector<16xi32>
      %add3A_419 = arith.addi %add3A_409, %masked_cumsum3A_418 : vector<16xi32>
      %sub3A_420 = arith.constant 1 : i32
      %sub3A_421 = vector.broadcast %sub3A_420 : i32 to vector<16xi32>
      %sub3A_422 = arith.subi %add3A_419, %sub3A_421 : vector<16xi32>
      %min3A_423 = arith.constant 63 : i32
      %min3A_424 = vector.broadcast %min3A_423 : i32 to vector<16xi32>
      %min3A_425 = arith.minsi %sub3A_422, %min3A_424 : vector<16xi32>
      %add3A_426 = arith.constant 16 : i32
      %add3A_427 = vector.broadcast %add3A_426 : i32 to vector<16xi32>
      %add3A_428 = arith.addi %iota3A, %add3A_427 : vector<16xi32>
      tpu.vector_store_idx %arg8[%min3A_425], %add3A_428 masked %ge3A_414 : memref<64xi32, #tpu.memory_space<vmem>>[vector<16xi32>], vector<16xi32>, vector<16xi1>
      %broadcast_in_dim3A_429 = arith.constant 15 : i32
      %broadcast_in_dim3A_430 = vector.broadcast %broadcast_in_dim3A_429 : i32 to vector<16xi32>
      %lt3A_431 = arith.constant 0 : i32
      %lt3A_432 = vector.broadcast %lt3A_431 : i32 to vector<16xi32>
      %lt3A_433 = arith.cmpi slt, %broadcast_in_dim3A_430, %lt3A_432 : vector<16xi32>
      %add3A_434 = arith.constant 16 : i32
      %add3A_435 = vector.broadcast %add3A_434 : i32 to vector<16xi32>
      %add3A_436 = arith.addi %broadcast_in_dim3A_430, %add3A_435 : vector<16xi32>
      %select_n3A_437 = arith.select %lt3A_433, %add3A_436, %broadcast_in_dim3A_430 : vector<16xi1>, vector<16xi32>
      %broadcast_in_dim3A_438 = vector.shape_cast %select_n3A_437 : vector<16xi32> to vector<16x1xi32>
      %gather3A_439 = vector.shape_cast %broadcast_in_dim3A_438 : vector<16x1xi32> to vector<16xi32>
      %gather3A_440 = tpu.dynamic_gather %masked_cumsum3A_418[%gather3A_439] in [0] : vector<16xi32>, vector<16xi32> -> vector<16xi32>
      %add3A_441 = arith.addi %add3A_409, %gather3A_440 : vector<16xi32>
      %get3A_442 = arith.index_cast %mul3A_340 : i32 to index
      %get3A_443 = arith.constant 32 : index
      %get3A_444 = tpu.vector_load %arg7[%get3A_442, %get3A_443] {strides = array<i32>} : memref<64x160xf32, #tpu.memory_space<vmem>>, vector<16xf32>,
      %bitcast3A_445 = vector.bitcast %get3A_444 : vector<16xf32> to vector<16xi32>
      %ge3A_446 = arith.cmpi sge, %bitcast3A_445, %broadcast_in_dim3A_386 : vector<16xi32>
      %select_n3A_447 = arith.select %ge3A_446, %broadcast_in_dim3A_3, %broadcast_in_dim3A_5 : vector<16xi1>, vector<16xi32>
      %broadcast_in_dim3A_448 = arith.constant true
      %broadcast_in_dim3A_449 = vector.broadcast %broadcast_in_dim3A_448 : i1 to vector<16xi1>
      %masked_cumsum3A_450 = tpu.scan <sum>, %select_n3A_447 masked %broadcast_in_dim3A_449 : vector<16xi32>, vector<16xi1> -> vector<16xi32>
      %add3A_451 = arith.addi %add3A_441, %masked_cumsum3A_450 : vector<16xi32>
      %sub3A_452 = arith.constant 1 : i32
      %sub3A_453 = vector.broadcast %sub3A_452 : i32 to vector<16xi32>
      %sub3A_454 = arith.subi %add3A_451, %sub3A_453 : vector<16xi32>
      %min3A_455 = arith.constant 63 : i32
      %min3A_456 = vector.broadcast %min3A_455 : i32 to vector<16xi32>
      %min3A_457 = arith.minsi %sub3A_454, %min3A_456 : vector<16xi32>
      %add3A_458 = arith.constant 32 : i32
      %add3A_459 = vector.broadcast %add3A_458 : i32 to vector<16xi32>
      %add3A_460 = arith.addi %iota3A, %add3A_459 : vector<16xi32>
      tpu.vector_store_idx %arg8[%min3A_457], %add3A_460 masked %ge3A_446 : memref<64xi32, #tpu.memory_space<vmem>>[vector<16xi32>], vector<16xi32>, vector<16xi1>
      %broadcast_in_dim3A_461 = arith.constant 15 : i32
      %broadcast_in_dim3A_462 = vector.broadcast %broadcast_in_dim3A_461 : i32 to vector<16xi32>
      %lt3A_463 = arith.constant 0 : i32
      %lt3A_464 = vector.broadcast %lt3A_463 : i32 to vector<16xi32>
      %lt3A_465 = arith.cmpi slt, %broadcast_in_dim3A_462, %lt3A_464 : vector<16xi32>
      %add3A_466 = arith.constant 16 : i32
      %add3A_467 = vector.broadcast %add3A_466 : i32 to vector<16xi32>
      %add3A_468 = arith.addi %broadcast_in_dim3A_462, %add3A_467 : vector<16xi32>
      %select_n3A_469 = arith.select %lt3A_465, %add3A_468, %broadcast_in_dim3A_462 : vector<16xi1>, vector<16xi32>
      %broadcast_in_dim3A_470 = vector.shape_cast %select_n3A_469 : vector<16xi32> to vector<16x1xi32>
      %gather3A_471 = vector.shape_cast %broadcast_in_dim3A_470 : vector<16x1xi32> to vector<16xi32>
      %gather3A_472 = tpu.dynamic_gather %masked_cumsum3A_450[%gather3A_471] in [0] : vector<16xi32>, vector<16xi32> -> vector<16xi32>
      %add3A_473 = arith.addi %add3A_441, %gather3A_472 : vector<16xi32>
      %get3A_474 = arith.index_cast %mul3A_340 : i32 to index
      %get3A_475 = arith.constant 48 : index
      %get3A_476 = tpu.vector_load %arg7[%get3A_474, %get3A_475] {strides = array<i32>} : memref<64x160xf32, #tpu.memory_space<vmem>>, vector<16xf32>,
      %bitcast3A_477 = vector.bitcast %get3A_476 : vector<16xf32> to vector<16xi32>
      %ge3A_478 = arith.cmpi sge, %bitcast3A_477, %broadcast_in_dim3A_386 : vector<16xi32>
      %select_n3A_479 = arith.select %ge3A_478, %broadcast_in_dim3A_3, %broadcast_in_dim3A_5 : vector<16xi1>, vector<16xi32>
      %broadcast_in_dim3A_480 = arith.constant true
      %broadcast_in_dim3A_481 = vector.broadcast %broadcast_in_dim3A_480 : i1 to vector<16xi1>
      %masked_cumsum3A_482 = tpu.scan <sum>, %select_n3A_479 masked %broadcast_in_dim3A_481 : vector<16xi32>, vector<16xi1> -> vector<16xi32>
      %add3A_483 = arith.addi %add3A_473, %masked_cumsum3A_482 : vector<16xi32>
      %sub3A_484 = arith.constant 1 : i32
      %sub3A_485 = vector.broadcast %sub3A_484 : i32 to vector<16xi32>
      %sub3A_486 = arith.subi %add3A_483, %sub3A_485 : vector<16xi32>
      %min3A_487 = arith.constant 63 : i32
      %min3A_488 = vector.broadcast %min3A_487 : i32 to vector<16xi32>
      %min3A_489 = arith.minsi %sub3A_486, %min3A_488 : vector<16xi32>
      %add3A_490 = arith.constant 48 : i32
      %add3A_491 = vector.broadcast %add3A_490 : i32 to vector<16xi32>
      %add3A_492 = arith.addi %iota3A, %add3A_491 : vector<16xi32>
      tpu.vector_store_idx %arg8[%min3A_489], %add3A_492 masked %ge3A_478 : memref<64xi32, #tpu.memory_space<vmem>>[vector<16xi32>], vector<16xi32>, vector<16xi1>
      %broadcast_in_dim3A_493 = arith.constant 15 : i32
      %broadcast_in_dim3A_494 = vector.broadcast %broadcast_in_dim3A_493 : i32 to vector<16xi32>
      %lt3A_495 = arith.constant 0 : i32
      %lt3A_496 = vector.broadcast %lt3A_495 : i32 to vector<16xi32>
      %lt3A_497 = arith.cmpi slt, %broadcast_in_dim3A_494, %lt3A_496 : vector<16xi32>
      %add3A_498 = arith.constant 16 : i32
      %add3A_499 = vector.broadcast %add3A_498 : i32 to vector<16xi32>
      %add3A_500 = arith.addi %broadcast_in_dim3A_494, %add3A_499 : vector<16xi32>
      %select_n3A_501 = arith.select %lt3A_497, %add3A_500, %broadcast_in_dim3A_494 : vector<16xi1>, vector<16xi32>
      %broadcast_in_dim3A_502 = vector.shape_cast %select_n3A_501 : vector<16xi32> to vector<16x1xi32>
      %gather3A_503 = vector.shape_cast %broadcast_in_dim3A_502 : vector<16x1xi32> to vector<16xi32>
      %gather3A_504 = tpu.dynamic_gather %masked_cumsum3A_482[%gather3A_503] in [0] : vector<16xi32>, vector<16xi32> -> vector<16xi32>
      %add3A_505 = arith.addi %add3A_473, %gather3A_504 : vector<16xi32>
      %get3A_506 = arith.index_cast %mul3A_340 : i32 to index
      %get3A_507 = arith.constant 64 : index
      %get3A_508 = tpu.vector_load %arg7[%get3A_506, %get3A_507] {strides = array<i32>} : memref<64x160xf32, #tpu.memory_space<vmem>>, vector<16xf32>,
      %bitcast3A_509 = vector.bitcast %get3A_508 : vector<16xf32> to vector<16xi32>
      %ge3A_510 = arith.cmpi sge, %bitcast3A_509, %broadcast_in_dim3A_386 : vector<16xi32>
      %select_n3A_511 = arith.select %ge3A_510, %broadcast_in_dim3A_3, %broadcast_in_dim3A_5 : vector<16xi1>, vector<16xi32>
      %broadcast_in_dim3A_512 = arith.constant true
      %broadcast_in_dim3A_513 = vector.broadcast %broadcast_in_dim3A_512 : i1 to vector<16xi1>
      %masked_cumsum3A_514 = tpu.scan <sum>, %select_n3A_511 masked %broadcast_in_dim3A_513 : vector<16xi32>, vector<16xi1> -> vector<16xi32>
      %add3A_515 = arith.addi %add3A_505, %masked_cumsum3A_514 : vector<16xi32>
      %sub3A_516 = arith.constant 1 : i32
      %sub3A_517 = vector.broadcast %sub3A_516 : i32 to vector<16xi32>
      %sub3A_518 = arith.subi %add3A_515, %sub3A_517 : vector<16xi32>
      %min3A_519 = arith.constant 63 : i32
      %min3A_520 = vector.broadcast %min3A_519 : i32 to vector<16xi32>
      %min3A_521 = arith.minsi %sub3A_518, %min3A_520 : vector<16xi32>
      %add3A_522 = arith.constant 64 : i32
      %add3A_523 = vector.broadcast %add3A_522 : i32 to vector<16xi32>
      %add3A_524 = arith.addi %iota3A, %add3A_523 : vector<16xi32>
      tpu.vector_store_idx %arg8[%min3A_521], %add3A_524 masked %ge3A_510 : memref<64xi32, #tpu.memory_space<vmem>>[vector<16xi32>], vector<16xi32>, vector<16xi1>
      %broadcast_in_dim3A_525 = arith.constant 15 : i32
      %broadcast_in_dim3A_526 = vector.broadcast %broadcast_in_dim3A_525 : i32 to vector<16xi32>
      %lt3A_527 = arith.constant 0 : i32
      %lt3A_528 = vector.broadcast %lt3A_527 : i32 to vector<16xi32>
      %lt3A_529 = arith.cmpi slt, %broadcast_in_dim3A_526, %lt3A_528 : vector<16xi32>
      %add3A_530 = arith.constant 16 : i32
      %add3A_531 = vector.broadcast %add3A_530 : i32 to vector<16xi32>
      %add3A_532 = arith.addi %broadcast_in_dim3A_526, %add3A_531 : vector<16xi32>
      %select_n3A_533 = arith.select %lt3A_529, %add3A_532, %broadcast_in_dim3A_526 : vector<16xi1>, vector<16xi32>
      %broadcast_in_dim3A_534 = vector.shape_cast %select_n3A_533 : vector<16xi32> to vector<16x1xi32>
      %gather3A_535 = vector.shape_cast %broadcast_in_dim3A_534 : vector<16x1xi32> to vector<16xi32>
      %gather3A_536 = tpu.dynamic_gather %masked_cumsum3A_514[%gather3A_535] in [0] : vector<16xi32>, vector<16xi32> -> vector<16xi32>
      %add3A_537 = arith.addi %add3A_505, %gather3A_536 : vector<16xi32>
      %get3A_538 = arith.index_cast %mul3A_340 : i32 to index
      %get3A_539 = arith.constant 80 : index
      %get3A_540 = tpu.vector_load %arg7[%get3A_538, %get3A_539] {strides = array<i32>} : memref<64x160xf32, #tpu.memory_space<vmem>>, vector<16xf32>,
      %bitcast3A_541 = vector.bitcast %get3A_540 : vector<16xf32> to vector<16xi32>
      %ge3A_542 = arith.cmpi sge, %bitcast3A_541, %broadcast_in_dim3A_386 : vector<16xi32>
      %select_n3A_543 = arith.select %ge3A_542, %broadcast_in_dim3A_3, %broadcast_in_dim3A_5 : vector<16xi1>, vector<16xi32>
      %broadcast_in_dim3A_544 = arith.constant true
      %broadcast_in_dim3A_545 = vector.broadcast %broadcast_in_dim3A_544 : i1 to vector<16xi1>
      %masked_cumsum3A_546 = tpu.scan <sum>, %select_n3A_543 masked %broadcast_in_dim3A_545 : vector<16xi32>, vector<16xi1> -> vector<16xi32>
      %add3A_547 = arith.addi %add3A_537, %masked_cumsum3A_546 : vector<16xi32>
      %sub3A_548 = arith.constant 1 : i32
      %sub3A_549 = vector.broadcast %sub3A_548 : i32 to vector<16xi32>
      %sub3A_550 = arith.subi %add3A_547, %sub3A_549 : vector<16xi32>
      %min3A_551 = arith.constant 63 : i32
      %min3A_552 = vector.broadcast %min3A_551 : i32 to vector<16xi32>
      %min3A_553 = arith.minsi %sub3A_550, %min3A_552 : vector<16xi32>
      %add3A_554 = arith.constant 80 : i32
      %add3A_555 = vector.broadcast %add3A_554 : i32 to vector<16xi32>
      %add3A_556 = arith.addi %iota3A, %add3A_555 : vector<16xi32>
      tpu.vector_store_idx %arg8[%min3A_553], %add3A_556 masked %ge3A_542 : memref<64xi32, #tpu.memory_space<vmem>>[vector<16xi32>], vector<16xi32>, vector<16xi1>
      %broadcast_in_dim3A_557 = arith.constant 15 : i32
      %broadcast_in_dim3A_558 = vector.broadcast %broadcast_in_dim3A_557 : i32 to vector<16xi32>
      %lt3A_559 = arith.constant 0 : i32
      %lt3A_560 = vector.broadcast %lt3A_559 : i32 to vector<16xi32>
      %lt3A_561 = arith.cmpi slt, %broadcast_in_dim3A_558, %lt3A_560 : vector<16xi32>
      %add3A_562 = arith.constant 16 : i32
      %add3A_563 = vector.broadcast %add3A_562 : i32 to vector<16xi32>
      %add3A_564 = arith.addi %broadcast_in_dim3A_558, %add3A_563 : vector<16xi32>
      %select_n3A_565 = arith.select %lt3A_561, %add3A_564, %broadcast_in_dim3A_558 : vector<16xi1>, vector<16xi32>
      %broadcast_in_dim3A_566 = vector.shape_cast %select_n3A_565 : vector<16xi32> to vector<16x1xi32>
      %gather3A_567 = vector.shape_cast %broadcast_in_dim3A_566 : vector<16x1xi32> to vector<16xi32>
      %gather3A_568 = tpu.dynamic_gather %masked_cumsum3A_546[%gather3A_567] in [0] : vector<16xi32>, vector<16xi32> -> vector<16xi32>
      %add3A_569 = arith.addi %add3A_537, %gather3A_568 : vector<16xi32>
      %get3A_570 = arith.index_cast %mul3A_340 : i32 to index
      %get3A_571 = arith.constant 96 : index
      %get3A_572 = tpu.vector_load %arg7[%get3A_570, %get3A_571] {strides = array<i32>} : memref<64x160xf32, #tpu.memory_space<vmem>>, vector<16xf32>,
      %bitcast3A_573 = vector.bitcast %get3A_572 : vector<16xf32> to vector<16xi32>
      %ge3A_574 = arith.cmpi sge, %bitcast3A_573, %broadcast_in_dim3A_386 : vector<16xi32>
      %select_n3A_575 = arith.select %ge3A_574, %broadcast_in_dim3A_3, %broadcast_in_dim3A_5 : vector<16xi1>, vector<16xi32>
      %broadcast_in_dim3A_576 = arith.constant true
      %broadcast_in_dim3A_577 = vector.broadcast %broadcast_in_dim3A_576 : i1 to vector<16xi1>
      %masked_cumsum3A_578 = tpu.scan <sum>, %select_n3A_575 masked %broadcast_in_dim3A_577 : vector<16xi32>, vector<16xi1> -> vector<16xi32>
      %add3A_579 = arith.addi %add3A_569, %masked_cumsum3A_578 : vector<16xi32>
      %sub3A_580 = arith.constant 1 : i32
      %sub3A_581 = vector.broadcast %sub3A_580 : i32 to vector<16xi32>
      %sub3A_582 = arith.subi %add3A_579, %sub3A_581 : vector<16xi32>
      %min3A_583 = arith.constant 63 : i32
      %min3A_584 = vector.broadcast %min3A_583 : i32 to vector<16xi32>
      %min3A_585 = arith.minsi %sub3A_582, %min3A_584 : vector<16xi32>
      %add3A_586 = arith.constant 96 : i32
      %add3A_587 = vector.broadcast %add3A_586 : i32 to vector<16xi32>
      %add3A_588 = arith.addi %iota3A, %add3A_587 : vector<16xi32>
      tpu.vector_store_idx %arg8[%min3A_585], %add3A_588 masked %ge3A_574 : memref<64xi32, #tpu.memory_space<vmem>>[vector<16xi32>], vector<16xi32>, vector<16xi1>
      %broadcast_in_dim3A_589 = arith.constant 15 : i32
      %broadcast_in_dim3A_590 = vector.broadcast %broadcast_in_dim3A_589 : i32 to vector<16xi32>
      %lt3A_591 = arith.constant 0 : i32
      %lt3A_592 = vector.broadcast %lt3A_591 : i32 to vector<16xi32>
      %lt3A_593 = arith.cmpi slt, %broadcast_in_dim3A_590, %lt3A_592 : vector<16xi32>
      %add3A_594 = arith.constant 16 : i32
      %add3A_595 = vector.broadcast %add3A_594 : i32 to vector<16xi32>
      %add3A_596 = arith.addi %broadcast_in_dim3A_590, %add3A_595 : vector<16xi32>
      %select_n3A_597 = arith.select %lt3A_593, %add3A_596, %broadcast_in_dim3A_590 : vector<16xi1>, vector<16xi32>
      %broadcast_in_dim3A_598 = vector.shape_cast %select_n3A_597 : vector<16xi32> to vector<16x1xi32>
      %gather3A_599 = vector.shape_cast %broadcast_in_dim3A_598 : vector<16x1xi32> to vector<16xi32>
      %gather3A_600 = tpu.dynamic_gather %masked_cumsum3A_578[%gather3A_599] in [0] : vector<16xi32>, vector<16xi32> -> vector<16xi32>
      %add3A_601 = arith.addi %add3A_569, %gather3A_600 : vector<16xi32>
      %get3A_602 = arith.index_cast %mul3A_340 : i32 to index
      %get3A_603 = arith.constant 112 : index
      %get3A_604 = tpu.vector_load %arg7[%get3A_602, %get3A_603] {strides = array<i32>} : memref<64x160xf32, #tpu.memory_space<vmem>>, vector<16xf32>,
      %bitcast3A_605 = vector.bitcast %get3A_604 : vector<16xf32> to vector<16xi32>
      %ge3A_606 = arith.cmpi sge, %bitcast3A_605, %broadcast_in_dim3A_386 : vector<16xi32>
      %select_n3A_607 = arith.select %ge3A_606, %broadcast_in_dim3A_3, %broadcast_in_dim3A_5 : vector<16xi1>, vector<16xi32>
      %broadcast_in_dim3A_608 = arith.constant true
      %broadcast_in_dim3A_609 = vector.broadcast %broadcast_in_dim3A_608 : i1 to vector<16xi1>
      %masked_cumsum3A_610 = tpu.scan <sum>, %select_n3A_607 masked %broadcast_in_dim3A_609 : vector<16xi32>, vector<16xi1> -> vector<16xi32>
      %add3A_611 = arith.addi %add3A_601, %masked_cumsum3A_610 : vector<16xi32>
      %sub3A_612 = arith.constant 1 : i32
      %sub3A_613 = vector.broadcast %sub3A_612 : i32 to vector<16xi32>
      %sub3A_614 = arith.subi %add3A_611, %sub3A_613 : vector<16xi32>
      %min3A_615 = arith.constant 63 : i32
      %min3A_616 = vector.broadcast %min3A_615 : i32 to vector<16xi32>
      %min3A_617 = arith.minsi %sub3A_614, %min3A_616 : vector<16xi32>
      %add3A_618 = arith.constant 112 : i32
      %add3A_619 = vector.broadcast %add3A_618 : i32 to vector<16xi32>
      %add3A_620 = arith.addi %iota3A, %add3A_619 : vector<16xi32>
      tpu.vector_store_idx %arg8[%min3A_617], %add3A_620 masked %ge3A_606 : memref<64xi32, #tpu.memory_space<vmem>>[vector<16xi32>], vector<16xi32>, vector<16xi1>
      %broadcast_in_dim3A_621 = arith.constant 15 : i32
      %broadcast_in_dim3A_622 = vector.broadcast %broadcast_in_dim3A_621 : i32 to vector<16xi32>
      %lt3A_623 = arith.constant 0 : i32
      %lt3A_624 = vector.broadcast %lt3A_623 : i32 to vector<16xi32>
      %lt3A_625 = arith.cmpi slt, %broadcast_in_dim3A_622, %lt3A_624 : vector<16xi32>
      %add3A_626 = arith.constant 16 : i32
      %add3A_627 = vector.broadcast %add3A_626 : i32 to vector<16xi32>
      %add3A_628 = arith.addi %broadcast_in_dim3A_622, %add3A_627 : vector<16xi32>
      %select_n3A_629 = arith.select %lt3A_625, %add3A_628, %broadcast_in_dim3A_622 : vector<16xi1>, vector<16xi32>
      %broadcast_in_dim3A_630 = vector.shape_cast %select_n3A_629 : vector<16xi32> to vector<16x1xi32>
      %gather3A_631 = vector.shape_cast %broadcast_in_dim3A_630 : vector<16x1xi32> to vector<16xi32>
      %gather3A_632 = tpu.dynamic_gather %masked_cumsum3A_610[%gather3A_631] in [0] : vector<16xi32>, vector<16xi32> -> vector<16xi32>
      %add3A_633 = arith.addi %add3A_601, %gather3A_632 : vector<16xi32>
      %get3A_634 = arith.index_cast %mul3A_340 : i32 to index
      %get3A_635 = arith.constant 128 : index
      %get3A_636 = tpu.vector_load %arg7[%get3A_634, %get3A_635] {strides = array<i32>} : memref<64x160xf32, #tpu.memory_space<vmem>>, vector<16xf32>,
      %bitcast3A_637 = vector.bitcast %get3A_636 : vector<16xf32> to vector<16xi32>
      %ge3A_638 = arith.cmpi sge, %bitcast3A_637, %broadcast_in_dim3A_386 : vector<16xi32>
      %select_n3A_639 = arith.select %ge3A_638, %broadcast_in_dim3A_3, %broadcast_in_dim3A_5 : vector<16xi1>, vector<16xi32>
      %broadcast_in_dim3A_640 = arith.constant true
      %broadcast_in_dim3A_641 = vector.broadcast %broadcast_in_dim3A_640 : i1 to vector<16xi1>
      %masked_cumsum3A_642 = tpu.scan <sum>, %select_n3A_639 masked %broadcast_in_dim3A_641 : vector<16xi32>, vector<16xi1> -> vector<16xi32>
      %add3A_643 = arith.addi %add3A_633, %masked_cumsum3A_642 : vector<16xi32>
      %sub3A_644 = arith.constant 1 : i32
      %sub3A_645 = vector.broadcast %sub3A_644 : i32 to vector<16xi32>
      %sub3A_646 = arith.subi %add3A_643, %sub3A_645 : vector<16xi32>
      %min3A_647 = arith.constant 63 : i32
      %min3A_648 = vector.broadcast %min3A_647 : i32 to vector<16xi32>
      %min3A_649 = arith.minsi %sub3A_646, %min3A_648 : vector<16xi32>
      %add3A_650 = arith.constant 128 : i32
      %add3A_651 = vector.broadcast %add3A_650 : i32 to vector<16xi32>
      %add3A_652 = arith.addi %iota3A, %add3A_651 : vector<16xi32>
      tpu.vector_store_idx %arg8[%min3A_649], %add3A_652 masked %ge3A_638 : memref<64xi32, #tpu.memory_space<vmem>>[vector<16xi32>], vector<16xi32>, vector<16xi1>
      %broadcast_in_dim3A_653 = arith.constant 15 : i32
      %broadcast_in_dim3A_654 = vector.broadcast %broadcast_in_dim3A_653 : i32 to vector<16xi32>
      %lt3A_655 = arith.constant 0 : i32
      %lt3A_656 = vector.broadcast %lt3A_655 : i32 to vector<16xi32>
      %lt3A_657 = arith.cmpi slt, %broadcast_in_dim3A_654, %lt3A_656 : vector<16xi32>
      %add3A_658 = arith.constant 16 : i32
      %add3A_659 = vector.broadcast %add3A_658 : i32 to vector<16xi32>
      %add3A_660 = arith.addi %broadcast_in_dim3A_654, %add3A_659 : vector<16xi32>
      %select_n3A_661 = arith.select %lt3A_657, %add3A_660, %broadcast_in_dim3A_654 : vector<16xi1>, vector<16xi32>
      %broadcast_in_dim3A_662 = vector.shape_cast %select_n3A_661 : vector<16xi32> to vector<16x1xi32>
      %gather3A_663 = vector.shape_cast %broadcast_in_dim3A_662 : vector<16x1xi32> to vector<16xi32>
      %gather3A_664 = tpu.dynamic_gather %masked_cumsum3A_642[%gather3A_663] in [0] : vector<16xi32>, vector<16xi32> -> vector<16xi32>
      %add3A_665 = arith.addi %add3A_633, %gather3A_664 : vector<16xi32>
      %get3A_666 = arith.index_cast %mul3A_340 : i32 to index
      %get3A_667 = arith.constant 144 : index
      %get3A_668 = tpu.vector_load %arg7[%get3A_666, %get3A_667] {strides = array<i32>} : memref<64x160xf32, #tpu.memory_space<vmem>>, vector<16xf32>,
      %bitcast3A_669 = vector.bitcast %get3A_668 : vector<16xf32> to vector<16xi32>
      %ge3A_670 = arith.cmpi sge, %bitcast3A_669, %broadcast_in_dim3A_386 : vector<16xi32>
      %select_n3A_671 = arith.select %ge3A_670, %broadcast_in_dim3A_3, %broadcast_in_dim3A_5 : vector<16xi1>, vector<16xi32>
      %broadcast_in_dim3A_672 = arith.constant true
      %broadcast_in_dim3A_673 = vector.broadcast %broadcast_in_dim3A_672 : i1 to vector<16xi1>
      %masked_cumsum3A_674 = tpu.scan <sum>, %select_n3A_671 masked %broadcast_in_dim3A_673 : vector<16xi32>, vector<16xi1> -> vector<16xi32>
      %add3A_675 = arith.addi %add3A_665, %masked_cumsum3A_674 : vector<16xi32>
      %sub3A_676 = arith.constant 1 : i32
      %sub3A_677 = vector.broadcast %sub3A_676 : i32 to vector<16xi32>
      %sub3A_678 = arith.subi %add3A_675, %sub3A_677 : vector<16xi32>
      %min3A_679 = arith.constant 63 : i32
      %min3A_680 = vector.broadcast %min3A_679 : i32 to vector<16xi32>
      %min3A_681 = arith.minsi %sub3A_678, %min3A_680 : vector<16xi32>
      %add3A_682 = arith.constant 144 : i32
      %add3A_683 = vector.broadcast %add3A_682 : i32 to vector<16xi32>
      %add3A_684 = arith.addi %iota3A, %add3A_683 : vector<16xi32>
      tpu.vector_store_idx %arg8[%min3A_681], %add3A_684 masked %ge3A_670 : memref<64xi32, #tpu.memory_space<vmem>>[vector<16xi32>], vector<16xi32>, vector<16xi1>
      %broadcast_in_dim3A_685 = arith.constant 15 : i32
      %broadcast_in_dim3A_686 = vector.broadcast %broadcast_in_dim3A_685 : i32 to vector<16xi32>
      %lt3A_687 = arith.constant 0 : i32
      %lt3A_688 = vector.broadcast %lt3A_687 : i32 to vector<16xi32>
      %lt3A_689 = arith.cmpi slt, %broadcast_in_dim3A_686, %lt3A_688 : vector<16xi32>
      %add3A_690 = arith.constant 16 : i32
      %add3A_691 = vector.broadcast %add3A_690 : i32 to vector<16xi32>
      %add3A_692 = arith.addi %broadcast_in_dim3A_686, %add3A_691 : vector<16xi32>
      %select_n3A_693 = arith.select %lt3A_689, %add3A_692, %broadcast_in_dim3A_686 : vector<16xi1>, vector<16xi32>
      %broadcast_in_dim3A_694 = vector.shape_cast %select_n3A_693 : vector<16xi32> to vector<16x1xi32>
      %gather3A_695 = vector.shape_cast %broadcast_in_dim3A_694 : vector<16x1xi32> to vector<16xi32>
      %gather3A_696 = tpu.dynamic_gather %masked_cumsum3A_674[%gather3A_695] in [0] : vector<16xi32>, vector<16xi32> -> vector<16xi32>
      %add3A_697 = arith.addi %add3A_665, %gather3A_696 : vector<16xi32>
      %reduce_max3A = arith.constant true
      %reduce_max3A_698 = vector.broadcast %reduce_max3A : i1 to vector<16xi1>
      %reduce_max3A_699 = arith.constant -2147483648 : i32
      %reduce_max3A_700 = vector.broadcast %reduce_max3A_699 : i32 to vector<16xi32>
      %reduce_max3A_701 = arith.xori %add3A_697, %reduce_max3A_700 : vector<16xi32>
      %reduce_max3A_702 = tpu.scan <max>, %reduce_max3A_701 masked %reduce_max3A_698 : vector<16xi32>, vector<16xi1> -> vector<16xi32>
      %reduce_max3A_703 = arith.xori %reduce_max3A_702, %reduce_max3A_700 : vector<16xi32>
      %reduce_max3A_704 = vector.extract %reduce_max3A_703[15] : i32 from vector<16xi32>
      %min3A_705 = arith.constant 64 : i32
      %min3A_706 = arith.minsi %reduce_max3A_704, %min3A_705 : i32
      %broadcast_in_dim3A_707 = arith.constant -1 : i32
      %broadcast_in_dim3A_708 = vector.broadcast %broadcast_in_dim3A_707 : i32 to vector<16xi32>
      %swap3A = arith.constant 0 : index
      %swap3A_709 = tpu.vector_load %arg10[%swap3A] {strides = array<i32>} : memref<528xi32, #tpu.memory_space<vmem>>, vector<16xi32>,
      tpu.vector_store %arg10[%swap3A], %broadcast_in_dim3A_708 {strides = array<i32>} : memref<528xi32, #tpu.memory_space<vmem>>, vector<16xi32>,
      %broadcast_in_dim3A_710 = arith.constant -1 : i32
      %broadcast_in_dim3A_711 = vector.broadcast %broadcast_in_dim3A_710 : i32 to vector<16xi32>
      %swap3A_712 = arith.constant 16 : index
      %swap3A_713 = tpu.vector_load %arg10[%swap3A_712] {strides = array<i32>} : memref<528xi32, #tpu.memory_space<vmem>>, vector<16xi32>,
      tpu.vector_store %arg10[%swap3A_712], %broadcast_in_dim3A_711 {strides = array<i32>} : memref<528xi32, #tpu.memory_space<vmem>>, vector<16xi32>,
      %broadcast_in_dim3A_714 = arith.constant -1 : i32
      %broadcast_in_dim3A_715 = vector.broadcast %broadcast_in_dim3A_714 : i32 to vector<16xi32>
      %swap3A_716 = arith.constant 32 : index
      %swap3A_717 = tpu.vector_load %arg10[%swap3A_716] {strides = array<i32>} : memref<528xi32, #tpu.memory_space<vmem>>, vector<16xi32>,
      tpu.vector_store %arg10[%swap3A_716], %broadcast_in_dim3A_715 {strides = array<i32>} : memref<528xi32, #tpu.memory_space<vmem>>, vector<16xi32>,
      %broadcast_in_dim3A_718 = arith.constant -1 : i32
      %broadcast_in_dim3A_719 = vector.broadcast %broadcast_in_dim3A_718 : i32 to vector<16xi32>
      %swap3A_720 = arith.constant 48 : index
      %swap3A_721 = tpu.vector_load %arg10[%swap3A_720] {strides = array<i32>} : memref<528xi32, #tpu.memory_space<vmem>>, vector<16xi32>,
      tpu.vector_store %arg10[%swap3A_720], %broadcast_in_dim3A_719 {strides = array<i32>} : memref<528xi32, #tpu.memory_space<vmem>>, vector<16xi32>,
      %broadcast_in_dim3A_722 = arith.constant -1 : i32
      %broadcast_in_dim3A_723 = vector.broadcast %broadcast_in_dim3A_722 : i32 to vector<16xi32>
      %swap3A_724 = arith.constant 64 : index
      %swap3A_725 = tpu.vector_load %arg10[%swap3A_724] {strides = array<i32>} : memref<528xi32, #tpu.memory_space<vmem>>, vector<16xi32>,
      tpu.vector_store %arg10[%swap3A_724], %broadcast_in_dim3A_723 {strides = array<i32>} : memref<528xi32, #tpu.memory_space<vmem>>, vector<16xi32>,
      %broadcast_in_dim3A_726 = vector.broadcast %mul3A_347 : i32 to vector<16xi32>
      %while3A = arith.constant 0 : i32
      %while3A_727 = arith.subi %min3A_706, %while3A : i32
      %while3A_728 = arith.addi %while3A, %while3A_727 : i32
      %while3A_729 = arith.constant 1 : i32
      %while3A_730 = arith.divsi %while3A_727, %while3A_729 : i32
      %while3A_731 = arith.muli %while3A_730, %while3A_729 : i32
      %while3A_732 = arith.addi %while3A, %while3A_731 : i32
      %while3A_733 = arith.constant 1 : i32
      %while3A_734 = scf.for %while3A_1885 = %while3A to %while3A_732 step %while3A_733 iter_args(%while3A_1886 = %broadcast_in_dim3A_5) -> (vector<16xi32>)  : i32 {
        %broadcast_in_dim3A_1887 = vector.broadcast %while3A_1885 : i32 to vector<16xi32>
        %gather3A_1888 = tpu.vector_load_idx %arg8[%broadcast_in_dim3A_1887] : memref<64xi32, #tpu.memory_space<vmem>>[vector<16xi32>], vector<16xi32>,
        %mul3A_1889 = arith.constant 128 : i32
        %mul3A_1890 = vector.broadcast %mul3A_1889 : i32 to vector<16xi32>
        %mul3A_1891 = arith.muli %gather3A_1888, %mul3A_1890 : vector<16xi32>
        %add3A_1892 = arith.constant 0 : i32
        %add3A_1893 = vector.broadcast %add3A_1892 : i32 to vector<16xi32>
        %add3A_1894 = arith.addi %iota3A, %add3A_1893 : vector<16xi32>
        %add3A_1895 = arith.addi %mul3A_1891, %add3A_1894 : vector<16xi32>
        %gather3A_1896 = tpu.vector_load_idx %arg6[%broadcast_in_dim3A_726, %add3A_1895] : memref<4x20480xf32, #tpu.memory_space<vmem>>[vector<16xi32>, vector<16xi32>], vector<16xf32>,
        %bitcast3A_1897 = vector.bitcast %gather3A_1896 : vector<16xf32> to vector<16xi32>
        %ge3A_1898 = arith.cmpi sge, %bitcast3A_1897, %broadcast_in_dim3A_386 : vector<16xi32>
        %select_n3A_1899 = arith.select %ge3A_1898, %broadcast_in_dim3A_3, %broadcast_in_dim3A_5 : vector<16xi1>, vector<16xi32>
        %broadcast_in_dim3A_1900 = arith.constant true
        %broadcast_in_dim3A_1901 = vector.broadcast %broadcast_in_dim3A_1900 : i1 to vector<16xi1>
        %masked_cumsum3A_1902 = tpu.scan <sum>, %select_n3A_1899 masked %broadcast_in_dim3A_1901 : vector<16xi32>, vector<16xi1> -> vector<16xi32>
        %add3A_1903 = arith.addi %while3A_1886, %masked_cumsum3A_1902 : vector<16xi32>
        %sub3A_1904 = arith.constant 1 : i32
        %sub3A_1905 = vector.broadcast %sub3A_1904 : i32 to vector<16xi32>
        %sub3A_1906 = arith.subi %add3A_1903, %sub3A_1905 : vector<16xi32>
        %min3A_1907 = arith.constant 511 : i32
        %min3A_1908 = vector.broadcast %min3A_1907 : i32 to vector<16xi32>
        %min3A_1909 = arith.minsi %sub3A_1906, %min3A_1908 : vector<16xi32>
        tpu.vector_store_idx %arg10[%min3A_1909], %bitcast3A_1897 masked %ge3A_1898 : memref<528xi32, #tpu.memory_space<vmem>>[vector<16xi32>], vector<16xi32>, vector<16xi1>
        tpu.vector_store_idx %arg11[%min3A_1909], %add3A_1895 masked %ge3A_1898 : memref<528xi32, #tpu.memory_space<vmem>>[vector<16xi32>], vector<16xi32>, vector<16xi1>
        %broadcast_in_dim3A_1910 = arith.constant 15 : i32
        %broadcast_in_dim3A_1911 = vector.broadcast %broadcast_in_dim3A_1910 : i32 to vector<16xi32>
        %lt3A_1912 = arith.constant 0 : i32
        %lt3A_1913 = vector.broadcast %lt3A_1912 : i32 to vector<16xi32>
        %lt3A_1914 = arith.cmpi slt, %broadcast_in_dim3A_1911, %lt3A_1913 : vector<16xi32>
        %add3A_1915 = arith.constant 16 : i32
        %add3A_1916 = vector.broadcast %add3A_1915 : i32 to vector<16xi32>
        %add3A_1917 = arith.addi %broadcast_in_dim3A_1911, %add3A_1916 : vector<16xi32>
        %select_n3A_1918 = arith.select %lt3A_1914, %add3A_1917, %broadcast_in_dim3A_1911 : vector<16xi1>, vector<16xi32>
        %broadcast_in_dim3A_1919 = vector.shape_cast %select_n3A_1918 : vector<16xi32> to vector<16x1xi32>
        %gather3A_1920 = vector.shape_cast %broadcast_in_dim3A_1919 : vector<16x1xi32> to vector<16xi32>
        %gather3A_1921 = tpu.dynamic_gather %masked_cumsum3A_1902[%gather3A_1920] in [0] : vector<16xi32>, vector<16xi32> -> vector<16xi32>
        %add3A_1922 = arith.addi %while3A_1886, %gather3A_1921 : vector<16xi32>
        %add3A_1923 = arith.constant 16 : i32
        %add3A_1924 = vector.broadcast %add3A_1923 : i32 to vector<16xi32>
        %add3A_1925 = arith.addi %iota3A, %add3A_1924 : vector<16xi32>
        %add3A_1926 = arith.addi %mul3A_1891, %add3A_1925 : vector<16xi32>
        %gather3A_1927 = tpu.vector_load_idx %arg6[%broadcast_in_dim3A_726, %add3A_1926] : memref<4x20480xf32, #tpu.memory_space<vmem>>[vector<16xi32>, vector<16xi32>], vector<16xf32>,
        %bitcast3A_1928 = vector.bitcast %gather3A_1927 : vector<16xf32> to vector<16xi32>
        %ge3A_1929 = arith.cmpi sge, %bitcast3A_1928, %broadcast_in_dim3A_386 : vector<16xi32>
        %select_n3A_1930 = arith.select %ge3A_1929, %broadcast_in_dim3A_3, %broadcast_in_dim3A_5 : vector<16xi1>, vector<16xi32>
        %broadcast_in_dim3A_1931 = arith.constant true
        %broadcast_in_dim3A_1932 = vector.broadcast %broadcast_in_dim3A_1931 : i1 to vector<16xi1>
        %masked_cumsum3A_1933 = tpu.scan <sum>, %select_n3A_1930 masked %broadcast_in_dim3A_1932 : vector<16xi32>, vector<16xi1> -> vector<16xi32>
        %add3A_1934 = arith.addi %add3A_1922, %masked_cumsum3A_1933 : vector<16xi32>
        %sub3A_1935 = arith.constant 1 : i32
        %sub3A_1936 = vector.broadcast %sub3A_1935 : i32 to vector<16xi32>
        %sub3A_1937 = arith.subi %add3A_1934, %sub3A_1936 : vector<16xi32>
        %min3A_1938 = arith.constant 511 : i32
        %min3A_1939 = vector.broadcast %min3A_1938 : i32 to vector<16xi32>
        %min3A_1940 = arith.minsi %sub3A_1937, %min3A_1939 : vector<16xi32>
        tpu.vector_store_idx %arg10[%min3A_1940], %bitcast3A_1928 masked %ge3A_1929 : memref<528xi32, #tpu.memory_space<vmem>>[vector<16xi32>], vector<16xi32>, vector<16xi1>
        tpu.vector_store_idx %arg11[%min3A_1940], %add3A_1926 masked %ge3A_1929 : memref<528xi32, #tpu.memory_space<vmem>>[vector<16xi32>], vector<16xi32>, vector<16xi1>
        %broadcast_in_dim3A_1941 = arith.constant 15 : i32
        %broadcast_in_dim3A_1942 = vector.broadcast %broadcast_in_dim3A_1941 : i32 to vector<16xi32>
        %lt3A_1943 = arith.constant 0 : i32
        %lt3A_1944 = vector.broadcast %lt3A_1943 : i32 to vector<16xi32>
        %lt3A_1945 = arith.cmpi slt, %broadcast_in_dim3A_1942, %lt3A_1944 : vector<16xi32>
        %add3A_1946 = arith.constant 16 : i32
        %add3A_1947 = vector.broadcast %add3A_1946 : i32 to vector<16xi32>
        %add3A_1948 = arith.addi %broadcast_in_dim3A_1942, %add3A_1947 : vector<16xi32>
        %select_n3A_1949 = arith.select %lt3A_1945, %add3A_1948, %broadcast_in_dim3A_1942 : vector<16xi1>, vector<16xi32>
        %broadcast_in_dim3A_1950 = vector.shape_cast %select_n3A_1949 : vector<16xi32> to vector<16x1xi32>
        %gather3A_1951 = vector.shape_cast %broadcast_in_dim3A_1950 : vector<16x1xi32> to vector<16xi32>
        %gather3A_1952 = tpu.dynamic_gather %masked_cumsum3A_1933[%gather3A_1951] in [0] : vector<16xi32>, vector<16xi32> -> vector<16xi32>
        %add3A_1953 = arith.addi %add3A_1922, %gather3A_1952 : vector<16xi32>
        %add3A_1954 = arith.constant 32 : i32
        %add3A_1955 = vector.broadcast %add3A_1954 : i32 to vector<16xi32>
        %add3A_1956 = arith.addi %iota3A, %add3A_1955 : vector<16xi32>
        %add3A_1957 = arith.addi %mul3A_1891, %add3A_1956 : vector<16xi32>
        %gather3A_1958 = tpu.vector_load_idx %arg6[%broadcast_in_dim3A_726, %add3A_1957] : memref<4x20480xf32, #tpu.memory_space<vmem>>[vector<16xi32>, vector<16xi32>], vector<16xf32>,
        %bitcast3A_1959 = vector.bitcast %gather3A_1958 : vector<16xf32> to vector<16xi32>
        %ge3A_1960 = arith.cmpi sge, %bitcast3A_1959, %broadcast_in_dim3A_386 : vector<16xi32>
        %select_n3A_1961 = arith.select %ge3A_1960, %broadcast_in_dim3A_3, %broadcast_in_dim3A_5 : vector<16xi1>, vector<16xi32>
        %broadcast_in_dim3A_1962 = arith.constant true
        %broadcast_in_dim3A_1963 = vector.broadcast %broadcast_in_dim3A_1962 : i1 to vector<16xi1>
        %masked_cumsum3A_1964 = tpu.scan <sum>, %select_n3A_1961 masked %broadcast_in_dim3A_1963 : vector<16xi32>, vector<16xi1> -> vector<16xi32>
        %add3A_1965 = arith.addi %add3A_1953, %masked_cumsum3A_1964 : vector<16xi32>
        %sub3A_1966 = arith.constant 1 : i32
        %sub3A_1967 = vector.broadcast %sub3A_1966 : i32 to vector<16xi32>
        %sub3A_1968 = arith.subi %add3A_1965, %sub3A_1967 : vector<16xi32>
        %min3A_1969 = arith.constant 511 : i32
        %min3A_1970 = vector.broadcast %min3A_1969 : i32 to vector<16xi32>
        %min3A_1971 = arith.minsi %sub3A_1968, %min3A_1970 : vector<16xi32>
        tpu.vector_store_idx %arg10[%min3A_1971], %bitcast3A_1959 masked %ge3A_1960 : memref<528xi32, #tpu.memory_space<vmem>>[vector<16xi32>], vector<16xi32>, vector<16xi1>
        tpu.vector_store_idx %arg11[%min3A_1971], %add3A_1957 masked %ge3A_1960 : memref<528xi32, #tpu.memory_space<vmem>>[vector<16xi32>], vector<16xi32>, vector<16xi1>
        %broadcast_in_dim3A_1972 = arith.constant 15 : i32
        %broadcast_in_dim3A_1973 = vector.broadcast %broadcast_in_dim3A_1972 : i32 to vector<16xi32>
        %lt3A_1974 = arith.constant 0 : i32
        %lt3A_1975 = vector.broadcast %lt3A_1974 : i32 to vector<16xi32>
        %lt3A_1976 = arith.cmpi slt, %broadcast_in_dim3A_1973, %lt3A_1975 : vector<16xi32>
        %add3A_1977 = arith.constant 16 : i32
        %add3A_1978 = vector.broadcast %add3A_1977 : i32 to vector<16xi32>
        %add3A_1979 = arith.addi %broadcast_in_dim3A_1973, %add3A_1978 : vector<16xi32>
        %select_n3A_1980 = arith.select %lt3A_1976, %add3A_1979, %broadcast_in_dim3A_1973 : vector<16xi1>, vector<16xi32>
        %broadcast_in_dim3A_1981 = vector.shape_cast %select_n3A_1980 : vector<16xi32> to vector<16x1xi32>
        %gather3A_1982 = vector.shape_cast %broadcast_in_dim3A_1981 : vector<16x1xi32> to vector<16xi32>
        %gather3A_1983 = tpu.dynamic_gather %masked_cumsum3A_1964[%gather3A_1982] in [0] : vector<16xi32>, vector<16xi32> -> vector<16xi32>
        %add3A_1984 = arith.addi %add3A_1953, %gather3A_1983 : vector<16xi32>
        %add3A_1985 = arith.constant 48 : i32
        %add3A_1986 = vector.broadcast %add3A_1985 : i32 to vector<16xi32>
        %add3A_1987 = arith.addi %iota3A, %add3A_1986 : vector<16xi32>
        %add3A_1988 = arith.addi %mul3A_1891, %add3A_1987 : vector<16xi32>
        %gather3A_1989 = tpu.vector_load_idx %arg6[%broadcast_in_dim3A_726, %add3A_1988] : memref<4x20480xf32, #tpu.memory_space<vmem>>[vector<16xi32>, vector<16xi32>], vector<16xf32>,
        %bitcast3A_1990 = vector.bitcast %gather3A_1989 : vector<16xf32> to vector<16xi32>
        %ge3A_1991 = arith.cmpi sge, %bitcast3A_1990, %broadcast_in_dim3A_386 : vector<16xi32>
        %select_n3A_1992 = arith.select %ge3A_1991, %broadcast_in_dim3A_3, %broadcast_in_dim3A_5 : vector<16xi1>, vector<16xi32>
        %broadcast_in_dim3A_1993 = arith.constant true
        %broadcast_in_dim3A_1994 = vector.broadcast %broadcast_in_dim3A_1993 : i1 to vector<16xi1>
        %masked_cumsum3A_1995 = tpu.scan <sum>, %select_n3A_1992 masked %broadcast_in_dim3A_1994 : vector<16xi32>, vector<16xi1> -> vector<16xi32>
        %add3A_1996 = arith.addi %add3A_1984, %masked_cumsum3A_1995 : vector<16xi32>
        %sub3A_1997 = arith.constant 1 : i32
        %sub3A_1998 = vector.broadcast %sub3A_1997 : i32 to vector<16xi32>
        %sub3A_1999 = arith.subi %add3A_1996, %sub3A_1998 : vector<16xi32>
        %min3A_2000 = arith.constant 511 : i32
        %min3A_2001 = vector.broadcast %min3A_2000 : i32 to vector<16xi32>
        %min3A_2002 = arith.minsi %sub3A_1999, %min3A_2001 : vector<16xi32>
        tpu.vector_store_idx %arg10[%min3A_2002], %bitcast3A_1990 masked %ge3A_1991 : memref<528xi32, #tpu.memory_space<vmem>>[vector<16xi32>], vector<16xi32>, vector<16xi1>
        tpu.vector_store_idx %arg11[%min3A_2002], %add3A_1988 masked %ge3A_1991 : memref<528xi32, #tpu.memory_space<vmem>>[vector<16xi32>], vector<16xi32>, vector<16xi1>
        %broadcast_in_dim3A_2003 = arith.constant 15 : i32
        %broadcast_in_dim3A_2004 = vector.broadcast %broadcast_in_dim3A_2003 : i32 to vector<16xi32>
        %lt3A_2005 = arith.constant 0 : i32
        %lt3A_2006 = vector.broadcast %lt3A_2005 : i32 to vector<16xi32>
        %lt3A_2007 = arith.cmpi slt, %broadcast_in_dim3A_2004, %lt3A_2006 : vector<16xi32>
        %add3A_2008 = arith.constant 16 : i32
        %add3A_2009 = vector.broadcast %add3A_2008 : i32 to vector<16xi32>
        %add3A_2010 = arith.addi %broadcast_in_dim3A_2004, %add3A_2009 : vector<16xi32>
        %select_n3A_2011 = arith.select %lt3A_2007, %add3A_2010, %broadcast_in_dim3A_2004 : vector<16xi1>, vector<16xi32>
        %broadcast_in_dim3A_2012 = vector.shape_cast %select_n3A_2011 : vector<16xi32> to vector<16x1xi32>
        %gather3A_2013 = vector.shape_cast %broadcast_in_dim3A_2012 : vector<16x1xi32> to vector<16xi32>
        %gather3A_2014 = tpu.dynamic_gather %masked_cumsum3A_1995[%gather3A_2013] in [0] : vector<16xi32>, vector<16xi32> -> vector<16xi32>
        %add3A_2015 = arith.addi %add3A_1984, %gather3A_2014 : vector<16xi32>
        %add3A_2016 = arith.constant 64 : i32
        %add3A_2017 = vector.broadcast %add3A_2016 : i32 to vector<16xi32>
        %add3A_2018 = arith.addi %iota3A, %add3A_2017 : vector<16xi32>
        %add3A_2019 = arith.addi %mul3A_1891, %add3A_2018 : vector<16xi32>
        %gather3A_2020 = tpu.vector_load_idx %arg6[%broadcast_in_dim3A_726, %add3A_2019] : memref<4x20480xf32, #tpu.memory_space<vmem>>[vector<16xi32>, vector<16xi32>], vector<16xf32>,
        %bitcast3A_2021 = vector.bitcast %gather3A_2020 : vector<16xf32> to vector<16xi32>
        %ge3A_2022 = arith.cmpi sge, %bitcast3A_2021, %broadcast_in_dim3A_386 : vector<16xi32>
        %select_n3A_2023 = arith.select %ge3A_2022, %broadcast_in_dim3A_3, %broadcast_in_dim3A_5 : vector<16xi1>, vector<16xi32>
        %broadcast_in_dim3A_2024 = arith.constant true
        %broadcast_in_dim3A_2025 = vector.broadcast %broadcast_in_dim3A_2024 : i1 to vector<16xi1>
        %masked_cumsum3A_2026 = tpu.scan <sum>, %select_n3A_2023 masked %broadcast_in_dim3A_2025 : vector<16xi32>, vector<16xi1> -> vector<16xi32>
        %add3A_2027 = arith.addi %add3A_2015, %masked_cumsum3A_2026 : vector<16xi32>
        %sub3A_2028 = arith.constant 1 : i32
        %sub3A_2029 = vector.broadcast %sub3A_2028 : i32 to vector<16xi32>
        %sub3A_2030 = arith.subi %add3A_2027, %sub3A_2029 : vector<16xi32>
        %min3A_2031 = arith.constant 511 : i32
        %min3A_2032 = vector.broadcast %min3A_2031 : i32 to vector<16xi32>
        %min3A_2033 = arith.minsi %sub3A_2030, %min3A_2032 : vector<16xi32>
        tpu.vector_store_idx %arg10[%min3A_2033], %bitcast3A_2021 masked %ge3A_2022 : memref<528xi32, #tpu.memory_space<vmem>>[vector<16xi32>], vector<16xi32>, vector<16xi1>
        tpu.vector_store_idx %arg11[%min3A_2033], %add3A_2019 masked %ge3A_2022 : memref<528xi32, #tpu.memory_space<vmem>>[vector<16xi32>], vector<16xi32>, vector<16xi1>
        %broadcast_in_dim3A_2034 = arith.constant 15 : i32
        %broadcast_in_dim3A_2035 = vector.broadcast %broadcast_in_dim3A_2034 : i32 to vector<16xi32>
        %lt3A_2036 = arith.constant 0 : i32
        %lt3A_2037 = vector.broadcast %lt3A_2036 : i32 to vector<16xi32>
        %lt3A_2038 = arith.cmpi slt, %broadcast_in_dim3A_2035, %lt3A_2037 : vector<16xi32>
        %add3A_2039 = arith.constant 16 : i32
        %add3A_2040 = vector.broadcast %add3A_2039 : i32 to vector<16xi32>
        %add3A_2041 = arith.addi %broadcast_in_dim3A_2035, %add3A_2040 : vector<16xi32>
        %select_n3A_2042 = arith.select %lt3A_2038, %add3A_2041, %broadcast_in_dim3A_2035 : vector<16xi1>, vector<16xi32>
        %broadcast_in_dim3A_2043 = vector.shape_cast %select_n3A_2042 : vector<16xi32> to vector<16x1xi32>
        %gather3A_2044 = vector.shape_cast %broadcast_in_dim3A_2043 : vector<16x1xi32> to vector<16xi32>
        %gather3A_2045 = tpu.dynamic_gather %masked_cumsum3A_2026[%gather3A_2044] in [0] : vector<16xi32>, vector<16xi32> -> vector<16xi32>
        %add3A_2046 = arith.addi %add3A_2015, %gather3A_2045 : vector<16xi32>
        %add3A_2047 = arith.constant 80 : i32
        %add3A_2048 = vector.broadcast %add3A_2047 : i32 to vector<16xi32>
        %add3A_2049 = arith.addi %iota3A, %add3A_2048 : vector<16xi32>
        %add3A_2050 = arith.addi %mul3A_1891, %add3A_2049 : vector<16xi32>
        %gather3A_2051 = tpu.vector_load_idx %arg6[%broadcast_in_dim3A_726, %add3A_2050] : memref<4x20480xf32, #tpu.memory_space<vmem>>[vector<16xi32>, vector<16xi32>], vector<16xf32>,
        %bitcast3A_2052 = vector.bitcast %gather3A_2051 : vector<16xf32> to vector<16xi32>
        %ge3A_2053 = arith.cmpi sge, %bitcast3A_2052, %broadcast_in_dim3A_386 : vector<16xi32>
        %select_n3A_2054 = arith.select %ge3A_2053, %broadcast_in_dim3A_3, %broadcast_in_dim3A_5 : vector<16xi1>, vector<16xi32>
        %broadcast_in_dim3A_2055 = arith.constant true
        %broadcast_in_dim3A_2056 = vector.broadcast %broadcast_in_dim3A_2055 : i1 to vector<16xi1>
        %masked_cumsum3A_2057 = tpu.scan <sum>, %select_n3A_2054 masked %broadcast_in_dim3A_2056 : vector<16xi32>, vector<16xi1> -> vector<16xi32>
        %add3A_2058 = arith.addi %add3A_2046, %masked_cumsum3A_2057 : vector<16xi32>
        %sub3A_2059 = arith.constant 1 : i32
        %sub3A_2060 = vector.broadcast %sub3A_2059 : i32 to vector<16xi32>
        %sub3A_2061 = arith.subi %add3A_2058, %sub3A_2060 : vector<16xi32>
        %min3A_2062 = arith.constant 511 : i32
        %min3A_2063 = vector.broadcast %min3A_2062 : i32 to vector<16xi32>
        %min3A_2064 = arith.minsi %sub3A_2061, %min3A_2063 : vector<16xi32>
        tpu.vector_store_idx %arg10[%min3A_2064], %bitcast3A_2052 masked %ge3A_2053 : memref<528xi32, #tpu.memory_space<vmem>>[vector<16xi32>], vector<16xi32>, vector<16xi1>
        tpu.vector_store_idx %arg11[%min3A_2064], %add3A_2050 masked %ge3A_2053 : memref<528xi32, #tpu.memory_space<vmem>>[vector<16xi32>], vector<16xi32>, vector<16xi1>
        %broadcast_in_dim3A_2065 = arith.constant 15 : i32
        %broadcast_in_dim3A_2066 = vector.broadcast %broadcast_in_dim3A_2065 : i32 to vector<16xi32>
        %lt3A_2067 = arith.constant 0 : i32
        %lt3A_2068 = vector.broadcast %lt3A_2067 : i32 to vector<16xi32>
        %lt3A_2069 = arith.cmpi slt, %broadcast_in_dim3A_2066, %lt3A_2068 : vector<16xi32>
        %add3A_2070 = arith.constant 16 : i32
        %add3A_2071 = vector.broadcast %add3A_2070 : i32 to vector<16xi32>
        %add3A_2072 = arith.addi %broadcast_in_dim3A_2066, %add3A_2071 : vector<16xi32>
        %select_n3A_2073 = arith.select %lt3A_2069, %add3A_2072, %broadcast_in_dim3A_2066 : vector<16xi1>, vector<16xi32>
        %broadcast_in_dim3A_2074 = vector.shape_cast %select_n3A_2073 : vector<16xi32> to vector<16x1xi32>
        %gather3A_2075 = vector.shape_cast %broadcast_in_dim3A_2074 : vector<16x1xi32> to vector<16xi32>
        %gather3A_2076 = tpu.dynamic_gather %masked_cumsum3A_2057[%gather3A_2075] in [0] : vector<16xi32>, vector<16xi32> -> vector<16xi32>
        %add3A_2077 = arith.addi %add3A_2046, %gather3A_2076 : vector<16xi32>
        %add3A_2078 = arith.constant 96 : i32
        %add3A_2079 = vector.broadcast %add3A_2078 : i32 to vector<16xi32>
        %add3A_2080 = arith.addi %iota3A, %add3A_2079 : vector<16xi32>
        %add3A_2081 = arith.addi %mul3A_1891, %add3A_2080 : vector<16xi32>
        %gather3A_2082 = tpu.vector_load_idx %arg6[%broadcast_in_dim3A_726, %add3A_2081] : memref<4x20480xf32, #tpu.memory_space<vmem>>[vector<16xi32>, vector<16xi32>], vector<16xf32>,
        %bitcast3A_2083 = vector.bitcast %gather3A_2082 : vector<16xf32> to vector<16xi32>
        %ge3A_2084 = arith.cmpi sge, %bitcast3A_2083, %broadcast_in_dim3A_386 : vector<16xi32>
        %select_n3A_2085 = arith.select %ge3A_2084, %broadcast_in_dim3A_3, %broadcast_in_dim3A_5 : vector<16xi1>, vector<16xi32>
        %broadcast_in_dim3A_2086 = arith.constant true
        %broadcast_in_dim3A_2087 = vector.broadcast %broadcast_in_dim3A_2086 : i1 to vector<16xi1>
        %masked_cumsum3A_2088 = tpu.scan <sum>, %select_n3A_2085 masked %broadcast_in_dim3A_2087 : vector<16xi32>, vector<16xi1> -> vector<16xi32>
        %add3A_2089 = arith.addi %add3A_2077, %masked_cumsum3A_2088 : vector<16xi32>
        %sub3A_2090 = arith.constant 1 : i32
        %sub3A_2091 = vector.broadcast %sub3A_2090 : i32 to vector<16xi32>
        %sub3A_2092 = arith.subi %add3A_2089, %sub3A_2091 : vector<16xi32>
        %min3A_2093 = arith.constant 511 : i32
        %min3A_2094 = vector.broadcast %min3A_2093 : i32 to vector<16xi32>
        %min3A_2095 = arith.minsi %sub3A_2092, %min3A_2094 : vector<16xi32>
        tpu.vector_store_idx %arg10[%min3A_2095], %bitcast3A_2083 masked %ge3A_2084 : memref<528xi32, #tpu.memory_space<vmem>>[vector<16xi32>], vector<16xi32>, vector<16xi1>
        tpu.vector_store_idx %arg11[%min3A_2095], %add3A_2081 masked %ge3A_2084 : memref<528xi32, #tpu.memory_space<vmem>>[vector<16xi32>], vector<16xi32>, vector<16xi1>
        %broadcast_in_dim3A_2096 = arith.constant 15 : i32
        %broadcast_in_dim3A_2097 = vector.broadcast %broadcast_in_dim3A_2096 : i32 to vector<16xi32>
        %lt3A_2098 = arith.constant 0 : i32
        %lt3A_2099 = vector.broadcast %lt3A_2098 : i32 to vector<16xi32>
        %lt3A_2100 = arith.cmpi slt, %broadcast_in_dim3A_2097, %lt3A_2099 : vector<16xi32>
        %add3A_2101 = arith.constant 16 : i32
        %add3A_2102 = vector.broadcast %add3A_2101 : i32 to vector<16xi32>
        %add3A_2103 = arith.addi %broadcast_in_dim3A_2097, %add3A_2102 : vector<16xi32>
        %select_n3A_2104 = arith.select %lt3A_2100, %add3A_2103, %broadcast_in_dim3A_2097 : vector<16xi1>, vector<16xi32>
        %broadcast_in_dim3A_2105 = vector.shape_cast %select_n3A_2104 : vector<16xi32> to vector<16x1xi32>
        %gather3A_2106 = vector.shape_cast %broadcast_in_dim3A_2105 : vector<16x1xi32> to vector<16xi32>
        %gather3A_2107 = tpu.dynamic_gather %masked_cumsum3A_2088[%gather3A_2106] in [0] : vector<16xi32>, vector<16xi32> -> vector<16xi32>
        %add3A_2108 = arith.addi %add3A_2077, %gather3A_2107 : vector<16xi32>
        %add3A_2109 = arith.constant 112 : i32
        %add3A_2110 = vector.broadcast %add3A_2109 : i32 to vector<16xi32>
        %add3A_2111 = arith.addi %iota3A, %add3A_2110 : vector<16xi32>
        %add3A_2112 = arith.addi %mul3A_1891, %add3A_2111 : vector<16xi32>
        %gather3A_2113 = tpu.vector_load_idx %arg6[%broadcast_in_dim3A_726, %add3A_2112] : memref<4x20480xf32, #tpu.memory_space<vmem>>[vector<16xi32>, vector<16xi32>], vector<16xf32>,
        %bitcast3A_2114 = vector.bitcast %gather3A_2113 : vector<16xf32> to vector<16xi32>
        %ge3A_2115 = arith.cmpi sge, %bitcast3A_2114, %broadcast_in_dim3A_386 : vector<16xi32>
        %select_n3A_2116 = arith.select %ge3A_2115, %broadcast_in_dim3A_3, %broadcast_in_dim3A_5 : vector<16xi1>, vector<16xi32>
        %broadcast_in_dim3A_2117 = arith.constant true
        %broadcast_in_dim3A_2118 = vector.broadcast %broadcast_in_dim3A_2117 : i1 to vector<16xi1>
        %masked_cumsum3A_2119 = tpu.scan <sum>, %select_n3A_2116 masked %broadcast_in_dim3A_2118 : vector<16xi32>, vector<16xi1> -> vector<16xi32>
        %add3A_2120 = arith.addi %add3A_2108, %masked_cumsum3A_2119 : vector<16xi32>
        %sub3A_2121 = arith.constant 1 : i32
        %sub3A_2122 = vector.broadcast %sub3A_2121 : i32 to vector<16xi32>
        %sub3A_2123 = arith.subi %add3A_2120, %sub3A_2122 : vector<16xi32>
        %min3A_2124 = arith.constant 511 : i32
        %min3A_2125 = vector.broadcast %min3A_2124 : i32 to vector<16xi32>
        %min3A_2126 = arith.minsi %sub3A_2123, %min3A_2125 : vector<16xi32>
        tpu.vector_store_idx %arg10[%min3A_2126], %bitcast3A_2114 masked %ge3A_2115 : memref<528xi32, #tpu.memory_space<vmem>>[vector<16xi32>], vector<16xi32>, vector<16xi1>
        tpu.vector_store_idx %arg11[%min3A_2126], %add3A_2112 masked %ge3A_2115 : memref<528xi32, #tpu.memory_space<vmem>>[vector<16xi32>], vector<16xi32>, vector<16xi1>
        %broadcast_in_dim3A_2127 = arith.constant 15 : i32
        %broadcast_in_dim3A_2128 = vector.broadcast %broadcast_in_dim3A_2127 : i32 to vector<16xi32>
        %lt3A_2129 = arith.constant 0 : i32
        %lt3A_2130 = vector.broadcast %lt3A_2129 : i32 to vector<16xi32>
        %lt3A_2131 = arith.cmpi slt, %broadcast_in_dim3A_2128, %lt3A_2130 : vector<16xi32>
        %add3A_2132 = arith.constant 16 : i32
        %add3A_2133 = vector.broadcast %add3A_2132 : i32 to vector<16xi32>
        %add3A_2134 = arith.addi %broadcast_in_dim3A_2128, %add3A_2133 : vector<16xi32>
        %select_n3A_2135 = arith.select %lt3A_2131, %add3A_2134, %broadcast_in_dim3A_2128 : vector<16xi1>, vector<16xi32>
        %broadcast_in_dim3A_2136 = vector.shape_cast %select_n3A_2135 : vector<16xi32> to vector<16x1xi32>
        %gather3A_2137 = vector.shape_cast %broadcast_in_dim3A_2136 : vector<16x1xi32> to vector<16xi32>
        %gather3A_2138 = tpu.dynamic_gather %masked_cumsum3A_2119[%gather3A_2137] in [0] : vector<16xi32>, vector<16xi32> -> vector<16xi32>
        %add3A_2139 = arith.addi %add3A_2108, %gather3A_2138 : vector<16xi32>
        scf.yield %add3A_2139 : vector<16xi32>
      }
      %while3A_735 = arith.constant 1 : i32
      %while3A_736 = scf.for %while3A_1885 = %while3A_732 to %while3A_728 step %while3A_735 iter_args(%while3A_1886 = %while3A_734) -> (vector<16xi32>)  : i32 {
        %broadcast_in_dim3A_1887 = vector.broadcast %while3A_1885 : i32 to vector<16xi32>
        %gather3A_1888 = tpu.vector_load_idx %arg8[%broadcast_in_dim3A_1887] : memref<64xi32, #tpu.memory_space<vmem>>[vector<16xi32>], vector<16xi32>,
        %mul3A_1889 = arith.constant 128 : i32
        %mul3A_1890 = vector.broadcast %mul3A_1889 : i32 to vector<16xi32>
        %mul3A_1891 = arith.muli %gather3A_1888, %mul3A_1890 : vector<16xi32>
        %add3A_1892 = arith.constant 0 : i32
        %add3A_1893 = vector.broadcast %add3A_1892 : i32 to vector<16xi32>
        %add3A_1894 = arith.addi %iota3A, %add3A_1893 : vector<16xi32>
        %add3A_1895 = arith.addi %mul3A_1891, %add3A_1894 : vector<16xi32>
        %gather3A_1896 = tpu.vector_load_idx %arg6[%broadcast_in_dim3A_726, %add3A_1895] : memref<4x20480xf32, #tpu.memory_space<vmem>>[vector<16xi32>, vector<16xi32>], vector<16xf32>,
        %bitcast3A_1897 = vector.bitcast %gather3A_1896 : vector<16xf32> to vector<16xi32>
        %ge3A_1898 = arith.cmpi sge, %bitcast3A_1897, %broadcast_in_dim3A_386 : vector<16xi32>
        %select_n3A_1899 = arith.select %ge3A_1898, %broadcast_in_dim3A_3, %broadcast_in_dim3A_5 : vector<16xi1>, vector<16xi32>
        %broadcast_in_dim3A_1900 = arith.constant true
        %broadcast_in_dim3A_1901 = vector.broadcast %broadcast_in_dim3A_1900 : i1 to vector<16xi1>
        %masked_cumsum3A_1902 = tpu.scan <sum>, %select_n3A_1899 masked %broadcast_in_dim3A_1901 : vector<16xi32>, vector<16xi1> -> vector<16xi32>
        %add3A_1903 = arith.addi %while3A_1886, %masked_cumsum3A_1902 : vector<16xi32>
        %sub3A_1904 = arith.constant 1 : i32
        %sub3A_1905 = vector.broadcast %sub3A_1904 : i32 to vector<16xi32>
        %sub3A_1906 = arith.subi %add3A_1903, %sub3A_1905 : vector<16xi32>
        %min3A_1907 = arith.constant 511 : i32
        %min3A_1908 = vector.broadcast %min3A_1907 : i32 to vector<16xi32>
        %min3A_1909 = arith.minsi %sub3A_1906, %min3A_1908 : vector<16xi32>
        tpu.vector_store_idx %arg10[%min3A_1909], %bitcast3A_1897 masked %ge3A_1898 : memref<528xi32, #tpu.memory_space<vmem>>[vector<16xi32>], vector<16xi32>, vector<16xi1>
        tpu.vector_store_idx %arg11[%min3A_1909], %add3A_1895 masked %ge3A_1898 : memref<528xi32, #tpu.memory_space<vmem>>[vector<16xi32>], vector<16xi32>, vector<16xi1>
        %broadcast_in_dim3A_1910 = arith.constant 15 : i32
        %broadcast_in_dim3A_1911 = vector.broadcast %broadcast_in_dim3A_1910 : i32 to vector<16xi32>
        %lt3A_1912 = arith.constant 0 : i32
        %lt3A_1913 = vector.broadcast %lt3A_1912 : i32 to vector<16xi32>
        %lt3A_1914 = arith.cmpi slt, %broadcast_in_dim3A_1911, %lt3A_1913 : vector<16xi32>
        %add3A_1915 = arith.constant 16 : i32
        %add3A_1916 = vector.broadcast %add3A_1915 : i32 to vector<16xi32>
        %add3A_1917 = arith.addi %broadcast_in_dim3A_1911, %add3A_1916 : vector<16xi32>
        %select_n3A_1918 = arith.select %lt3A_1914, %add3A_1917, %broadcast_in_dim3A_1911 : vector<16xi1>, vector<16xi32>
        %broadcast_in_dim3A_1919 = vector.shape_cast %select_n3A_1918 : vector<16xi32> to vector<16x1xi32>
        %gather3A_1920 = vector.shape_cast %broadcast_in_dim3A_1919 : vector<16x1xi32> to vector<16xi32>
        %gather3A_1921 = tpu.dynamic_gather %masked_cumsum3A_1902[%gather3A_1920] in [0] : vector<16xi32>, vector<16xi32> -> vector<16xi32>
        %add3A_1922 = arith.addi %while3A_1886, %gather3A_1921 : vector<16xi32>
        %add3A_1923 = arith.constant 16 : i32
        %add3A_1924 = vector.broadcast %add3A_1923 : i32 to vector<16xi32>
        %add3A_1925 = arith.addi %iota3A, %add3A_1924 : vector<16xi32>
        %add3A_1926 = arith.addi %mul3A_1891, %add3A_1925 : vector<16xi32>
        %gather3A_1927 = tpu.vector_load_idx %arg6[%broadcast_in_dim3A_726, %add3A_1926] : memref<4x20480xf32, #tpu.memory_space<vmem>>[vector<16xi32>, vector<16xi32>], vector<16xf32>,
        %bitcast3A_1928 = vector.bitcast %gather3A_1927 : vector<16xf32> to vector<16xi32>
        %ge3A_1929 = arith.cmpi sge, %bitcast3A_1928, %broadcast_in_dim3A_386 : vector<16xi32>
        %select_n3A_1930 = arith.select %ge3A_1929, %broadcast_in_dim3A_3, %broadcast_in_dim3A_5 : vector<16xi1>, vector<16xi32>
        %broadcast_in_dim3A_1931 = arith.constant true
        %broadcast_in_dim3A_1932 = vector.broadcast %broadcast_in_dim3A_1931 : i1 to vector<16xi1>
        %masked_cumsum3A_1933 = tpu.scan <sum>, %select_n3A_1930 masked %broadcast_in_dim3A_1932 : vector<16xi32>, vector<16xi1> -> vector<16xi32>
        %add3A_1934 = arith.addi %add3A_1922, %masked_cumsum3A_1933 : vector<16xi32>
        %sub3A_1935 = arith.constant 1 : i32
        %sub3A_1936 = vector.broadcast %sub3A_1935 : i32 to vector<16xi32>
        %sub3A_1937 = arith.subi %add3A_1934, %sub3A_1936 : vector<16xi32>
        %min3A_1938 = arith.constant 511 : i32
        %min3A_1939 = vector.broadcast %min3A_1938 : i32 to vector<16xi32>
        %min3A_1940 = arith.minsi %sub3A_1937, %min3A_1939 : vector<16xi32>
        tpu.vector_store_idx %arg10[%min3A_1940], %bitcast3A_1928 masked %ge3A_1929 : memref<528xi32, #tpu.memory_space<vmem>>[vector<16xi32>], vector<16xi32>, vector<16xi1>
        tpu.vector_store_idx %arg11[%min3A_1940], %add3A_1926 masked %ge3A_1929 : memref<528xi32, #tpu.memory_space<vmem>>[vector<16xi32>], vector<16xi32>, vector<16xi1>
        %broadcast_in_dim3A_1941 = arith.constant 15 : i32
        %broadcast_in_dim3A_1942 = vector.broadcast %broadcast_in_dim3A_1941 : i32 to vector<16xi32>
        %lt3A_1943 = arith.constant 0 : i32
        %lt3A_1944 = vector.broadcast %lt3A_1943 : i32 to vector<16xi32>
        %lt3A_1945 = arith.cmpi slt, %broadcast_in_dim3A_1942, %lt3A_1944 : vector<16xi32>
        %add3A_1946 = arith.constant 16 : i32
        %add3A_1947 = vector.broadcast %add3A_1946 : i32 to vector<16xi32>
        %add3A_1948 = arith.addi %broadcast_in_dim3A_1942, %add3A_1947 : vector<16xi32>
        %select_n3A_1949 = arith.select %lt3A_1945, %add3A_1948, %broadcast_in_dim3A_1942 : vector<16xi1>, vector<16xi32>
        %broadcast_in_dim3A_1950 = vector.shape_cast %select_n3A_1949 : vector<16xi32> to vector<16x1xi32>
        %gather3A_1951 = vector.shape_cast %broadcast_in_dim3A_1950 : vector<16x1xi32> to vector<16xi32>
        %gather3A_1952 = tpu.dynamic_gather %masked_cumsum3A_1933[%gather3A_1951] in [0] : vector<16xi32>, vector<16xi32> -> vector<16xi32>
        %add3A_1953 = arith.addi %add3A_1922, %gather3A_1952 : vector<16xi32>
        %add3A_1954 = arith.constant 32 : i32
        %add3A_1955 = vector.broadcast %add3A_1954 : i32 to vector<16xi32>
        %add3A_1956 = arith.addi %iota3A, %add3A_1955 : vector<16xi32>
        %add3A_1957 = arith.addi %mul3A_1891, %add3A_1956 : vector<16xi32>
        %gather3A_1958 = tpu.vector_load_idx %arg6[%broadcast_in_dim3A_726, %add3A_1957] : memref<4x20480xf32, #tpu.memory_space<vmem>>[vector<16xi32>, vector<16xi32>], vector<16xf32>,
        %bitcast3A_1959 = vector.bitcast %gather3A_1958 : vector<16xf32> to vector<16xi32>
        %ge3A_1960 = arith.cmpi sge, %bitcast3A_1959, %broadcast_in_dim3A_386 : vector<16xi32>
        %select_n3A_1961 = arith.select %ge3A_1960, %broadcast_in_dim3A_3, %broadcast_in_dim3A_5 : vector<16xi1>, vector<16xi32>
        %broadcast_in_dim3A_1962 = arith.constant true
        %broadcast_in_dim3A_1963 = vector.broadcast %broadcast_in_dim3A_1962 : i1 to vector<16xi1>
        %masked_cumsum3A_1964 = tpu.scan <sum>, %select_n3A_1961 masked %broadcast_in_dim3A_1963 : vector<16xi32>, vector<16xi1> -> vector<16xi32>
        %add3A_1965 = arith.addi %add3A_1953, %masked_cumsum3A_1964 : vector<16xi32>
        %sub3A_1966 = arith.constant 1 : i32
        %sub3A_1967 = vector.broadcast %sub3A_1966 : i32 to vector<16xi32>
        %sub3A_1968 = arith.subi %add3A_1965, %sub3A_1967 : vector<16xi32>
        %min3A_1969 = arith.constant 511 : i32
        %min3A_1970 = vector.broadcast %min3A_1969 : i32 to vector<16xi32>
        %min3A_1971 = arith.minsi %sub3A_1968, %min3A_1970 : vector<16xi32>
        tpu.vector_store_idx %arg10[%min3A_1971], %bitcast3A_1959 masked %ge3A_1960 : memref<528xi32, #tpu.memory_space<vmem>>[vector<16xi32>], vector<16xi32>, vector<16xi1>
        tpu.vector_store_idx %arg11[%min3A_1971], %add3A_1957 masked %ge3A_1960 : memref<528xi32, #tpu.memory_space<vmem>>[vector<16xi32>], vector<16xi32>, vector<16xi1>
        %broadcast_in_dim3A_1972 = arith.constant 15 : i32
        %broadcast_in_dim3A_1973 = vector.broadcast %broadcast_in_dim3A_1972 : i32 to vector<16xi32>
        %lt3A_1974 = arith.constant 0 : i32
        %lt3A_1975 = vector.broadcast %lt3A_1974 : i32 to vector<16xi32>
        %lt3A_1976 = arith.cmpi slt, %broadcast_in_dim3A_1973, %lt3A_1975 : vector<16xi32>
        %add3A_1977 = arith.constant 16 : i32
        %add3A_1978 = vector.broadcast %add3A_1977 : i32 to vector<16xi32>
        %add3A_1979 = arith.addi %broadcast_in_dim3A_1973, %add3A_1978 : vector<16xi32>
        %select_n3A_1980 = arith.select %lt3A_1976, %add3A_1979, %broadcast_in_dim3A_1973 : vector<16xi1>, vector<16xi32>
        %broadcast_in_dim3A_1981 = vector.shape_cast %select_n3A_1980 : vector<16xi32> to vector<16x1xi32>
        %gather3A_1982 = vector.shape_cast %broadcast_in_dim3A_1981 : vector<16x1xi32> to vector<16xi32>
        %gather3A_1983 = tpu.dynamic_gather %masked_cumsum3A_1964[%gather3A_1982] in [0] : vector<16xi32>, vector<16xi32> -> vector<16xi32>
        %add3A_1984 = arith.addi %add3A_1953, %gather3A_1983 : vector<16xi32>
        %add3A_1985 = arith.constant 48 : i32
        %add3A_1986 = vector.broadcast %add3A_1985 : i32 to vector<16xi32>
        %add3A_1987 = arith.addi %iota3A, %add3A_1986 : vector<16xi32>
        %add3A_1988 = arith.addi %mul3A_1891, %add3A_1987 : vector<16xi32>
        %gather3A_1989 = tpu.vector_load_idx %arg6[%broadcast_in_dim3A_726, %add3A_1988] : memref<4x20480xf32, #tpu.memory_space<vmem>>[vector<16xi32>, vector<16xi32>], vector<16xf32>,
        %bitcast3A_1990 = vector.bitcast %gather3A_1989 : vector<16xf32> to vector<16xi32>
        %ge3A_1991 = arith.cmpi sge, %bitcast3A_1990, %broadcast_in_dim3A_386 : vector<16xi32>
        %select_n3A_1992 = arith.select %ge3A_1991, %broadcast_in_dim3A_3, %broadcast_in_dim3A_5 : vector<16xi1>, vector<16xi32>
        %broadcast_in_dim3A_1993 = arith.constant true
        %broadcast_in_dim3A_1994 = vector.broadcast %broadcast_in_dim3A_1993 : i1 to vector<16xi1>
        %masked_cumsum3A_1995 = tpu.scan <sum>, %select_n3A_1992 masked %broadcast_in_dim3A_1994 : vector<16xi32>, vector<16xi1> -> vector<16xi32>
        %add3A_1996 = arith.addi %add3A_1984, %masked_cumsum3A_1995 : vector<16xi32>
        %sub3A_1997 = arith.constant 1 : i32
        %sub3A_1998 = vector.broadcast %sub3A_1997 : i32 to vector<16xi32>
        %sub3A_1999 = arith.subi %add3A_1996, %sub3A_1998 : vector<16xi32>
        %min3A_2000 = arith.constant 511 : i32
        %min3A_2001 = vector.broadcast %min3A_2000 : i32 to vector<16xi32>
        %min3A_2002 = arith.minsi %sub3A_1999, %min3A_2001 : vector<16xi32>
        tpu.vector_store_idx %arg10[%min3A_2002], %bitcast3A_1990 masked %ge3A_1991 : memref<528xi32, #tpu.memory_space<vmem>>[vector<16xi32>], vector<16xi32>, vector<16xi1>
        tpu.vector_store_idx %arg11[%min3A_2002], %add3A_1988 masked %ge3A_1991 : memref<528xi32, #tpu.memory_space<vmem>>[vector<16xi32>], vector<16xi32>, vector<16xi1>
        %broadcast_in_dim3A_2003 = arith.constant 15 : i32
        %broadcast_in_dim3A_2004 = vector.broadcast %broadcast_in_dim3A_2003 : i32 to vector<16xi32>
        %lt3A_2005 = arith.constant 0 : i32
        %lt3A_2006 = vector.broadcast %lt3A_2005 : i32 to vector<16xi32>
        %lt3A_2007 = arith.cmpi slt, %broadcast_in_dim3A_2004, %lt3A_2006 : vector<16xi32>
        %add3A_2008 = arith.constant 16 : i32
        %add3A_2009 = vector.broadcast %add3A_2008 : i32 to vector<16xi32>
        %add3A_2010 = arith.addi %broadcast_in_dim3A_2004, %add3A_2009 : vector<16xi32>
        %select_n3A_2011 = arith.select %lt3A_2007, %add3A_2010, %broadcast_in_dim3A_2004 : vector<16xi1>, vector<16xi32>
        %broadcast_in_dim3A_2012 = vector.shape_cast %select_n3A_2011 : vector<16xi32> to vector<16x1xi32>
        %gather3A_2013 = vector.shape_cast %broadcast_in_dim3A_2012 : vector<16x1xi32> to vector<16xi32>
        %gather3A_2014 = tpu.dynamic_gather %masked_cumsum3A_1995[%gather3A_2013] in [0] : vector<16xi32>, vector<16xi32> -> vector<16xi32>
        %add3A_2015 = arith.addi %add3A_1984, %gather3A_2014 : vector<16xi32>
        %add3A_2016 = arith.constant 64 : i32
        %add3A_2017 = vector.broadcast %add3A_2016 : i32 to vector<16xi32>
        %add3A_2018 = arith.addi %iota3A, %add3A_2017 : vector<16xi32>
        %add3A_2019 = arith.addi %mul3A_1891, %add3A_2018 : vector<16xi32>
        %gather3A_2020 = tpu.vector_load_idx %arg6[%broadcast_in_dim3A_726, %add3A_2019] : memref<4x20480xf32, #tpu.memory_space<vmem>>[vector<16xi32>, vector<16xi32>], vector<16xf32>,
        %bitcast3A_2021 = vector.bitcast %gather3A_2020 : vector<16xf32> to vector<16xi32>
        %ge3A_2022 = arith.cmpi sge, %bitcast3A_2021, %broadcast_in_dim3A_386 : vector<16xi32>
        %select_n3A_2023 = arith.select %ge3A_2022, %broadcast_in_dim3A_3, %broadcast_in_dim3A_5 : vector<16xi1>, vector<16xi32>
        %broadcast_in_dim3A_2024 = arith.constant true
        %broadcast_in_dim3A_2025 = vector.broadcast %broadcast_in_dim3A_2024 : i1 to vector<16xi1>
        %masked_cumsum3A_2026 = tpu.scan <sum>, %select_n3A_2023 masked %broadcast_in_dim3A_2025 : vector<16xi32>, vector<16xi1> -> vector<16xi32>
        %add3A_2027 = arith.addi %add3A_2015, %masked_cumsum3A_2026 : vector<16xi32>
        %sub3A_2028 = arith.constant 1 : i32
        %sub3A_2029 = vector.broadcast %sub3A_2028 : i32 to vector<16xi32>
        %sub3A_2030 = arith.subi %add3A_2027, %sub3A_2029 : vector<16xi32>
        %min3A_2031 = arith.constant 511 : i32
        %min3A_2032 = vector.broadcast %min3A_2031 : i32 to vector<16xi32>
        %min3A_2033 = arith.minsi %sub3A_2030, %min3A_2032 : vector<16xi32>
        tpu.vector_store_idx %arg10[%min3A_2033], %bitcast3A_2021 masked %ge3A_2022 : memref<528xi32, #tpu.memory_space<vmem>>[vector<16xi32>], vector<16xi32>, vector<16xi1>
        tpu.vector_store_idx %arg11[%min3A_2033], %add3A_2019 masked %ge3A_2022 : memref<528xi32, #tpu.memory_space<vmem>>[vector<16xi32>], vector<16xi32>, vector<16xi1>
        %broadcast_in_dim3A_2034 = arith.constant 15 : i32
        %broadcast_in_dim3A_2035 = vector.broadcast %broadcast_in_dim3A_2034 : i32 to vector<16xi32>
        %lt3A_2036 = arith.constant 0 : i32
        %lt3A_2037 = vector.broadcast %lt3A_2036 : i32 to vector<16xi32>
        %lt3A_2038 = arith.cmpi slt, %broadcast_in_dim3A_2035, %lt3A_2037 : vector<16xi32>
        %add3A_2039 = arith.constant 16 : i32
        %add3A_2040 = vector.broadcast %add3A_2039 : i32 to vector<16xi32>
        %add3A_2041 = arith.addi %broadcast_in_dim3A_2035, %add3A_2040 : vector<16xi32>
        %select_n3A_2042 = arith.select %lt3A_2038, %add3A_2041, %broadcast_in_dim3A_2035 : vector<16xi1>, vector<16xi32>
        %broadcast_in_dim3A_2043 = vector.shape_cast %select_n3A_2042 : vector<16xi32> to vector<16x1xi32>
        %gather3A_2044 = vector.shape_cast %broadcast_in_dim3A_2043 : vector<16x1xi32> to vector<16xi32>
        %gather3A_2045 = tpu.dynamic_gather %masked_cumsum3A_2026[%gather3A_2044] in [0] : vector<16xi32>, vector<16xi32> -> vector<16xi32>
        %add3A_2046 = arith.addi %add3A_2015, %gather3A_2045 : vector<16xi32>
        %add3A_2047 = arith.constant 80 : i32
        %add3A_2048 = vector.broadcast %add3A_2047 : i32 to vector<16xi32>
        %add3A_2049 = arith.addi %iota3A, %add3A_2048 : vector<16xi32>
        %add3A_2050 = arith.addi %mul3A_1891, %add3A_2049 : vector<16xi32>
        %gather3A_2051 = tpu.vector_load_idx %arg6[%broadcast_in_dim3A_726, %add3A_2050] : memref<4x20480xf32, #tpu.memory_space<vmem>>[vector<16xi32>, vector<16xi32>], vector<16xf32>,
        %bitcast3A_2052 = vector.bitcast %gather3A_2051 : vector<16xf32> to vector<16xi32>
        %ge3A_2053 = arith.cmpi sge, %bitcast3A_2052, %broadcast_in_dim3A_386 : vector<16xi32>
        %select_n3A_2054 = arith.select %ge3A_2053, %broadcast_in_dim3A_3, %broadcast_in_dim3A_5 : vector<16xi1>, vector<16xi32>
        %broadcast_in_dim3A_2055 = arith.constant true
        %broadcast_in_dim3A_2056 = vector.broadcast %broadcast_in_dim3A_2055 : i1 to vector<16xi1>
        %masked_cumsum3A_2057 = tpu.scan <sum>, %select_n3A_2054 masked %broadcast_in_dim3A_2056 : vector<16xi32>, vector<16xi1> -> vector<16xi32>
        %add3A_2058 = arith.addi %add3A_2046, %masked_cumsum3A_2057 : vector<16xi32>
        %sub3A_2059 = arith.constant 1 : i32
        %sub3A_2060 = vector.broadcast %sub3A_2059 : i32 to vector<16xi32>
        %sub3A_2061 = arith.subi %add3A_2058, %sub3A_2060 : vector<16xi32>
        %min3A_2062 = arith.constant 511 : i32
        %min3A_2063 = vector.broadcast %min3A_2062 : i32 to vector<16xi32>
        %min3A_2064 = arith.minsi %sub3A_2061, %min3A_2063 : vector<16xi32>
        tpu.vector_store_idx %arg10[%min3A_2064], %bitcast3A_2052 masked %ge3A_2053 : memref<528xi32, #tpu.memory_space<vmem>>[vector<16xi32>], vector<16xi32>, vector<16xi1>
        tpu.vector_store_idx %arg11[%min3A_2064], %add3A_2050 masked %ge3A_2053 : memref<528xi32, #tpu.memory_space<vmem>>[vector<16xi32>], vector<16xi32>, vector<16xi1>
        %broadcast_in_dim3A_2065 = arith.constant 15 : i32
        %broadcast_in_dim3A_2066 = vector.broadcast %broadcast_in_dim3A_2065 : i32 to vector<16xi32>
        %lt3A_2067 = arith.constant 0 : i32
        %lt3A_2068 = vector.broadcast %lt3A_2067 : i32 to vector<16xi32>
        %lt3A_2069 = arith.cmpi slt, %broadcast_in_dim3A_2066, %lt3A_2068 : vector<16xi32>
        %add3A_2070 = arith.constant 16 : i32
        %add3A_2071 = vector.broadcast %add3A_2070 : i32 to vector<16xi32>
        %add3A_2072 = arith.addi %broadcast_in_dim3A_2066, %add3A_2071 : vector<16xi32>
        %select_n3A_2073 = arith.select %lt3A_2069, %add3A_2072, %broadcast_in_dim3A_2066 : vector<16xi1>, vector<16xi32>
        %broadcast_in_dim3A_2074 = vector.shape_cast %select_n3A_2073 : vector<16xi32> to vector<16x1xi32>
        %gather3A_2075 = vector.shape_cast %broadcast_in_dim3A_2074 : vector<16x1xi32> to vector<16xi32>
        %gather3A_2076 = tpu.dynamic_gather %masked_cumsum3A_2057[%gather3A_2075] in [0] : vector<16xi32>, vector<16xi32> -> vector<16xi32>
        %add3A_2077 = arith.addi %add3A_2046, %gather3A_2076 : vector<16xi32>
        %add3A_2078 = arith.constant 96 : i32
        %add3A_2079 = vector.broadcast %add3A_2078 : i32 to vector<16xi32>
        %add3A_2080 = arith.addi %iota3A, %add3A_2079 : vector<16xi32>
        %add3A_2081 = arith.addi %mul3A_1891, %add3A_2080 : vector<16xi32>
        %gather3A_2082 = tpu.vector_load_idx %arg6[%broadcast_in_dim3A_726, %add3A_2081] : memref<4x20480xf32, #tpu.memory_space<vmem>>[vector<16xi32>, vector<16xi32>], vector<16xf32>,
        %bitcast3A_2083 = vector.bitcast %gather3A_2082 : vector<16xf32> to vector<16xi32>
        %ge3A_2084 = arith.cmpi sge, %bitcast3A_2083, %broadcast_in_dim3A_386 : vector<16xi32>
        %select_n3A_2085 = arith.select %ge3A_2084, %broadcast_in_dim3A_3, %broadcast_in_dim3A_5 : vector<16xi1>, vector<16xi32>
        %broadcast_in_dim3A_2086 = arith.constant true
        %broadcast_in_dim3A_2087 = vector.broadcast %broadcast_in_dim3A_2086 : i1 to vector<16xi1>
        %masked_cumsum3A_2088 = tpu.scan <sum>, %select_n3A_2085 masked %broadcast_in_dim3A_2087 : vector<16xi32>, vector<16xi1> -> vector<16xi32>
        %add3A_2089 = arith.addi %add3A_2077, %masked_cumsum3A_2088 : vector<16xi32>
        %sub3A_2090 = arith.constant 1 : i32
        %sub3A_2091 = vector.broadcast %sub3A_2090 : i32 to vector<16xi32>
        %sub3A_2092 = arith.subi %add3A_2089, %sub3A_2091 : vector<16xi32>
        %min3A_2093 = arith.constant 511 : i32
        %min3A_2094 = vector.broadcast %min3A_2093 : i32 to vector<16xi32>
        %min3A_2095 = arith.minsi %sub3A_2092, %min3A_2094 : vector<16xi32>
        tpu.vector_store_idx %arg10[%min3A_2095], %bitcast3A_2083 masked %ge3A_2084 : memref<528xi32, #tpu.memory_space<vmem>>[vector<16xi32>], vector<16xi32>, vector<16xi1>
        tpu.vector_store_idx %arg11[%min3A_2095], %add3A_2081 masked %ge3A_2084 : memref<528xi32, #tpu.memory_space<vmem>>[vector<16xi32>], vector<16xi32>, vector<16xi1>
        %broadcast_in_dim3A_2096 = arith.constant 15 : i32
        %broadcast_in_dim3A_2097 = vector.broadcast %broadcast_in_dim3A_2096 : i32 to vector<16xi32>
        %lt3A_2098 = arith.constant 0 : i32
        %lt3A_2099 = vector.broadcast %lt3A_2098 : i32 to vector<16xi32>
        %lt3A_2100 = arith.cmpi slt, %broadcast_in_dim3A_2097, %lt3A_2099 : vector<16xi32>
        %add3A_2101 = arith.constant 16 : i32
        %add3A_2102 = vector.broadcast %add3A_2101 : i32 to vector<16xi32>
        %add3A_2103 = arith.addi %broadcast_in_dim3A_2097, %add3A_2102 : vector<16xi32>
        %select_n3A_2104 = arith.select %lt3A_2100, %add3A_2103, %broadcast_in_dim3A_2097 : vector<16xi1>, vector<16xi32>
        %broadcast_in_dim3A_2105 = vector.shape_cast %select_n3A_2104 : vector<16xi32> to vector<16x1xi32>
        %gather3A_2106 = vector.shape_cast %broadcast_in_dim3A_2105 : vector<16x1xi32> to vector<16xi32>
        %gather3A_2107 = tpu.dynamic_gather %masked_cumsum3A_2088[%gather3A_2106] in [0] : vector<16xi32>, vector<16xi32> -> vector<16xi32>
        %add3A_2108 = arith.addi %add3A_2077, %gather3A_2107 : vector<16xi32>
        %add3A_2109 = arith.constant 112 : i32
        %add3A_2110 = vector.broadcast %add3A_2109 : i32 to vector<16xi32>
        %add3A_2111 = arith.addi %iota3A, %add3A_2110 : vector<16xi32>
        %add3A_2112 = arith.addi %mul3A_1891, %add3A_2111 : vector<16xi32>
        %gather3A_2113 = tpu.vector_load_idx %arg6[%broadcast_in_dim3A_726, %add3A_2112] : memref<4x20480xf32, #tpu.memory_space<vmem>>[vector<16xi32>, vector<16xi32>], vector<16xf32>,
        %bitcast3A_2114 = vector.bitcast %gather3A_2113 : vector<16xf32> to vector<16xi32>
        %ge3A_2115 = arith.cmpi sge, %bitcast3A_2114, %broadcast_in_dim3A_386 : vector<16xi32>
        %select_n3A_2116 = arith.select %ge3A_2115, %broadcast_in_dim3A_3, %broadcast_in_dim3A_5 : vector<16xi1>, vector<16xi32>
        %broadcast_in_dim3A_2117 = arith.constant true
        %broadcast_in_dim3A_2118 = vector.broadcast %broadcast_in_dim3A_2117 : i1 to vector<16xi1>
        %masked_cumsum3A_2119 = tpu.scan <sum>, %select_n3A_2116 masked %broadcast_in_dim3A_2118 : vector<16xi32>, vector<16xi1> -> vector<16xi32>
        %add3A_2120 = arith.addi %add3A_2108, %masked_cumsum3A_2119 : vector<16xi32>
        %sub3A_2121 = arith.constant 1 : i32
        %sub3A_2122 = vector.broadcast %sub3A_2121 : i32 to vector<16xi32>
        %sub3A_2123 = arith.subi %add3A_2120, %sub3A_2122 : vector<16xi32>
        %min3A_2124 = arith.constant 511 : i32
        %min3A_2125 = vector.broadcast %min3A_2124 : i32 to vector<16xi32>
        %min3A_2126 = arith.minsi %sub3A_2123, %min3A_2125 : vector<16xi32>
        tpu.vector_store_idx %arg10[%min3A_2126], %bitcast3A_2114 masked %ge3A_2115 : memref<528xi32, #tpu.memory_space<vmem>>[vector<16xi32>], vector<16xi32>, vector<16xi1>
        tpu.vector_store_idx %arg11[%min3A_2126], %add3A_2112 masked %ge3A_2115 : memref<528xi32, #tpu.memory_space<vmem>>[vector<16xi32>], vector<16xi32>, vector<16xi1>
        %broadcast_in_dim3A_2127 = arith.constant 15 : i32
        %broadcast_in_dim3A_2128 = vector.broadcast %broadcast_in_dim3A_2127 : i32 to vector<16xi32>
        %lt3A_2129 = arith.constant 0 : i32
        %lt3A_2130 = vector.broadcast %lt3A_2129 : i32 to vector<16xi32>
        %lt3A_2131 = arith.cmpi slt, %broadcast_in_dim3A_2128, %lt3A_2130 : vector<16xi32>
        %add3A_2132 = arith.constant 16 : i32
        %add3A_2133 = vector.broadcast %add3A_2132 : i32 to vector<16xi32>
        %add3A_2134 = arith.addi %broadcast_in_dim3A_2128, %add3A_2133 : vector<16xi32>
        %select_n3A_2135 = arith.select %lt3A_2131, %add3A_2134, %broadcast_in_dim3A_2128 : vector<16xi1>, vector<16xi32>
        %broadcast_in_dim3A_2136 = vector.shape_cast %select_n3A_2135 : vector<16xi32> to vector<16x1xi32>
        %gather3A_2137 = vector.shape_cast %broadcast_in_dim3A_2136 : vector<16x1xi32> to vector<16xi32>
        %gather3A_2138 = tpu.dynamic_gather %masked_cumsum3A_2119[%gather3A_2137] in [0] : vector<16xi32>, vector<16xi32> -> vector<16xi32>
        %add3A_2139 = arith.addi %add3A_2108, %gather3A_2138 : vector<16xi32>
        scf.yield %add3A_2139 : vector<16xi32>
      }
      %reduce_max3A_737 = arith.constant true
      %reduce_max3A_738 = vector.broadcast %reduce_max3A_737 : i1 to vector<16xi1>
      %reduce_max3A_739 = arith.constant -2147483648 : i32
      %reduce_max3A_740 = vector.broadcast %reduce_max3A_739 : i32 to vector<16xi32>
      %reduce_max3A_741 = arith.xori %while3A_736, %reduce_max3A_740 : vector<16xi32>
      %reduce_max3A_742 = tpu.scan <max>, %reduce_max3A_741 masked %reduce_max3A_738 : vector<16xi32>, vector<16xi1> -> vector<16xi32>
      %reduce_max3A_743 = arith.xori %reduce_max3A_742, %reduce_max3A_740 : vector<16xi32>
      %reduce_max3A_744 = vector.extract %reduce_max3A_743[15] : i32 from vector<16xi32>
      %min3A_745 = arith.constant 512 : i32
      %min3A_746 = arith.minsi %reduce_max3A_744, %min3A_745 : i32
      %broadcast_in_dim3A_747 = arith.constant -1 : i32
      %broadcast_in_dim3A_748 = vector.broadcast %broadcast_in_dim3A_747 : i32 to vector<16xi32>
      %swap3A_749 = arith.index_cast %min3A_746 : i32 to index
      %swap3A_750 = tpu.vector_load %arg10[%swap3A_749] {strides = array<i32>} : memref<528xi32, #tpu.memory_space<vmem>>, vector<16xi32>,
      tpu.vector_store %arg10[%swap3A_749], %broadcast_in_dim3A_748 {strides = array<i32>} : memref<528xi32, #tpu.memory_space<vmem>>, vector<16xi32>,
      %add3A_751 = arith.constant 16 : i32
      %add3A_752 = arith.addi %min3A_746, %add3A_751 : i32
      %sub3A_753 = arith.constant 1 : i32
      %sub3A_754 = arith.subi %add3A_752, %sub3A_753 : i32
      %jit3A = arith.constant 16 : i32
      %div3A = arith.divsi %sub3A_754, %jit3A : i32
      %sign3A = arith.constant 0 : i32
      %sign3A_755 = arith.cmpi sgt, %sub3A_754, %sign3A : i32
      %sign3A_756 = arith.extui %sign3A_755 : i1 to i32
      %sign3A_757 = arith.constant 0 : i32
      %sign3A_758 = arith.cmpi slt, %sub3A_754, %sign3A_757 : i32
      %sign3A_759 = arith.extui %sign3A_758 : i1 to i32
      %sign3A_760 = arith.subi %sign3A_756, %sign3A_759 : i32
      %sign3A_761 = arith.constant 0 : i32
      %sign3A_762 = arith.cmpi sgt, %jit3A, %sign3A_761 : i32
      %sign3A_763 = arith.extui %sign3A_762 : i1 to i32
      %sign3A_764 = arith.constant 0 : i32
      %sign3A_765 = arith.cmpi slt, %jit3A, %sign3A_764 : i32
      %sign3A_766 = arith.extui %sign3A_765 : i1 to i32
      %sign3A_767 = arith.subi %sign3A_763, %sign3A_766 : i32
      %ne3A = arith.cmpi ne, %sign3A_760, %sign3A_767 : i32
      %rem3A_768 = arith.remsi %sub3A_754, %jit3A : i32
      %ne3A_769 = arith.constant 0 : i32
      %ne3A_770 = arith.cmpi ne, %rem3A_768, %ne3A_769 : i32
      %and3A = arith.andi %ne3A, %ne3A_770 : i1
      %sub3A_771 = arith.constant 1 : i32
      %sub3A_772 = arith.subi %div3A, %sub3A_771 : i32
      %select_n3A_773 = arith.select %and3A, %sub3A_772, %div3A : i32
      %broadcast_in_dim3A_774 = vector.broadcast %scan3A_384#1 : i32 to vector<16xi32>
      %get3A_775 = arith.index_cast %add3A_342 : i32 to index
      %get3A_776 = arith.constant 0 : index
      %get3A_777 = tpu.vector_load %arg7[%get3A_775, %get3A_776] {strides = array<i32>} : memref<64x160xf32, #tpu.memory_space<vmem>>, vector<16xf32>,
      %bitcast3A_778 = vector.bitcast %get3A_777 : vector<16xf32> to vector<16xi32>
      %ge3A_779 = arith.cmpi sge, %bitcast3A_778, %broadcast_in_dim3A_774 : vector<16xi32>
      %select_n3A_780 = arith.select %ge3A_779, %broadcast_in_dim3A_3, %broadcast_in_dim3A_5 : vector<16xi1>, vector<16xi32>
      %broadcast_in_dim3A_781 = arith.constant true
      %broadcast_in_dim3A_782 = vector.broadcast %broadcast_in_dim3A_781 : i1 to vector<16xi1>
      %masked_cumsum3A_783 = tpu.scan <sum>, %select_n3A_780 masked %broadcast_in_dim3A_782 : vector<16xi32>, vector<16xi1> -> vector<16xi32>
      %add3A_784 = arith.addi %broadcast_in_dim3A_5, %masked_cumsum3A_783 : vector<16xi32>
      %sub3A_785 = arith.constant 1 : i32
      %sub3A_786 = vector.broadcast %sub3A_785 : i32 to vector<16xi32>
      %sub3A_787 = arith.subi %add3A_784, %sub3A_786 : vector<16xi32>
      %min3A_788 = arith.constant 63 : i32
      %min3A_789 = vector.broadcast %min3A_788 : i32 to vector<16xi32>
      %min3A_790 = arith.minsi %sub3A_787, %min3A_789 : vector<16xi32>
      %add3A_791 = arith.constant 0 : i32
      %add3A_792 = vector.broadcast %add3A_791 : i32 to vector<16xi32>
      %add3A_793 = arith.addi %iota3A, %add3A_792 : vector<16xi32>
      tpu.vector_store_idx %arg9[%min3A_790], %add3A_793 masked %ge3A_779 : memref<64xi32, #tpu.memory_space<vmem>>[vector<16xi32>], vector<16xi32>, vector<16xi1>
      %broadcast_in_dim3A_794 = arith.constant 15 : i32
      %broadcast_in_dim3A_795 = vector.broadcast %broadcast_in_dim3A_794 : i32 to vector<16xi32>
      %lt3A_796 = arith.constant 0 : i32
      %lt3A_797 = vector.broadcast %lt3A_796 : i32 to vector<16xi32>
      %lt3A_798 = arith.cmpi slt, %broadcast_in_dim3A_795, %lt3A_797 : vector<16xi32>
      %add3A_799 = arith.constant 16 : i32
      %add3A_800 = vector.broadcast %add3A_799 : i32 to vector<16xi32>
      %add3A_801 = arith.addi %broadcast_in_dim3A_795, %add3A_800 : vector<16xi32>
      %select_n3A_802 = arith.select %lt3A_798, %add3A_801, %broadcast_in_dim3A_795 : vector<16xi1>, vector<16xi32>
      %broadcast_in_dim3A_803 = vector.shape_cast %select_n3A_802 : vector<16xi32> to vector<16x1xi32>
      %gather3A_804 = vector.shape_cast %broadcast_in_dim3A_803 : vector<16x1xi32> to vector<16xi32>
      %gather3A_805 = tpu.dynamic_gather %masked_cumsum3A_783[%gather3A_804] in [0] : vector<16xi32>, vector<16xi32> -> vector<16xi32>
      %add3A_806 = arith.addi %broadcast_in_dim3A_5, %gather3A_805 : vector<16xi32>
      %get3A_807 = arith.index_cast %add3A_342 : i32 to index
      %get3A_808 = arith.constant 16 : index
      %get3A_809 = tpu.vector_load %arg7[%get3A_807, %get3A_808] {strides = array<i32>} : memref<64x160xf32, #tpu.memory_space<vmem>>, vector<16xf32>,
      %bitcast3A_810 = vector.bitcast %get3A_809 : vector<16xf32> to vector<16xi32>
      %ge3A_811 = arith.cmpi sge, %bitcast3A_810, %broadcast_in_dim3A_774 : vector<16xi32>
      %select_n3A_812 = arith.select %ge3A_811, %broadcast_in_dim3A_3, %broadcast_in_dim3A_5 : vector<16xi1>, vector<16xi32>
      %broadcast_in_dim3A_813 = arith.constant true
      %broadcast_in_dim3A_814 = vector.broadcast %broadcast_in_dim3A_813 : i1 to vector<16xi1>
      %masked_cumsum3A_815 = tpu.scan <sum>, %select_n3A_812 masked %broadcast_in_dim3A_814 : vector<16xi32>, vector<16xi1> -> vector<16xi32>
      %add3A_816 = arith.addi %add3A_806, %masked_cumsum3A_815 : vector<16xi32>
      %sub3A_817 = arith.constant 1 : i32
      %sub3A_818 = vector.broadcast %sub3A_817 : i32 to vector<16xi32>
      %sub3A_819 = arith.subi %add3A_816, %sub3A_818 : vector<16xi32>
      %min3A_820 = arith.constant 63 : i32
      %min3A_821 = vector.broadcast %min3A_820 : i32 to vector<16xi32>
      %min3A_822 = arith.minsi %sub3A_819, %min3A_821 : vector<16xi32>
      %add3A_823 = arith.constant 16 : i32
      %add3A_824 = vector.broadcast %add3A_823 : i32 to vector<16xi32>
      %add3A_825 = arith.addi %iota3A, %add3A_824 : vector<16xi32>
      tpu.vector_store_idx %arg9[%min3A_822], %add3A_825 masked %ge3A_811 : memref<64xi32, #tpu.memory_space<vmem>>[vector<16xi32>], vector<16xi32>, vector<16xi1>
      %broadcast_in_dim3A_826 = arith.constant 15 : i32
      %broadcast_in_dim3A_827 = vector.broadcast %broadcast_in_dim3A_826 : i32 to vector<16xi32>
      %lt3A_828 = arith.constant 0 : i32
      %lt3A_829 = vector.broadcast %lt3A_828 : i32 to vector<16xi32>
      %lt3A_830 = arith.cmpi slt, %broadcast_in_dim3A_827, %lt3A_829 : vector<16xi32>
      %add3A_831 = arith.constant 16 : i32
      %add3A_832 = vector.broadcast %add3A_831 : i32 to vector<16xi32>
      %add3A_833 = arith.addi %broadcast_in_dim3A_827, %add3A_832 : vector<16xi32>
      %select_n3A_834 = arith.select %lt3A_830, %add3A_833, %broadcast_in_dim3A_827 : vector<16xi1>, vector<16xi32>
      %broadcast_in_dim3A_835 = vector.shape_cast %select_n3A_834 : vector<16xi32> to vector<16x1xi32>
      %gather3A_836 = vector.shape_cast %broadcast_in_dim3A_835 : vector<16x1xi32> to vector<16xi32>
      %gather3A_837 = tpu.dynamic_gather %masked_cumsum3A_815[%gather3A_836] in [0] : vector<16xi32>, vector<16xi32> -> vector<16xi32>
      %add3A_838 = arith.addi %add3A_806, %gather3A_837 : vector<16xi32>
      %get3A_839 = arith.index_cast %add3A_342 : i32 to index
      %get3A_840 = arith.constant 32 : index
      %get3A_841 = tpu.vector_load %arg7[%get3A_839, %get3A_840] {strides = array<i32>} : memref<64x160xf32, #tpu.memory_space<vmem>>, vector<16xf32>,
      %bitcast3A_842 = vector.bitcast %get3A_841 : vector<16xf32> to vector<16xi32>
      %ge3A_843 = arith.cmpi sge, %bitcast3A_842, %broadcast_in_dim3A_774 : vector<16xi32>
      %select_n3A_844 = arith.select %ge3A_843, %broadcast_in_dim3A_3, %broadcast_in_dim3A_5 : vector<16xi1>, vector<16xi32>
      %broadcast_in_dim3A_845 = arith.constant true
      %broadcast_in_dim3A_846 = vector.broadcast %broadcast_in_dim3A_845 : i1 to vector<16xi1>
      %masked_cumsum3A_847 = tpu.scan <sum>, %select_n3A_844 masked %broadcast_in_dim3A_846 : vector<16xi32>, vector<16xi1> -> vector<16xi32>
      %add3A_848 = arith.addi %add3A_838, %masked_cumsum3A_847 : vector<16xi32>
      %sub3A_849 = arith.constant 1 : i32
      %sub3A_850 = vector.broadcast %sub3A_849 : i32 to vector<16xi32>
      %sub3A_851 = arith.subi %add3A_848, %sub3A_850 : vector<16xi32>
      %min3A_852 = arith.constant 63 : i32
      %min3A_853 = vector.broadcast %min3A_852 : i32 to vector<16xi32>
      %min3A_854 = arith.minsi %sub3A_851, %min3A_853 : vector<16xi32>
      %add3A_855 = arith.constant 32 : i32
      %add3A_856 = vector.broadcast %add3A_855 : i32 to vector<16xi32>
      %add3A_857 = arith.addi %iota3A, %add3A_856 : vector<16xi32>
      tpu.vector_store_idx %arg9[%min3A_854], %add3A_857 masked %ge3A_843 : memref<64xi32, #tpu.memory_space<vmem>>[vector<16xi32>], vector<16xi32>, vector<16xi1>
      %broadcast_in_dim3A_858 = arith.constant 15 : i32
      %broadcast_in_dim3A_859 = vector.broadcast %broadcast_in_dim3A_858 : i32 to vector<16xi32>
      %lt3A_860 = arith.constant 0 : i32
      %lt3A_861 = vector.broadcast %lt3A_860 : i32 to vector<16xi32>
      %lt3A_862 = arith.cmpi slt, %broadcast_in_dim3A_859, %lt3A_861 : vector<16xi32>
      %add3A_863 = arith.constant 16 : i32
      %add3A_864 = vector.broadcast %add3A_863 : i32 to vector<16xi32>
      %add3A_865 = arith.addi %broadcast_in_dim3A_859, %add3A_864 : vector<16xi32>
      %select_n3A_866 = arith.select %lt3A_862, %add3A_865, %broadcast_in_dim3A_859 : vector<16xi1>, vector<16xi32>
      %broadcast_in_dim3A_867 = vector.shape_cast %select_n3A_866 : vector<16xi32> to vector<16x1xi32>
      %gather3A_868 = vector.shape_cast %broadcast_in_dim3A_867 : vector<16x1xi32> to vector<16xi32>
      %gather3A_869 = tpu.dynamic_gather %masked_cumsum3A_847[%gather3A_868] in [0] : vector<16xi32>, vector<16xi32> -> vector<16xi32>
      %add3A_870 = arith.addi %add3A_838, %gather3A_869 : vector<16xi32>
      %get3A_871 = arith.index_cast %add3A_342 : i32 to index
      %get3A_872 = arith.constant 48 : index
      %get3A_873 = tpu.vector_load %arg7[%get3A_871, %get3A_872] {strides = array<i32>} : memref<64x160xf32, #tpu.memory_space<vmem>>, vector<16xf32>,
      %bitcast3A_874 = vector.bitcast %get3A_873 : vector<16xf32> to vector<16xi32>
      %ge3A_875 = arith.cmpi sge, %bitcast3A_874, %broadcast_in_dim3A_774 : vector<16xi32>
      %select_n3A_876 = arith.select %ge3A_875, %broadcast_in_dim3A_3, %broadcast_in_dim3A_5 : vector<16xi1>, vector<16xi32>
      %broadcast_in_dim3A_877 = arith.constant true
      %broadcast_in_dim3A_878 = vector.broadcast %broadcast_in_dim3A_877 : i1 to vector<16xi1>
      %masked_cumsum3A_879 = tpu.scan <sum>, %select_n3A_876 masked %broadcast_in_dim3A_878 : vector<16xi32>, vector<16xi1> -> vector<16xi32>
      %add3A_880 = arith.addi %add3A_870, %masked_cumsum3A_879 : vector<16xi32>
      %sub3A_881 = arith.constant 1 : i32
      %sub3A_882 = vector.broadcast %sub3A_881 : i32 to vector<16xi32>
      %sub3A_883 = arith.subi %add3A_880, %sub3A_882 : vector<16xi32>
      %min3A_884 = arith.constant 63 : i32
      %min3A_885 = vector.broadcast %min3A_884 : i32 to vector<16xi32>
      %min3A_886 = arith.minsi %sub3A_883, %min3A_885 : vector<16xi32>
      %add3A_887 = arith.constant 48 : i32
      %add3A_888 = vector.broadcast %add3A_887 : i32 to vector<16xi32>
      %add3A_889 = arith.addi %iota3A, %add3A_888 : vector<16xi32>
      tpu.vector_store_idx %arg9[%min3A_886], %add3A_889 masked %ge3A_875 : memref<64xi32, #tpu.memory_space<vmem>>[vector<16xi32>], vector<16xi32>, vector<16xi1>
      %broadcast_in_dim3A_890 = arith.constant 15 : i32
      %broadcast_in_dim3A_891 = vector.broadcast %broadcast_in_dim3A_890 : i32 to vector<16xi32>
      %lt3A_892 = arith.constant 0 : i32
      %lt3A_893 = vector.broadcast %lt3A_892 : i32 to vector<16xi32>
      %lt3A_894 = arith.cmpi slt, %broadcast_in_dim3A_891, %lt3A_893 : vector<16xi32>
      %add3A_895 = arith.constant 16 : i32
      %add3A_896 = vector.broadcast %add3A_895 : i32 to vector<16xi32>
      %add3A_897 = arith.addi %broadcast_in_dim3A_891, %add3A_896 : vector<16xi32>
      %select_n3A_898 = arith.select %lt3A_894, %add3A_897, %broadcast_in_dim3A_891 : vector<16xi1>, vector<16xi32>
      %broadcast_in_dim3A_899 = vector.shape_cast %select_n3A_898 : vector<16xi32> to vector<16x1xi32>
      %gather3A_900 = vector.shape_cast %broadcast_in_dim3A_899 : vector<16x1xi32> to vector<16xi32>
      %gather3A_901 = tpu.dynamic_gather %masked_cumsum3A_879[%gather3A_900] in [0] : vector<16xi32>, vector<16xi32> -> vector<16xi32>
      %add3A_902 = arith.addi %add3A_870, %gather3A_901 : vector<16xi32>
      %get3A_903 = arith.index_cast %add3A_342 : i32 to index
      %get3A_904 = arith.constant 64 : index
      %get3A_905 = tpu.vector_load %arg7[%get3A_903, %get3A_904] {strides = array<i32>} : memref<64x160xf32, #tpu.memory_space<vmem>>, vector<16xf32>,
      %bitcast3A_906 = vector.bitcast %get3A_905 : vector<16xf32> to vector<16xi32>
      %ge3A_907 = arith.cmpi sge, %bitcast3A_906, %broadcast_in_dim3A_774 : vector<16xi32>
      %select_n3A_908 = arith.select %ge3A_907, %broadcast_in_dim3A_3, %broadcast_in_dim3A_5 : vector<16xi1>, vector<16xi32>
      %broadcast_in_dim3A_909 = arith.constant true
      %broadcast_in_dim3A_910 = vector.broadcast %broadcast_in_dim3A_909 : i1 to vector<16xi1>
      %masked_cumsum3A_911 = tpu.scan <sum>, %select_n3A_908 masked %broadcast_in_dim3A_910 : vector<16xi32>, vector<16xi1> -> vector<16xi32>
      %add3A_912 = arith.addi %add3A_902, %masked_cumsum3A_911 : vector<16xi32>
      %sub3A_913 = arith.constant 1 : i32
      %sub3A_914 = vector.broadcast %sub3A_913 : i32 to vector<16xi32>
      %sub3A_915 = arith.subi %add3A_912, %sub3A_914 : vector<16xi32>
      %min3A_916 = arith.constant 63 : i32
      %min3A_917 = vector.broadcast %min3A_916 : i32 to vector<16xi32>
      %min3A_918 = arith.minsi %sub3A_915, %min3A_917 : vector<16xi32>
      %add3A_919 = arith.constant 64 : i32
      %add3A_920 = vector.broadcast %add3A_919 : i32 to vector<16xi32>
      %add3A_921 = arith.addi %iota3A, %add3A_920 : vector<16xi32>
      tpu.vector_store_idx %arg9[%min3A_918], %add3A_921 masked %ge3A_907 : memref<64xi32, #tpu.memory_space<vmem>>[vector<16xi32>], vector<16xi32>, vector<16xi1>
      %broadcast_in_dim3A_922 = arith.constant 15 : i32
      %broadcast_in_dim3A_923 = vector.broadcast %broadcast_in_dim3A_922 : i32 to vector<16xi32>
      %lt3A_924 = arith.constant 0 : i32
      %lt3A_925 = vector.broadcast %lt3A_924 : i32 to vector<16xi32>
      %lt3A_926 = arith.cmpi slt, %broadcast_in_dim3A_923, %lt3A_925 : vector<16xi32>
      %add3A_927 = arith.constant 16 : i32
      %add3A_928 = vector.broadcast %add3A_927 : i32 to vector<16xi32>
      %add3A_929 = arith.addi %broadcast_in_dim3A_923, %add3A_928 : vector<16xi32>
      %select_n3A_930 = arith.select %lt3A_926, %add3A_929, %broadcast_in_dim3A_923 : vector<16xi1>, vector<16xi32>
      %broadcast_in_dim3A_931 = vector.shape_cast %select_n3A_930 : vector<16xi32> to vector<16x1xi32>
      %gather3A_932 = vector.shape_cast %broadcast_in_dim3A_931 : vector<16x1xi32> to vector<16xi32>
      %gather3A_933 = tpu.dynamic_gather %masked_cumsum3A_911[%gather3A_932] in [0] : vector<16xi32>, vector<16xi32> -> vector<16xi32>
      %add3A_934 = arith.addi %add3A_902, %gather3A_933 : vector<16xi32>
      %get3A_935 = arith.index_cast %add3A_342 : i32 to index
      %get3A_936 = arith.constant 80 : index
      %get3A_937 = tpu.vector_load %arg7[%get3A_935, %get3A_936] {strides = array<i32>} : memref<64x160xf32, #tpu.memory_space<vmem>>, vector<16xf32>,
      %bitcast3A_938 = vector.bitcast %get3A_937 : vector<16xf32> to vector<16xi32>
      %ge3A_939 = arith.cmpi sge, %bitcast3A_938, %broadcast_in_dim3A_774 : vector<16xi32>
      %select_n3A_940 = arith.select %ge3A_939, %broadcast_in_dim3A_3, %broadcast_in_dim3A_5 : vector<16xi1>, vector<16xi32>
      %broadcast_in_dim3A_941 = arith.constant true
      %broadcast_in_dim3A_942 = vector.broadcast %broadcast_in_dim3A_941 : i1 to vector<16xi1>
      %masked_cumsum3A_943 = tpu.scan <sum>, %select_n3A_940 masked %broadcast_in_dim3A_942 : vector<16xi32>, vector<16xi1> -> vector<16xi32>
      %add3A_944 = arith.addi %add3A_934, %masked_cumsum3A_943 : vector<16xi32>
      %sub3A_945 = arith.constant 1 : i32
      %sub3A_946 = vector.broadcast %sub3A_945 : i32 to vector<16xi32>
      %sub3A_947 = arith.subi %add3A_944, %sub3A_946 : vector<16xi32>
      %min3A_948 = arith.constant 63 : i32
      %min3A_949 = vector.broadcast %min3A_948 : i32 to vector<16xi32>
      %min3A_950 = arith.minsi %sub3A_947, %min3A_949 : vector<16xi32>
      %add3A_951 = arith.constant 80 : i32
      %add3A_952 = vector.broadcast %add3A_951 : i32 to vector<16xi32>
      %add3A_953 = arith.addi %iota3A, %add3A_952 : vector<16xi32>
      tpu.vector_store_idx %arg9[%min3A_950], %add3A_953 masked %ge3A_939 : memref<64xi32, #tpu.memory_space<vmem>>[vector<16xi32>], vector<16xi32>, vector<16xi1>
      %broadcast_in_dim3A_954 = arith.constant 15 : i32
      %broadcast_in_dim3A_955 = vector.broadcast %broadcast_in_dim3A_954 : i32 to vector<16xi32>
      %lt3A_956 = arith.constant 0 : i32
      %lt3A_957 = vector.broadcast %lt3A_956 : i32 to vector<16xi32>
      %lt3A_958 = arith.cmpi slt, %broadcast_in_dim3A_955, %lt3A_957 : vector<16xi32>
      %add3A_959 = arith.constant 16 : i32
      %add3A_960 = vector.broadcast %add3A_959 : i32 to vector<16xi32>
      %add3A_961 = arith.addi %broadcast_in_dim3A_955, %add3A_960 : vector<16xi32>
      %select_n3A_962 = arith.select %lt3A_958, %add3A_961, %broadcast_in_dim3A_955 : vector<16xi1>, vector<16xi32>
      %broadcast_in_dim3A_963 = vector.shape_cast %select_n3A_962 : vector<16xi32> to vector<16x1xi32>
      %gather3A_964 = vector.shape_cast %broadcast_in_dim3A_963 : vector<16x1xi32> to vector<16xi32>
      %gather3A_965 = tpu.dynamic_gather %masked_cumsum3A_943[%gather3A_964] in [0] : vector<16xi32>, vector<16xi32> -> vector<16xi32>
      %add3A_966 = arith.addi %add3A_934, %gather3A_965 : vector<16xi32>
      %get3A_967 = arith.index_cast %add3A_342 : i32 to index
      %get3A_968 = arith.constant 96 : index
      %get3A_969 = tpu.vector_load %arg7[%get3A_967, %get3A_968] {strides = array<i32>} : memref<64x160xf32, #tpu.memory_space<vmem>>, vector<16xf32>,
      %bitcast3A_970 = vector.bitcast %get3A_969 : vector<16xf32> to vector<16xi32>
      %ge3A_971 = arith.cmpi sge, %bitcast3A_970, %broadcast_in_dim3A_774 : vector<16xi32>
      %select_n3A_972 = arith.select %ge3A_971, %broadcast_in_dim3A_3, %broadcast_in_dim3A_5 : vector<16xi1>, vector<16xi32>
      %broadcast_in_dim3A_973 = arith.constant true
      %broadcast_in_dim3A_974 = vector.broadcast %broadcast_in_dim3A_973 : i1 to vector<16xi1>
      %masked_cumsum3A_975 = tpu.scan <sum>, %select_n3A_972 masked %broadcast_in_dim3A_974 : vector<16xi32>, vector<16xi1> -> vector<16xi32>
      %add3A_976 = arith.addi %add3A_966, %masked_cumsum3A_975 : vector<16xi32>
      %sub3A_977 = arith.constant 1 : i32
      %sub3A_978 = vector.broadcast %sub3A_977 : i32 to vector<16xi32>
      %sub3A_979 = arith.subi %add3A_976, %sub3A_978 : vector<16xi32>
      %min3A_980 = arith.constant 63 : i32
      %min3A_981 = vector.broadcast %min3A_980 : i32 to vector<16xi32>
      %min3A_982 = arith.minsi %sub3A_979, %min3A_981 : vector<16xi32>
      %add3A_983 = arith.constant 96 : i32
      %add3A_984 = vector.broadcast %add3A_983 : i32 to vector<16xi32>
      %add3A_985 = arith.addi %iota3A, %add3A_984 : vector<16xi32>
      tpu.vector_store_idx %arg9[%min3A_982], %add3A_985 masked %ge3A_971 : memref<64xi32, #tpu.memory_space<vmem>>[vector<16xi32>], vector<16xi32>, vector<16xi1>
      %broadcast_in_dim3A_986 = arith.constant 15 : i32
      %broadcast_in_dim3A_987 = vector.broadcast %broadcast_in_dim3A_986 : i32 to vector<16xi32>
      %lt3A_988 = arith.constant 0 : i32
      %lt3A_989 = vector.broadcast %lt3A_988 : i32 to vector<16xi32>
      %lt3A_990 = arith.cmpi slt, %broadcast_in_dim3A_987, %lt3A_989 : vector<16xi32>
      %add3A_991 = arith.constant 16 : i32
      %add3A_992 = vector.broadcast %add3A_991 : i32 to vector<16xi32>
      %add3A_993 = arith.addi %broadcast_in_dim3A_987, %add3A_992 : vector<16xi32>
      %select_n3A_994 = arith.select %lt3A_990, %add3A_993, %broadcast_in_dim3A_987 : vector<16xi1>, vector<16xi32>
      %broadcast_in_dim3A_995 = vector.shape_cast %select_n3A_994 : vector<16xi32> to vector<16x1xi32>
      %gather3A_996 = vector.shape_cast %broadcast_in_dim3A_995 : vector<16x1xi32> to vector<16xi32>
      %gather3A_997 = tpu.dynamic_gather %masked_cumsum3A_975[%gather3A_996] in [0] : vector<16xi32>, vector<16xi32> -> vector<16xi32>
      %add3A_998 = arith.addi %add3A_966, %gather3A_997 : vector<16xi32>
      %get3A_999 = arith.index_cast %add3A_342 : i32 to index
      %get3A_1000 = arith.constant 112 : index
      %get3A_1001 = tpu.vector_load %arg7[%get3A_999, %get3A_1000] {strides = array<i32>} : memref<64x160xf32, #tpu.memory_space<vmem>>, vector<16xf32>,
      %bitcast3A_1002 = vector.bitcast %get3A_1001 : vector<16xf32> to vector<16xi32>
      %ge3A_1003 = arith.cmpi sge, %bitcast3A_1002, %broadcast_in_dim3A_774 : vector<16xi32>
      %select_n3A_1004 = arith.select %ge3A_1003, %broadcast_in_dim3A_3, %broadcast_in_dim3A_5 : vector<16xi1>, vector<16xi32>
      %broadcast_in_dim3A_1005 = arith.constant true
      %broadcast_in_dim3A_1006 = vector.broadcast %broadcast_in_dim3A_1005 : i1 to vector<16xi1>
      %masked_cumsum3A_1007 = tpu.scan <sum>, %select_n3A_1004 masked %broadcast_in_dim3A_1006 : vector<16xi32>, vector<16xi1> -> vector<16xi32>
      %add3A_1008 = arith.addi %add3A_998, %masked_cumsum3A_1007 : vector<16xi32>
      %sub3A_1009 = arith.constant 1 : i32
      %sub3A_1010 = vector.broadcast %sub3A_1009 : i32 to vector<16xi32>
      %sub3A_1011 = arith.subi %add3A_1008, %sub3A_1010 : vector<16xi32>
      %min3A_1012 = arith.constant 63 : i32
      %min3A_1013 = vector.broadcast %min3A_1012 : i32 to vector<16xi32>
      %min3A_1014 = arith.minsi %sub3A_1011, %min3A_1013 : vector<16xi32>
      %add3A_1015 = arith.constant 112 : i32
      %add3A_1016 = vector.broadcast %add3A_1015 : i32 to vector<16xi32>
      %add3A_1017 = arith.addi %iota3A, %add3A_1016 : vector<16xi32>
      tpu.vector_store_idx %arg9[%min3A_1014], %add3A_1017 masked %ge3A_1003 : memref<64xi32, #tpu.memory_space<vmem>>[vector<16xi32>], vector<16xi32>, vector<16xi1>
      %broadcast_in_dim3A_1018 = arith.constant 15 : i32
      %broadcast_in_dim3A_1019 = vector.broadcast %broadcast_in_dim3A_1018 : i32 to vector<16xi32>
      %lt3A_1020 = arith.constant 0 : i32
      %lt3A_1021 = vector.broadcast %lt3A_1020 : i32 to vector<16xi32>
      %lt3A_1022 = arith.cmpi slt, %broadcast_in_dim3A_1019, %lt3A_1021 : vector<16xi32>
      %add3A_1023 = arith.constant 16 : i32
      %add3A_1024 = vector.broadcast %add3A_1023 : i32 to vector<16xi32>
      %add3A_1025 = arith.addi %broadcast_in_dim3A_1019, %add3A_1024 : vector<16xi32>
      %select_n3A_1026 = arith.select %lt3A_1022, %add3A_1025, %broadcast_in_dim3A_1019 : vector<16xi1>, vector<16xi32>
      %broadcast_in_dim3A_1027 = vector.shape_cast %select_n3A_1026 : vector<16xi32> to vector<16x1xi32>
      %gather3A_1028 = vector.shape_cast %broadcast_in_dim3A_1027 : vector<16x1xi32> to vector<16xi32>
      %gather3A_1029 = tpu.dynamic_gather %masked_cumsum3A_1007[%gather3A_1028] in [0] : vector<16xi32>, vector<16xi32> -> vector<16xi32>
      %add3A_1030 = arith.addi %add3A_998, %gather3A_1029 : vector<16xi32>
      %get3A_1031 = arith.index_cast %add3A_342 : i32 to index
      %get3A_1032 = arith.constant 128 : index
      %get3A_1033 = tpu.vector_load %arg7[%get3A_1031, %get3A_1032] {strides = array<i32>} : memref<64x160xf32, #tpu.memory_space<vmem>>, vector<16xf32>,
      %bitcast3A_1034 = vector.bitcast %get3A_1033 : vector<16xf32> to vector<16xi32>
      %ge3A_1035 = arith.cmpi sge, %bitcast3A_1034, %broadcast_in_dim3A_774 : vector<16xi32>
      %select_n3A_1036 = arith.select %ge3A_1035, %broadcast_in_dim3A_3, %broadcast_in_dim3A_5 : vector<16xi1>, vector<16xi32>
      %broadcast_in_dim3A_1037 = arith.constant true
      %broadcast_in_dim3A_1038 = vector.broadcast %broadcast_in_dim3A_1037 : i1 to vector<16xi1>
      %masked_cumsum3A_1039 = tpu.scan <sum>, %select_n3A_1036 masked %broadcast_in_dim3A_1038 : vector<16xi32>, vector<16xi1> -> vector<16xi32>
      %add3A_1040 = arith.addi %add3A_1030, %masked_cumsum3A_1039 : vector<16xi32>
      %sub3A_1041 = arith.constant 1 : i32
      %sub3A_1042 = vector.broadcast %sub3A_1041 : i32 to vector<16xi32>
      %sub3A_1043 = arith.subi %add3A_1040, %sub3A_1042 : vector<16xi32>
      %min3A_1044 = arith.constant 63 : i32
      %min3A_1045 = vector.broadcast %min3A_1044 : i32 to vector<16xi32>
      %min3A_1046 = arith.minsi %sub3A_1043, %min3A_1045 : vector<16xi32>
      %add3A_1047 = arith.constant 128 : i32
      %add3A_1048 = vector.broadcast %add3A_1047 : i32 to vector<16xi32>
      %add3A_1049 = arith.addi %iota3A, %add3A_1048 : vector<16xi32>
      tpu.vector_store_idx %arg9[%min3A_1046], %add3A_1049 masked %ge3A_1035 : memref<64xi32, #tpu.memory_space<vmem>>[vector<16xi32>], vector<16xi32>, vector<16xi1>
      %broadcast_in_dim3A_1050 = arith.constant 15 : i32
      %broadcast_in_dim3A_1051 = vector.broadcast %broadcast_in_dim3A_1050 : i32 to vector<16xi32>
      %lt3A_1052 = arith.constant 0 : i32
      %lt3A_1053 = vector.broadcast %lt3A_1052 : i32 to vector<16xi32>
      %lt3A_1054 = arith.cmpi slt, %broadcast_in_dim3A_1051, %lt3A_1053 : vector<16xi32>
      %add3A_1055 = arith.constant 16 : i32
      %add3A_1056 = vector.broadcast %add3A_1055 : i32 to vector<16xi32>
      %add3A_1057 = arith.addi %broadcast_in_dim3A_1051, %add3A_1056 : vector<16xi32>
      %select_n3A_1058 = arith.select %lt3A_1054, %add3A_1057, %broadcast_in_dim3A_1051 : vector<16xi1>, vector<16xi32>
      %broadcast_in_dim3A_1059 = vector.shape_cast %select_n3A_1058 : vector<16xi32> to vector<16x1xi32>
      %gather3A_1060 = vector.shape_cast %broadcast_in_dim3A_1059 : vector<16x1xi32> to vector<16xi32>
      %gather3A_1061 = tpu.dynamic_gather %masked_cumsum3A_1039[%gather3A_1060] in [0] : vector<16xi32>, vector<16xi32> -> vector<16xi32>
      %add3A_1062 = arith.addi %add3A_1030, %gather3A_1061 : vector<16xi32>
      %get3A_1063 = arith.index_cast %add3A_342 : i32 to index
      %get3A_1064 = arith.constant 144 : index
      %get3A_1065 = tpu.vector_load %arg7[%get3A_1063, %get3A_1064] {strides = array<i32>} : memref<64x160xf32, #tpu.memory_space<vmem>>, vector<16xf32>,
      %bitcast3A_1066 = vector.bitcast %get3A_1065 : vector<16xf32> to vector<16xi32>
      %ge3A_1067 = arith.cmpi sge, %bitcast3A_1066, %broadcast_in_dim3A_774 : vector<16xi32>
      %select_n3A_1068 = arith.select %ge3A_1067, %broadcast_in_dim3A_3, %broadcast_in_dim3A_5 : vector<16xi1>, vector<16xi32>
      %broadcast_in_dim3A_1069 = arith.constant true
      %broadcast_in_dim3A_1070 = vector.broadcast %broadcast_in_dim3A_1069 : i1 to vector<16xi1>
      %masked_cumsum3A_1071 = tpu.scan <sum>, %select_n3A_1068 masked %broadcast_in_dim3A_1070 : vector<16xi32>, vector<16xi1> -> vector<16xi32>
      %add3A_1072 = arith.addi %add3A_1062, %masked_cumsum3A_1071 : vector<16xi32>
      %sub3A_1073 = arith.constant 1 : i32
      %sub3A_1074 = vector.broadcast %sub3A_1073 : i32 to vector<16xi32>
      %sub3A_1075 = arith.subi %add3A_1072, %sub3A_1074 : vector<16xi32>
      %min3A_1076 = arith.constant 63 : i32
      %min3A_1077 = vector.broadcast %min3A_1076 : i32 to vector<16xi32>
      %min3A_1078 = arith.minsi %sub3A_1075, %min3A_1077 : vector<16xi32>
      %add3A_1079 = arith.constant 144 : i32
      %add3A_1080 = vector.broadcast %add3A_1079 : i32 to vector<16xi32>
      %add3A_1081 = arith.addi %iota3A, %add3A_1080 : vector<16xi32>
      tpu.vector_store_idx %arg9[%min3A_1078], %add3A_1081 masked %ge3A_1067 : memref<64xi32, #tpu.memory_space<vmem>>[vector<16xi32>], vector<16xi32>, vector<16xi1>
      %broadcast_in_dim3A_1082 = arith.constant 15 : i32
      %broadcast_in_dim3A_1083 = vector.broadcast %broadcast_in_dim3A_1082 : i32 to vector<16xi32>
      %lt3A_1084 = arith.constant 0 : i32
      %lt3A_1085 = vector.broadcast %lt3A_1084 : i32 to vector<16xi32>
      %lt3A_1086 = arith.cmpi slt, %broadcast_in_dim3A_1083, %lt3A_1085 : vector<16xi32>
      %add3A_1087 = arith.constant 16 : i32
      %add3A_1088 = vector.broadcast %add3A_1087 : i32 to vector<16xi32>
      %add3A_1089 = arith.addi %broadcast_in_dim3A_1083, %add3A_1088 : vector<16xi32>
      %select_n3A_1090 = arith.select %lt3A_1086, %add3A_1089, %broadcast_in_dim3A_1083 : vector<16xi1>, vector<16xi32>
      %broadcast_in_dim3A_1091 = vector.shape_cast %select_n3A_1090 : vector<16xi32> to vector<16x1xi32>
      %gather3A_1092 = vector.shape_cast %broadcast_in_dim3A_1091 : vector<16x1xi32> to vector<16xi32>
      %gather3A_1093 = tpu.dynamic_gather %masked_cumsum3A_1071[%gather3A_1092] in [0] : vector<16xi32>, vector<16xi32> -> vector<16xi32>
      %add3A_1094 = arith.addi %add3A_1062, %gather3A_1093 : vector<16xi32>
      %reduce_max3A_1095 = arith.constant true
      %reduce_max3A_1096 = vector.broadcast %reduce_max3A_1095 : i1 to vector<16xi1>
      %reduce_max3A_1097 = arith.constant -2147483648 : i32
      %reduce_max3A_1098 = vector.broadcast %reduce_max3A_1097 : i32 to vector<16xi32>
      %reduce_max3A_1099 = arith.xori %add3A_1094, %reduce_max3A_1098 : vector<16xi32>
      %reduce_max3A_1100 = tpu.scan <max>, %reduce_max3A_1099 masked %reduce_max3A_1096 : vector<16xi32>, vector<16xi1> -> vector<16xi32>
      %reduce_max3A_1101 = arith.xori %reduce_max3A_1100, %reduce_max3A_1098 : vector<16xi32>
      %reduce_max3A_1102 = vector.extract %reduce_max3A_1101[15] : i32 from vector<16xi32>
      %min3A_1103 = arith.constant 64 : i32
      %min3A_1104 = arith.minsi %reduce_max3A_1102, %min3A_1103 : i32
      %broadcast_in_dim3A_1105 = arith.constant -1 : i32
      %broadcast_in_dim3A_1106 = vector.broadcast %broadcast_in_dim3A_1105 : i32 to vector<16xi32>
      %swap3A_1107 = arith.constant 0 : index
      %swap3A_1108 = tpu.vector_load %arg12[%swap3A_1107] {strides = array<i32>} : memref<528xi32, #tpu.memory_space<vmem>>, vector<16xi32>,
      tpu.vector_store %arg12[%swap3A_1107], %broadcast_in_dim3A_1106 {strides = array<i32>} : memref<528xi32, #tpu.memory_space<vmem>>, vector<16xi32>,
      %broadcast_in_dim3A_1109 = arith.constant -1 : i32
      %broadcast_in_dim3A_1110 = vector.broadcast %broadcast_in_dim3A_1109 : i32 to vector<16xi32>
      %swap3A_1111 = arith.constant 16 : index
      %swap3A_1112 = tpu.vector_load %arg12[%swap3A_1111] {strides = array<i32>} : memref<528xi32, #tpu.memory_space<vmem>>, vector<16xi32>,
      tpu.vector_store %arg12[%swap3A_1111], %broadcast_in_dim3A_1110 {strides = array<i32>} : memref<528xi32, #tpu.memory_space<vmem>>, vector<16xi32>,
      %broadcast_in_dim3A_1113 = arith.constant -1 : i32
      %broadcast_in_dim3A_1114 = vector.broadcast %broadcast_in_dim3A_1113 : i32 to vector<16xi32>
      %swap3A_1115 = arith.constant 32 : index
      %swap3A_1116 = tpu.vector_load %arg12[%swap3A_1115] {strides = array<i32>} : memref<528xi32, #tpu.memory_space<vmem>>, vector<16xi32>,
      tpu.vector_store %arg12[%swap3A_1115], %broadcast_in_dim3A_1114 {strides = array<i32>} : memref<528xi32, #tpu.memory_space<vmem>>, vector<16xi32>,
      %broadcast_in_dim3A_1117 = arith.constant -1 : i32
      %broadcast_in_dim3A_1118 = vector.broadcast %broadcast_in_dim3A_1117 : i32 to vector<16xi32>
      %swap3A_1119 = arith.constant 48 : index
      %swap3A_1120 = tpu.vector_load %arg12[%swap3A_1119] {strides = array<i32>} : memref<528xi32, #tpu.memory_space<vmem>>, vector<16xi32>,
      tpu.vector_store %arg12[%swap3A_1119], %broadcast_in_dim3A_1118 {strides = array<i32>} : memref<528xi32, #tpu.memory_space<vmem>>, vector<16xi32>,
      %broadcast_in_dim3A_1121 = arith.constant -1 : i32
      %broadcast_in_dim3A_1122 = vector.broadcast %broadcast_in_dim3A_1121 : i32 to vector<16xi32>
      %swap3A_1123 = arith.constant 64 : index
      %swap3A_1124 = tpu.vector_load %arg12[%swap3A_1123] {strides = array<i32>} : memref<528xi32, #tpu.memory_space<vmem>>, vector<16xi32>,
      tpu.vector_store %arg12[%swap3A_1123], %broadcast_in_dim3A_1122 {strides = array<i32>} : memref<528xi32, #tpu.memory_space<vmem>>, vector<16xi32>,
      %broadcast_in_dim3A_1125 = vector.broadcast %add3A_349 : i32 to vector<16xi32>
      %while3A_1126 = arith.constant 0 : i32
      %while3A_1127 = arith.subi %min3A_1104, %while3A_1126 : i32
      %while3A_1128 = arith.addi %while3A_1126, %while3A_1127 : i32
      %while3A_1129 = arith.constant 1 : i32
      %while3A_1130 = arith.divsi %while3A_1127, %while3A_1129 : i32
      %while3A_1131 = arith.muli %while3A_1130, %while3A_1129 : i32
      %while3A_1132 = arith.addi %while3A_1126, %while3A_1131 : i32
      %while3A_1133 = arith.constant 1 : i32
      %while3A_1134 = scf.for %while3A_1885 = %while3A_1126 to %while3A_1132 step %while3A_1133 iter_args(%while3A_1886 = %broadcast_in_dim3A_5) -> (vector<16xi32>)  : i32 {
        %broadcast_in_dim3A_1887 = vector.broadcast %while3A_1885 : i32 to vector<16xi32>
        %gather3A_1888 = tpu.vector_load_idx %arg9[%broadcast_in_dim3A_1887] : memref<64xi32, #tpu.memory_space<vmem>>[vector<16xi32>], vector<16xi32>,
        %mul3A_1889 = arith.constant 128 : i32
        %mul3A_1890 = vector.broadcast %mul3A_1889 : i32 to vector<16xi32>
        %mul3A_1891 = arith.muli %gather3A_1888, %mul3A_1890 : vector<16xi32>
        %add3A_1892 = arith.constant 0 : i32
        %add3A_1893 = vector.broadcast %add3A_1892 : i32 to vector<16xi32>
        %add3A_1894 = arith.addi %iota3A, %add3A_1893 : vector<16xi32>
        %add3A_1895 = arith.addi %mul3A_1891, %add3A_1894 : vector<16xi32>
        %gather3A_1896 = tpu.vector_load_idx %arg6[%broadcast_in_dim3A_1125, %add3A_1895] : memref<4x20480xf32, #tpu.memory_space<vmem>>[vector<16xi32>, vector<16xi32>], vector<16xf32>,
        %bitcast3A_1897 = vector.bitcast %gather3A_1896 : vector<16xf32> to vector<16xi32>
        %ge3A_1898 = arith.cmpi sge, %bitcast3A_1897, %broadcast_in_dim3A_774 : vector<16xi32>
        %select_n3A_1899 = arith.select %ge3A_1898, %broadcast_in_dim3A_3, %broadcast_in_dim3A_5 : vector<16xi1>, vector<16xi32>
        %broadcast_in_dim3A_1900 = arith.constant true
        %broadcast_in_dim3A_1901 = vector.broadcast %broadcast_in_dim3A_1900 : i1 to vector<16xi1>
        %masked_cumsum3A_1902 = tpu.scan <sum>, %select_n3A_1899 masked %broadcast_in_dim3A_1901 : vector<16xi32>, vector<16xi1> -> vector<16xi32>
        %add3A_1903 = arith.addi %while3A_1886, %masked_cumsum3A_1902 : vector<16xi32>
        %sub3A_1904 = arith.constant 1 : i32
        %sub3A_1905 = vector.broadcast %sub3A_1904 : i32 to vector<16xi32>
        %sub3A_1906 = arith.subi %add3A_1903, %sub3A_1905 : vector<16xi32>
        %min3A_1907 = arith.constant 511 : i32
        %min3A_1908 = vector.broadcast %min3A_1907 : i32 to vector<16xi32>
        %min3A_1909 = arith.minsi %sub3A_1906, %min3A_1908 : vector<16xi32>
        tpu.vector_store_idx %arg12[%min3A_1909], %bitcast3A_1897 masked %ge3A_1898 : memref<528xi32, #tpu.memory_space<vmem>>[vector<16xi32>], vector<16xi32>, vector<16xi1>
        tpu.vector_store_idx %arg13[%min3A_1909], %add3A_1895 masked %ge3A_1898 : memref<528xi32, #tpu.memory_space<vmem>>[vector<16xi32>], vector<16xi32>, vector<16xi1>
        %broadcast_in_dim3A_1910 = arith.constant 15 : i32
        %broadcast_in_dim3A_1911 = vector.broadcast %broadcast_in_dim3A_1910 : i32 to vector<16xi32>
        %lt3A_1912 = arith.constant 0 : i32
        %lt3A_1913 = vector.broadcast %lt3A_1912 : i32 to vector<16xi32>
        %lt3A_1914 = arith.cmpi slt, %broadcast_in_dim3A_1911, %lt3A_1913 : vector<16xi32>
        %add3A_1915 = arith.constant 16 : i32
        %add3A_1916 = vector.broadcast %add3A_1915 : i32 to vector<16xi32>
        %add3A_1917 = arith.addi %broadcast_in_dim3A_1911, %add3A_1916 : vector<16xi32>
        %select_n3A_1918 = arith.select %lt3A_1914, %add3A_1917, %broadcast_in_dim3A_1911 : vector<16xi1>, vector<16xi32>
        %broadcast_in_dim3A_1919 = vector.shape_cast %select_n3A_1918 : vector<16xi32> to vector<16x1xi32>
        %gather3A_1920 = vector.shape_cast %broadcast_in_dim3A_1919 : vector<16x1xi32> to vector<16xi32>
        %gather3A_1921 = tpu.dynamic_gather %masked_cumsum3A_1902[%gather3A_1920] in [0] : vector<16xi32>, vector<16xi32> -> vector<16xi32>
        %add3A_1922 = arith.addi %while3A_1886, %gather3A_1921 : vector<16xi32>
        %add3A_1923 = arith.constant 16 : i32
        %add3A_1924 = vector.broadcast %add3A_1923 : i32 to vector<16xi32>
        %add3A_1925 = arith.addi %iota3A, %add3A_1924 : vector<16xi32>
        %add3A_1926 = arith.addi %mul3A_1891, %add3A_1925 : vector<16xi32>
        %gather3A_1927 = tpu.vector_load_idx %arg6[%broadcast_in_dim3A_1125, %add3A_1926] : memref<4x20480xf32, #tpu.memory_space<vmem>>[vector<16xi32>, vector<16xi32>], vector<16xf32>,
        %bitcast3A_1928 = vector.bitcast %gather3A_1927 : vector<16xf32> to vector<16xi32>
        %ge3A_1929 = arith.cmpi sge, %bitcast3A_1928, %broadcast_in_dim3A_774 : vector<16xi32>
        %select_n3A_1930 = arith.select %ge3A_1929, %broadcast_in_dim3A_3, %broadcast_in_dim3A_5 : vector<16xi1>, vector<16xi32>
        %broadcast_in_dim3A_1931 = arith.constant true
        %broadcast_in_dim3A_1932 = vector.broadcast %broadcast_in_dim3A_1931 : i1 to vector<16xi1>
        %masked_cumsum3A_1933 = tpu.scan <sum>, %select_n3A_1930 masked %broadcast_in_dim3A_1932 : vector<16xi32>, vector<16xi1> -> vector<16xi32>
        %add3A_1934 = arith.addi %add3A_1922, %masked_cumsum3A_1933 : vector<16xi32>
        %sub3A_1935 = arith.constant 1 : i32
        %sub3A_1936 = vector.broadcast %sub3A_1935 : i32 to vector<16xi32>
        %sub3A_1937 = arith.subi %add3A_1934, %sub3A_1936 : vector<16xi32>
        %min3A_1938 = arith.constant 511 : i32
        %min3A_1939 = vector.broadcast %min3A_1938 : i32 to vector<16xi32>
        %min3A_1940 = arith.minsi %sub3A_1937, %min3A_1939 : vector<16xi32>
        tpu.vector_store_idx %arg12[%min3A_1940], %bitcast3A_1928 masked %ge3A_1929 : memref<528xi32, #tpu.memory_space<vmem>>[vector<16xi32>], vector<16xi32>, vector<16xi1>
        tpu.vector_store_idx %arg13[%min3A_1940], %add3A_1926 masked %ge3A_1929 : memref<528xi32, #tpu.memory_space<vmem>>[vector<16xi32>], vector<16xi32>, vector<16xi1>
        %broadcast_in_dim3A_1941 = arith.constant 15 : i32
        %broadcast_in_dim3A_1942 = vector.broadcast %broadcast_in_dim3A_1941 : i32 to vector<16xi32>
        %lt3A_1943 = arith.constant 0 : i32
        %lt3A_1944 = vector.broadcast %lt3A_1943 : i32 to vector<16xi32>
        %lt3A_1945 = arith.cmpi slt, %broadcast_in_dim3A_1942, %lt3A_1944 : vector<16xi32>
        %add3A_1946 = arith.constant 16 : i32
        %add3A_1947 = vector.broadcast %add3A_1946 : i32 to vector<16xi32>
        %add3A_1948 = arith.addi %broadcast_in_dim3A_1942, %add3A_1947 : vector<16xi32>
        %select_n3A_1949 = arith.select %lt3A_1945, %add3A_1948, %broadcast_in_dim3A_1942 : vector<16xi1>, vector<16xi32>
        %broadcast_in_dim3A_1950 = vector.shape_cast %select_n3A_1949 : vector<16xi32> to vector<16x1xi32>
        %gather3A_1951 = vector.shape_cast %broadcast_in_dim3A_1950 : vector<16x1xi32> to vector<16xi32>
        %gather3A_1952 = tpu.dynamic_gather %masked_cumsum3A_1933[%gather3A_1951] in [0] : vector<16xi32>, vector<16xi32> -> vector<16xi32>
        %add3A_1953 = arith.addi %add3A_1922, %gather3A_1952 : vector<16xi32>
        %add3A_1954 = arith.constant 32 : i32
        %add3A_1955 = vector.broadcast %add3A_1954 : i32 to vector<16xi32>
        %add3A_1956 = arith.addi %iota3A, %add3A_1955 : vector<16xi32>
        %add3A_1957 = arith.addi %mul3A_1891, %add3A_1956 : vector<16xi32>
        %gather3A_1958 = tpu.vector_load_idx %arg6[%broadcast_in_dim3A_1125, %add3A_1957] : memref<4x20480xf32, #tpu.memory_space<vmem>>[vector<16xi32>, vector<16xi32>], vector<16xf32>,
        %bitcast3A_1959 = vector.bitcast %gather3A_1958 : vector<16xf32> to vector<16xi32>
        %ge3A_1960 = arith.cmpi sge, %bitcast3A_1959, %broadcast_in_dim3A_774 : vector<16xi32>
        %select_n3A_1961 = arith.select %ge3A_1960, %broadcast_in_dim3A_3, %broadcast_in_dim3A_5 : vector<16xi1>, vector<16xi32>
        %broadcast_in_dim3A_1962 = arith.constant true
        %broadcast_in_dim3A_1963 = vector.broadcast %broadcast_in_dim3A_1962 : i1 to vector<16xi1>
        %masked_cumsum3A_1964 = tpu.scan <sum>, %select_n3A_1961 masked %broadcast_in_dim3A_1963 : vector<16xi32>, vector<16xi1> -> vector<16xi32>
        %add3A_1965 = arith.addi %add3A_1953, %masked_cumsum3A_1964 : vector<16xi32>
        %sub3A_1966 = arith.constant 1 : i32
        %sub3A_1967 = vector.broadcast %sub3A_1966 : i32 to vector<16xi32>
        %sub3A_1968 = arith.subi %add3A_1965, %sub3A_1967 : vector<16xi32>
        %min3A_1969 = arith.constant 511 : i32
        %min3A_1970 = vector.broadcast %min3A_1969 : i32 to vector<16xi32>
        %min3A_1971 = arith.minsi %sub3A_1968, %min3A_1970 : vector<16xi32>
        tpu.vector_store_idx %arg12[%min3A_1971], %bitcast3A_1959 masked %ge3A_1960 : memref<528xi32, #tpu.memory_space<vmem>>[vector<16xi32>], vector<16xi32>, vector<16xi1>
        tpu.vector_store_idx %arg13[%min3A_1971], %add3A_1957 masked %ge3A_1960 : memref<528xi32, #tpu.memory_space<vmem>>[vector<16xi32>], vector<16xi32>, vector<16xi1>
        %broadcast_in_dim3A_1972 = arith.constant 15 : i32
        %broadcast_in_dim3A_1973 = vector.broadcast %broadcast_in_dim3A_1972 : i32 to vector<16xi32>
        %lt3A_1974 = arith.constant 0 : i32
        %lt3A_1975 = vector.broadcast %lt3A_1974 : i32 to vector<16xi32>
        %lt3A_1976 = arith.cmpi slt, %broadcast_in_dim3A_1973, %lt3A_1975 : vector<16xi32>
        %add3A_1977 = arith.constant 16 : i32
        %add3A_1978 = vector.broadcast %add3A_1977 : i32 to vector<16xi32>
        %add3A_1979 = arith.addi %broadcast_in_dim3A_1973, %add3A_1978 : vector<16xi32>
        %select_n3A_1980 = arith.select %lt3A_1976, %add3A_1979, %broadcast_in_dim3A_1973 : vector<16xi1>, vector<16xi32>
        %broadcast_in_dim3A_1981 = vector.shape_cast %select_n3A_1980 : vector<16xi32> to vector<16x1xi32>
        %gather3A_1982 = vector.shape_cast %broadcast_in_dim3A_1981 : vector<16x1xi32> to vector<16xi32>
        %gather3A_1983 = tpu.dynamic_gather %masked_cumsum3A_1964[%gather3A_1982] in [0] : vector<16xi32>, vector<16xi32> -> vector<16xi32>
        %add3A_1984 = arith.addi %add3A_1953, %gather3A_1983 : vector<16xi32>
        %add3A_1985 = arith.constant 48 : i32
        %add3A_1986 = vector.broadcast %add3A_1985 : i32 to vector<16xi32>
        %add3A_1987 = arith.addi %iota3A, %add3A_1986 : vector<16xi32>
        %add3A_1988 = arith.addi %mul3A_1891, %add3A_1987 : vector<16xi32>
        %gather3A_1989 = tpu.vector_load_idx %arg6[%broadcast_in_dim3A_1125, %add3A_1988] : memref<4x20480xf32, #tpu.memory_space<vmem>>[vector<16xi32>, vector<16xi32>], vector<16xf32>,
        %bitcast3A_1990 = vector.bitcast %gather3A_1989 : vector<16xf32> to vector<16xi32>
        %ge3A_1991 = arith.cmpi sge, %bitcast3A_1990, %broadcast_in_dim3A_774 : vector<16xi32>
        %select_n3A_1992 = arith.select %ge3A_1991, %broadcast_in_dim3A_3, %broadcast_in_dim3A_5 : vector<16xi1>, vector<16xi32>
        %broadcast_in_dim3A_1993 = arith.constant true
        %broadcast_in_dim3A_1994 = vector.broadcast %broadcast_in_dim3A_1993 : i1 to vector<16xi1>
        %masked_cumsum3A_1995 = tpu.scan <sum>, %select_n3A_1992 masked %broadcast_in_dim3A_1994 : vector<16xi32>, vector<16xi1> -> vector<16xi32>
        %add3A_1996 = arith.addi %add3A_1984, %masked_cumsum3A_1995 : vector<16xi32>
        %sub3A_1997 = arith.constant 1 : i32
        %sub3A_1998 = vector.broadcast %sub3A_1997 : i32 to vector<16xi32>
        %sub3A_1999 = arith.subi %add3A_1996, %sub3A_1998 : vector<16xi32>
        %min3A_2000 = arith.constant 511 : i32
        %min3A_2001 = vector.broadcast %min3A_2000 : i32 to vector<16xi32>
        %min3A_2002 = arith.minsi %sub3A_1999, %min3A_2001 : vector<16xi32>
        tpu.vector_store_idx %arg12[%min3A_2002], %bitcast3A_1990 masked %ge3A_1991 : memref<528xi32, #tpu.memory_space<vmem>>[vector<16xi32>], vector<16xi32>, vector<16xi1>
        tpu.vector_store_idx %arg13[%min3A_2002], %add3A_1988 masked %ge3A_1991 : memref<528xi32, #tpu.memory_space<vmem>>[vector<16xi32>], vector<16xi32>, vector<16xi1>
        %broadcast_in_dim3A_2003 = arith.constant 15 : i32
        %broadcast_in_dim3A_2004 = vector.broadcast %broadcast_in_dim3A_2003 : i32 to vector<16xi32>
        %lt3A_2005 = arith.constant 0 : i32
        %lt3A_2006 = vector.broadcast %lt3A_2005 : i32 to vector<16xi32>
        %lt3A_2007 = arith.cmpi slt, %broadcast_in_dim3A_2004, %lt3A_2006 : vector<16xi32>
        %add3A_2008 = arith.constant 16 : i32
        %add3A_2009 = vector.broadcast %add3A_2008 : i32 to vector<16xi32>
        %add3A_2010 = arith.addi %broadcast_in_dim3A_2004, %add3A_2009 : vector<16xi32>
        %select_n3A_2011 = arith.select %lt3A_2007, %add3A_2010, %broadcast_in_dim3A_2004 : vector<16xi1>, vector<16xi32>
        %broadcast_in_dim3A_2012 = vector.shape_cast %select_n3A_2011 : vector<16xi32> to vector<16x1xi32>
        %gather3A_2013 = vector.shape_cast %broadcast_in_dim3A_2012 : vector<16x1xi32> to vector<16xi32>
        %gather3A_2014 = tpu.dynamic_gather %masked_cumsum3A_1995[%gather3A_2013] in [0] : vector<16xi32>, vector<16xi32> -> vector<16xi32>
        %add3A_2015 = arith.addi %add3A_1984, %gather3A_2014 : vector<16xi32>
        %add3A_2016 = arith.constant 64 : i32
        %add3A_2017 = vector.broadcast %add3A_2016 : i32 to vector<16xi32>
        %add3A_2018 = arith.addi %iota3A, %add3A_2017 : vector<16xi32>
        %add3A_2019 = arith.addi %mul3A_1891, %add3A_2018 : vector<16xi32>
        %gather3A_2020 = tpu.vector_load_idx %arg6[%broadcast_in_dim3A_1125, %add3A_2019] : memref<4x20480xf32, #tpu.memory_space<vmem>>[vector<16xi32>, vector<16xi32>], vector<16xf32>,
        %bitcast3A_2021 = vector.bitcast %gather3A_2020 : vector<16xf32> to vector<16xi32>
        %ge3A_2022 = arith.cmpi sge, %bitcast3A_2021, %broadcast_in_dim3A_774 : vector<16xi32>
        %select_n3A_2023 = arith.select %ge3A_2022, %broadcast_in_dim3A_3, %broadcast_in_dim3A_5 : vector<16xi1>, vector<16xi32>
        %broadcast_in_dim3A_2024 = arith.constant true
        %broadcast_in_dim3A_2025 = vector.broadcast %broadcast_in_dim3A_2024 : i1 to vector<16xi1>
        %masked_cumsum3A_2026 = tpu.scan <sum>, %select_n3A_2023 masked %broadcast_in_dim3A_2025 : vector<16xi32>, vector<16xi1> -> vector<16xi32>
        %add3A_2027 = arith.addi %add3A_2015, %masked_cumsum3A_2026 : vector<16xi32>
        %sub3A_2028 = arith.constant 1 : i32
        %sub3A_2029 = vector.broadcast %sub3A_2028 : i32 to vector<16xi32>
        %sub3A_2030 = arith.subi %add3A_2027, %sub3A_2029 : vector<16xi32>
        %min3A_2031 = arith.constant 511 : i32
        %min3A_2032 = vector.broadcast %min3A_2031 : i32 to vector<16xi32>
        %min3A_2033 = arith.minsi %sub3A_2030, %min3A_2032 : vector<16xi32>
        tpu.vector_store_idx %arg12[%min3A_2033], %bitcast3A_2021 masked %ge3A_2022 : memref<528xi32, #tpu.memory_space<vmem>>[vector<16xi32>], vector<16xi32>, vector<16xi1>
        tpu.vector_store_idx %arg13[%min3A_2033], %add3A_2019 masked %ge3A_2022 : memref<528xi32, #tpu.memory_space<vmem>>[vector<16xi32>], vector<16xi32>, vector<16xi1>
        %broadcast_in_dim3A_2034 = arith.constant 15 : i32
        %broadcast_in_dim3A_2035 = vector.broadcast %broadcast_in_dim3A_2034 : i32 to vector<16xi32>
        %lt3A_2036 = arith.constant 0 : i32
        %lt3A_2037 = vector.broadcast %lt3A_2036 : i32 to vector<16xi32>
        %lt3A_2038 = arith.cmpi slt, %broadcast_in_dim3A_2035, %lt3A_2037 : vector<16xi32>
        %add3A_2039 = arith.constant 16 : i32
        %add3A_2040 = vector.broadcast %add3A_2039 : i32 to vector<16xi32>
        %add3A_2041 = arith.addi %broadcast_in_dim3A_2035, %add3A_2040 : vector<16xi32>
        %select_n3A_2042 = arith.select %lt3A_2038, %add3A_2041, %broadcast_in_dim3A_2035 : vector<16xi1>, vector<16xi32>
        %broadcast_in_dim3A_2043 = vector.shape_cast %select_n3A_2042 : vector<16xi32> to vector<16x1xi32>
        %gather3A_2044 = vector.shape_cast %broadcast_in_dim3A_2043 : vector<16x1xi32> to vector<16xi32>
        %gather3A_2045 = tpu.dynamic_gather %masked_cumsum3A_2026[%gather3A_2044] in [0] : vector<16xi32>, vector<16xi32> -> vector<16xi32>
        %add3A_2046 = arith.addi %add3A_2015, %gather3A_2045 : vector<16xi32>
        %add3A_2047 = arith.constant 80 : i32
        %add3A_2048 = vector.broadcast %add3A_2047 : i32 to vector<16xi32>
        %add3A_2049 = arith.addi %iota3A, %add3A_2048 : vector<16xi32>
        %add3A_2050 = arith.addi %mul3A_1891, %add3A_2049 : vector<16xi32>
        %gather3A_2051 = tpu.vector_load_idx %arg6[%broadcast_in_dim3A_1125, %add3A_2050] : memref<4x20480xf32, #tpu.memory_space<vmem>>[vector<16xi32>, vector<16xi32>], vector<16xf32>,
        %bitcast3A_2052 = vector.bitcast %gather3A_2051 : vector<16xf32> to vector<16xi32>
        %ge3A_2053 = arith.cmpi sge, %bitcast3A_2052, %broadcast_in_dim3A_774 : vector<16xi32>
        %select_n3A_2054 = arith.select %ge3A_2053, %broadcast_in_dim3A_3, %broadcast_in_dim3A_5 : vector<16xi1>, vector<16xi32>
        %broadcast_in_dim3A_2055 = arith.constant true
        %broadcast_in_dim3A_2056 = vector.broadcast %broadcast_in_dim3A_2055 : i1 to vector<16xi1>
        %masked_cumsum3A_2057 = tpu.scan <sum>, %select_n3A_2054 masked %broadcast_in_dim3A_2056 : vector<16xi32>, vector<16xi1> -> vector<16xi32>
        %add3A_2058 = arith.addi %add3A_2046, %masked_cumsum3A_2057 : vector<16xi32>
        %sub3A_2059 = arith.constant 1 : i32
        %sub3A_2060 = vector.broadcast %sub3A_2059 : i32 to vector<16xi32>
        %sub3A_2061 = arith.subi %add3A_2058, %sub3A_2060 : vector<16xi32>
        %min3A_2062 = arith.constant 511 : i32
        %min3A_2063 = vector.broadcast %min3A_2062 : i32 to vector<16xi32>
        %min3A_2064 = arith.minsi %sub3A_2061, %min3A_2063 : vector<16xi32>
        tpu.vector_store_idx %arg12[%min3A_2064], %bitcast3A_2052 masked %ge3A_2053 : memref<528xi32, #tpu.memory_space<vmem>>[vector<16xi32>], vector<16xi32>, vector<16xi1>
        tpu.vector_store_idx %arg13[%min3A_2064], %add3A_2050 masked %ge3A_2053 : memref<528xi32, #tpu.memory_space<vmem>>[vector<16xi32>], vector<16xi32>, vector<16xi1>
        %broadcast_in_dim3A_2065 = arith.constant 15 : i32
        %broadcast_in_dim3A_2066 = vector.broadcast %broadcast_in_dim3A_2065 : i32 to vector<16xi32>
        %lt3A_2067 = arith.constant 0 : i32
        %lt3A_2068 = vector.broadcast %lt3A_2067 : i32 to vector<16xi32>
        %lt3A_2069 = arith.cmpi slt, %broadcast_in_dim3A_2066, %lt3A_2068 : vector<16xi32>
        %add3A_2070 = arith.constant 16 : i32
        %add3A_2071 = vector.broadcast %add3A_2070 : i32 to vector<16xi32>
        %add3A_2072 = arith.addi %broadcast_in_dim3A_2066, %add3A_2071 : vector<16xi32>
        %select_n3A_2073 = arith.select %lt3A_2069, %add3A_2072, %broadcast_in_dim3A_2066 : vector<16xi1>, vector<16xi32>
        %broadcast_in_dim3A_2074 = vector.shape_cast %select_n3A_2073 : vector<16xi32> to vector<16x1xi32>
        %gather3A_2075 = vector.shape_cast %broadcast_in_dim3A_2074 : vector<16x1xi32> to vector<16xi32>
        %gather3A_2076 = tpu.dynamic_gather %masked_cumsum3A_2057[%gather3A_2075] in [0] : vector<16xi32>, vector<16xi32> -> vector<16xi32>
        %add3A_2077 = arith.addi %add3A_2046, %gather3A_2076 : vector<16xi32>
        %add3A_2078 = arith.constant 96 : i32
        %add3A_2079 = vector.broadcast %add3A_2078 : i32 to vector<16xi32>
        %add3A_2080 = arith.addi %iota3A, %add3A_2079 : vector<16xi32>
        %add3A_2081 = arith.addi %mul3A_1891, %add3A_2080 : vector<16xi32>
        %gather3A_2082 = tpu.vector_load_idx %arg6[%broadcast_in_dim3A_1125, %add3A_2081] : memref<4x20480xf32, #tpu.memory_space<vmem>>[vector<16xi32>, vector<16xi32>], vector<16xf32>,
        %bitcast3A_2083 = vector.bitcast %gather3A_2082 : vector<16xf32> to vector<16xi32>
        %ge3A_2084 = arith.cmpi sge, %bitcast3A_2083, %broadcast_in_dim3A_774 : vector<16xi32>
        %select_n3A_2085 = arith.select %ge3A_2084, %broadcast_in_dim3A_3, %broadcast_in_dim3A_5 : vector<16xi1>, vector<16xi32>
        %broadcast_in_dim3A_2086 = arith.constant true
        %broadcast_in_dim3A_2087 = vector.broadcast %broadcast_in_dim3A_2086 : i1 to vector<16xi1>
        %masked_cumsum3A_2088 = tpu.scan <sum>, %select_n3A_2085 masked %broadcast_in_dim3A_2087 : vector<16xi32>, vector<16xi1> -> vector<16xi32>
        %add3A_2089 = arith.addi %add3A_2077, %masked_cumsum3A_2088 : vector<16xi32>
        %sub3A_2090 = arith.constant 1 : i32
        %sub3A_2091 = vector.broadcast %sub3A_2090 : i32 to vector<16xi32>
        %sub3A_2092 = arith.subi %add3A_2089, %sub3A_2091 : vector<16xi32>
        %min3A_2093 = arith.constant 511 : i32
        %min3A_2094 = vector.broadcast %min3A_2093 : i32 to vector<16xi32>
        %min3A_2095 = arith.minsi %sub3A_2092, %min3A_2094 : vector<16xi32>
        tpu.vector_store_idx %arg12[%min3A_2095], %bitcast3A_2083 masked %ge3A_2084 : memref<528xi32, #tpu.memory_space<vmem>>[vector<16xi32>], vector<16xi32>, vector<16xi1>
        tpu.vector_store_idx %arg13[%min3A_2095], %add3A_2081 masked %ge3A_2084 : memref<528xi32, #tpu.memory_space<vmem>>[vector<16xi32>], vector<16xi32>, vector<16xi1>
        %broadcast_in_dim3A_2096 = arith.constant 15 : i32
        %broadcast_in_dim3A_2097 = vector.broadcast %broadcast_in_dim3A_2096 : i32 to vector<16xi32>
        %lt3A_2098 = arith.constant 0 : i32
        %lt3A_2099 = vector.broadcast %lt3A_2098 : i32 to vector<16xi32>
        %lt3A_2100 = arith.cmpi slt, %broadcast_in_dim3A_2097, %lt3A_2099 : vector<16xi32>
        %add3A_2101 = arith.constant 16 : i32
        %add3A_2102 = vector.broadcast %add3A_2101 : i32 to vector<16xi32>
        %add3A_2103 = arith.addi %broadcast_in_dim3A_2097, %add3A_2102 : vector<16xi32>
        %select_n3A_2104 = arith.select %lt3A_2100, %add3A_2103, %broadcast_in_dim3A_2097 : vector<16xi1>, vector<16xi32>
        %broadcast_in_dim3A_2105 = vector.shape_cast %select_n3A_2104 : vector<16xi32> to vector<16x1xi32>
        %gather3A_2106 = vector.shape_cast %broadcast_in_dim3A_2105 : vector<16x1xi32> to vector<16xi32>
        %gather3A_2107 = tpu.dynamic_gather %masked_cumsum3A_2088[%gather3A_2106] in [0] : vector<16xi32>, vector<16xi32> -> vector<16xi32>
        %add3A_2108 = arith.addi %add3A_2077, %gather3A_2107 : vector<16xi32>
        %add3A_2109 = arith.constant 112 : i32
        %add3A_2110 = vector.broadcast %add3A_2109 : i32 to vector<16xi32>
        %add3A_2111 = arith.addi %iota3A, %add3A_2110 : vector<16xi32>
        %add3A_2112 = arith.addi %mul3A_1891, %add3A_2111 : vector<16xi32>
        %gather3A_2113 = tpu.vector_load_idx %arg6[%broadcast_in_dim3A_1125, %add3A_2112] : memref<4x20480xf32, #tpu.memory_space<vmem>>[vector<16xi32>, vector<16xi32>], vector<16xf32>,
        %bitcast3A_2114 = vector.bitcast %gather3A_2113 : vector<16xf32> to vector<16xi32>
        %ge3A_2115 = arith.cmpi sge, %bitcast3A_2114, %broadcast_in_dim3A_774 : vector<16xi32>
        %select_n3A_2116 = arith.select %ge3A_2115, %broadcast_in_dim3A_3, %broadcast_in_dim3A_5 : vector<16xi1>, vector<16xi32>
        %broadcast_in_dim3A_2117 = arith.constant true
        %broadcast_in_dim3A_2118 = vector.broadcast %broadcast_in_dim3A_2117 : i1 to vector<16xi1>
        %masked_cumsum3A_2119 = tpu.scan <sum>, %select_n3A_2116 masked %broadcast_in_dim3A_2118 : vector<16xi32>, vector<16xi1> -> vector<16xi32>
        %add3A_2120 = arith.addi %add3A_2108, %masked_cumsum3A_2119 : vector<16xi32>
        %sub3A_2121 = arith.constant 1 : i32
        %sub3A_2122 = vector.broadcast %sub3A_2121 : i32 to vector<16xi32>
        %sub3A_2123 = arith.subi %add3A_2120, %sub3A_2122 : vector<16xi32>
        %min3A_2124 = arith.constant 511 : i32
        %min3A_2125 = vector.broadcast %min3A_2124 : i32 to vector<16xi32>
        %min3A_2126 = arith.minsi %sub3A_2123, %min3A_2125 : vector<16xi32>
        tpu.vector_store_idx %arg12[%min3A_2126], %bitcast3A_2114 masked %ge3A_2115 : memref<528xi32, #tpu.memory_space<vmem>>[vector<16xi32>], vector<16xi32>, vector<16xi1>
        tpu.vector_store_idx %arg13[%min3A_2126], %add3A_2112 masked %ge3A_2115 : memref<528xi32, #tpu.memory_space<vmem>>[vector<16xi32>], vector<16xi32>, vector<16xi1>
        %broadcast_in_dim3A_2127 = arith.constant 15 : i32
        %broadcast_in_dim3A_2128 = vector.broadcast %broadcast_in_dim3A_2127 : i32 to vector<16xi32>
        %lt3A_2129 = arith.constant 0 : i32
        %lt3A_2130 = vector.broadcast %lt3A_2129 : i32 to vector<16xi32>
        %lt3A_2131 = arith.cmpi slt, %broadcast_in_dim3A_2128, %lt3A_2130 : vector<16xi32>
        %add3A_2132 = arith.constant 16 : i32
        %add3A_2133 = vector.broadcast %add3A_2132 : i32 to vector<16xi32>
        %add3A_2134 = arith.addi %broadcast_in_dim3A_2128, %add3A_2133 : vector<16xi32>
        %select_n3A_2135 = arith.select %lt3A_2131, %add3A_2134, %broadcast_in_dim3A_2128 : vector<16xi1>, vector<16xi32>
        %broadcast_in_dim3A_2136 = vector.shape_cast %select_n3A_2135 : vector<16xi32> to vector<16x1xi32>
        %gather3A_2137 = vector.shape_cast %broadcast_in_dim3A_2136 : vector<16x1xi32> to vector<16xi32>
        %gather3A_2138 = tpu.dynamic_gather %masked_cumsum3A_2119[%gather3A_2137] in [0] : vector<16xi32>, vector<16xi32> -> vector<16xi32>
        %add3A_2139 = arith.addi %add3A_2108, %gather3A_2138 : vector<16xi32>
        scf.yield %add3A_2139 : vector<16xi32>
      }
      %while3A_1135 = arith.constant 1 : i32
      %while3A_1136 = scf.for %while3A_1885 = %while3A_1132 to %while3A_1128 step %while3A_1135 iter_args(%while3A_1886 = %while3A_1134) -> (vector<16xi32>)  : i32 {
        %broadcast_in_dim3A_1887 = vector.broadcast %while3A_1885 : i32 to vector<16xi32>
        %gather3A_1888 = tpu.vector_load_idx %arg9[%broadcast_in_dim3A_1887] : memref<64xi32, #tpu.memory_space<vmem>>[vector<16xi32>], vector<16xi32>,
        %mul3A_1889 = arith.constant 128 : i32
        %mul3A_1890 = vector.broadcast %mul3A_1889 : i32 to vector<16xi32>
        %mul3A_1891 = arith.muli %gather3A_1888, %mul3A_1890 : vector<16xi32>
        %add3A_1892 = arith.constant 0 : i32
        %add3A_1893 = vector.broadcast %add3A_1892 : i32 to vector<16xi32>
        %add3A_1894 = arith.addi %iota3A, %add3A_1893 : vector<16xi32>
        %add3A_1895 = arith.addi %mul3A_1891, %add3A_1894 : vector<16xi32>
        %gather3A_1896 = tpu.vector_load_idx %arg6[%broadcast_in_dim3A_1125, %add3A_1895] : memref<4x20480xf32, #tpu.memory_space<vmem>>[vector<16xi32>, vector<16xi32>], vector<16xf32>,
        %bitcast3A_1897 = vector.bitcast %gather3A_1896 : vector<16xf32> to vector<16xi32>
        %ge3A_1898 = arith.cmpi sge, %bitcast3A_1897, %broadcast_in_dim3A_774 : vector<16xi32>
        %select_n3A_1899 = arith.select %ge3A_1898, %broadcast_in_dim3A_3, %broadcast_in_dim3A_5 : vector<16xi1>, vector<16xi32>
        %broadcast_in_dim3A_1900 = arith.constant true
        %broadcast_in_dim3A_1901 = vector.broadcast %broadcast_in_dim3A_1900 : i1 to vector<16xi1>
        %masked_cumsum3A_1902 = tpu.scan <sum>, %select_n3A_1899 masked %broadcast_in_dim3A_1901 : vector<16xi32>, vector<16xi1> -> vector<16xi32>
        %add3A_1903 = arith.addi %while3A_1886, %masked_cumsum3A_1902 : vector<16xi32>
        %sub3A_1904 = arith.constant 1 : i32
        %sub3A_1905 = vector.broadcast %sub3A_1904 : i32 to vector<16xi32>
        %sub3A_1906 = arith.subi %add3A_1903, %sub3A_1905 : vector<16xi32>
        %min3A_1907 = arith.constant 511 : i32
        %min3A_1908 = vector.broadcast %min3A_1907 : i32 to vector<16xi32>
        %min3A_1909 = arith.minsi %sub3A_1906, %min3A_1908 : vector<16xi32>
        tpu.vector_store_idx %arg12[%min3A_1909], %bitcast3A_1897 masked %ge3A_1898 : memref<528xi32, #tpu.memory_space<vmem>>[vector<16xi32>], vector<16xi32>, vector<16xi1>
        tpu.vector_store_idx %arg13[%min3A_1909], %add3A_1895 masked %ge3A_1898 : memref<528xi32, #tpu.memory_space<vmem>>[vector<16xi32>], vector<16xi32>, vector<16xi1>
        %broadcast_in_dim3A_1910 = arith.constant 15 : i32
        %broadcast_in_dim3A_1911 = vector.broadcast %broadcast_in_dim3A_1910 : i32 to vector<16xi32>
        %lt3A_1912 = arith.constant 0 : i32
        %lt3A_1913 = vector.broadcast %lt3A_1912 : i32 to vector<16xi32>
        %lt3A_1914 = arith.cmpi slt, %broadcast_in_dim3A_1911, %lt3A_1913 : vector<16xi32>
        %add3A_1915 = arith.constant 16 : i32
        %add3A_1916 = vector.broadcast %add3A_1915 : i32 to vector<16xi32>
        %add3A_1917 = arith.addi %broadcast_in_dim3A_1911, %add3A_1916 : vector<16xi32>
        %select_n3A_1918 = arith.select %lt3A_1914, %add3A_1917, %broadcast_in_dim3A_1911 : vector<16xi1>, vector<16xi32>
        %broadcast_in_dim3A_1919 = vector.shape_cast %select_n3A_1918 : vector<16xi32> to vector<16x1xi32>
        %gather3A_1920 = vector.shape_cast %broadcast_in_dim3A_1919 : vector<16x1xi32> to vector<16xi32>
        %gather3A_1921 = tpu.dynamic_gather %masked_cumsum3A_1902[%gather3A_1920] in [0] : vector<16xi32>, vector<16xi32> -> vector<16xi32>
        %add3A_1922 = arith.addi %while3A_1886, %gather3A_1921 : vector<16xi32>
        %add3A_1923 = arith.constant 16 : i32
        %add3A_1924 = vector.broadcast %add3A_1923 : i32 to vector<16xi32>
        %add3A_1925 = arith.addi %iota3A, %add3A_1924 : vector<16xi32>
        %add3A_1926 = arith.addi %mul3A_1891, %add3A_1925 : vector<16xi32>
        %gather3A_1927 = tpu.vector_load_idx %arg6[%broadcast_in_dim3A_1125, %add3A_1926] : memref<4x20480xf32, #tpu.memory_space<vmem>>[vector<16xi32>, vector<16xi32>], vector<16xf32>,
        %bitcast3A_1928 = vector.bitcast %gather3A_1927 : vector<16xf32> to vector<16xi32>
        %ge3A_1929 = arith.cmpi sge, %bitcast3A_1928, %broadcast_in_dim3A_774 : vector<16xi32>
        %select_n3A_1930 = arith.select %ge3A_1929, %broadcast_in_dim3A_3, %broadcast_in_dim3A_5 : vector<16xi1>, vector<16xi32>
        %broadcast_in_dim3A_1931 = arith.constant true
        %broadcast_in_dim3A_1932 = vector.broadcast %broadcast_in_dim3A_1931 : i1 to vector<16xi1>
        %masked_cumsum3A_1933 = tpu.scan <sum>, %select_n3A_1930 masked %broadcast_in_dim3A_1932 : vector<16xi32>, vector<16xi1> -> vector<16xi32>
        %add3A_1934 = arith.addi %add3A_1922, %masked_cumsum3A_1933 : vector<16xi32>
        %sub3A_1935 = arith.constant 1 : i32
        %sub3A_1936 = vector.broadcast %sub3A_1935 : i32 to vector<16xi32>
        %sub3A_1937 = arith.subi %add3A_1934, %sub3A_1936 : vector<16xi32>
        %min3A_1938 = arith.constant 511 : i32
        %min3A_1939 = vector.broadcast %min3A_1938 : i32 to vector<16xi32>
        %min3A_1940 = arith.minsi %sub3A_1937, %min3A_1939 : vector<16xi32>
        tpu.vector_store_idx %arg12[%min3A_1940], %bitcast3A_1928 masked %ge3A_1929 : memref<528xi32, #tpu.memory_space<vmem>>[vector<16xi32>], vector<16xi32>, vector<16xi1>
        tpu.vector_store_idx %arg13[%min3A_1940], %add3A_1926 masked %ge3A_1929 : memref<528xi32, #tpu.memory_space<vmem>>[vector<16xi32>], vector<16xi32>, vector<16xi1>
        %broadcast_in_dim3A_1941 = arith.constant 15 : i32
        %broadcast_in_dim3A_1942 = vector.broadcast %broadcast_in_dim3A_1941 : i32 to vector<16xi32>
        %lt3A_1943 = arith.constant 0 : i32
        %lt3A_1944 = vector.broadcast %lt3A_1943 : i32 to vector<16xi32>
        %lt3A_1945 = arith.cmpi slt, %broadcast_in_dim3A_1942, %lt3A_1944 : vector<16xi32>
        %add3A_1946 = arith.constant 16 : i32
        %add3A_1947 = vector.broadcast %add3A_1946 : i32 to vector<16xi32>
        %add3A_1948 = arith.addi %broadcast_in_dim3A_1942, %add3A_1947 : vector<16xi32>
        %select_n3A_1949 = arith.select %lt3A_1945, %add3A_1948, %broadcast_in_dim3A_1942 : vector<16xi1>, vector<16xi32>
        %broadcast_in_dim3A_1950 = vector.shape_cast %select_n3A_1949 : vector<16xi32> to vector<16x1xi32>
        %gather3A_1951 = vector.shape_cast %broadcast_in_dim3A_1950 : vector<16x1xi32> to vector<16xi32>
        %gather3A_1952 = tpu.dynamic_gather %masked_cumsum3A_1933[%gather3A_1951] in [0] : vector<16xi32>, vector<16xi32> -> vector<16xi32>
        %add3A_1953 = arith.addi %add3A_1922, %gather3A_1952 : vector<16xi32>
        %add3A_1954 = arith.constant 32 : i32
        %add3A_1955 = vector.broadcast %add3A_1954 : i32 to vector<16xi32>
        %add3A_1956 = arith.addi %iota3A, %add3A_1955 : vector<16xi32>
        %add3A_1957 = arith.addi %mul3A_1891, %add3A_1956 : vector<16xi32>
        %gather3A_1958 = tpu.vector_load_idx %arg6[%broadcast_in_dim3A_1125, %add3A_1957] : memref<4x20480xf32, #tpu.memory_space<vmem>>[vector<16xi32>, vector<16xi32>], vector<16xf32>,
        %bitcast3A_1959 = vector.bitcast %gather3A_1958 : vector<16xf32> to vector<16xi32>
        %ge3A_1960 = arith.cmpi sge, %bitcast3A_1959, %broadcast_in_dim3A_774 : vector<16xi32>
        %select_n3A_1961 = arith.select %ge3A_1960, %broadcast_in_dim3A_3, %broadcast_in_dim3A_5 : vector<16xi1>, vector<16xi32>
        %broadcast_in_dim3A_1962 = arith.constant true
        %broadcast_in_dim3A_1963 = vector.broadcast %broadcast_in_dim3A_1962 : i1 to vector<16xi1>
        %masked_cumsum3A_1964 = tpu.scan <sum>, %select_n3A_1961 masked %broadcast_in_dim3A_1963 : vector<16xi32>, vector<16xi1> -> vector<16xi32>
        %add3A_1965 = arith.addi %add3A_1953, %masked_cumsum3A_1964 : vector<16xi32>
        %sub3A_1966 = arith.constant 1 : i32
        %sub3A_1967 = vector.broadcast %sub3A_1966 : i32 to vector<16xi32>
        %sub3A_1968 = arith.subi %add3A_1965, %sub3A_1967 : vector<16xi32>
        %min3A_1969 = arith.constant 511 : i32
        %min3A_1970 = vector.broadcast %min3A_1969 : i32 to vector<16xi32>
        %min3A_1971 = arith.minsi %sub3A_1968, %min3A_1970 : vector<16xi32>
        tpu.vector_store_idx %arg12[%min3A_1971], %bitcast3A_1959 masked %ge3A_1960 : memref<528xi32, #tpu.memory_space<vmem>>[vector<16xi32>], vector<16xi32>, vector<16xi1>
        tpu.vector_store_idx %arg13[%min3A_1971], %add3A_1957 masked %ge3A_1960 : memref<528xi32, #tpu.memory_space<vmem>>[vector<16xi32>], vector<16xi32>, vector<16xi1>
        %broadcast_in_dim3A_1972 = arith.constant 15 : i32
        %broadcast_in_dim3A_1973 = vector.broadcast %broadcast_in_dim3A_1972 : i32 to vector<16xi32>
        %lt3A_1974 = arith.constant 0 : i32
        %lt3A_1975 = vector.broadcast %lt3A_1974 : i32 to vector<16xi32>
        %lt3A_1976 = arith.cmpi slt, %broadcast_in_dim3A_1973, %lt3A_1975 : vector<16xi32>
        %add3A_1977 = arith.constant 16 : i32
        %add3A_1978 = vector.broadcast %add3A_1977 : i32 to vector<16xi32>
        %add3A_1979 = arith.addi %broadcast_in_dim3A_1973, %add3A_1978 : vector<16xi32>
        %select_n3A_1980 = arith.select %lt3A_1976, %add3A_1979, %broadcast_in_dim3A_1973 : vector<16xi1>, vector<16xi32>
        %broadcast_in_dim3A_1981 = vector.shape_cast %select_n3A_1980 : vector<16xi32> to vector<16x1xi32>
        %gather3A_1982 = vector.shape_cast %broadcast_in_dim3A_1981 : vector<16x1xi32> to vector<16xi32>
        %gather3A_1983 = tpu.dynamic_gather %masked_cumsum3A_1964[%gather3A_1982] in [0] : vector<16xi32>, vector<16xi32> -> vector<16xi32>
        %add3A_1984 = arith.addi %add3A_1953, %gather3A_1983 : vector<16xi32>
        %add3A_1985 = arith.constant 48 : i32
        %add3A_1986 = vector.broadcast %add3A_1985 : i32 to vector<16xi32>
        %add3A_1987 = arith.addi %iota3A, %add3A_1986 : vector<16xi32>
        %add3A_1988 = arith.addi %mul3A_1891, %add3A_1987 : vector<16xi32>
        %gather3A_1989 = tpu.vector_load_idx %arg6[%broadcast_in_dim3A_1125, %add3A_1988] : memref<4x20480xf32, #tpu.memory_space<vmem>>[vector<16xi32>, vector<16xi32>], vector<16xf32>,
        %bitcast3A_1990 = vector.bitcast %gather3A_1989 : vector<16xf32> to vector<16xi32>
        %ge3A_1991 = arith.cmpi sge, %bitcast3A_1990, %broadcast_in_dim3A_774 : vector<16xi32>
        %select_n3A_1992 = arith.select %ge3A_1991, %broadcast_in_dim3A_3, %broadcast_in_dim3A_5 : vector<16xi1>, vector<16xi32>
        %broadcast_in_dim3A_1993 = arith.constant true
        %broadcast_in_dim3A_1994 = vector.broadcast %broadcast_in_dim3A_1993 : i1 to vector<16xi1>
        %masked_cumsum3A_1995 = tpu.scan <sum>, %select_n3A_1992 masked %broadcast_in_dim3A_1994 : vector<16xi32>, vector<16xi1> -> vector<16xi32>
        %add3A_1996 = arith.addi %add3A_1984, %masked_cumsum3A_1995 : vector<16xi32>
        %sub3A_1997 = arith.constant 1 : i32
        %sub3A_1998 = vector.broadcast %sub3A_1997 : i32 to vector<16xi32>
        %sub3A_1999 = arith.subi %add3A_1996, %sub3A_1998 : vector<16xi32>
        %min3A_2000 = arith.constant 511 : i32
        %min3A_2001 = vector.broadcast %min3A_2000 : i32 to vector<16xi32>
        %min3A_2002 = arith.minsi %sub3A_1999, %min3A_2001 : vector<16xi32>
        tpu.vector_store_idx %arg12[%min3A_2002], %bitcast3A_1990 masked %ge3A_1991 : memref<528xi32, #tpu.memory_space<vmem>>[vector<16xi32>], vector<16xi32>, vector<16xi1>
        tpu.vector_store_idx %arg13[%min3A_2002], %add3A_1988 masked %ge3A_1991 : memref<528xi32, #tpu.memory_space<vmem>>[vector<16xi32>], vector<16xi32>, vector<16xi1>
        %broadcast_in_dim3A_2003 = arith.constant 15 : i32
        %broadcast_in_dim3A_2004 = vector.broadcast %broadcast_in_dim3A_2003 : i32 to vector<16xi32>
        %lt3A_2005 = arith.constant 0 : i32
        %lt3A_2006 = vector.broadcast %lt3A_2005 : i32 to vector<16xi32>
        %lt3A_2007 = arith.cmpi slt, %broadcast_in_dim3A_2004, %lt3A_2006 : vector<16xi32>
        %add3A_2008 = arith.constant 16 : i32
        %add3A_2009 = vector.broadcast %add3A_2008 : i32 to vector<16xi32>
        %add3A_2010 = arith.addi %broadcast_in_dim3A_2004, %add3A_2009 : vector<16xi32>
        %select_n3A_2011 = arith.select %lt3A_2007, %add3A_2010, %broadcast_in_dim3A_2004 : vector<16xi1>, vector<16xi32>
        %broadcast_in_dim3A_2012 = vector.shape_cast %select_n3A_2011 : vector<16xi32> to vector<16x1xi32>
        %gather3A_2013 = vector.shape_cast %broadcast_in_dim3A_2012 : vector<16x1xi32> to vector<16xi32>
        %gather3A_2014 = tpu.dynamic_gather %masked_cumsum3A_1995[%gather3A_2013] in [0] : vector<16xi32>, vector<16xi32> -> vector<16xi32>
        %add3A_2015 = arith.addi %add3A_1984, %gather3A_2014 : vector<16xi32>
        %add3A_2016 = arith.constant 64 : i32
        %add3A_2017 = vector.broadcast %add3A_2016 : i32 to vector<16xi32>
        %add3A_2018 = arith.addi %iota3A, %add3A_2017 : vector<16xi32>
        %add3A_2019 = arith.addi %mul3A_1891, %add3A_2018 : vector<16xi32>
        %gather3A_2020 = tpu.vector_load_idx %arg6[%broadcast_in_dim3A_1125, %add3A_2019] : memref<4x20480xf32, #tpu.memory_space<vmem>>[vector<16xi32>, vector<16xi32>], vector<16xf32>,
        %bitcast3A_2021 = vector.bitcast %gather3A_2020 : vector<16xf32> to vector<16xi32>
        %ge3A_2022 = arith.cmpi sge, %bitcast3A_2021, %broadcast_in_dim3A_774 : vector<16xi32>
        %select_n3A_2023 = arith.select %ge3A_2022, %broadcast_in_dim3A_3, %broadcast_in_dim3A_5 : vector<16xi1>, vector<16xi32>
        %broadcast_in_dim3A_2024 = arith.constant true
        %broadcast_in_dim3A_2025 = vector.broadcast %broadcast_in_dim3A_2024 : i1 to vector<16xi1>
        %masked_cumsum3A_2026 = tpu.scan <sum>, %select_n3A_2023 masked %broadcast_in_dim3A_2025 : vector<16xi32>, vector<16xi1> -> vector<16xi32>
        %add3A_2027 = arith.addi %add3A_2015, %masked_cumsum3A_2026 : vector<16xi32>
        %sub3A_2028 = arith.constant 1 : i32
        %sub3A_2029 = vector.broadcast %sub3A_2028 : i32 to vector<16xi32>
        %sub3A_2030 = arith.subi %add3A_2027, %sub3A_2029 : vector<16xi32>
        %min3A_2031 = arith.constant 511 : i32
        %min3A_2032 = vector.broadcast %min3A_2031 : i32 to vector<16xi32>
        %min3A_2033 = arith.minsi %sub3A_2030, %min3A_2032 : vector<16xi32>
        tpu.vector_store_idx %arg12[%min3A_2033], %bitcast3A_2021 masked %ge3A_2022 : memref<528xi32, #tpu.memory_space<vmem>>[vector<16xi32>], vector<16xi32>, vector<16xi1>
        tpu.vector_store_idx %arg13[%min3A_2033], %add3A_2019 masked %ge3A_2022 : memref<528xi32, #tpu.memory_space<vmem>>[vector<16xi32>], vector<16xi32>, vector<16xi1>
        %broadcast_in_dim3A_2034 = arith.constant 15 : i32
        %broadcast_in_dim3A_2035 = vector.broadcast %broadcast_in_dim3A_2034 : i32 to vector<16xi32>
        %lt3A_2036 = arith.constant 0 : i32
        %lt3A_2037 = vector.broadcast %lt3A_2036 : i32 to vector<16xi32>
        %lt3A_2038 = arith.cmpi slt, %broadcast_in_dim3A_2035, %lt3A_2037 : vector<16xi32>
        %add3A_2039 = arith.constant 16 : i32
        %add3A_2040 = vector.broadcast %add3A_2039 : i32 to vector<16xi32>
        %add3A_2041 = arith.addi %broadcast_in_dim3A_2035, %add3A_2040 : vector<16xi32>
        %select_n3A_2042 = arith.select %lt3A_2038, %add3A_2041, %broadcast_in_dim3A_2035 : vector<16xi1>, vector<16xi32>
        %broadcast_in_dim3A_2043 = vector.shape_cast %select_n3A_2042 : vector<16xi32> to vector<16x1xi32>
        %gather3A_2044 = vector.shape_cast %broadcast_in_dim3A_2043 : vector<16x1xi32> to vector<16xi32>
        %gather3A_2045 = tpu.dynamic_gather %masked_cumsum3A_2026[%gather3A_2044] in [0] : vector<16xi32>, vector<16xi32> -> vector<16xi32>
        %add3A_2046 = arith.addi %add3A_2015, %gather3A_2045 : vector<16xi32>
        %add3A_2047 = arith.constant 80 : i32
        %add3A_2048 = vector.broadcast %add3A_2047 : i32 to vector<16xi32>
        %add3A_2049 = arith.addi %iota3A, %add3A_2048 : vector<16xi32>
        %add3A_2050 = arith.addi %mul3A_1891, %add3A_2049 : vector<16xi32>
        %gather3A_2051 = tpu.vector_load_idx %arg6[%broadcast_in_dim3A_1125, %add3A_2050] : memref<4x20480xf32, #tpu.memory_space<vmem>>[vector<16xi32>, vector<16xi32>], vector<16xf32>,
        %bitcast3A_2052 = vector.bitcast %gather3A_2051 : vector<16xf32> to vector<16xi32>
        %ge3A_2053 = arith.cmpi sge, %bitcast3A_2052, %broadcast_in_dim3A_774 : vector<16xi32>
        %select_n3A_2054 = arith.select %ge3A_2053, %broadcast_in_dim3A_3, %broadcast_in_dim3A_5 : vector<16xi1>, vector<16xi32>
        %broadcast_in_dim3A_2055 = arith.constant true
        %broadcast_in_dim3A_2056 = vector.broadcast %broadcast_in_dim3A_2055 : i1 to vector<16xi1>
        %masked_cumsum3A_2057 = tpu.scan <sum>, %select_n3A_2054 masked %broadcast_in_dim3A_2056 : vector<16xi32>, vector<16xi1> -> vector<16xi32>
        %add3A_2058 = arith.addi %add3A_2046, %masked_cumsum3A_2057 : vector<16xi32>
        %sub3A_2059 = arith.constant 1 : i32
        %sub3A_2060 = vector.broadcast %sub3A_2059 : i32 to vector<16xi32>
        %sub3A_2061 = arith.subi %add3A_2058, %sub3A_2060 : vector<16xi32>
        %min3A_2062 = arith.constant 511 : i32
        %min3A_2063 = vector.broadcast %min3A_2062 : i32 to vector<16xi32>
        %min3A_2064 = arith.minsi %sub3A_2061, %min3A_2063 : vector<16xi32>
        tpu.vector_store_idx %arg12[%min3A_2064], %bitcast3A_2052 masked %ge3A_2053 : memref<528xi32, #tpu.memory_space<vmem>>[vector<16xi32>], vector<16xi32>, vector<16xi1>
        tpu.vector_store_idx %arg13[%min3A_2064], %add3A_2050 masked %ge3A_2053 : memref<528xi32, #tpu.memory_space<vmem>>[vector<16xi32>], vector<16xi32>, vector<16xi1>
        %broadcast_in_dim3A_2065 = arith.constant 15 : i32
        %broadcast_in_dim3A_2066 = vector.broadcast %broadcast_in_dim3A_2065 : i32 to vector<16xi32>
        %lt3A_2067 = arith.constant 0 : i32
        %lt3A_2068 = vector.broadcast %lt3A_2067 : i32 to vector<16xi32>
        %lt3A_2069 = arith.cmpi slt, %broadcast_in_dim3A_2066, %lt3A_2068 : vector<16xi32>
        %add3A_2070 = arith.constant 16 : i32
        %add3A_2071 = vector.broadcast %add3A_2070 : i32 to vector<16xi32>
        %add3A_2072 = arith.addi %broadcast_in_dim3A_2066, %add3A_2071 : vector<16xi32>
        %select_n3A_2073 = arith.select %lt3A_2069, %add3A_2072, %broadcast_in_dim3A_2066 : vector<16xi1>, vector<16xi32>
        %broadcast_in_dim3A_2074 = vector.shape_cast %select_n3A_2073 : vector<16xi32> to vector<16x1xi32>
        %gather3A_2075 = vector.shape_cast %broadcast_in_dim3A_2074 : vector<16x1xi32> to vector<16xi32>
        %gather3A_2076 = tpu.dynamic_gather %masked_cumsum3A_2057[%gather3A_2075] in [0] : vector<16xi32>, vector<16xi32> -> vector<16xi32>
        %add3A_2077 = arith.addi %add3A_2046, %gather3A_2076 : vector<16xi32>
        %add3A_2078 = arith.constant 96 : i32
        %add3A_2079 = vector.broadcast %add3A_2078 : i32 to vector<16xi32>
        %add3A_2080 = arith.addi %iota3A, %add3A_2079 : vector<16xi32>
        %add3A_2081 = arith.addi %mul3A_1891, %add3A_2080 : vector<16xi32>
        %gather3A_2082 = tpu.vector_load_idx %arg6[%broadcast_in_dim3A_1125, %add3A_2081] : memref<4x20480xf32, #tpu.memory_space<vmem>>[vector<16xi32>, vector<16xi32>], vector<16xf32>,
        %bitcast3A_2083 = vector.bitcast %gather3A_2082 : vector<16xf32> to vector<16xi32>
        %ge3A_2084 = arith.cmpi sge, %bitcast3A_2083, %broadcast_in_dim3A_774 : vector<16xi32>
        %select_n3A_2085 = arith.select %ge3A_2084, %broadcast_in_dim3A_3, %broadcast_in_dim3A_5 : vector<16xi1>, vector<16xi32>
        %broadcast_in_dim3A_2086 = arith.constant true
        %broadcast_in_dim3A_2087 = vector.broadcast %broadcast_in_dim3A_2086 : i1 to vector<16xi1>
        %masked_cumsum3A_2088 = tpu.scan <sum>, %select_n3A_2085 masked %broadcast_in_dim3A_2087 : vector<16xi32>, vector<16xi1> -> vector<16xi32>
        %add3A_2089 = arith.addi %add3A_2077, %masked_cumsum3A_2088 : vector<16xi32>
        %sub3A_2090 = arith.constant 1 : i32
        %sub3A_2091 = vector.broadcast %sub3A_2090 : i32 to vector<16xi32>
        %sub3A_2092 = arith.subi %add3A_2089, %sub3A_2091 : vector<16xi32>
        %min3A_2093 = arith.constant 511 : i32
        %min3A_2094 = vector.broadcast %min3A_2093 : i32 to vector<16xi32>
        %min3A_2095 = arith.minsi %sub3A_2092, %min3A_2094 : vector<16xi32>
        tpu.vector_store_idx %arg12[%min3A_2095], %bitcast3A_2083 masked %ge3A_2084 : memref<528xi32, #tpu.memory_space<vmem>>[vector<16xi32>], vector<16xi32>, vector<16xi1>
        tpu.vector_store_idx %arg13[%min3A_2095], %add3A_2081 masked %ge3A_2084 : memref<528xi32, #tpu.memory_space<vmem>>[vector<16xi32>], vector<16xi32>, vector<16xi1>
        %broadcast_in_dim3A_2096 = arith.constant 15 : i32
        %broadcast_in_dim3A_2097 = vector.broadcast %broadcast_in_dim3A_2096 : i32 to vector<16xi32>
        %lt3A_2098 = arith.constant 0 : i32
        %lt3A_2099 = vector.broadcast %lt3A_2098 : i32 to vector<16xi32>
        %lt3A_2100 = arith.cmpi slt, %broadcast_in_dim3A_2097, %lt3A_2099 : vector<16xi32>
        %add3A_2101 = arith.constant 16 : i32
        %add3A_2102 = vector.broadcast %add3A_2101 : i32 to vector<16xi32>
        %add3A_2103 = arith.addi %broadcast_in_dim3A_2097, %add3A_2102 : vector<16xi32>
        %select_n3A_2104 = arith.select %lt3A_2100, %add3A_2103, %broadcast_in_dim3A_2097 : vector<16xi1>, vector<16xi32>
        %broadcast_in_dim3A_2105 = vector.shape_cast %select_n3A_2104 : vector<16xi32> to vector<16x1xi32>
        %gather3A_2106 = vector.shape_cast %broadcast_in_dim3A_2105 : vector<16x1xi32> to vector<16xi32>
        %gather3A_2107 = tpu.dynamic_gather %masked_cumsum3A_2088[%gather3A_2106] in [0] : vector<16xi32>, vector<16xi32> -> vector<16xi32>
        %add3A_2108 = arith.addi %add3A_2077, %gather3A_2107 : vector<16xi32>
        %add3A_2109 = arith.constant 112 : i32
        %add3A_2110 = vector.broadcast %add3A_2109 : i32 to vector<16xi32>
        %add3A_2111 = arith.addi %iota3A, %add3A_2110 : vector<16xi32>
        %add3A_2112 = arith.addi %mul3A_1891, %add3A_2111 : vector<16xi32>
        %gather3A_2113 = tpu.vector_load_idx %arg6[%broadcast_in_dim3A_1125, %add3A_2112] : memref<4x20480xf32, #tpu.memory_space<vmem>>[vector<16xi32>, vector<16xi32>], vector<16xf32>,
        %bitcast3A_2114 = vector.bitcast %gather3A_2113 : vector<16xf32> to vector<16xi32>
        %ge3A_2115 = arith.cmpi sge, %bitcast3A_2114, %broadcast_in_dim3A_774 : vector<16xi32>
        %select_n3A_2116 = arith.select %ge3A_2115, %broadcast_in_dim3A_3, %broadcast_in_dim3A_5 : vector<16xi1>, vector<16xi32>
        %broadcast_in_dim3A_2117 = arith.constant true
        %broadcast_in_dim3A_2118 = vector.broadcast %broadcast_in_dim3A_2117 : i1 to vector<16xi1>
        %masked_cumsum3A_2119 = tpu.scan <sum>, %select_n3A_2116 masked %broadcast_in_dim3A_2118 : vector<16xi32>, vector<16xi1> -> vector<16xi32>
        %add3A_2120 = arith.addi %add3A_2108, %masked_cumsum3A_2119 : vector<16xi32>
        %sub3A_2121 = arith.constant 1 : i32
        %sub3A_2122 = vector.broadcast %sub3A_2121 : i32 to vector<16xi32>
        %sub3A_2123 = arith.subi %add3A_2120, %sub3A_2122 : vector<16xi32>
        %min3A_2124 = arith.constant 511 : i32
        %min3A_2125 = vector.broadcast %min3A_2124 : i32 to vector<16xi32>
        %min3A_2126 = arith.minsi %sub3A_2123, %min3A_2125 : vector<16xi32>
        tpu.vector_store_idx %arg12[%min3A_2126], %bitcast3A_2114 masked %ge3A_2115 : memref<528xi32, #tpu.memory_space<vmem>>[vector<16xi32>], vector<16xi32>, vector<16xi1>
        tpu.vector_store_idx %arg13[%min3A_2126], %add3A_2112 masked %ge3A_2115 : memref<528xi32, #tpu.memory_space<vmem>>[vector<16xi32>], vector<16xi32>, vector<16xi1>
        %broadcast_in_dim3A_2127 = arith.constant 15 : i32
        %broadcast_in_dim3A_2128 = vector.broadcast %broadcast_in_dim3A_2127 : i32 to vector<16xi32>
        %lt3A_2129 = arith.constant 0 : i32
        %lt3A_2130 = vector.broadcast %lt3A_2129 : i32 to vector<16xi32>
        %lt3A_2131 = arith.cmpi slt, %broadcast_in_dim3A_2128, %lt3A_2130 : vector<16xi32>
        %add3A_2132 = arith.constant 16 : i32
        %add3A_2133 = vector.broadcast %add3A_2132 : i32 to vector<16xi32>
        %add3A_2134 = arith.addi %broadcast_in_dim3A_2128, %add3A_2133 : vector<16xi32>
        %select_n3A_2135 = arith.select %lt3A_2131, %add3A_2134, %broadcast_in_dim3A_2128 : vector<16xi1>, vector<16xi32>
        %broadcast_in_dim3A_2136 = vector.shape_cast %select_n3A_2135 : vector<16xi32> to vector<16x1xi32>
        %gather3A_2137 = vector.shape_cast %broadcast_in_dim3A_2136 : vector<16x1xi32> to vector<16xi32>
        %gather3A_2138 = tpu.dynamic_gather %masked_cumsum3A_2119[%gather3A_2137] in [0] : vector<16xi32>, vector<16xi32> -> vector<16xi32>
        %add3A_2139 = arith.addi %add3A_2108, %gather3A_2138 : vector<16xi32>
        scf.yield %add3A_2139 : vector<16xi32>
      }
      %reduce_max3A_1137 = arith.constant true
      %reduce_max3A_1138 = vector.broadcast %reduce_max3A_1137 : i1 to vector<16xi1>
      %reduce_max3A_1139 = arith.constant -2147483648 : i32
      %reduce_max3A_1140 = vector.broadcast %reduce_max3A_1139 : i32 to vector<16xi32>
      %reduce_max3A_1141 = arith.xori %while3A_1136, %reduce_max3A_1140 : vector<16xi32>
      %reduce_max3A_1142 = tpu.scan <max>, %reduce_max3A_1141 masked %reduce_max3A_1138 : vector<16xi32>, vector<16xi1> -> vector<16xi32>
      %reduce_max3A_1143 = arith.xori %reduce_max3A_1142, %reduce_max3A_1140 : vector<16xi32>
      %reduce_max3A_1144 = vector.extract %reduce_max3A_1143[15] : i32 from vector<16xi32>
      %min3A_1145 = arith.constant 512 : i32
      %min3A_1146 = arith.minsi %reduce_max3A_1144, %min3A_1145 : i32
      %broadcast_in_dim3A_1147 = arith.constant -1 : i32
      %broadcast_in_dim3A_1148 = vector.broadcast %broadcast_in_dim3A_1147 : i32 to vector<16xi32>
      %swap3A_1149 = arith.index_cast %min3A_1146 : i32 to index
      %swap3A_1150 = tpu.vector_load %arg12[%swap3A_1149] {strides = array<i32>} : memref<528xi32, #tpu.memory_space<vmem>>, vector<16xi32>,
      tpu.vector_store %arg12[%swap3A_1149], %broadcast_in_dim3A_1148 {strides = array<i32>} : memref<528xi32, #tpu.memory_space<vmem>>, vector<16xi32>,
      %add3A_1151 = arith.constant 16 : i32
      %add3A_1152 = arith.addi %min3A_1146, %add3A_1151 : i32
      %sub3A_1153 = arith.constant 1 : i32
      %sub3A_1154 = arith.subi %add3A_1152, %sub3A_1153 : i32
      %jit3A_1155 = arith.constant 16 : i32
      %div3A_1156 = arith.divsi %sub3A_1154, %jit3A_1155 : i32
      %sign3A_1157 = arith.constant 0 : i32
      %sign3A_1158 = arith.cmpi sgt, %sub3A_1154, %sign3A_1157 : i32
      %sign3A_1159 = arith.extui %sign3A_1158 : i1 to i32
      %sign3A_1160 = arith.constant 0 : i32
      %sign3A_1161 = arith.cmpi slt, %sub3A_1154, %sign3A_1160 : i32
      %sign3A_1162 = arith.extui %sign3A_1161 : i1 to i32
      %sign3A_1163 = arith.subi %sign3A_1159, %sign3A_1162 : i32
      %sign3A_1164 = arith.constant 0 : i32
      %sign3A_1165 = arith.cmpi sgt, %jit3A_1155, %sign3A_1164 : i32
      %sign3A_1166 = arith.extui %sign3A_1165 : i1 to i32
      %sign3A_1167 = arith.constant 0 : i32
      %sign3A_1168 = arith.cmpi slt, %jit3A_1155, %sign3A_1167 : i32
      %sign3A_1169 = arith.extui %sign3A_1168 : i1 to i32
      %sign3A_1170 = arith.subi %sign3A_1166, %sign3A_1169 : i32
      %ne3A_1171 = arith.cmpi ne, %sign3A_1163, %sign3A_1170 : i32
      %rem3A_1172 = arith.remsi %sub3A_1154, %jit3A_1155 : i32
      %ne3A_1173 = arith.constant 0 : i32
      %ne3A_1174 = arith.cmpi ne, %rem3A_1172, %ne3A_1173 : i32
      %and3A_1175 = arith.andi %ne3A_1171, %ne3A_1174 : i1
      %sub3A_1176 = arith.constant 1 : i32
      %sub3A_1177 = arith.subi %div3A_1156, %sub3A_1176 : i32
      %select_n3A_1178 = arith.select %and3A_1175, %sub3A_1177, %div3A_1156 : i32
      %scan3A_1179 = arith.constant 0 : i32
      %scan3A_1180 = arith.constant 0 : i32
      %scan3A_1181 = arith.constant 0 : i32
      %scan3A_1182 = arith.constant 31 : i32
      %scan3A_1183 = arith.addi %scan3A_1181, %scan3A_1182 : i32
      %scan3A_1184 = arith.constant 1 : i32
      %scan3A_1185:2 = scf.for %scan3A_1885 = %scan3A_1181 to %scan3A_1183 step %scan3A_1184 iter_args(%scan3A_1886 = %scan3A_1179, %scan3A_1887 = %scan3A_1180) -> (i32, i32)  : i32 {
        %sub3A_1888 = arith.constant 30 : i32
        %sub3A_1889 = arith.subi %sub3A_1888, %scan3A_1885 : i32
        %shift_left3A = arith.constant 1 : i32
        %shift_left3A_1890 = arith.shli %shift_left3A, %sub3A_1889 : i32
        %or3A_1891 = arith.ori %scan3A_1886, %shift_left3A_1890 : i32
        %or3A_1892 = arith.ori %scan3A_1887, %shift_left3A_1890 : i32
        %broadcast_in_dim3A_1893 = vector.broadcast %or3A_1891 : i32 to vector<16xi32>
        %get3A_1894 = arith.constant 0 : index
        %get3A_1895 = tpu.vector_load %arg10[%get3A_1894] {strides = array<i32>} : memref<528xi32, #tpu.memory_space<vmem>>, vector<16xi32>,
        %ge3A_1896 = arith.cmpi sge, %get3A_1895, %broadcast_in_dim3A_1893 : vector<16xi32>
        %select_n3A_1897 = arith.select %ge3A_1896, %broadcast_in_dim3A_3, %broadcast_in_dim3A_5 : vector<16xi1>, vector<16xi32>
        %add3A_1898 = arith.addi %broadcast_in_dim3A_5, %select_n3A_1897 : vector<16xi32>
        %get3A_1899 = arith.constant 16 : index
        %get3A_1900 = tpu.vector_load %arg10[%get3A_1899] {strides = array<i32>} : memref<528xi32, #tpu.memory_space<vmem>>, vector<16xi32>,
        %ge3A_1901 = arith.cmpi sge, %get3A_1900, %broadcast_in_dim3A_1893 : vector<16xi32>
        %select_n3A_1902 = arith.select %ge3A_1901, %broadcast_in_dim3A_3, %broadcast_in_dim3A_5 : vector<16xi1>, vector<16xi32>
        %add3A_1903 = arith.addi %add3A_1898, %select_n3A_1902 : vector<16xi32>
        %get3A_1904 = arith.constant 32 : index
        %get3A_1905 = tpu.vector_load %arg10[%get3A_1904] {strides = array<i32>} : memref<528xi32, #tpu.memory_space<vmem>>, vector<16xi32>,
        %ge3A_1906 = arith.cmpi sge, %get3A_1905, %broadcast_in_dim3A_1893 : vector<16xi32>
        %select_n3A_1907 = arith.select %ge3A_1906, %broadcast_in_dim3A_3, %broadcast_in_dim3A_5 : vector<16xi1>, vector<16xi32>
        %add3A_1908 = arith.addi %add3A_1903, %select_n3A_1907 : vector<16xi32>
        %get3A_1909 = arith.constant 48 : index
        %get3A_1910 = tpu.vector_load %arg10[%get3A_1909] {strides = array<i32>} : memref<528xi32, #tpu.memory_space<vmem>>, vector<16xi32>,
        %ge3A_1911 = arith.cmpi sge, %get3A_1910, %broadcast_in_dim3A_1893 : vector<16xi32>
        %select_n3A_1912 = arith.select %ge3A_1911, %broadcast_in_dim3A_3, %broadcast_in_dim3A_5 : vector<16xi1>, vector<16xi32>
        %add3A_1913 = arith.addi %add3A_1908, %select_n3A_1912 : vector<16xi32>
        %while3A_1914 = arith.constant 4 : i32
        %while3A_1915 = arith.subi %select_n3A_773, %while3A_1914 : i32
        %while3A_1916 = arith.addi %while3A_1914, %while3A_1915 : i32
        %while3A_1917 = arith.constant 1 : i32
        %while3A_1918 = arith.divsi %while3A_1915, %while3A_1917 : i32
        %while3A_1919 = arith.muli %while3A_1918, %while3A_1917 : i32
        %while3A_1920 = arith.addi %while3A_1914, %while3A_1919 : i32
        %while3A_1921 = arith.constant 1 : i32
        %while3A_1922 = scf.for %while3A_1971 = %while3A_1914 to %while3A_1920 step %while3A_1921 iter_args(%while3A_1972 = %add3A_1913) -> (vector<16xi32>)  : i32 {
          %mul3A_1973 = arith.constant 16 : i32
          %mul3A_1974 = arith.muli %while3A_1971, %mul3A_1973 : i32
          %get3A_1975 = arith.index_cast %mul3A_1974 : i32 to index
          %get3A_1976 = tpu.vector_load %arg10[%get3A_1975] {strides = array<i32>} : memref<528xi32, #tpu.memory_space<vmem>>, vector<16xi32>,
          %ge3A_1977 = arith.cmpi sge, %get3A_1976, %broadcast_in_dim3A_1893 : vector<16xi32>
          %select_n3A_1978 = arith.select %ge3A_1977, %broadcast_in_dim3A_3, %broadcast_in_dim3A_5 : vector<16xi1>, vector<16xi32>
          %add3A_1979 = arith.addi %while3A_1972, %select_n3A_1978 : vector<16xi32>
          scf.yield %add3A_1979 : vector<16xi32>
        }
        %while3A_1923 = arith.constant 1 : i32
        %while3A_1924 = scf.for %while3A_1971 = %while3A_1920 to %while3A_1916 step %while3A_1923 iter_args(%while3A_1972 = %while3A_1922) -> (vector<16xi32>)  : i32 {
          %mul3A_1973 = arith.constant 16 : i32
          %mul3A_1974 = arith.muli %while3A_1971, %mul3A_1973 : i32
          %get3A_1975 = arith.index_cast %mul3A_1974 : i32 to index
          %get3A_1976 = tpu.vector_load %arg10[%get3A_1975] {strides = array<i32>} : memref<528xi32, #tpu.memory_space<vmem>>, vector<16xi32>,
          %ge3A_1977 = arith.cmpi sge, %get3A_1976, %broadcast_in_dim3A_1893 : vector<16xi32>
          %select_n3A_1978 = arith.select %ge3A_1977, %broadcast_in_dim3A_3, %broadcast_in_dim3A_5 : vector<16xi1>, vector<16xi32>
          %add3A_1979 = arith.addi %while3A_1972, %select_n3A_1978 : vector<16xi32>
          scf.yield %add3A_1979 : vector<16xi32>
        }
        %reduce_sum3A_1925 = arith.constant true
        %reduce_sum3A_1926 = vector.broadcast %reduce_sum3A_1925 : i1 to vector<16xi1>
        %reduce_sum3A_1927 = tpu.scan <sum>, %while3A_1924 masked %reduce_sum3A_1926 : vector<16xi32>, vector<16xi1> -> vector<16xi32>
        %reduce_sum3A_1928 = vector.extract %reduce_sum3A_1927[15] : i32 from vector<16xi32>
        %broadcast_in_dim3A_1929 = vector.broadcast %or3A_1892 : i32 to vector<16xi32>
        %get3A_1930 = arith.constant 0 : index
        %get3A_1931 = tpu.vector_load %arg12[%get3A_1930] {strides = array<i32>} : memref<528xi32, #tpu.memory_space<vmem>>, vector<16xi32>,
        %ge3A_1932 = arith.cmpi sge, %get3A_1931, %broadcast_in_dim3A_1929 : vector<16xi32>
        %select_n3A_1933 = arith.select %ge3A_1932, %broadcast_in_dim3A_3, %broadcast_in_dim3A_5 : vector<16xi1>, vector<16xi32>
        %add3A_1934 = arith.addi %broadcast_in_dim3A_5, %select_n3A_1933 : vector<16xi32>
        %get3A_1935 = arith.constant 16 : index
        %get3A_1936 = tpu.vector_load %arg12[%get3A_1935] {strides = array<i32>} : memref<528xi32, #tpu.memory_space<vmem>>, vector<16xi32>,
        %ge3A_1937 = arith.cmpi sge, %get3A_1936, %broadcast_in_dim3A_1929 : vector<16xi32>
        %select_n3A_1938 = arith.select %ge3A_1937, %broadcast_in_dim3A_3, %broadcast_in_dim3A_5 : vector<16xi1>, vector<16xi32>
        %add3A_1939 = arith.addi %add3A_1934, %select_n3A_1938 : vector<16xi32>
        %get3A_1940 = arith.constant 32 : index
        %get3A_1941 = tpu.vector_load %arg12[%get3A_1940] {strides = array<i32>} : memref<528xi32, #tpu.memory_space<vmem>>, vector<16xi32>,
        %ge3A_1942 = arith.cmpi sge, %get3A_1941, %broadcast_in_dim3A_1929 : vector<16xi32>
        %select_n3A_1943 = arith.select %ge3A_1942, %broadcast_in_dim3A_3, %broadcast_in_dim3A_5 : vector<16xi1>, vector<16xi32>
        %add3A_1944 = arith.addi %add3A_1939, %select_n3A_1943 : vector<16xi32>
        %get3A_1945 = arith.constant 48 : index
        %get3A_1946 = tpu.vector_load %arg12[%get3A_1945] {strides = array<i32>} : memref<528xi32, #tpu.memory_space<vmem>>, vector<16xi32>,
        %ge3A_1947 = arith.cmpi sge, %get3A_1946, %broadcast_in_dim3A_1929 : vector<16xi32>
        %select_n3A_1948 = arith.select %ge3A_1947, %broadcast_in_dim3A_3, %broadcast_in_dim3A_5 : vector<16xi1>, vector<16xi32>
        %add3A_1949 = arith.addi %add3A_1944, %select_n3A_1948 : vector<16xi32>
        %while3A_1950 = arith.constant 4 : i32
        %while3A_1951 = arith.subi %select_n3A_1178, %while3A_1950 : i32
        %while3A_1952 = arith.addi %while3A_1950, %while3A_1951 : i32
        %while3A_1953 = arith.constant 1 : i32
        %while3A_1954 = arith.divsi %while3A_1951, %while3A_1953 : i32
        %while3A_1955 = arith.muli %while3A_1954, %while3A_1953 : i32
        %while3A_1956 = arith.addi %while3A_1950, %while3A_1955 : i32
        %while3A_1957 = arith.constant 1 : i32
        %while3A_1958 = scf.for %while3A_1971 = %while3A_1950 to %while3A_1956 step %while3A_1957 iter_args(%while3A_1972 = %add3A_1949) -> (vector<16xi32>)  : i32 {
          %mul3A_1973 = arith.constant 16 : i32
          %mul3A_1974 = arith.muli %while3A_1971, %mul3A_1973 : i32
          %get3A_1975 = arith.index_cast %mul3A_1974 : i32 to index
          %get3A_1976 = tpu.vector_load %arg12[%get3A_1975] {strides = array<i32>} : memref<528xi32, #tpu.memory_space<vmem>>, vector<16xi32>,
          %ge3A_1977 = arith.cmpi sge, %get3A_1976, %broadcast_in_dim3A_1929 : vector<16xi32>
          %select_n3A_1978 = arith.select %ge3A_1977, %broadcast_in_dim3A_3, %broadcast_in_dim3A_5 : vector<16xi1>, vector<16xi32>
          %add3A_1979 = arith.addi %while3A_1972, %select_n3A_1978 : vector<16xi32>
          scf.yield %add3A_1979 : vector<16xi32>
        }
        %while3A_1959 = arith.constant 1 : i32
        %while3A_1960 = scf.for %while3A_1971 = %while3A_1956 to %while3A_1952 step %while3A_1959 iter_args(%while3A_1972 = %while3A_1958) -> (vector<16xi32>)  : i32 {
          %mul3A_1973 = arith.constant 16 : i32
          %mul3A_1974 = arith.muli %while3A_1971, %mul3A_1973 : i32
          %get3A_1975 = arith.index_cast %mul3A_1974 : i32 to index
          %get3A_1976 = tpu.vector_load %arg12[%get3A_1975] {strides = array<i32>} : memref<528xi32, #tpu.memory_space<vmem>>, vector<16xi32>,
          %ge3A_1977 = arith.cmpi sge, %get3A_1976, %broadcast_in_dim3A_1929 : vector<16xi32>
          %select_n3A_1978 = arith.select %ge3A_1977, %broadcast_in_dim3A_3, %broadcast_in_dim3A_5 : vector<16xi1>, vector<16xi32>
          %add3A_1979 = arith.addi %while3A_1972, %select_n3A_1978 : vector<16xi32>
          scf.yield %add3A_1979 : vector<16xi32>
        }
        %reduce_sum3A_1961 = arith.constant true
        %reduce_sum3A_1962 = vector.broadcast %reduce_sum3A_1961 : i1 to vector<16xi1>
        %reduce_sum3A_1963 = tpu.scan <sum>, %while3A_1960 masked %reduce_sum3A_1962 : vector<16xi32>, vector<16xi1> -> vector<16xi32>
        %reduce_sum3A_1964 = vector.extract %reduce_sum3A_1963[15] : i32 from vector<16xi32>
        %ge3A_1965 = arith.constant 32 : i32
        %ge3A_1966 = arith.cmpi sge, %reduce_sum3A_1928, %ge3A_1965 : i32
        %select_n3A_1967 = arith.select %ge3A_1966, %or3A_1891, %scan3A_1886 : i32
        %ge3A_1968 = arith.constant 32 : i32
        %ge3A_1969 = arith.cmpi sge, %reduce_sum3A_1964, %ge3A_1968 : i32
        %select_n3A_1970 = arith.select %ge3A_1969, %or3A_1892, %scan3A_1887 : i32
        scf.yield %select_n3A_1967, %select_n3A_1970 : i32, i32
      }
      %scan3A_1186 = arith.constant 31 : i32
      %broadcast_in_dim3A_1187 = vector.broadcast %scan3A_1185#0 : i32 to vector<16xi32>
      %get3A_1188 = arith.constant 0 : index
      %get3A_1189 = tpu.vector_load %arg10[%get3A_1188] {strides = array<i32>} : memref<528xi32, #tpu.memory_space<vmem>>, vector<16xi32>,
      %gt3A = arith.cmpi sgt, %get3A_1189, %broadcast_in_dim3A_1187 : vector<16xi32>
      %select_n3A_1190 = arith.select %gt3A, %broadcast_in_dim3A_3, %broadcast_in_dim3A_5 : vector<16xi1>, vector<16xi32>
      %add3A_1191 = arith.addi %broadcast_in_dim3A_5, %select_n3A_1190 : vector<16xi32>
      %get3A_1192 = arith.constant 16 : index
      %get3A_1193 = tpu.vector_load %arg10[%get3A_1192] {strides = array<i32>} : memref<528xi32, #tpu.memory_space<vmem>>, vector<16xi32>,
      %gt3A_1194 = arith.cmpi sgt, %get3A_1193, %broadcast_in_dim3A_1187 : vector<16xi32>
      %select_n3A_1195 = arith.select %gt3A_1194, %broadcast_in_dim3A_3, %broadcast_in_dim3A_5 : vector<16xi1>, vector<16xi32>
      %add3A_1196 = arith.addi %add3A_1191, %select_n3A_1195 : vector<16xi32>
      %get3A_1197 = arith.constant 32 : index
      %get3A_1198 = tpu.vector_load %arg10[%get3A_1197] {strides = array<i32>} : memref<528xi32, #tpu.memory_space<vmem>>, vector<16xi32>,
      %gt3A_1199 = arith.cmpi sgt, %get3A_1198, %broadcast_in_dim3A_1187 : vector<16xi32>
      %select_n3A_1200 = arith.select %gt3A_1199, %broadcast_in_dim3A_3, %broadcast_in_dim3A_5 : vector<16xi1>, vector<16xi32>
      %add3A_1201 = arith.addi %add3A_1196, %select_n3A_1200 : vector<16xi32>
      %get3A_1202 = arith.constant 48 : index
      %get3A_1203 = tpu.vector_load %arg10[%get3A_1202] {strides = array<i32>} : memref<528xi32, #tpu.memory_space<vmem>>, vector<16xi32>,
      %gt3A_1204 = arith.cmpi sgt, %get3A_1203, %broadcast_in_dim3A_1187 : vector<16xi32>
      %select_n3A_1205 = arith.select %gt3A_1204, %broadcast_in_dim3A_3, %broadcast_in_dim3A_5 : vector<16xi1>, vector<16xi32>
      %add3A_1206 = arith.addi %add3A_1201, %select_n3A_1205 : vector<16xi32>
      %while3A_1207 = arith.constant 4 : i32
      %while3A_1208 = arith.subi %select_n3A_773, %while3A_1207 : i32
      %while3A_1209 = arith.addi %while3A_1207, %while3A_1208 : i32
      %while3A_1210 = arith.constant 1 : i32
      %while3A_1211 = arith.divsi %while3A_1208, %while3A_1210 : i32
      %while3A_1212 = arith.muli %while3A_1211, %while3A_1210 : i32
      %while3A_1213 = arith.addi %while3A_1207, %while3A_1212 : i32
      %while3A_1214 = arith.constant 1 : i32
      %while3A_1215 = scf.for %while3A_1885 = %while3A_1207 to %while3A_1213 step %while3A_1214 iter_args(%while3A_1886 = %add3A_1206) -> (vector<16xi32>)  : i32 {
        %mul3A_1887 = arith.constant 16 : i32
        %mul3A_1888 = arith.muli %while3A_1885, %mul3A_1887 : i32
        %get3A_1889 = arith.index_cast %mul3A_1888 : i32 to index
        %get3A_1890 = tpu.vector_load %arg10[%get3A_1889] {strides = array<i32>} : memref<528xi32, #tpu.memory_space<vmem>>, vector<16xi32>,
        %gt3A_1891 = arith.cmpi sgt, %get3A_1890, %broadcast_in_dim3A_1187 : vector<16xi32>
        %select_n3A_1892 = arith.select %gt3A_1891, %broadcast_in_dim3A_3, %broadcast_in_dim3A_5 : vector<16xi1>, vector<16xi32>
        %add3A_1893 = arith.addi %while3A_1886, %select_n3A_1892 : vector<16xi32>
        scf.yield %add3A_1893 : vector<16xi32>
      }
      %while3A_1216 = arith.constant 1 : i32
      %while3A_1217 = scf.for %while3A_1885 = %while3A_1213 to %while3A_1209 step %while3A_1216 iter_args(%while3A_1886 = %while3A_1215) -> (vector<16xi32>)  : i32 {
        %mul3A_1887 = arith.constant 16 : i32
        %mul3A_1888 = arith.muli %while3A_1885, %mul3A_1887 : i32
        %get3A_1889 = arith.index_cast %mul3A_1888 : i32 to index
        %get3A_1890 = tpu.vector_load %arg10[%get3A_1889] {strides = array<i32>} : memref<528xi32, #tpu.memory_space<vmem>>, vector<16xi32>,
        %gt3A_1891 = arith.cmpi sgt, %get3A_1890, %broadcast_in_dim3A_1187 : vector<16xi32>
        %select_n3A_1892 = arith.select %gt3A_1891, %broadcast_in_dim3A_3, %broadcast_in_dim3A_5 : vector<16xi1>, vector<16xi32>
        %add3A_1893 = arith.addi %while3A_1886, %select_n3A_1892 : vector<16xi32>
        scf.yield %add3A_1893 : vector<16xi32>
      }
      %reduce_sum3A = arith.constant true
      %reduce_sum3A_1218 = vector.broadcast %reduce_sum3A : i1 to vector<16xi1>
      %reduce_sum3A_1219 = tpu.scan <sum>, %while3A_1217 masked %reduce_sum3A_1218 : vector<16xi32>, vector<16xi1> -> vector<16xi32>
      %reduce_sum3A_1220 = vector.extract %reduce_sum3A_1219[15] : i32 from vector<16xi32>
      %sub3A_1221 = arith.constant 32 : i32
      %sub3A_1222 = arith.subi %sub3A_1221, %reduce_sum3A_1220 : i32
      %broadcast_in_dim3A_1223 = vector.broadcast %sub3A_1222 : i32 to vector<16xi32>
      %get3A_1224 = arith.constant 0 : index
      %get3A_1225 = tpu.vector_load %arg10[%get3A_1224] {strides = array<i32>} : memref<528xi32, #tpu.memory_space<vmem>>, vector<16xi32>,
      %get3A_1226 = arith.constant 0 : index
      %get3A_1227 = tpu.vector_load %arg11[%get3A_1226] {strides = array<i32>} : memref<528xi32, #tpu.memory_space<vmem>>, vector<16xi32>,
      %gt3A_1228 = arith.cmpi sgt, %get3A_1225, %broadcast_in_dim3A_1187 : vector<16xi32>
      %eq3A = arith.cmpi eq, %get3A_1225, %broadcast_in_dim3A_1187 : vector<16xi32>
      %select_n3A_1229 = arith.select %eq3A, %broadcast_in_dim3A_3, %broadcast_in_dim3A_5 : vector<16xi1>, vector<16xi32>
      %broadcast_in_dim3A_1230 = arith.constant true
      %broadcast_in_dim3A_1231 = vector.broadcast %broadcast_in_dim3A_1230 : i1 to vector<16xi1>
      %masked_cumsum3A_1232 = tpu.scan <sum>, %select_n3A_1229 masked %broadcast_in_dim3A_1231 : vector<16xi32>, vector<16xi1> -> vector<16xi32>
      %add3A_1233 = arith.addi %masked_cumsum3A_1232, %broadcast_in_dim3A_5 : vector<16xi32>
      %le3A = arith.cmpi sle, %add3A_1233, %broadcast_in_dim3A_1223 : vector<16xi32>
      %and3A_1234 = arith.andi %eq3A, %le3A : vector<16xi1>
      %or3A = arith.ori %gt3A_1228, %and3A_1234 : vector<16xi1>
      %select_n3A_1235 = arith.select %or3A, %broadcast_in_dim3A_3, %broadcast_in_dim3A_5 : vector<16xi1>, vector<16xi32>
      %broadcast_in_dim3A_1236 = arith.constant true
      %broadcast_in_dim3A_1237 = vector.broadcast %broadcast_in_dim3A_1236 : i1 to vector<16xi1>
      %masked_cumsum3A_1238 = tpu.scan <sum>, %select_n3A_1235 masked %broadcast_in_dim3A_1237 : vector<16xi32>, vector<16xi1> -> vector<16xi32>
      %add3A_1239 = arith.addi %broadcast_in_dim3A_5, %masked_cumsum3A_1238 : vector<16xi32>
      %sub3A_1240 = arith.constant 1 : i32
      %sub3A_1241 = vector.broadcast %sub3A_1240 : i32 to vector<16xi32>
      %sub3A_1242 = arith.subi %add3A_1239, %sub3A_1241 : vector<16xi32>
      %min3A_1243 = arith.constant 47 : i32
      %min3A_1244 = vector.broadcast %min3A_1243 : i32 to vector<16xi32>
      %min3A_1245 = arith.minsi %sub3A_1242, %min3A_1244 : vector<16xi32>
      tpu.vector_store_idx %arg14[%min3A_1245], %get3A_1225 masked %or3A : memref<48xi32, #tpu.memory_space<vmem>>[vector<16xi32>], vector<16xi32>, vector<16xi1>
      tpu.vector_store_idx %arg15[%min3A_1245], %get3A_1227 masked %or3A : memref<48xi32, #tpu.memory_space<vmem>>[vector<16xi32>], vector<16xi32>, vector<16xi1>
      %broadcast_in_dim3A_1246 = arith.constant 15 : i32
      %broadcast_in_dim3A_1247 = vector.broadcast %broadcast_in_dim3A_1246 : i32 to vector<16xi32>
      %lt3A_1248 = arith.constant 0 : i32
      %lt3A_1249 = vector.broadcast %lt3A_1248 : i32 to vector<16xi32>
      %lt3A_1250 = arith.cmpi slt, %broadcast_in_dim3A_1247, %lt3A_1249 : vector<16xi32>
      %add3A_1251 = arith.constant 16 : i32
      %add3A_1252 = vector.broadcast %add3A_1251 : i32 to vector<16xi32>
      %add3A_1253 = arith.addi %broadcast_in_dim3A_1247, %add3A_1252 : vector<16xi32>
      %select_n3A_1254 = arith.select %lt3A_1250, %add3A_1253, %broadcast_in_dim3A_1247 : vector<16xi1>, vector<16xi32>
      %broadcast_in_dim3A_1255 = vector.shape_cast %select_n3A_1254 : vector<16xi32> to vector<16x1xi32>
      %gather3A_1256 = vector.shape_cast %broadcast_in_dim3A_1255 : vector<16x1xi32> to vector<16xi32>
      %gather3A_1257 = tpu.dynamic_gather %masked_cumsum3A_1238[%gather3A_1256] in [0] : vector<16xi32>, vector<16xi32> -> vector<16xi32>
      %add3A_1258 = arith.addi %broadcast_in_dim3A_5, %gather3A_1257 : vector<16xi32>
      %broadcast_in_dim3A_1259 = arith.constant 15 : i32
      %broadcast_in_dim3A_1260 = vector.broadcast %broadcast_in_dim3A_1259 : i32 to vector<16xi32>
      %lt3A_1261 = arith.constant 0 : i32
      %lt3A_1262 = vector.broadcast %lt3A_1261 : i32 to vector<16xi32>
      %lt3A_1263 = arith.cmpi slt, %broadcast_in_dim3A_1260, %lt3A_1262 : vector<16xi32>
      %add3A_1264 = arith.constant 16 : i32
      %add3A_1265 = vector.broadcast %add3A_1264 : i32 to vector<16xi32>
      %add3A_1266 = arith.addi %broadcast_in_dim3A_1260, %add3A_1265 : vector<16xi32>
      %select_n3A_1267 = arith.select %lt3A_1263, %add3A_1266, %broadcast_in_dim3A_1260 : vector<16xi1>, vector<16xi32>
      %broadcast_in_dim3A_1268 = vector.shape_cast %select_n3A_1267 : vector<16xi32> to vector<16x1xi32>
      %gather3A_1269 = vector.shape_cast %broadcast_in_dim3A_1268 : vector<16x1xi32> to vector<16xi32>
      %gather3A_1270 = tpu.dynamic_gather %masked_cumsum3A_1232[%gather3A_1269] in [0] : vector<16xi32>, vector<16xi32> -> vector<16xi32>
      %add3A_1271 = arith.addi %broadcast_in_dim3A_5, %gather3A_1270 : vector<16xi32>
      %get3A_1272 = arith.constant 16 : index
      %get3A_1273 = tpu.vector_load %arg10[%get3A_1272] {strides = array<i32>} : memref<528xi32, #tpu.memory_space<vmem>>, vector<16xi32>,
      %get3A_1274 = arith.constant 16 : index
      %get3A_1275 = tpu.vector_load %arg11[%get3A_1274] {strides = array<i32>} : memref<528xi32, #tpu.memory_space<vmem>>, vector<16xi32>,
      %gt3A_1276 = arith.cmpi sgt, %get3A_1273, %broadcast_in_dim3A_1187 : vector<16xi32>
      %eq3A_1277 = arith.cmpi eq, %get3A_1273, %broadcast_in_dim3A_1187 : vector<16xi32>
      %select_n3A_1278 = arith.select %eq3A_1277, %broadcast_in_dim3A_3, %broadcast_in_dim3A_5 : vector<16xi1>, vector<16xi32>
      %broadcast_in_dim3A_1279 = arith.constant true
      %broadcast_in_dim3A_1280 = vector.broadcast %broadcast_in_dim3A_1279 : i1 to vector<16xi1>
      %masked_cumsum3A_1281 = tpu.scan <sum>, %select_n3A_1278 masked %broadcast_in_dim3A_1280 : vector<16xi32>, vector<16xi1> -> vector<16xi32>
      %add3A_1282 = arith.addi %masked_cumsum3A_1281, %add3A_1271 : vector<16xi32>
      %le3A_1283 = arith.cmpi sle, %add3A_1282, %broadcast_in_dim3A_1223 : vector<16xi32>
      %and3A_1284 = arith.andi %eq3A_1277, %le3A_1283 : vector<16xi1>
      %or3A_1285 = arith.ori %gt3A_1276, %and3A_1284 : vector<16xi1>
      %select_n3A_1286 = arith.select %or3A_1285, %broadcast_in_dim3A_3, %broadcast_in_dim3A_5 : vector<16xi1>, vector<16xi32>
      %broadcast_in_dim3A_1287 = arith.constant true
      %broadcast_in_dim3A_1288 = vector.broadcast %broadcast_in_dim3A_1287 : i1 to vector<16xi1>
      %masked_cumsum3A_1289 = tpu.scan <sum>, %select_n3A_1286 masked %broadcast_in_dim3A_1288 : vector<16xi32>, vector<16xi1> -> vector<16xi32>
      %add3A_1290 = arith.addi %add3A_1258, %masked_cumsum3A_1289 : vector<16xi32>
      %sub3A_1291 = arith.constant 1 : i32
      %sub3A_1292 = vector.broadcast %sub3A_1291 : i32 to vector<16xi32>
      %sub3A_1293 = arith.subi %add3A_1290, %sub3A_1292 : vector<16xi32>
      %min3A_1294 = arith.constant 47 : i32
      %min3A_1295 = vector.broadcast %min3A_1294 : i32 to vector<16xi32>
      %min3A_1296 = arith.minsi %sub3A_1293, %min3A_1295 : vector<16xi32>
      tpu.vector_store_idx %arg14[%min3A_1296], %get3A_1273 masked %or3A_1285 : memref<48xi32, #tpu.memory_space<vmem>>[vector<16xi32>], vector<16xi32>, vector<16xi1>
      tpu.vector_store_idx %arg15[%min3A_1296], %get3A_1275 masked %or3A_1285 : memref<48xi32, #tpu.memory_space<vmem>>[vector<16xi32>], vector<16xi32>, vector<16xi1>
      %broadcast_in_dim3A_1297 = arith.constant 15 : i32
      %broadcast_in_dim3A_1298 = vector.broadcast %broadcast_in_dim3A_1297 : i32 to vector<16xi32>
      %lt3A_1299 = arith.constant 0 : i32
      %lt3A_1300 = vector.broadcast %lt3A_1299 : i32 to vector<16xi32>
      %lt3A_1301 = arith.cmpi slt, %broadcast_in_dim3A_1298, %lt3A_1300 : vector<16xi32>
      %add3A_1302 = arith.constant 16 : i32
      %add3A_1303 = vector.broadcast %add3A_1302 : i32 to vector<16xi32>
      %add3A_1304 = arith.addi %broadcast_in_dim3A_1298, %add3A_1303 : vector<16xi32>
      %select_n3A_1305 = arith.select %lt3A_1301, %add3A_1304, %broadcast_in_dim3A_1298 : vector<16xi1>, vector<16xi32>
      %broadcast_in_dim3A_1306 = vector.shape_cast %select_n3A_1305 : vector<16xi32> to vector<16x1xi32>
      %gather3A_1307 = vector.shape_cast %broadcast_in_dim3A_1306 : vector<16x1xi32> to vector<16xi32>
      %gather3A_1308 = tpu.dynamic_gather %masked_cumsum3A_1289[%gather3A_1307] in [0] : vector<16xi32>, vector<16xi32> -> vector<16xi32>
      %add3A_1309 = arith.addi %add3A_1258, %gather3A_1308 : vector<16xi32>
      %broadcast_in_dim3A_1310 = arith.constant 15 : i32
      %broadcast_in_dim3A_1311 = vector.broadcast %broadcast_in_dim3A_1310 : i32 to vector<16xi32>
      %lt3A_1312 = arith.constant 0 : i32
      %lt3A_1313 = vector.broadcast %lt3A_1312 : i32 to vector<16xi32>
      %lt3A_1314 = arith.cmpi slt, %broadcast_in_dim3A_1311, %lt3A_1313 : vector<16xi32>
      %add3A_1315 = arith.constant 16 : i32
      %add3A_1316 = vector.broadcast %add3A_1315 : i32 to vector<16xi32>
      %add3A_1317 = arith.addi %broadcast_in_dim3A_1311, %add3A_1316 : vector<16xi32>
      %select_n3A_1318 = arith.select %lt3A_1314, %add3A_1317, %broadcast_in_dim3A_1311 : vector<16xi1>, vector<16xi32>
      %broadcast_in_dim3A_1319 = vector.shape_cast %select_n3A_1318 : vector<16xi32> to vector<16x1xi32>
      %gather3A_1320 = vector.shape_cast %broadcast_in_dim3A_1319 : vector<16x1xi32> to vector<16xi32>
      %gather3A_1321 = tpu.dynamic_gather %masked_cumsum3A_1281[%gather3A_1320] in [0] : vector<16xi32>, vector<16xi32> -> vector<16xi32>
      %add3A_1322 = arith.addi %add3A_1271, %gather3A_1321 : vector<16xi32>
      %get3A_1323 = arith.constant 32 : index
      %get3A_1324 = tpu.vector_load %arg10[%get3A_1323] {strides = array<i32>} : memref<528xi32, #tpu.memory_space<vmem>>, vector<16xi32>,
      %get3A_1325 = arith.constant 32 : index
      %get3A_1326 = tpu.vector_load %arg11[%get3A_1325] {strides = array<i32>} : memref<528xi32, #tpu.memory_space<vmem>>, vector<16xi32>,
      %gt3A_1327 = arith.cmpi sgt, %get3A_1324, %broadcast_in_dim3A_1187 : vector<16xi32>
      %eq3A_1328 = arith.cmpi eq, %get3A_1324, %broadcast_in_dim3A_1187 : vector<16xi32>
      %select_n3A_1329 = arith.select %eq3A_1328, %broadcast_in_dim3A_3, %broadcast_in_dim3A_5 : vector<16xi1>, vector<16xi32>
      %broadcast_in_dim3A_1330 = arith.constant true
      %broadcast_in_dim3A_1331 = vector.broadcast %broadcast_in_dim3A_1330 : i1 to vector<16xi1>
      %masked_cumsum3A_1332 = tpu.scan <sum>, %select_n3A_1329 masked %broadcast_in_dim3A_1331 : vector<16xi32>, vector<16xi1> -> vector<16xi32>
      %add3A_1333 = arith.addi %masked_cumsum3A_1332, %add3A_1322 : vector<16xi32>
      %le3A_1334 = arith.cmpi sle, %add3A_1333, %broadcast_in_dim3A_1223 : vector<16xi32>
      %and3A_1335 = arith.andi %eq3A_1328, %le3A_1334 : vector<16xi1>
      %or3A_1336 = arith.ori %gt3A_1327, %and3A_1335 : vector<16xi1>
      %select_n3A_1337 = arith.select %or3A_1336, %broadcast_in_dim3A_3, %broadcast_in_dim3A_5 : vector<16xi1>, vector<16xi32>
      %broadcast_in_dim3A_1338 = arith.constant true
      %broadcast_in_dim3A_1339 = vector.broadcast %broadcast_in_dim3A_1338 : i1 to vector<16xi1>
      %masked_cumsum3A_1340 = tpu.scan <sum>, %select_n3A_1337 masked %broadcast_in_dim3A_1339 : vector<16xi32>, vector<16xi1> -> vector<16xi32>
      %add3A_1341 = arith.addi %add3A_1309, %masked_cumsum3A_1340 : vector<16xi32>
      %sub3A_1342 = arith.constant 1 : i32
      %sub3A_1343 = vector.broadcast %sub3A_1342 : i32 to vector<16xi32>
      %sub3A_1344 = arith.subi %add3A_1341, %sub3A_1343 : vector<16xi32>
      %min3A_1345 = arith.constant 47 : i32
      %min3A_1346 = vector.broadcast %min3A_1345 : i32 to vector<16xi32>
      %min3A_1347 = arith.minsi %sub3A_1344, %min3A_1346 : vector<16xi32>
      tpu.vector_store_idx %arg14[%min3A_1347], %get3A_1324 masked %or3A_1336 : memref<48xi32, #tpu.memory_space<vmem>>[vector<16xi32>], vector<16xi32>, vector<16xi1>
      tpu.vector_store_idx %arg15[%min3A_1347], %get3A_1326 masked %or3A_1336 : memref<48xi32, #tpu.memory_space<vmem>>[vector<16xi32>], vector<16xi32>, vector<16xi1>
      %broadcast_in_dim3A_1348 = arith.constant 15 : i32
      %broadcast_in_dim3A_1349 = vector.broadcast %broadcast_in_dim3A_1348 : i32 to vector<16xi32>
      %lt3A_1350 = arith.constant 0 : i32
      %lt3A_1351 = vector.broadcast %lt3A_1350 : i32 to vector<16xi32>
      %lt3A_1352 = arith.cmpi slt, %broadcast_in_dim3A_1349, %lt3A_1351 : vector<16xi32>
      %add3A_1353 = arith.constant 16 : i32
      %add3A_1354 = vector.broadcast %add3A_1353 : i32 to vector<16xi32>
      %add3A_1355 = arith.addi %broadcast_in_dim3A_1349, %add3A_1354 : vector<16xi32>
      %select_n3A_1356 = arith.select %lt3A_1352, %add3A_1355, %broadcast_in_dim3A_1349 : vector<16xi1>, vector<16xi32>
      %broadcast_in_dim3A_1357 = vector.shape_cast %select_n3A_1356 : vector<16xi32> to vector<16x1xi32>
      %gather3A_1358 = vector.shape_cast %broadcast_in_dim3A_1357 : vector<16x1xi32> to vector<16xi32>
      %gather3A_1359 = tpu.dynamic_gather %masked_cumsum3A_1340[%gather3A_1358] in [0] : vector<16xi32>, vector<16xi32> -> vector<16xi32>
      %add3A_1360 = arith.addi %add3A_1309, %gather3A_1359 : vector<16xi32>
      %broadcast_in_dim3A_1361 = arith.constant 15 : i32
      %broadcast_in_dim3A_1362 = vector.broadcast %broadcast_in_dim3A_1361 : i32 to vector<16xi32>
      %lt3A_1363 = arith.constant 0 : i32
      %lt3A_1364 = vector.broadcast %lt3A_1363 : i32 to vector<16xi32>
      %lt3A_1365 = arith.cmpi slt, %broadcast_in_dim3A_1362, %lt3A_1364 : vector<16xi32>
      %add3A_1366 = arith.constant 16 : i32
      %add3A_1367 = vector.broadcast %add3A_1366 : i32 to vector<16xi32>
      %add3A_1368 = arith.addi %broadcast_in_dim3A_1362, %add3A_1367 : vector<16xi32>
      %select_n3A_1369 = arith.select %lt3A_1365, %add3A_1368, %broadcast_in_dim3A_1362 : vector<16xi1>, vector<16xi32>
      %broadcast_in_dim3A_1370 = vector.shape_cast %select_n3A_1369 : vector<16xi32> to vector<16x1xi32>
      %gather3A_1371 = vector.shape_cast %broadcast_in_dim3A_1370 : vector<16x1xi32> to vector<16xi32>
      %gather3A_1372 = tpu.dynamic_gather %masked_cumsum3A_1332[%gather3A_1371] in [0] : vector<16xi32>, vector<16xi32> -> vector<16xi32>
      %add3A_1373 = arith.addi %add3A_1322, %gather3A_1372 : vector<16xi32>
      %get3A_1374 = arith.constant 48 : index
      %get3A_1375 = tpu.vector_load %arg10[%get3A_1374] {strides = array<i32>} : memref<528xi32, #tpu.memory_space<vmem>>, vector<16xi32>,
      %get3A_1376 = arith.constant 48 : index
      %get3A_1377 = tpu.vector_load %arg11[%get3A_1376] {strides = array<i32>} : memref<528xi32, #tpu.memory_space<vmem>>, vector<16xi32>,
      %gt3A_1378 = arith.cmpi sgt, %get3A_1375, %broadcast_in_dim3A_1187 : vector<16xi32>
      %eq3A_1379 = arith.cmpi eq, %get3A_1375, %broadcast_in_dim3A_1187 : vector<16xi32>
      %select_n3A_1380 = arith.select %eq3A_1379, %broadcast_in_dim3A_3, %broadcast_in_dim3A_5 : vector<16xi1>, vector<16xi32>
      %broadcast_in_dim3A_1381 = arith.constant true
      %broadcast_in_dim3A_1382 = vector.broadcast %broadcast_in_dim3A_1381 : i1 to vector<16xi1>
      %masked_cumsum3A_1383 = tpu.scan <sum>, %select_n3A_1380 masked %broadcast_in_dim3A_1382 : vector<16xi32>, vector<16xi1> -> vector<16xi32>
      %add3A_1384 = arith.addi %masked_cumsum3A_1383, %add3A_1373 : vector<16xi32>
      %le3A_1385 = arith.cmpi sle, %add3A_1384, %broadcast_in_dim3A_1223 : vector<16xi32>
      %and3A_1386 = arith.andi %eq3A_1379, %le3A_1385 : vector<16xi1>
      %or3A_1387 = arith.ori %gt3A_1378, %and3A_1386 : vector<16xi1>
      %select_n3A_1388 = arith.select %or3A_1387, %broadcast_in_dim3A_3, %broadcast_in_dim3A_5 : vector<16xi1>, vector<16xi32>
      %broadcast_in_dim3A_1389 = arith.constant true
      %broadcast_in_dim3A_1390 = vector.broadcast %broadcast_in_dim3A_1389 : i1 to vector<16xi1>
      %masked_cumsum3A_1391 = tpu.scan <sum>, %select_n3A_1388 masked %broadcast_in_dim3A_1390 : vector<16xi32>, vector<16xi1> -> vector<16xi32>
      %add3A_1392 = arith.addi %add3A_1360, %masked_cumsum3A_1391 : vector<16xi32>
      %sub3A_1393 = arith.constant 1 : i32
      %sub3A_1394 = vector.broadcast %sub3A_1393 : i32 to vector<16xi32>
      %sub3A_1395 = arith.subi %add3A_1392, %sub3A_1394 : vector<16xi32>
      %min3A_1396 = arith.constant 47 : i32
      %min3A_1397 = vector.broadcast %min3A_1396 : i32 to vector<16xi32>
      %min3A_1398 = arith.minsi %sub3A_1395, %min3A_1397 : vector<16xi32>
      tpu.vector_store_idx %arg14[%min3A_1398], %get3A_1375 masked %or3A_1387 : memref<48xi32, #tpu.memory_space<vmem>>[vector<16xi32>], vector<16xi32>, vector<16xi1>
      tpu.vector_store_idx %arg15[%min3A_1398], %get3A_1377 masked %or3A_1387 : memref<48xi32, #tpu.memory_space<vmem>>[vector<16xi32>], vector<16xi32>, vector<16xi1>
      %broadcast_in_dim3A_1399 = arith.constant 15 : i32
      %broadcast_in_dim3A_1400 = vector.broadcast %broadcast_in_dim3A_1399 : i32 to vector<16xi32>
      %lt3A_1401 = arith.constant 0 : i32
      %lt3A_1402 = vector.broadcast %lt3A_1401 : i32 to vector<16xi32>
      %lt3A_1403 = arith.cmpi slt, %broadcast_in_dim3A_1400, %lt3A_1402 : vector<16xi32>
      %add3A_1404 = arith.constant 16 : i32
      %add3A_1405 = vector.broadcast %add3A_1404 : i32 to vector<16xi32>
      %add3A_1406 = arith.addi %broadcast_in_dim3A_1400, %add3A_1405 : vector<16xi32>
      %select_n3A_1407 = arith.select %lt3A_1403, %add3A_1406, %broadcast_in_dim3A_1400 : vector<16xi1>, vector<16xi32>
      %broadcast_in_dim3A_1408 = vector.shape_cast %select_n3A_1407 : vector<16xi32> to vector<16x1xi32>
      %gather3A_1409 = vector.shape_cast %broadcast_in_dim3A_1408 : vector<16x1xi32> to vector<16xi32>
      %gather3A_1410 = tpu.dynamic_gather %masked_cumsum3A_1391[%gather3A_1409] in [0] : vector<16xi32>, vector<16xi32> -> vector<16xi32>
      %add3A_1411 = arith.addi %add3A_1360, %gather3A_1410 : vector<16xi32>
      %broadcast_in_dim3A_1412 = arith.constant 15 : i32
      %broadcast_in_dim3A_1413 = vector.broadcast %broadcast_in_dim3A_1412 : i32 to vector<16xi32>
      %lt3A_1414 = arith.constant 0 : i32
      %lt3A_1415 = vector.broadcast %lt3A_1414 : i32 to vector<16xi32>
      %lt3A_1416 = arith.cmpi slt, %broadcast_in_dim3A_1413, %lt3A_1415 : vector<16xi32>
      %add3A_1417 = arith.constant 16 : i32
      %add3A_1418 = vector.broadcast %add3A_1417 : i32 to vector<16xi32>
      %add3A_1419 = arith.addi %broadcast_in_dim3A_1413, %add3A_1418 : vector<16xi32>
      %select_n3A_1420 = arith.select %lt3A_1416, %add3A_1419, %broadcast_in_dim3A_1413 : vector<16xi1>, vector<16xi32>
      %broadcast_in_dim3A_1421 = vector.shape_cast %select_n3A_1420 : vector<16xi32> to vector<16x1xi32>
      %gather3A_1422 = vector.shape_cast %broadcast_in_dim3A_1421 : vector<16x1xi32> to vector<16xi32>
      %gather3A_1423 = tpu.dynamic_gather %masked_cumsum3A_1383[%gather3A_1422] in [0] : vector<16xi32>, vector<16xi32> -> vector<16xi32>
      %add3A_1424 = arith.addi %add3A_1373, %gather3A_1423 : vector<16xi32>
      %while3A_1425 = arith.constant 4 : i32
      %while3A_1426 = arith.subi %select_n3A_773, %while3A_1425 : i32
      %while3A_1427 = arith.addi %while3A_1425, %while3A_1426 : i32
      %while3A_1428 = arith.constant 1 : i32
      %while3A_1429 = arith.divsi %while3A_1426, %while3A_1428 : i32
      %while3A_1430 = arith.muli %while3A_1429, %while3A_1428 : i32
      %while3A_1431 = arith.addi %while3A_1425, %while3A_1430 : i32
      %while3A_1432 = arith.constant 1 : i32
      %while3A_1433:2 = scf.for %while3A_1885 = %while3A_1425 to %while3A_1431 step %while3A_1432 iter_args(%while3A_1886 = %add3A_1411, %while3A_1887 = %add3A_1424) -> (vector<16xi32>, vector<16xi32>)  : i32 {
        %mul3A_1888 = arith.constant 16 : i32
        %mul3A_1889 = arith.muli %while3A_1885, %mul3A_1888 : i32
        %get3A_1890 = arith.index_cast %mul3A_1889 : i32 to index
        %get3A_1891 = tpu.vector_load %arg10[%get3A_1890] {strides = array<i32>} : memref<528xi32, #tpu.memory_space<vmem>>, vector<16xi32>,
        %get3A_1892 = arith.index_cast %mul3A_1889 : i32 to index
        %get3A_1893 = tpu.vector_load %arg11[%get3A_1892] {strides = array<i32>} : memref<528xi32, #tpu.memory_space<vmem>>, vector<16xi32>,
        %gt3A_1894 = arith.cmpi sgt, %get3A_1891, %broadcast_in_dim3A_1187 : vector<16xi32>
        %eq3A_1895 = arith.cmpi eq, %get3A_1891, %broadcast_in_dim3A_1187 : vector<16xi32>
        %select_n3A_1896 = arith.select %eq3A_1895, %broadcast_in_dim3A_3, %broadcast_in_dim3A_5 : vector<16xi1>, vector<16xi32>
        %broadcast_in_dim3A_1897 = arith.constant true
        %broadcast_in_dim3A_1898 = vector.broadcast %broadcast_in_dim3A_1897 : i1 to vector<16xi1>
        %masked_cumsum3A_1899 = tpu.scan <sum>, %select_n3A_1896 masked %broadcast_in_dim3A_1898 : vector<16xi32>, vector<16xi1> -> vector<16xi32>
        %add3A_1900 = arith.addi %masked_cumsum3A_1899, %while3A_1887 : vector<16xi32>
        %le3A_1901 = arith.cmpi sle, %add3A_1900, %broadcast_in_dim3A_1223 : vector<16xi32>
        %and3A_1902 = arith.andi %eq3A_1895, %le3A_1901 : vector<16xi1>
        %or3A_1903 = arith.ori %gt3A_1894, %and3A_1902 : vector<16xi1>
        %select_n3A_1904 = arith.select %or3A_1903, %broadcast_in_dim3A_3, %broadcast_in_dim3A_5 : vector<16xi1>, vector<16xi32>
        %broadcast_in_dim3A_1905 = arith.constant true
        %broadcast_in_dim3A_1906 = vector.broadcast %broadcast_in_dim3A_1905 : i1 to vector<16xi1>
        %masked_cumsum3A_1907 = tpu.scan <sum>, %select_n3A_1904 masked %broadcast_in_dim3A_1906 : vector<16xi32>, vector<16xi1> -> vector<16xi32>
        %add3A_1908 = arith.addi %while3A_1886, %masked_cumsum3A_1907 : vector<16xi32>
        %sub3A_1909 = arith.constant 1 : i32
        %sub3A_1910 = vector.broadcast %sub3A_1909 : i32 to vector<16xi32>
        %sub3A_1911 = arith.subi %add3A_1908, %sub3A_1910 : vector<16xi32>
        %min3A_1912 = arith.constant 47 : i32
        %min3A_1913 = vector.broadcast %min3A_1912 : i32 to vector<16xi32>
        %min3A_1914 = arith.minsi %sub3A_1911, %min3A_1913 : vector<16xi32>
        tpu.vector_store_idx %arg14[%min3A_1914], %get3A_1891 masked %or3A_1903 : memref<48xi32, #tpu.memory_space<vmem>>[vector<16xi32>], vector<16xi32>, vector<16xi1>
        tpu.vector_store_idx %arg15[%min3A_1914], %get3A_1893 masked %or3A_1903 : memref<48xi32, #tpu.memory_space<vmem>>[vector<16xi32>], vector<16xi32>, vector<16xi1>
        %broadcast_in_dim3A_1915 = arith.constant 15 : i32
        %broadcast_in_dim3A_1916 = vector.broadcast %broadcast_in_dim3A_1915 : i32 to vector<16xi32>
        %lt3A_1917 = arith.constant 0 : i32
        %lt3A_1918 = vector.broadcast %lt3A_1917 : i32 to vector<16xi32>
        %lt3A_1919 = arith.cmpi slt, %broadcast_in_dim3A_1916, %lt3A_1918 : vector<16xi32>
        %add3A_1920 = arith.constant 16 : i32
        %add3A_1921 = vector.broadcast %add3A_1920 : i32 to vector<16xi32>
        %add3A_1922 = arith.addi %broadcast_in_dim3A_1916, %add3A_1921 : vector<16xi32>
        %select_n3A_1923 = arith.select %lt3A_1919, %add3A_1922, %broadcast_in_dim3A_1916 : vector<16xi1>, vector<16xi32>
        %broadcast_in_dim3A_1924 = vector.shape_cast %select_n3A_1923 : vector<16xi32> to vector<16x1xi32>
        %gather3A_1925 = vector.shape_cast %broadcast_in_dim3A_1924 : vector<16x1xi32> to vector<16xi32>
        %gather3A_1926 = tpu.dynamic_gather %masked_cumsum3A_1907[%gather3A_1925] in [0] : vector<16xi32>, vector<16xi32> -> vector<16xi32>
        %add3A_1927 = arith.addi %while3A_1886, %gather3A_1926 : vector<16xi32>
        %broadcast_in_dim3A_1928 = arith.constant 15 : i32
        %broadcast_in_dim3A_1929 = vector.broadcast %broadcast_in_dim3A_1928 : i32 to vector<16xi32>
        %lt3A_1930 = arith.constant 0 : i32
        %lt3A_1931 = vector.broadcast %lt3A_1930 : i32 to vector<16xi32>
        %lt3A_1932 = arith.cmpi slt, %broadcast_in_dim3A_1929, %lt3A_1931 : vector<16xi32>
        %add3A_1933 = arith.constant 16 : i32
        %add3A_1934 = vector.broadcast %add3A_1933 : i32 to vector<16xi32>
        %add3A_1935 = arith.addi %broadcast_in_dim3A_1929, %add3A_1934 : vector<16xi32>
        %select_n3A_1936 = arith.select %lt3A_1932, %add3A_1935, %broadcast_in_dim3A_1929 : vector<16xi1>, vector<16xi32>
        %broadcast_in_dim3A_1937 = vector.shape_cast %select_n3A_1936 : vector<16xi32> to vector<16x1xi32>
        %gather3A_1938 = vector.shape_cast %broadcast_in_dim3A_1937 : vector<16x1xi32> to vector<16xi32>
        %gather3A_1939 = tpu.dynamic_gather %masked_cumsum3A_1899[%gather3A_1938] in [0] : vector<16xi32>, vector<16xi32> -> vector<16xi32>
        %add3A_1940 = arith.addi %while3A_1887, %gather3A_1939 : vector<16xi32>
        scf.yield %add3A_1927, %add3A_1940 : vector<16xi32>, vector<16xi32>
      }
      %while3A_1434 = arith.constant 1 : i32
      %while3A_1435:2 = scf.for %while3A_1885 = %while3A_1431 to %while3A_1427 step %while3A_1434 iter_args(%while3A_1886 = %while3A_1433#0, %while3A_1887 = %while3A_1433#1) -> (vector<16xi32>, vector<16xi32>)  : i32 {
        %mul3A_1888 = arith.constant 16 : i32
        %mul3A_1889 = arith.muli %while3A_1885, %mul3A_1888 : i32
        %get3A_1890 = arith.index_cast %mul3A_1889 : i32 to index
        %get3A_1891 = tpu.vector_load %arg10[%get3A_1890] {strides = array<i32>} : memref<528xi32, #tpu.memory_space<vmem>>, vector<16xi32>,
        %get3A_1892 = arith.index_cast %mul3A_1889 : i32 to index
        %get3A_1893 = tpu.vector_load %arg11[%get3A_1892] {strides = array<i32>} : memref<528xi32, #tpu.memory_space<vmem>>, vector<16xi32>,
        %gt3A_1894 = arith.cmpi sgt, %get3A_1891, %broadcast_in_dim3A_1187 : vector<16xi32>
        %eq3A_1895 = arith.cmpi eq, %get3A_1891, %broadcast_in_dim3A_1187 : vector<16xi32>
        %select_n3A_1896 = arith.select %eq3A_1895, %broadcast_in_dim3A_3, %broadcast_in_dim3A_5 : vector<16xi1>, vector<16xi32>
        %broadcast_in_dim3A_1897 = arith.constant true
        %broadcast_in_dim3A_1898 = vector.broadcast %broadcast_in_dim3A_1897 : i1 to vector<16xi1>
        %masked_cumsum3A_1899 = tpu.scan <sum>, %select_n3A_1896 masked %broadcast_in_dim3A_1898 : vector<16xi32>, vector<16xi1> -> vector<16xi32>
        %add3A_1900 = arith.addi %masked_cumsum3A_1899, %while3A_1887 : vector<16xi32>
        %le3A_1901 = arith.cmpi sle, %add3A_1900, %broadcast_in_dim3A_1223 : vector<16xi32>
        %and3A_1902 = arith.andi %eq3A_1895, %le3A_1901 : vector<16xi1>
        %or3A_1903 = arith.ori %gt3A_1894, %and3A_1902 : vector<16xi1>
        %select_n3A_1904 = arith.select %or3A_1903, %broadcast_in_dim3A_3, %broadcast_in_dim3A_5 : vector<16xi1>, vector<16xi32>
        %broadcast_in_dim3A_1905 = arith.constant true
        %broadcast_in_dim3A_1906 = vector.broadcast %broadcast_in_dim3A_1905 : i1 to vector<16xi1>
        %masked_cumsum3A_1907 = tpu.scan <sum>, %select_n3A_1904 masked %broadcast_in_dim3A_1906 : vector<16xi32>, vector<16xi1> -> vector<16xi32>
        %add3A_1908 = arith.addi %while3A_1886, %masked_cumsum3A_1907 : vector<16xi32>
        %sub3A_1909 = arith.constant 1 : i32
        %sub3A_1910 = vector.broadcast %sub3A_1909 : i32 to vector<16xi32>
        %sub3A_1911 = arith.subi %add3A_1908, %sub3A_1910 : vector<16xi32>
        %min3A_1912 = arith.constant 47 : i32
        %min3A_1913 = vector.broadcast %min3A_1912 : i32 to vector<16xi32>
        %min3A_1914 = arith.minsi %sub3A_1911, %min3A_1913 : vector<16xi32>
        tpu.vector_store_idx %arg14[%min3A_1914], %get3A_1891 masked %or3A_1903 : memref<48xi32, #tpu.memory_space<vmem>>[vector<16xi32>], vector<16xi32>, vector<16xi1>
        tpu.vector_store_idx %arg15[%min3A_1914], %get3A_1893 masked %or3A_1903 : memref<48xi32, #tpu.memory_space<vmem>>[vector<16xi32>], vector<16xi32>, vector<16xi1>
        %broadcast_in_dim3A_1915 = arith.constant 15 : i32
        %broadcast_in_dim3A_1916 = vector.broadcast %broadcast_in_dim3A_1915 : i32 to vector<16xi32>
        %lt3A_1917 = arith.constant 0 : i32
        %lt3A_1918 = vector.broadcast %lt3A_1917 : i32 to vector<16xi32>
        %lt3A_1919 = arith.cmpi slt, %broadcast_in_dim3A_1916, %lt3A_1918 : vector<16xi32>
        %add3A_1920 = arith.constant 16 : i32
        %add3A_1921 = vector.broadcast %add3A_1920 : i32 to vector<16xi32>
        %add3A_1922 = arith.addi %broadcast_in_dim3A_1916, %add3A_1921 : vector<16xi32>
        %select_n3A_1923 = arith.select %lt3A_1919, %add3A_1922, %broadcast_in_dim3A_1916 : vector<16xi1>, vector<16xi32>
        %broadcast_in_dim3A_1924 = vector.shape_cast %select_n3A_1923 : vector<16xi32> to vector<16x1xi32>
        %gather3A_1925 = vector.shape_cast %broadcast_in_dim3A_1924 : vector<16x1xi32> to vector<16xi32>
        %gather3A_1926 = tpu.dynamic_gather %masked_cumsum3A_1907[%gather3A_1925] in [0] : vector<16xi32>, vector<16xi32> -> vector<16xi32>
        %add3A_1927 = arith.addi %while3A_1886, %gather3A_1926 : vector<16xi32>
        %broadcast_in_dim3A_1928 = arith.constant 15 : i32
        %broadcast_in_dim3A_1929 = vector.broadcast %broadcast_in_dim3A_1928 : i32 to vector<16xi32>
        %lt3A_1930 = arith.constant 0 : i32
        %lt3A_1931 = vector.broadcast %lt3A_1930 : i32 to vector<16xi32>
        %lt3A_1932 = arith.cmpi slt, %broadcast_in_dim3A_1929, %lt3A_1931 : vector<16xi32>
        %add3A_1933 = arith.constant 16 : i32
        %add3A_1934 = vector.broadcast %add3A_1933 : i32 to vector<16xi32>
        %add3A_1935 = arith.addi %broadcast_in_dim3A_1929, %add3A_1934 : vector<16xi32>
        %select_n3A_1936 = arith.select %lt3A_1932, %add3A_1935, %broadcast_in_dim3A_1929 : vector<16xi1>, vector<16xi32>
        %broadcast_in_dim3A_1937 = vector.shape_cast %select_n3A_1936 : vector<16xi32> to vector<16x1xi32>
        %gather3A_1938 = vector.shape_cast %broadcast_in_dim3A_1937 : vector<16x1xi32> to vector<16xi32>
        %gather3A_1939 = tpu.dynamic_gather %masked_cumsum3A_1899[%gather3A_1938] in [0] : vector<16xi32>, vector<16xi32> -> vector<16xi32>
        %add3A_1940 = arith.addi %while3A_1887, %gather3A_1939 : vector<16xi32>
        scf.yield %add3A_1927, %add3A_1940 : vector<16xi32>, vector<16xi32>
      }
      %add3A_1436 = arith.addi %mul3A_2, %mul3A_340 : i32
      %mul3A_1437 = arith.constant 20480 : i32
      %mul3A_1438 = arith.muli %add3A_1436, %mul3A_1437 : i32
      %get3A_1439 = arith.constant 0 : index
      %get3A_1440 = tpu.vector_load %arg14[%get3A_1439] {strides = array<i32>} : memref<48xi32, #tpu.memory_space<vmem>>, vector<16xi32>,
      %bitcast3A_1441 = vector.bitcast %get3A_1440 : vector<16xi32> to vector<16xf32>
      %get3A_1442 = arith.constant 0 : index
      %get3A_1443 = tpu.vector_load %arg15[%get3A_1442] {strides = array<i32>} : memref<48xi32, #tpu.memory_space<vmem>>, vector<16xi32>,
      %add3A_1444 = vector.broadcast %mul3A_1438 : i32 to vector<16xi32>
      %add3A_1445 = arith.addi %get3A_1443, %add3A_1444 : vector<16xi32>
      %mul3A_1446 = arith.constant 32 : i32
      %mul3A_1447 = arith.muli %mul3A_340, %mul3A_1446 : i32
      %add3A_1448 = arith.constant 0 : i32
      %add3A_1449 = arith.addi %mul3A_1447, %add3A_1448 : i32
      %swap3A_1450 = arith.index_cast %add3A_1449 : i32 to index
      %swap3A_1451 = tpu.vector_load %arg16[%swap3A_1450] {strides = array<i32>} : memref<2048xf32, #tpu.memory_space<vmem>>, vector<16xf32>,
      tpu.vector_store %arg16[%swap3A_1450], %bitcast3A_1441 {strides = array<i32>} : memref<2048xf32, #tpu.memory_space<vmem>>, vector<16xf32>,
      %jit3A_1452 = arith.constant 4 : i32
      %div3A_1453 = arith.divsi %mul3A_340, %jit3A_1452 : i32
      %sign3A_1454 = arith.constant 0 : i32
      %sign3A_1455 = arith.cmpi sgt, %mul3A_340, %sign3A_1454 : i32
      %sign3A_1456 = arith.extui %sign3A_1455 : i1 to i32
      %sign3A_1457 = arith.constant 0 : i32
      %sign3A_1458 = arith.cmpi slt, %mul3A_340, %sign3A_1457 : i32
      %sign3A_1459 = arith.extui %sign3A_1458 : i1 to i32
      %sign3A_1460 = arith.subi %sign3A_1456, %sign3A_1459 : i32
      %sign3A_1461 = arith.constant 0 : i32
      %sign3A_1462 = arith.cmpi sgt, %jit3A_1452, %sign3A_1461 : i32
      %sign3A_1463 = arith.extui %sign3A_1462 : i1 to i32
      %sign3A_1464 = arith.constant 0 : i32
      %sign3A_1465 = arith.cmpi slt, %jit3A_1452, %sign3A_1464 : i32
      %sign3A_1466 = arith.extui %sign3A_1465 : i1 to i32
      %sign3A_1467 = arith.subi %sign3A_1463, %sign3A_1466 : i32
      %ne3A_1468 = arith.cmpi ne, %sign3A_1460, %sign3A_1467 : i32
      %rem3A_1469 = arith.remsi %mul3A_340, %jit3A_1452 : i32
      %ne3A_1470 = arith.constant 0 : i32
      %ne3A_1471 = arith.cmpi ne, %rem3A_1469, %ne3A_1470 : i32
      %and3A_1472 = arith.andi %ne3A_1468, %ne3A_1471 : i1
      %sub3A_1473 = arith.constant 1 : i32
      %sub3A_1474 = arith.subi %div3A_1453, %sub3A_1473 : i32
      %select_n3A_1475 = arith.select %and3A_1472, %sub3A_1474, %div3A_1453 : i32
      %rem3A_1476 = arith.constant 4 : i32
      %rem3A_1477 = arith.remsi %mul3A_340, %rem3A_1476 : i32
      %mul3A_1478 = arith.constant 32 : i32
      %mul3A_1479 = arith.muli %rem3A_1477, %mul3A_1478 : i32
      %add3A_1480 = arith.constant 0 : i32
      %add3A_1481 = arith.addi %mul3A_1479, %add3A_1480 : i32
      %swap3A_1482 = arith.index_cast %select_n3A_1475 : i32 to index
      %swap3A_1483 = arith.index_cast %add3A_1481 : i32 to index
      %swap3A_1484 = tpu.vector_load %arg17[%swap3A_1482, %swap3A_1483] {strides = array<i32>} : memref<16x128xi32, #tpu.memory_space<vmem>>, vector<16xi32>,
      tpu.vector_store %arg17[%swap3A_1482, %swap3A_1483], %add3A_1445 {strides = array<i32>} : memref<16x128xi32, #tpu.memory_space<vmem>>, vector<16xi32>,
      %get3A_1485 = arith.constant 16 : index
      %get3A_1486 = tpu.vector_load %arg14[%get3A_1485] {strides = array<i32>} : memref<48xi32, #tpu.memory_space<vmem>>, vector<16xi32>,
      %bitcast3A_1487 = vector.bitcast %get3A_1486 : vector<16xi32> to vector<16xf32>
      %get3A_1488 = arith.constant 16 : index
      %get3A_1489 = tpu.vector_load %arg15[%get3A_1488] {strides = array<i32>} : memref<48xi32, #tpu.memory_space<vmem>>, vector<16xi32>,
      %add3A_1490 = vector.broadcast %mul3A_1438 : i32 to vector<16xi32>
      %add3A_1491 = arith.addi %get3A_1489, %add3A_1490 : vector<16xi32>
      %mul3A_1492 = arith.constant 32 : i32
      %mul3A_1493 = arith.muli %mul3A_340, %mul3A_1492 : i32
      %add3A_1494 = arith.constant 16 : i32
      %add3A_1495 = arith.addi %mul3A_1493, %add3A_1494 : i32
      %swap3A_1496 = arith.index_cast %add3A_1495 : i32 to index
      %swap3A_1497 = tpu.vector_load %arg16[%swap3A_1496] {strides = array<i32>} : memref<2048xf32, #tpu.memory_space<vmem>>, vector<16xf32>,
      tpu.vector_store %arg16[%swap3A_1496], %bitcast3A_1487 {strides = array<i32>} : memref<2048xf32, #tpu.memory_space<vmem>>, vector<16xf32>,
      %jit3A_1498 = arith.constant 4 : i32
      %div3A_1499 = arith.divsi %mul3A_340, %jit3A_1498 : i32
      %sign3A_1500 = arith.constant 0 : i32
      %sign3A_1501 = arith.cmpi sgt, %mul3A_340, %sign3A_1500 : i32
      %sign3A_1502 = arith.extui %sign3A_1501 : i1 to i32
      %sign3A_1503 = arith.constant 0 : i32
      %sign3A_1504 = arith.cmpi slt, %mul3A_340, %sign3A_1503 : i32
      %sign3A_1505 = arith.extui %sign3A_1504 : i1 to i32
      %sign3A_1506 = arith.subi %sign3A_1502, %sign3A_1505 : i32
      %sign3A_1507 = arith.constant 0 : i32
      %sign3A_1508 = arith.cmpi sgt, %jit3A_1498, %sign3A_1507 : i32
      %sign3A_1509 = arith.extui %sign3A_1508 : i1 to i32
      %sign3A_1510 = arith.constant 0 : i32
      %sign3A_1511 = arith.cmpi slt, %jit3A_1498, %sign3A_1510 : i32
      %sign3A_1512 = arith.extui %sign3A_1511 : i1 to i32
      %sign3A_1513 = arith.subi %sign3A_1509, %sign3A_1512 : i32
      %ne3A_1514 = arith.cmpi ne, %sign3A_1506, %sign3A_1513 : i32
      %rem3A_1515 = arith.remsi %mul3A_340, %jit3A_1498 : i32
      %ne3A_1516 = arith.constant 0 : i32
      %ne3A_1517 = arith.cmpi ne, %rem3A_1515, %ne3A_1516 : i32
      %and3A_1518 = arith.andi %ne3A_1514, %ne3A_1517 : i1
      %sub3A_1519 = arith.constant 1 : i32
      %sub3A_1520 = arith.subi %div3A_1499, %sub3A_1519 : i32
      %select_n3A_1521 = arith.select %and3A_1518, %sub3A_1520, %div3A_1499 : i32
      %rem3A_1522 = arith.constant 4 : i32
      %rem3A_1523 = arith.remsi %mul3A_340, %rem3A_1522 : i32
      %mul3A_1524 = arith.constant 32 : i32
      %mul3A_1525 = arith.muli %rem3A_1523, %mul3A_1524 : i32
      %add3A_1526 = arith.constant 16 : i32
      %add3A_1527 = arith.addi %mul3A_1525, %add3A_1526 : i32
      %swap3A_1528 = arith.index_cast %select_n3A_1521 : i32 to index
      %swap3A_1529 = arith.index_cast %add3A_1527 : i32 to index
      %swap3A_1530 = tpu.vector_load %arg17[%swap3A_1528, %swap3A_1529] {strides = array<i32>} : memref<16x128xi32, #tpu.memory_space<vmem>>, vector<16xi32>,
      tpu.vector_store %arg17[%swap3A_1528, %swap3A_1529], %add3A_1491 {strides = array<i32>} : memref<16x128xi32, #tpu.memory_space<vmem>>, vector<16xi32>,
      %broadcast_in_dim3A_1531 = vector.broadcast %scan3A_1185#1 : i32 to vector<16xi32>
      %get3A_1532 = arith.constant 0 : index
      %get3A_1533 = tpu.vector_load %arg12[%get3A_1532] {strides = array<i32>} : memref<528xi32, #tpu.memory_space<vmem>>, vector<16xi32>,
      %gt3A_1534 = arith.cmpi sgt, %get3A_1533, %broadcast_in_dim3A_1531 : vector<16xi32>
      %select_n3A_1535 = arith.select %gt3A_1534, %broadcast_in_dim3A_3, %broadcast_in_dim3A_5 : vector<16xi1>, vector<16xi32>
      %add3A_1536 = arith.addi %broadcast_in_dim3A_5, %select_n3A_1535 : vector<16xi32>
      %get3A_1537 = arith.constant 16 : index
      %get3A_1538 = tpu.vector_load %arg12[%get3A_1537] {strides = array<i32>} : memref<528xi32, #tpu.memory_space<vmem>>, vector<16xi32>,
      %gt3A_1539 = arith.cmpi sgt, %get3A_1538, %broadcast_in_dim3A_1531 : vector<16xi32>
      %select_n3A_1540 = arith.select %gt3A_1539, %broadcast_in_dim3A_3, %broadcast_in_dim3A_5 : vector<16xi1>, vector<16xi32>
      %add3A_1541 = arith.addi %add3A_1536, %select_n3A_1540 : vector<16xi32>
      %get3A_1542 = arith.constant 32 : index
      %get3A_1543 = tpu.vector_load %arg12[%get3A_1542] {strides = array<i32>} : memref<528xi32, #tpu.memory_space<vmem>>, vector<16xi32>,
      %gt3A_1544 = arith.cmpi sgt, %get3A_1543, %broadcast_in_dim3A_1531 : vector<16xi32>
      %select_n3A_1545 = arith.select %gt3A_1544, %broadcast_in_dim3A_3, %broadcast_in_dim3A_5 : vector<16xi1>, vector<16xi32>
      %add3A_1546 = arith.addi %add3A_1541, %select_n3A_1545 : vector<16xi32>
      %get3A_1547 = arith.constant 48 : index
      %get3A_1548 = tpu.vector_load %arg12[%get3A_1547] {strides = array<i32>} : memref<528xi32, #tpu.memory_space<vmem>>, vector<16xi32>,
      %gt3A_1549 = arith.cmpi sgt, %get3A_1548, %broadcast_in_dim3A_1531 : vector<16xi32>
      %select_n3A_1550 = arith.select %gt3A_1549, %broadcast_in_dim3A_3, %broadcast_in_dim3A_5 : vector<16xi1>, vector<16xi32>
      %add3A_1551 = arith.addi %add3A_1546, %select_n3A_1550 : vector<16xi32>
      %while3A_1552 = arith.constant 4 : i32
      %while3A_1553 = arith.subi %select_n3A_1178, %while3A_1552 : i32
      %while3A_1554 = arith.addi %while3A_1552, %while3A_1553 : i32
      %while3A_1555 = arith.constant 1 : i32
      %while3A_1556 = arith.divsi %while3A_1553, %while3A_1555 : i32
      %while3A_1557 = arith.muli %while3A_1556, %while3A_1555 : i32
      %while3A_1558 = arith.addi %while3A_1552, %while3A_1557 : i32
      %while3A_1559 = arith.constant 1 : i32
      %while3A_1560 = scf.for %while3A_1885 = %while3A_1552 to %while3A_1558 step %while3A_1559 iter_args(%while3A_1886 = %add3A_1551) -> (vector<16xi32>)  : i32 {
        %mul3A_1887 = arith.constant 16 : i32
        %mul3A_1888 = arith.muli %while3A_1885, %mul3A_1887 : i32
        %get3A_1889 = arith.index_cast %mul3A_1888 : i32 to index
        %get3A_1890 = tpu.vector_load %arg12[%get3A_1889] {strides = array<i32>} : memref<528xi32, #tpu.memory_space<vmem>>, vector<16xi32>,
        %gt3A_1891 = arith.cmpi sgt, %get3A_1890, %broadcast_in_dim3A_1531 : vector<16xi32>
        %select_n3A_1892 = arith.select %gt3A_1891, %broadcast_in_dim3A_3, %broadcast_in_dim3A_5 : vector<16xi1>, vector<16xi32>
        %add3A_1893 = arith.addi %while3A_1886, %select_n3A_1892 : vector<16xi32>
        scf.yield %add3A_1893 : vector<16xi32>
      }
      %while3A_1561 = arith.constant 1 : i32
      %while3A_1562 = scf.for %while3A_1885 = %while3A_1558 to %while3A_1554 step %while3A_1561 iter_args(%while3A_1886 = %while3A_1560) -> (vector<16xi32>)  : i32 {
        %mul3A_1887 = arith.constant 16 : i32
        %mul3A_1888 = arith.muli %while3A_1885, %mul3A_1887 : i32
        %get3A_1889 = arith.index_cast %mul3A_1888 : i32 to index
        %get3A_1890 = tpu.vector_load %arg12[%get3A_1889] {strides = array<i32>} : memref<528xi32, #tpu.memory_space<vmem>>, vector<16xi32>,
        %gt3A_1891 = arith.cmpi sgt, %get3A_1890, %broadcast_in_dim3A_1531 : vector<16xi32>
        %select_n3A_1892 = arith.select %gt3A_1891, %broadcast_in_dim3A_3, %broadcast_in_dim3A_5 : vector<16xi1>, vector<16xi32>
        %add3A_1893 = arith.addi %while3A_1886, %select_n3A_1892 : vector<16xi32>
        scf.yield %add3A_1893 : vector<16xi32>
      }
      %reduce_sum3A_1563 = arith.constant true
      %reduce_sum3A_1564 = vector.broadcast %reduce_sum3A_1563 : i1 to vector<16xi1>
      %reduce_sum3A_1565 = tpu.scan <sum>, %while3A_1562 masked %reduce_sum3A_1564 : vector<16xi32>, vector<16xi1> -> vector<16xi32>
      %reduce_sum3A_1566 = vector.extract %reduce_sum3A_1565[15] : i32 from vector<16xi32>
      %sub3A_1567 = arith.constant 32 : i32
      %sub3A_1568 = arith.subi %sub3A_1567, %reduce_sum3A_1566 : i32
      %broadcast_in_dim3A_1569 = vector.broadcast %sub3A_1568 : i32 to vector<16xi32>
      %get3A_1570 = arith.constant 0 : index
      %get3A_1571 = tpu.vector_load %arg12[%get3A_1570] {strides = array<i32>} : memref<528xi32, #tpu.memory_space<vmem>>, vector<16xi32>,
      %get3A_1572 = arith.constant 0 : index
      %get3A_1573 = tpu.vector_load %arg13[%get3A_1572] {strides = array<i32>} : memref<528xi32, #tpu.memory_space<vmem>>, vector<16xi32>,
      %gt3A_1574 = arith.cmpi sgt, %get3A_1571, %broadcast_in_dim3A_1531 : vector<16xi32>
      %eq3A_1575 = arith.cmpi eq, %get3A_1571, %broadcast_in_dim3A_1531 : vector<16xi32>
      %select_n3A_1576 = arith.select %eq3A_1575, %broadcast_in_dim3A_3, %broadcast_in_dim3A_5 : vector<16xi1>, vector<16xi32>
      %broadcast_in_dim3A_1577 = arith.constant true
      %broadcast_in_dim3A_1578 = vector.broadcast %broadcast_in_dim3A_1577 : i1 to vector<16xi1>
      %masked_cumsum3A_1579 = tpu.scan <sum>, %select_n3A_1576 masked %broadcast_in_dim3A_1578 : vector<16xi32>, vector<16xi1> -> vector<16xi32>
      %add3A_1580 = arith.addi %masked_cumsum3A_1579, %broadcast_in_dim3A_5 : vector<16xi32>
      %le3A_1581 = arith.cmpi sle, %add3A_1580, %broadcast_in_dim3A_1569 : vector<16xi32>
      %and3A_1582 = arith.andi %eq3A_1575, %le3A_1581 : vector<16xi1>
      %or3A_1583 = arith.ori %gt3A_1574, %and3A_1582 : vector<16xi1>
      %select_n3A_1584 = arith.select %or3A_1583, %broadcast_in_dim3A_3, %broadcast_in_dim3A_5 : vector<16xi1>, vector<16xi32>
      %broadcast_in_dim3A_1585 = arith.constant true
      %broadcast_in_dim3A_1586 = vector.broadcast %broadcast_in_dim3A_1585 : i1 to vector<16xi1>
      %masked_cumsum3A_1587 = tpu.scan <sum>, %select_n3A_1584 masked %broadcast_in_dim3A_1586 : vector<16xi32>, vector<16xi1> -> vector<16xi32>
      %add3A_1588 = arith.addi %broadcast_in_dim3A_5, %masked_cumsum3A_1587 : vector<16xi32>
      %sub3A_1589 = arith.constant 1 : i32
      %sub3A_1590 = vector.broadcast %sub3A_1589 : i32 to vector<16xi32>
      %sub3A_1591 = arith.subi %add3A_1588, %sub3A_1590 : vector<16xi32>
      %min3A_1592 = arith.constant 47 : i32
      %min3A_1593 = vector.broadcast %min3A_1592 : i32 to vector<16xi32>
      %min3A_1594 = arith.minsi %sub3A_1591, %min3A_1593 : vector<16xi32>
      tpu.vector_store_idx %arg14[%min3A_1594], %get3A_1571 masked %or3A_1583 : memref<48xi32, #tpu.memory_space<vmem>>[vector<16xi32>], vector<16xi32>, vector<16xi1>
      tpu.vector_store_idx %arg15[%min3A_1594], %get3A_1573 masked %or3A_1583 : memref<48xi32, #tpu.memory_space<vmem>>[vector<16xi32>], vector<16xi32>, vector<16xi1>
      %broadcast_in_dim3A_1595 = arith.constant 15 : i32
      %broadcast_in_dim3A_1596 = vector.broadcast %broadcast_in_dim3A_1595 : i32 to vector<16xi32>
      %lt3A_1597 = arith.constant 0 : i32
      %lt3A_1598 = vector.broadcast %lt3A_1597 : i32 to vector<16xi32>
      %lt3A_1599 = arith.cmpi slt, %broadcast_in_dim3A_1596, %lt3A_1598 : vector<16xi32>
      %add3A_1600 = arith.constant 16 : i32
      %add3A_1601 = vector.broadcast %add3A_1600 : i32 to vector<16xi32>
      %add3A_1602 = arith.addi %broadcast_in_dim3A_1596, %add3A_1601 : vector<16xi32>
      %select_n3A_1603 = arith.select %lt3A_1599, %add3A_1602, %broadcast_in_dim3A_1596 : vector<16xi1>, vector<16xi32>
      %broadcast_in_dim3A_1604 = vector.shape_cast %select_n3A_1603 : vector<16xi32> to vector<16x1xi32>
      %gather3A_1605 = vector.shape_cast %broadcast_in_dim3A_1604 : vector<16x1xi32> to vector<16xi32>
      %gather3A_1606 = tpu.dynamic_gather %masked_cumsum3A_1587[%gather3A_1605] in [0] : vector<16xi32>, vector<16xi32> -> vector<16xi32>
      %add3A_1607 = arith.addi %broadcast_in_dim3A_5, %gather3A_1606 : vector<16xi32>
      %broadcast_in_dim3A_1608 = arith.constant 15 : i32
      %broadcast_in_dim3A_1609 = vector.broadcast %broadcast_in_dim3A_1608 : i32 to vector<16xi32>
      %lt3A_1610 = arith.constant 0 : i32
      %lt3A_1611 = vector.broadcast %lt3A_1610 : i32 to vector<16xi32>
      %lt3A_1612 = arith.cmpi slt, %broadcast_in_dim3A_1609, %lt3A_1611 : vector<16xi32>
      %add3A_1613 = arith.constant 16 : i32
      %add3A_1614 = vector.broadcast %add3A_1613 : i32 to vector<16xi32>
      %add3A_1615 = arith.addi %broadcast_in_dim3A_1609, %add3A_1614 : vector<16xi32>
      %select_n3A_1616 = arith.select %lt3A_1612, %add3A_1615, %broadcast_in_dim3A_1609 : vector<16xi1>, vector<16xi32>
      %broadcast_in_dim3A_1617 = vector.shape_cast %select_n3A_1616 : vector<16xi32> to vector<16x1xi32>
      %gather3A_1618 = vector.shape_cast %broadcast_in_dim3A_1617 : vector<16x1xi32> to vector<16xi32>
      %gather3A_1619 = tpu.dynamic_gather %masked_cumsum3A_1579[%gather3A_1618] in [0] : vector<16xi32>, vector<16xi32> -> vector<16xi32>
      %add3A_1620 = arith.addi %broadcast_in_dim3A_5, %gather3A_1619 : vector<16xi32>
      %get3A_1621 = arith.constant 16 : index
      %get3A_1622 = tpu.vector_load %arg12[%get3A_1621] {strides = array<i32>} : memref<528xi32, #tpu.memory_space<vmem>>, vector<16xi32>,
      %get3A_1623 = arith.constant 16 : index
      %get3A_1624 = tpu.vector_load %arg13[%get3A_1623] {strides = array<i32>} : memref<528xi32, #tpu.memory_space<vmem>>, vector<16xi32>,
      %gt3A_1625 = arith.cmpi sgt, %get3A_1622, %broadcast_in_dim3A_1531 : vector<16xi32>
      %eq3A_1626 = arith.cmpi eq, %get3A_1622, %broadcast_in_dim3A_1531 : vector<16xi32>
      %select_n3A_1627 = arith.select %eq3A_1626, %broadcast_in_dim3A_3, %broadcast_in_dim3A_5 : vector<16xi1>, vector<16xi32>
      %broadcast_in_dim3A_1628 = arith.constant true
      %broadcast_in_dim3A_1629 = vector.broadcast %broadcast_in_dim3A_1628 : i1 to vector<16xi1>
      %masked_cumsum3A_1630 = tpu.scan <sum>, %select_n3A_1627 masked %broadcast_in_dim3A_1629 : vector<16xi32>, vector<16xi1> -> vector<16xi32>
      %add3A_1631 = arith.addi %masked_cumsum3A_1630, %add3A_1620 : vector<16xi32>
      %le3A_1632 = arith.cmpi sle, %add3A_1631, %broadcast_in_dim3A_1569 : vector<16xi32>
      %and3A_1633 = arith.andi %eq3A_1626, %le3A_1632 : vector<16xi1>
      %or3A_1634 = arith.ori %gt3A_1625, %and3A_1633 : vector<16xi1>
      %select_n3A_1635 = arith.select %or3A_1634, %broadcast_in_dim3A_3, %broadcast_in_dim3A_5 : vector<16xi1>, vector<16xi32>
      %broadcast_in_dim3A_1636 = arith.constant true
      %broadcast_in_dim3A_1637 = vector.broadcast %broadcast_in_dim3A_1636 : i1 to vector<16xi1>
      %masked_cumsum3A_1638 = tpu.scan <sum>, %select_n3A_1635 masked %broadcast_in_dim3A_1637 : vector<16xi32>, vector<16xi1> -> vector<16xi32>
      %add3A_1639 = arith.addi %add3A_1607, %masked_cumsum3A_1638 : vector<16xi32>
      %sub3A_1640 = arith.constant 1 : i32
      %sub3A_1641 = vector.broadcast %sub3A_1640 : i32 to vector<16xi32>
      %sub3A_1642 = arith.subi %add3A_1639, %sub3A_1641 : vector<16xi32>
      %min3A_1643 = arith.constant 47 : i32
      %min3A_1644 = vector.broadcast %min3A_1643 : i32 to vector<16xi32>
      %min3A_1645 = arith.minsi %sub3A_1642, %min3A_1644 : vector<16xi32>
      tpu.vector_store_idx %arg14[%min3A_1645], %get3A_1622 masked %or3A_1634 : memref<48xi32, #tpu.memory_space<vmem>>[vector<16xi32>], vector<16xi32>, vector<16xi1>
      tpu.vector_store_idx %arg15[%min3A_1645], %get3A_1624 masked %or3A_1634 : memref<48xi32, #tpu.memory_space<vmem>>[vector<16xi32>], vector<16xi32>, vector<16xi1>
      %broadcast_in_dim3A_1646 = arith.constant 15 : i32
      %broadcast_in_dim3A_1647 = vector.broadcast %broadcast_in_dim3A_1646 : i32 to vector<16xi32>
      %lt3A_1648 = arith.constant 0 : i32
      %lt3A_1649 = vector.broadcast %lt3A_1648 : i32 to vector<16xi32>
      %lt3A_1650 = arith.cmpi slt, %broadcast_in_dim3A_1647, %lt3A_1649 : vector<16xi32>
      %add3A_1651 = arith.constant 16 : i32
      %add3A_1652 = vector.broadcast %add3A_1651 : i32 to vector<16xi32>
      %add3A_1653 = arith.addi %broadcast_in_dim3A_1647, %add3A_1652 : vector<16xi32>
      %select_n3A_1654 = arith.select %lt3A_1650, %add3A_1653, %broadcast_in_dim3A_1647 : vector<16xi1>, vector<16xi32>
      %broadcast_in_dim3A_1655 = vector.shape_cast %select_n3A_1654 : vector<16xi32> to vector<16x1xi32>
      %gather3A_1656 = vector.shape_cast %broadcast_in_dim3A_1655 : vector<16x1xi32> to vector<16xi32>
      %gather3A_1657 = tpu.dynamic_gather %masked_cumsum3A_1638[%gather3A_1656] in [0] : vector<16xi32>, vector<16xi32> -> vector<16xi32>
      %add3A_1658 = arith.addi %add3A_1607, %gather3A_1657 : vector<16xi32>
      %broadcast_in_dim3A_1659 = arith.constant 15 : i32
      %broadcast_in_dim3A_1660 = vector.broadcast %broadcast_in_dim3A_1659 : i32 to vector<16xi32>
      %lt3A_1661 = arith.constant 0 : i32
      %lt3A_1662 = vector.broadcast %lt3A_1661 : i32 to vector<16xi32>
      %lt3A_1663 = arith.cmpi slt, %broadcast_in_dim3A_1660, %lt3A_1662 : vector<16xi32>
      %add3A_1664 = arith.constant 16 : i32
      %add3A_1665 = vector.broadcast %add3A_1664 : i32 to vector<16xi32>
      %add3A_1666 = arith.addi %broadcast_in_dim3A_1660, %add3A_1665 : vector<16xi32>
      %select_n3A_1667 = arith.select %lt3A_1663, %add3A_1666, %broadcast_in_dim3A_1660 : vector<16xi1>, vector<16xi32>
      %broadcast_in_dim3A_1668 = vector.shape_cast %select_n3A_1667 : vector<16xi32> to vector<16x1xi32>
      %gather3A_1669 = vector.shape_cast %broadcast_in_dim3A_1668 : vector<16x1xi32> to vector<16xi32>
      %gather3A_1670 = tpu.dynamic_gather %masked_cumsum3A_1630[%gather3A_1669] in [0] : vector<16xi32>, vector<16xi32> -> vector<16xi32>
      %add3A_1671 = arith.addi %add3A_1620, %gather3A_1670 : vector<16xi32>
      %get3A_1672 = arith.constant 32 : index
      %get3A_1673 = tpu.vector_load %arg12[%get3A_1672] {strides = array<i32>} : memref<528xi32, #tpu.memory_space<vmem>>, vector<16xi32>,
      %get3A_1674 = arith.constant 32 : index
      %get3A_1675 = tpu.vector_load %arg13[%get3A_1674] {strides = array<i32>} : memref<528xi32, #tpu.memory_space<vmem>>, vector<16xi32>,
      %gt3A_1676 = arith.cmpi sgt, %get3A_1673, %broadcast_in_dim3A_1531 : vector<16xi32>
      %eq3A_1677 = arith.cmpi eq, %get3A_1673, %broadcast_in_dim3A_1531 : vector<16xi32>
      %select_n3A_1678 = arith.select %eq3A_1677, %broadcast_in_dim3A_3, %broadcast_in_dim3A_5 : vector<16xi1>, vector<16xi32>
      %broadcast_in_dim3A_1679 = arith.constant true
      %broadcast_in_dim3A_1680 = vector.broadcast %broadcast_in_dim3A_1679 : i1 to vector<16xi1>
      %masked_cumsum3A_1681 = tpu.scan <sum>, %select_n3A_1678 masked %broadcast_in_dim3A_1680 : vector<16xi32>, vector<16xi1> -> vector<16xi32>
      %add3A_1682 = arith.addi %masked_cumsum3A_1681, %add3A_1671 : vector<16xi32>
      %le3A_1683 = arith.cmpi sle, %add3A_1682, %broadcast_in_dim3A_1569 : vector<16xi32>
      %and3A_1684 = arith.andi %eq3A_1677, %le3A_1683 : vector<16xi1>
      %or3A_1685 = arith.ori %gt3A_1676, %and3A_1684 : vector<16xi1>
      %select_n3A_1686 = arith.select %or3A_1685, %broadcast_in_dim3A_3, %broadcast_in_dim3A_5 : vector<16xi1>, vector<16xi32>
      %broadcast_in_dim3A_1687 = arith.constant true
      %broadcast_in_dim3A_1688 = vector.broadcast %broadcast_in_dim3A_1687 : i1 to vector<16xi1>
      %masked_cumsum3A_1689 = tpu.scan <sum>, %select_n3A_1686 masked %broadcast_in_dim3A_1688 : vector<16xi32>, vector<16xi1> -> vector<16xi32>
      %add3A_1690 = arith.addi %add3A_1658, %masked_cumsum3A_1689 : vector<16xi32>
      %sub3A_1691 = arith.constant 1 : i32
      %sub3A_1692 = vector.broadcast %sub3A_1691 : i32 to vector<16xi32>
      %sub3A_1693 = arith.subi %add3A_1690, %sub3A_1692 : vector<16xi32>
      %min3A_1694 = arith.constant 47 : i32
      %min3A_1695 = vector.broadcast %min3A_1694 : i32 to vector<16xi32>
      %min3A_1696 = arith.minsi %sub3A_1693, %min3A_1695 : vector<16xi32>
      tpu.vector_store_idx %arg14[%min3A_1696], %get3A_1673 masked %or3A_1685 : memref<48xi32, #tpu.memory_space<vmem>>[vector<16xi32>], vector<16xi32>, vector<16xi1>
      tpu.vector_store_idx %arg15[%min3A_1696], %get3A_1675 masked %or3A_1685 : memref<48xi32, #tpu.memory_space<vmem>>[vector<16xi32>], vector<16xi32>, vector<16xi1>
      %broadcast_in_dim3A_1697 = arith.constant 15 : i32
      %broadcast_in_dim3A_1698 = vector.broadcast %broadcast_in_dim3A_1697 : i32 to vector<16xi32>
      %lt3A_1699 = arith.constant 0 : i32
      %lt3A_1700 = vector.broadcast %lt3A_1699 : i32 to vector<16xi32>
      %lt3A_1701 = arith.cmpi slt, %broadcast_in_dim3A_1698, %lt3A_1700 : vector<16xi32>
      %add3A_1702 = arith.constant 16 : i32
      %add3A_1703 = vector.broadcast %add3A_1702 : i32 to vector<16xi32>
      %add3A_1704 = arith.addi %broadcast_in_dim3A_1698, %add3A_1703 : vector<16xi32>
      %select_n3A_1705 = arith.select %lt3A_1701, %add3A_1704, %broadcast_in_dim3A_1698 : vector<16xi1>, vector<16xi32>
      %broadcast_in_dim3A_1706 = vector.shape_cast %select_n3A_1705 : vector<16xi32> to vector<16x1xi32>
      %gather3A_1707 = vector.shape_cast %broadcast_in_dim3A_1706 : vector<16x1xi32> to vector<16xi32>
      %gather3A_1708 = tpu.dynamic_gather %masked_cumsum3A_1689[%gather3A_1707] in [0] : vector<16xi32>, vector<16xi32> -> vector<16xi32>
      %add3A_1709 = arith.addi %add3A_1658, %gather3A_1708 : vector<16xi32>
      %broadcast_in_dim3A_1710 = arith.constant 15 : i32
      %broadcast_in_dim3A_1711 = vector.broadcast %broadcast_in_dim3A_1710 : i32 to vector<16xi32>
      %lt3A_1712 = arith.constant 0 : i32
      %lt3A_1713 = vector.broadcast %lt3A_1712 : i32 to vector<16xi32>
      %lt3A_1714 = arith.cmpi slt, %broadcast_in_dim3A_1711, %lt3A_1713 : vector<16xi32>
      %add3A_1715 = arith.constant 16 : i32
      %add3A_1716 = vector.broadcast %add3A_1715 : i32 to vector<16xi32>
      %add3A_1717 = arith.addi %broadcast_in_dim3A_1711, %add3A_1716 : vector<16xi32>
      %select_n3A_1718 = arith.select %lt3A_1714, %add3A_1717, %broadcast_in_dim3A_1711 : vector<16xi1>, vector<16xi32>
      %broadcast_in_dim3A_1719 = vector.shape_cast %select_n3A_1718 : vector<16xi32> to vector<16x1xi32>
      %gather3A_1720 = vector.shape_cast %broadcast_in_dim3A_1719 : vector<16x1xi32> to vector<16xi32>
      %gather3A_1721 = tpu.dynamic_gather %masked_cumsum3A_1681[%gather3A_1720] in [0] : vector<16xi32>, vector<16xi32> -> vector<16xi32>
      %add3A_1722 = arith.addi %add3A_1671, %gather3A_1721 : vector<16xi32>
      %get3A_1723 = arith.constant 48 : index
      %get3A_1724 = tpu.vector_load %arg12[%get3A_1723] {strides = array<i32>} : memref<528xi32, #tpu.memory_space<vmem>>, vector<16xi32>,
      %get3A_1725 = arith.constant 48 : index
      %get3A_1726 = tpu.vector_load %arg13[%get3A_1725] {strides = array<i32>} : memref<528xi32, #tpu.memory_space<vmem>>, vector<16xi32>,
      %gt3A_1727 = arith.cmpi sgt, %get3A_1724, %broadcast_in_dim3A_1531 : vector<16xi32>
      %eq3A_1728 = arith.cmpi eq, %get3A_1724, %broadcast_in_dim3A_1531 : vector<16xi32>
      %select_n3A_1729 = arith.select %eq3A_1728, %broadcast_in_dim3A_3, %broadcast_in_dim3A_5 : vector<16xi1>, vector<16xi32>
      %broadcast_in_dim3A_1730 = arith.constant true
      %broadcast_in_dim3A_1731 = vector.broadcast %broadcast_in_dim3A_1730 : i1 to vector<16xi1>
      %masked_cumsum3A_1732 = tpu.scan <sum>, %select_n3A_1729 masked %broadcast_in_dim3A_1731 : vector<16xi32>, vector<16xi1> -> vector<16xi32>
      %add3A_1733 = arith.addi %masked_cumsum3A_1732, %add3A_1722 : vector<16xi32>
      %le3A_1734 = arith.cmpi sle, %add3A_1733, %broadcast_in_dim3A_1569 : vector<16xi32>
      %and3A_1735 = arith.andi %eq3A_1728, %le3A_1734 : vector<16xi1>
      %or3A_1736 = arith.ori %gt3A_1727, %and3A_1735 : vector<16xi1>
      %select_n3A_1737 = arith.select %or3A_1736, %broadcast_in_dim3A_3, %broadcast_in_dim3A_5 : vector<16xi1>, vector<16xi32>
      %broadcast_in_dim3A_1738 = arith.constant true
      %broadcast_in_dim3A_1739 = vector.broadcast %broadcast_in_dim3A_1738 : i1 to vector<16xi1>
      %masked_cumsum3A_1740 = tpu.scan <sum>, %select_n3A_1737 masked %broadcast_in_dim3A_1739 : vector<16xi32>, vector<16xi1> -> vector<16xi32>
      %add3A_1741 = arith.addi %add3A_1709, %masked_cumsum3A_1740 : vector<16xi32>
      %sub3A_1742 = arith.constant 1 : i32
      %sub3A_1743 = vector.broadcast %sub3A_1742 : i32 to vector<16xi32>
      %sub3A_1744 = arith.subi %add3A_1741, %sub3A_1743 : vector<16xi32>
      %min3A_1745 = arith.constant 47 : i32
      %min3A_1746 = vector.broadcast %min3A_1745 : i32 to vector<16xi32>
      %min3A_1747 = arith.minsi %sub3A_1744, %min3A_1746 : vector<16xi32>
      tpu.vector_store_idx %arg14[%min3A_1747], %get3A_1724 masked %or3A_1736 : memref<48xi32, #tpu.memory_space<vmem>>[vector<16xi32>], vector<16xi32>, vector<16xi1>
      tpu.vector_store_idx %arg15[%min3A_1747], %get3A_1726 masked %or3A_1736 : memref<48xi32, #tpu.memory_space<vmem>>[vector<16xi32>], vector<16xi32>, vector<16xi1>
      %broadcast_in_dim3A_1748 = arith.constant 15 : i32
      %broadcast_in_dim3A_1749 = vector.broadcast %broadcast_in_dim3A_1748 : i32 to vector<16xi32>
      %lt3A_1750 = arith.constant 0 : i32
      %lt3A_1751 = vector.broadcast %lt3A_1750 : i32 to vector<16xi32>
      %lt3A_1752 = arith.cmpi slt, %broadcast_in_dim3A_1749, %lt3A_1751 : vector<16xi32>
      %add3A_1753 = arith.constant 16 : i32
      %add3A_1754 = vector.broadcast %add3A_1753 : i32 to vector<16xi32>
      %add3A_1755 = arith.addi %broadcast_in_dim3A_1749, %add3A_1754 : vector<16xi32>
      %select_n3A_1756 = arith.select %lt3A_1752, %add3A_1755, %broadcast_in_dim3A_1749 : vector<16xi1>, vector<16xi32>
      %broadcast_in_dim3A_1757 = vector.shape_cast %select_n3A_1756 : vector<16xi32> to vector<16x1xi32>
      %gather3A_1758 = vector.shape_cast %broadcast_in_dim3A_1757 : vector<16x1xi32> to vector<16xi32>
      %gather3A_1759 = tpu.dynamic_gather %masked_cumsum3A_1740[%gather3A_1758] in [0] : vector<16xi32>, vector<16xi32> -> vector<16xi32>
      %add3A_1760 = arith.addi %add3A_1709, %gather3A_1759 : vector<16xi32>
      %broadcast_in_dim3A_1761 = arith.constant 15 : i32
      %broadcast_in_dim3A_1762 = vector.broadcast %broadcast_in_dim3A_1761 : i32 to vector<16xi32>
      %lt3A_1763 = arith.constant 0 : i32
      %lt3A_1764 = vector.broadcast %lt3A_1763 : i32 to vector<16xi32>
      %lt3A_1765 = arith.cmpi slt, %broadcast_in_dim3A_1762, %lt3A_1764 : vector<16xi32>
      %add3A_1766 = arith.constant 16 : i32
      %add3A_1767 = vector.broadcast %add3A_1766 : i32 to vector<16xi32>
      %add3A_1768 = arith.addi %broadcast_in_dim3A_1762, %add3A_1767 : vector<16xi32>
      %select_n3A_1769 = arith.select %lt3A_1765, %add3A_1768, %broadcast_in_dim3A_1762 : vector<16xi1>, vector<16xi32>
      %broadcast_in_dim3A_1770 = vector.shape_cast %select_n3A_1769 : vector<16xi32> to vector<16x1xi32>
      %gather3A_1771 = vector.shape_cast %broadcast_in_dim3A_1770 : vector<16x1xi32> to vector<16xi32>
      %gather3A_1772 = tpu.dynamic_gather %masked_cumsum3A_1732[%gather3A_1771] in [0] : vector<16xi32>, vector<16xi32> -> vector<16xi32>
      %add3A_1773 = arith.addi %add3A_1722, %gather3A_1772 : vector<16xi32>
      %while3A_1774 = arith.constant 4 : i32
      %while3A_1775 = arith.subi %select_n3A_1178, %while3A_1774 : i32
      %while3A_1776 = arith.addi %while3A_1774, %while3A_1775 : i32
      %while3A_1777 = arith.constant 1 : i32
      %while3A_1778 = arith.divsi %while3A_1775, %while3A_1777 : i32
      %while3A_1779 = arith.muli %while3A_1778, %while3A_1777 : i32
      %while3A_1780 = arith.addi %while3A_1774, %while3A_1779 : i32
      %while3A_1781 = arith.constant 1 : i32
      %while3A_1782:2 = scf.for %while3A_1885 = %while3A_1774 to %while3A_1780 step %while3A_1781 iter_args(%while3A_1886 = %add3A_1760, %while3A_1887 = %add3A_1773) -> (vector<16xi32>, vector<16xi32>)  : i32 {
        %mul3A_1888 = arith.constant 16 : i32
        %mul3A_1889 = arith.muli %while3A_1885, %mul3A_1888 : i32
        %get3A_1890 = arith.index_cast %mul3A_1889 : i32 to index
        %get3A_1891 = tpu.vector_load %arg12[%get3A_1890] {strides = array<i32>} : memref<528xi32, #tpu.memory_space<vmem>>, vector<16xi32>,
        %get3A_1892 = arith.index_cast %mul3A_1889 : i32 to index
        %get3A_1893 = tpu.vector_load %arg13[%get3A_1892] {strides = array<i32>} : memref<528xi32, #tpu.memory_space<vmem>>, vector<16xi32>,
        %gt3A_1894 = arith.cmpi sgt, %get3A_1891, %broadcast_in_dim3A_1531 : vector<16xi32>
        %eq3A_1895 = arith.cmpi eq, %get3A_1891, %broadcast_in_dim3A_1531 : vector<16xi32>
        %select_n3A_1896 = arith.select %eq3A_1895, %broadcast_in_dim3A_3, %broadcast_in_dim3A_5 : vector<16xi1>, vector<16xi32>
        %broadcast_in_dim3A_1897 = arith.constant true
        %broadcast_in_dim3A_1898 = vector.broadcast %broadcast_in_dim3A_1897 : i1 to vector<16xi1>
        %masked_cumsum3A_1899 = tpu.scan <sum>, %select_n3A_1896 masked %broadcast_in_dim3A_1898 : vector<16xi32>, vector<16xi1> -> vector<16xi32>
        %add3A_1900 = arith.addi %masked_cumsum3A_1899, %while3A_1887 : vector<16xi32>
        %le3A_1901 = arith.cmpi sle, %add3A_1900, %broadcast_in_dim3A_1569 : vector<16xi32>
        %and3A_1902 = arith.andi %eq3A_1895, %le3A_1901 : vector<16xi1>
        %or3A_1903 = arith.ori %gt3A_1894, %and3A_1902 : vector<16xi1>
        %select_n3A_1904 = arith.select %or3A_1903, %broadcast_in_dim3A_3, %broadcast_in_dim3A_5 : vector<16xi1>, vector<16xi32>
        %broadcast_in_dim3A_1905 = arith.constant true
        %broadcast_in_dim3A_1906 = vector.broadcast %broadcast_in_dim3A_1905 : i1 to vector<16xi1>
        %masked_cumsum3A_1907 = tpu.scan <sum>, %select_n3A_1904 masked %broadcast_in_dim3A_1906 : vector<16xi32>, vector<16xi1> -> vector<16xi32>
        %add3A_1908 = arith.addi %while3A_1886, %masked_cumsum3A_1907 : vector<16xi32>
        %sub3A_1909 = arith.constant 1 : i32
        %sub3A_1910 = vector.broadcast %sub3A_1909 : i32 to vector<16xi32>
        %sub3A_1911 = arith.subi %add3A_1908, %sub3A_1910 : vector<16xi32>
        %min3A_1912 = arith.constant 47 : i32
        %min3A_1913 = vector.broadcast %min3A_1912 : i32 to vector<16xi32>
        %min3A_1914 = arith.minsi %sub3A_1911, %min3A_1913 : vector<16xi32>
        tpu.vector_store_idx %arg14[%min3A_1914], %get3A_1891 masked %or3A_1903 : memref<48xi32, #tpu.memory_space<vmem>>[vector<16xi32>], vector<16xi32>, vector<16xi1>
        tpu.vector_store_idx %arg15[%min3A_1914], %get3A_1893 masked %or3A_1903 : memref<48xi32, #tpu.memory_space<vmem>>[vector<16xi32>], vector<16xi32>, vector<16xi1>
        %broadcast_in_dim3A_1915 = arith.constant 15 : i32
        %broadcast_in_dim3A_1916 = vector.broadcast %broadcast_in_dim3A_1915 : i32 to vector<16xi32>
        %lt3A_1917 = arith.constant 0 : i32
        %lt3A_1918 = vector.broadcast %lt3A_1917 : i32 to vector<16xi32>
        %lt3A_1919 = arith.cmpi slt, %broadcast_in_dim3A_1916, %lt3A_1918 : vector<16xi32>
        %add3A_1920 = arith.constant 16 : i32
        %add3A_1921 = vector.broadcast %add3A_1920 : i32 to vector<16xi32>
        %add3A_1922 = arith.addi %broadcast_in_dim3A_1916, %add3A_1921 : vector<16xi32>
        %select_n3A_1923 = arith.select %lt3A_1919, %add3A_1922, %broadcast_in_dim3A_1916 : vector<16xi1>, vector<16xi32>
        %broadcast_in_dim3A_1924 = vector.shape_cast %select_n3A_1923 : vector<16xi32> to vector<16x1xi32>
        %gather3A_1925 = vector.shape_cast %broadcast_in_dim3A_1924 : vector<16x1xi32> to vector<16xi32>
        %gather3A_1926 = tpu.dynamic_gather %masked_cumsum3A_1907[%gather3A_1925] in [0] : vector<16xi32>, vector<16xi32> -> vector<16xi32>
        %add3A_1927 = arith.addi %while3A_1886, %gather3A_1926 : vector<16xi32>
        %broadcast_in_dim3A_1928 = arith.constant 15 : i32
        %broadcast_in_dim3A_1929 = vector.broadcast %broadcast_in_dim3A_1928 : i32 to vector<16xi32>
        %lt3A_1930 = arith.constant 0 : i32
        %lt3A_1931 = vector.broadcast %lt3A_1930 : i32 to vector<16xi32>
        %lt3A_1932 = arith.cmpi slt, %broadcast_in_dim3A_1929, %lt3A_1931 : vector<16xi32>
        %add3A_1933 = arith.constant 16 : i32
        %add3A_1934 = vector.broadcast %add3A_1933 : i32 to vector<16xi32>
        %add3A_1935 = arith.addi %broadcast_in_dim3A_1929, %add3A_1934 : vector<16xi32>
        %select_n3A_1936 = arith.select %lt3A_1932, %add3A_1935, %broadcast_in_dim3A_1929 : vector<16xi1>, vector<16xi32>
        %broadcast_in_dim3A_1937 = vector.shape_cast %select_n3A_1936 : vector<16xi32> to vector<16x1xi32>
        %gather3A_1938 = vector.shape_cast %broadcast_in_dim3A_1937 : vector<16x1xi32> to vector<16xi32>
        %gather3A_1939 = tpu.dynamic_gather %masked_cumsum3A_1899[%gather3A_1938] in [0] : vector<16xi32>, vector<16xi32> -> vector<16xi32>
        %add3A_1940 = arith.addi %while3A_1887, %gather3A_1939 : vector<16xi32>
        scf.yield %add3A_1927, %add3A_1940 : vector<16xi32>, vector<16xi32>
      }
      %while3A_1783 = arith.constant 1 : i32
      %while3A_1784:2 = scf.for %while3A_1885 = %while3A_1780 to %while3A_1776 step %while3A_1783 iter_args(%while3A_1886 = %while3A_1782#0, %while3A_1887 = %while3A_1782#1) -> (vector<16xi32>, vector<16xi32>)  : i32 {
        %mul3A_1888 = arith.constant 16 : i32
        %mul3A_1889 = arith.muli %while3A_1885, %mul3A_1888 : i32
        %get3A_1890 = arith.index_cast %mul3A_1889 : i32 to index
        %get3A_1891 = tpu.vector_load %arg12[%get3A_1890] {strides = array<i32>} : memref<528xi32, #tpu.memory_space<vmem>>, vector<16xi32>,
        %get3A_1892 = arith.index_cast %mul3A_1889 : i32 to index
        %get3A_1893 = tpu.vector_load %arg13[%get3A_1892] {strides = array<i32>} : memref<528xi32, #tpu.memory_space<vmem>>, vector<16xi32>,
        %gt3A_1894 = arith.cmpi sgt, %get3A_1891, %broadcast_in_dim3A_1531 : vector<16xi32>
        %eq3A_1895 = arith.cmpi eq, %get3A_1891, %broadcast_in_dim3A_1531 : vector<16xi32>
        %select_n3A_1896 = arith.select %eq3A_1895, %broadcast_in_dim3A_3, %broadcast_in_dim3A_5 : vector<16xi1>, vector<16xi32>
        %broadcast_in_dim3A_1897 = arith.constant true
        %broadcast_in_dim3A_1898 = vector.broadcast %broadcast_in_dim3A_1897 : i1 to vector<16xi1>
        %masked_cumsum3A_1899 = tpu.scan <sum>, %select_n3A_1896 masked %broadcast_in_dim3A_1898 : vector<16xi32>, vector<16xi1> -> vector<16xi32>
        %add3A_1900 = arith.addi %masked_cumsum3A_1899, %while3A_1887 : vector<16xi32>
        %le3A_1901 = arith.cmpi sle, %add3A_1900, %broadcast_in_dim3A_1569 : vector<16xi32>
        %and3A_1902 = arith.andi %eq3A_1895, %le3A_1901 : vector<16xi1>
        %or3A_1903 = arith.ori %gt3A_1894, %and3A_1902 : vector<16xi1>
        %select_n3A_1904 = arith.select %or3A_1903, %broadcast_in_dim3A_3, %broadcast_in_dim3A_5 : vector<16xi1>, vector<16xi32>
        %broadcast_in_dim3A_1905 = arith.constant true
        %broadcast_in_dim3A_1906 = vector.broadcast %broadcast_in_dim3A_1905 : i1 to vector<16xi1>
        %masked_cumsum3A_1907 = tpu.scan <sum>, %select_n3A_1904 masked %broadcast_in_dim3A_1906 : vector<16xi32>, vector<16xi1> -> vector<16xi32>
        %add3A_1908 = arith.addi %while3A_1886, %masked_cumsum3A_1907 : vector<16xi32>
        %sub3A_1909 = arith.constant 1 : i32
        %sub3A_1910 = vector.broadcast %sub3A_1909 : i32 to vector<16xi32>
        %sub3A_1911 = arith.subi %add3A_1908, %sub3A_1910 : vector<16xi32>
        %min3A_1912 = arith.constant 47 : i32
        %min3A_1913 = vector.broadcast %min3A_1912 : i32 to vector<16xi32>
        %min3A_1914 = arith.minsi %sub3A_1911, %min3A_1913 : vector<16xi32>
        tpu.vector_store_idx %arg14[%min3A_1914], %get3A_1891 masked %or3A_1903 : memref<48xi32, #tpu.memory_space<vmem>>[vector<16xi32>], vector<16xi32>, vector<16xi1>
        tpu.vector_store_idx %arg15[%min3A_1914], %get3A_1893 masked %or3A_1903 : memref<48xi32, #tpu.memory_space<vmem>>[vector<16xi32>], vector<16xi32>, vector<16xi1>
        %broadcast_in_dim3A_1915 = arith.constant 15 : i32
        %broadcast_in_dim3A_1916 = vector.broadcast %broadcast_in_dim3A_1915 : i32 to vector<16xi32>
        %lt3A_1917 = arith.constant 0 : i32
        %lt3A_1918 = vector.broadcast %lt3A_1917 : i32 to vector<16xi32>
        %lt3A_1919 = arith.cmpi slt, %broadcast_in_dim3A_1916, %lt3A_1918 : vector<16xi32>
        %add3A_1920 = arith.constant 16 : i32
        %add3A_1921 = vector.broadcast %add3A_1920 : i32 to vector<16xi32>
        %add3A_1922 = arith.addi %broadcast_in_dim3A_1916, %add3A_1921 : vector<16xi32>
        %select_n3A_1923 = arith.select %lt3A_1919, %add3A_1922, %broadcast_in_dim3A_1916 : vector<16xi1>, vector<16xi32>
        %broadcast_in_dim3A_1924 = vector.shape_cast %select_n3A_1923 : vector<16xi32> to vector<16x1xi32>
        %gather3A_1925 = vector.shape_cast %broadcast_in_dim3A_1924 : vector<16x1xi32> to vector<16xi32>
        %gather3A_1926 = tpu.dynamic_gather %masked_cumsum3A_1907[%gather3A_1925] in [0] : vector<16xi32>, vector<16xi32> -> vector<16xi32>
        %add3A_1927 = arith.addi %while3A_1886, %gather3A_1926 : vector<16xi32>
        %broadcast_in_dim3A_1928 = arith.constant 15 : i32
        %broadcast_in_dim3A_1929 = vector.broadcast %broadcast_in_dim3A_1928 : i32 to vector<16xi32>
        %lt3A_1930 = arith.constant 0 : i32
        %lt3A_1931 = vector.broadcast %lt3A_1930 : i32 to vector<16xi32>
        %lt3A_1932 = arith.cmpi slt, %broadcast_in_dim3A_1929, %lt3A_1931 : vector<16xi32>
        %add3A_1933 = arith.constant 16 : i32
        %add3A_1934 = vector.broadcast %add3A_1933 : i32 to vector<16xi32>
        %add3A_1935 = arith.addi %broadcast_in_dim3A_1929, %add3A_1934 : vector<16xi32>
        %select_n3A_1936 = arith.select %lt3A_1932, %add3A_1935, %broadcast_in_dim3A_1929 : vector<16xi1>, vector<16xi32>
        %broadcast_in_dim3A_1937 = vector.shape_cast %select_n3A_1936 : vector<16xi32> to vector<16x1xi32>
        %gather3A_1938 = vector.shape_cast %broadcast_in_dim3A_1937 : vector<16x1xi32> to vector<16xi32>
        %gather3A_1939 = tpu.dynamic_gather %masked_cumsum3A_1899[%gather3A_1938] in [0] : vector<16xi32>, vector<16xi32> -> vector<16xi32>
        %add3A_1940 = arith.addi %while3A_1887, %gather3A_1939 : vector<16xi32>
        scf.yield %add3A_1927, %add3A_1940 : vector<16xi32>, vector<16xi32>
      }
      %add3A_1785 = arith.addi %mul3A_2, %add3A_342 : i32
      %mul3A_1786 = arith.constant 20480 : i32
      %mul3A_1787 = arith.muli %add3A_1785, %mul3A_1786 : i32
      %get3A_1788 = arith.constant 0 : index
      %get3A_1789 = tpu.vector_load %arg14[%get3A_1788] {strides = array<i32>} : memref<48xi32, #tpu.memory_space<vmem>>, vector<16xi32>,
      %bitcast3A_1790 = vector.bitcast %get3A_1789 : vector<16xi32> to vector<16xf32>
      %get3A_1791 = arith.constant 0 : index
      %get3A_1792 = tpu.vector_load %arg15[%get3A_1791] {strides = array<i32>} : memref<48xi32, #tpu.memory_space<vmem>>, vector<16xi32>,
      %add3A_1793 = vector.broadcast %mul3A_1787 : i32 to vector<16xi32>
      %add3A_1794 = arith.addi %get3A_1792, %add3A_1793 : vector<16xi32>
      %mul3A_1795 = arith.constant 32 : i32
      %mul3A_1796 = arith.muli %add3A_342, %mul3A_1795 : i32
      %add3A_1797 = arith.constant 0 : i32
      %add3A_1798 = arith.addi %mul3A_1796, %add3A_1797 : i32
      %swap3A_1799 = arith.index_cast %add3A_1798 : i32 to index
      %swap3A_1800 = tpu.vector_load %arg16[%swap3A_1799] {strides = array<i32>} : memref<2048xf32, #tpu.memory_space<vmem>>, vector<16xf32>,
      tpu.vector_store %arg16[%swap3A_1799], %bitcast3A_1790 {strides = array<i32>} : memref<2048xf32, #tpu.memory_space<vmem>>, vector<16xf32>,
      %jit3A_1801 = arith.constant 4 : i32
      %div3A_1802 = arith.divsi %add3A_342, %jit3A_1801 : i32
      %sign3A_1803 = arith.constant 0 : i32
      %sign3A_1804 = arith.cmpi sgt, %add3A_342, %sign3A_1803 : i32
      %sign3A_1805 = arith.extui %sign3A_1804 : i1 to i32
      %sign3A_1806 = arith.constant 0 : i32
      %sign3A_1807 = arith.cmpi slt, %add3A_342, %sign3A_1806 : i32
      %sign3A_1808 = arith.extui %sign3A_1807 : i1 to i32
      %sign3A_1809 = arith.subi %sign3A_1805, %sign3A_1808 : i32
      %sign3A_1810 = arith.constant 0 : i32
      %sign3A_1811 = arith.cmpi sgt, %jit3A_1801, %sign3A_1810 : i32
      %sign3A_1812 = arith.extui %sign3A_1811 : i1 to i32
      %sign3A_1813 = arith.constant 0 : i32
      %sign3A_1814 = arith.cmpi slt, %jit3A_1801, %sign3A_1813 : i32
      %sign3A_1815 = arith.extui %sign3A_1814 : i1 to i32
      %sign3A_1816 = arith.subi %sign3A_1812, %sign3A_1815 : i32
      %ne3A_1817 = arith.cmpi ne, %sign3A_1809, %sign3A_1816 : i32
      %rem3A_1818 = arith.remsi %add3A_342, %jit3A_1801 : i32
      %ne3A_1819 = arith.constant 0 : i32
      %ne3A_1820 = arith.cmpi ne, %rem3A_1818, %ne3A_1819 : i32
      %and3A_1821 = arith.andi %ne3A_1817, %ne3A_1820 : i1
      %sub3A_1822 = arith.constant 1 : i32
      %sub3A_1823 = arith.subi %div3A_1802, %sub3A_1822 : i32
      %select_n3A_1824 = arith.select %and3A_1821, %sub3A_1823, %div3A_1802 : i32
      %rem3A_1825 = arith.constant 4 : i32
      %rem3A_1826 = arith.remsi %add3A_342, %rem3A_1825 : i32
      %mul3A_1827 = arith.constant 32 : i32
      %mul3A_1828 = arith.muli %rem3A_1826, %mul3A_1827 : i32
      %add3A_1829 = arith.constant 0 : i32
      %add3A_1830 = arith.addi %mul3A_1828, %add3A_1829 : i32
      %swap3A_1831 = arith.index_cast %select_n3A_1824 : i32 to index
      %swap3A_1832 = arith.index_cast %add3A_1830 : i32 to index
      %swap3A_1833 = tpu.vector_load %arg17[%swap3A_1831, %swap3A_1832] {strides = array<i32>} : memref<16x128xi32, #tpu.memory_space<vmem>>, vector<16xi32>,
      tpu.vector_store %arg17[%swap3A_1831, %swap3A_1832], %add3A_1794 {strides = array<i32>} : memref<16x128xi32, #tpu.memory_space<vmem>>, vector<16xi32>,
      %get3A_1834 = arith.constant 16 : index
      %get3A_1835 = tpu.vector_load %arg14[%get3A_1834] {strides = array<i32>} : memref<48xi32, #tpu.memory_space<vmem>>, vector<16xi32>,
      %bitcast3A_1836 = vector.bitcast %get3A_1835 : vector<16xi32> to vector<16xf32>
      %get3A_1837 = arith.constant 16 : index
      %get3A_1838 = tpu.vector_load %arg15[%get3A_1837] {strides = array<i32>} : memref<48xi32, #tpu.memory_space<vmem>>, vector<16xi32>,
      %add3A_1839 = vector.broadcast %mul3A_1787 : i32 to vector<16xi32>
      %add3A_1840 = arith.addi %get3A_1838, %add3A_1839 : vector<16xi32>
      %mul3A_1841 = arith.constant 32 : i32
      %mul3A_1842 = arith.muli %add3A_342, %mul3A_1841 : i32
      %add3A_1843 = arith.constant 16 : i32
      %add3A_1844 = arith.addi %mul3A_1842, %add3A_1843 : i32
      %swap3A_1845 = arith.index_cast %add3A_1844 : i32 to index
      %swap3A_1846 = tpu.vector_load %arg16[%swap3A_1845] {strides = array<i32>} : memref<2048xf32, #tpu.memory_space<vmem>>, vector<16xf32>,
      tpu.vector_store %arg16[%swap3A_1845], %bitcast3A_1836 {strides = array<i32>} : memref<2048xf32, #tpu.memory_space<vmem>>, vector<16xf32>,
      %jit3A_1847 = arith.constant 4 : i32
      %div3A_1848 = arith.divsi %add3A_342, %jit3A_1847 : i32
      %sign3A_1849 = arith.constant 0 : i32
      %sign3A_1850 = arith.cmpi sgt, %add3A_342, %sign3A_1849 : i32
      %sign3A_1851 = arith.extui %sign3A_1850 : i1 to i32
      %sign3A_1852 = arith.constant 0 : i32
      %sign3A_1853 = arith.cmpi slt, %add3A_342, %sign3A_1852 : i32
      %sign3A_1854 = arith.extui %sign3A_1853 : i1 to i32
      %sign3A_1855 = arith.subi %sign3A_1851, %sign3A_1854 : i32
      %sign3A_1856 = arith.constant 0 : i32
      %sign3A_1857 = arith.cmpi sgt, %jit3A_1847, %sign3A_1856 : i32
      %sign3A_1858 = arith.extui %sign3A_1857 : i1 to i32
      %sign3A_1859 = arith.constant 0 : i32
      %sign3A_1860 = arith.cmpi slt, %jit3A_1847, %sign3A_1859 : i32
      %sign3A_1861 = arith.extui %sign3A_1860 : i1 to i32
      %sign3A_1862 = arith.subi %sign3A_1858, %sign3A_1861 : i32
      %ne3A_1863 = arith.cmpi ne, %sign3A_1855, %sign3A_1862 : i32
      %rem3A_1864 = arith.remsi %add3A_342, %jit3A_1847 : i32
      %ne3A_1865 = arith.constant 0 : i32
      %ne3A_1866 = arith.cmpi ne, %rem3A_1864, %ne3A_1865 : i32
      %and3A_1867 = arith.andi %ne3A_1863, %ne3A_1866 : i1
      %sub3A_1868 = arith.constant 1 : i32
      %sub3A_1869 = arith.subi %div3A_1848, %sub3A_1868 : i32
      %select_n3A_1870 = arith.select %and3A_1867, %sub3A_1869, %div3A_1848 : i32
      %rem3A_1871 = arith.constant 4 : i32
      %rem3A_1872 = arith.remsi %add3A_342, %rem3A_1871 : i32
      %mul3A_1873 = arith.constant 32 : i32
      %mul3A_1874 = arith.muli %rem3A_1872, %mul3A_1873 : i32
      %add3A_1875 = arith.constant 16 : i32
      %add3A_1876 = arith.addi %mul3A_1874, %add3A_1875 : i32
      %swap3A_1877 = arith.index_cast %select_n3A_1870 : i32 to index
      %swap3A_1878 = arith.index_cast %add3A_1876 : i32 to index
      %swap3A_1879 = tpu.vector_load %arg17[%swap3A_1877, %swap3A_1878] {strides = array<i32>} : memref<16x128xi32, #tpu.memory_space<vmem>>, vector<16xi32>,
      tpu.vector_store %arg17[%swap3A_1877, %swap3A_1878], %add3A_1840 {strides = array<i32>} : memref<16x128xi32, #tpu.memory_space<vmem>>, vector<16xi32>,
      %add3A_1880 = arith.constant 4 : i32
      %add3A_1881 = arith.addi %mul3A_340, %add3A_1880 : i32
      %lt3A_1882 = arith.constant 64 : i32
      %lt3A_1883 = arith.cmpi slt, %add3A_1881, %lt3A_1882 : i32
      %convert_element_type3A = arith.extui %lt3A_1883 : i1 to i32
      %cond3A = arith.constant 0 : i32
      %cond3A_1884 = arith.cmpi ne, %convert_element_type3A, %cond3A : i32
      scf.if %cond3A_1884 {
        %add3A_1885 = arith.constant 4 : i32
        %add3A_1886 = arith.addi %add3A_343, %add3A_1885 : i32
        %dma_start3A_1887 = arith.constant 0 : i32
        %dma_start3A_1888 = tpu.memref_slice %arg6[%mul3A_347, %dma_start3A_1887] : memref<4x20480xf32, #tpu.memory_space<vmem>> -> memref<1x20480xf32, #tpu.memory_space<vmem>>
        %dma_start3A_1889 = tpu.memref_squeeze %dma_start3A_1888 : memref<1x20480xf32, #tpu.memory_space<vmem>> -> memref<20480xf32, #tpu.memory_space<vmem>>
        %dma_start3A_1890 = arith.constant 0 : i32
        %dma_start3A_1891 = tpu.memref_slice %arg2[%add3A_1886, %dma_start3A_1890] : memref<2048x20480xf32, #tpu.memory_space<hbm>> -> memref<1x20480xf32, #tpu.memory_space<hbm>>
        %dma_start3A_1892 = tpu.memref_squeeze %dma_start3A_1891 : memref<1x20480xf32, #tpu.memory_space<hbm>> -> memref<20480xf32, #tpu.memory_space<hbm>>
        %dma_start3A_1893 = tpu.memref_slice %arg18[%mul3A_347] : memref<4x!tpu.dma_semaphore, #tpu.memory_space<semaphore_mem>> -> memref<1x!tpu.dma_semaphore, #tpu.memory_space<semaphore_mem>>
        %dma_start3A_1894 = tpu.memref_squeeze %dma_start3A_1893 : memref<1x!tpu.dma_semaphore, #tpu.memory_space<semaphore_mem>> -> memref<!tpu.dma_semaphore, #tpu.memory_space<semaphore_mem>>
        %dma_start3A_1895 = arith.constant 0 : i32
        %dma_start3A_1896 = tpu.memref_slice %arg6[%mul3A_347, %dma_start3A_1895] : memref<4x20480xf32, #tpu.memory_space<vmem>> -> memref<1x20480xf32, #tpu.memory_space<vmem>>
        %dma_start3A_1897 = tpu.memref_squeeze %dma_start3A_1896 : memref<1x20480xf32, #tpu.memory_space<vmem>> -> memref<20480xf32, #tpu.memory_space<vmem>>
        %dma_start3A_1898 = arith.constant 0 : i32
        %dma_start3A_1899 = tpu.memref_slice %arg2[%add3A_1886, %dma_start3A_1898] : memref<2048x20480xf32, #tpu.memory_space<hbm>> -> memref<1x20480xf32, #tpu.memory_space<hbm>>
        %dma_start3A_1900 = tpu.memref_squeeze %dma_start3A_1899 : memref<1x20480xf32, #tpu.memory_space<hbm>> -> memref<20480xf32, #tpu.memory_space<hbm>>
        tpu.enqueue_dma source(%dma_start3A_1900 : memref<20480xf32, #tpu.memory_space<hbm>>) target(%dma_start3A_1897 : memref<20480xf32, #tpu.memory_space<vmem>>) target_semaphore(%dma_start3A_1894 : memref<!tpu.dma_semaphore, #tpu.memory_space<semaphore_mem>>)
        %add3A_1901 = arith.constant 4 : i32
        %add3A_1902 = arith.addi %add3A_345, %add3A_1901 : i32
        %dma_start3A_1903 = arith.constant 0 : i32
        %dma_start3A_1904 = tpu.memref_slice %arg6[%add3A_349, %dma_start3A_1903] : memref<4x20480xf32, #tpu.memory_space<vmem>> -> memref<1x20480xf32, #tpu.memory_space<vmem>>
        %dma_start3A_1905 = tpu.memref_squeeze %dma_start3A_1904 : memref<1x20480xf32, #tpu.memory_space<vmem>> -> memref<20480xf32, #tpu.memory_space<vmem>>
        %dma_start3A_1906 = arith.constant 0 : i32
        %dma_start3A_1907 = tpu.memref_slice %arg2[%add3A_1902, %dma_start3A_1906] : memref<2048x20480xf32, #tpu.memory_space<hbm>> -> memref<1x20480xf32, #tpu.memory_space<hbm>>
        %dma_start3A_1908 = tpu.memref_squeeze %dma_start3A_1907 : memref<1x20480xf32, #tpu.memory_space<hbm>> -> memref<20480xf32, #tpu.memory_space<hbm>>
        %dma_start3A_1909 = tpu.memref_slice %arg18[%add3A_349] : memref<4x!tpu.dma_semaphore, #tpu.memory_space<semaphore_mem>> -> memref<1x!tpu.dma_semaphore, #tpu.memory_space<semaphore_mem>>
        %dma_start3A_1910 = tpu.memref_squeeze %dma_start3A_1909 : memref<1x!tpu.dma_semaphore, #tpu.memory_space<semaphore_mem>> -> memref<!tpu.dma_semaphore, #tpu.memory_space<semaphore_mem>>
        %dma_start3A_1911 = arith.constant 0 : i32
        %dma_start3A_1912 = tpu.memref_slice %arg6[%add3A_349, %dma_start3A_1911] : memref<4x20480xf32, #tpu.memory_space<vmem>> -> memref<1x20480xf32, #tpu.memory_space<vmem>>
        %dma_start3A_1913 = tpu.memref_squeeze %dma_start3A_1912 : memref<1x20480xf32, #tpu.memory_space<vmem>> -> memref<20480xf32, #tpu.memory_space<vmem>>
        %dma_start3A_1914 = arith.constant 0 : i32
        %dma_start3A_1915 = tpu.memref_slice %arg2[%add3A_1902, %dma_start3A_1914] : memref<2048x20480xf32, #tpu.memory_space<hbm>> -> memref<1x20480xf32, #tpu.memory_space<hbm>>
        %dma_start3A_1916 = tpu.memref_squeeze %dma_start3A_1915 : memref<1x20480xf32, #tpu.memory_space<hbm>> -> memref<20480xf32, #tpu.memory_space<hbm>>
        tpu.enqueue_dma source(%dma_start3A_1916 : memref<20480xf32, #tpu.memory_space<hbm>>) target(%dma_start3A_1913 : memref<20480xf32, #tpu.memory_space<vmem>>) target_semaphore(%dma_start3A_1910 : memref<!tpu.dma_semaphore, #tpu.memory_space<semaphore_mem>>)
      } else {
      }
    }
    %scan3A_81 = arith.constant 32 : i32
    %dma_start3A_82 = arith.constant 0 : i32
    %dma_start3A_83 = arith.constant 0 : i32
    %dma_start3A_84 = tpu.memref_slice %arg16[%dma_start3A_83] : memref<2048xf32, #tpu.memory_space<vmem>> -> memref<128xf32, #tpu.memory_space<vmem>>
    %dma_start3A_85 = arith.constant 0 : i32
    %dma_start3A_86 = tpu.memref_slice %arg17[%dma_start3A_82, %dma_start3A_85] : memref<16x128xi32, #tpu.memory_space<vmem>> -> memref<1x128xi32, #tpu.memory_space<vmem>>
    %dma_start3A_87 = tpu.memref_squeeze %dma_start3A_86 : memref<1x128xi32, #tpu.memory_space<vmem>> -> memref<128xi32, #tpu.memory_space<vmem>>
    %dma_start3A_88 = arith.constant 0 : i32
    %dma_start3A_89 = tpu.memref_slice %arg4[%dma_start3A_88] : memref<41943040xf32, #tpu.memory_space<hbm>> -> memref<41943040xf32, #tpu.memory_space<hbm>>
    tpu.enqueue_indirect_dma source(%dma_start3A_84 : memref<128xf32, #tpu.memory_space<vmem>>) target(%dma_start3A_89 : memref<41943040xf32, #tpu.memory_space<hbm>>) offsets(%dma_start3A_87 : memref<128xi32, #tpu.memory_space<vmem>>) semaphore(%arg19 : memref<!tpu.dma_semaphore, #tpu.memory_space<semaphore_mem>>)
    %dma_start3A_90 = arith.constant 1 : i32
    %dma_start3A_91 = arith.constant 128 : i32
    %dma_start3A_92 = tpu.memref_slice %arg16[%dma_start3A_91] : memref<2048xf32, #tpu.memory_space<vmem>> -> memref<128xf32, #tpu.memory_space<vmem>>
    %dma_start3A_93 = arith.constant 0 : i32
    %dma_start3A_94 = tpu.memref_slice %arg17[%dma_start3A_90, %dma_start3A_93] : memref<16x128xi32, #tpu.memory_space<vmem>> -> memref<1x128xi32, #tpu.memory_space<vmem>>
    %dma_start3A_95 = tpu.memref_squeeze %dma_start3A_94 : memref<1x128xi32, #tpu.memory_space<vmem>> -> memref<128xi32, #tpu.memory_space<vmem>>
    %dma_start3A_96 = arith.constant 0 : i32
    %dma_start3A_97 = tpu.memref_slice %arg4[%dma_start3A_96] : memref<41943040xf32, #tpu.memory_space<hbm>> -> memref<41943040xf32, #tpu.memory_space<hbm>>
    tpu.enqueue_indirect_dma source(%dma_start3A_92 : memref<128xf32, #tpu.memory_space<vmem>>) target(%dma_start3A_97 : memref<41943040xf32, #tpu.memory_space<hbm>>) offsets(%dma_start3A_95 : memref<128xi32, #tpu.memory_space<vmem>>) semaphore(%arg19 : memref<!tpu.dma_semaphore, #tpu.memory_space<semaphore_mem>>)
    %dma_start3A_98 = arith.constant 2 : i32
    %dma_start3A_99 = arith.constant 256 : i32
    %dma_start3A_100 = tpu.memref_slice %arg16[%dma_start3A_99] : memref<2048xf32, #tpu.memory_space<vmem>> -> memref<128xf32, #tpu.memory_space<vmem>>
    %dma_start3A_101 = arith.constant 0 : i32
    %dma_start3A_102 = tpu.memref_slice %arg17[%dma_start3A_98, %dma_start3A_101] : memref<16x128xi32, #tpu.memory_space<vmem>> -> memref<1x128xi32, #tpu.memory_space<vmem>>
    %dma_start3A_103 = tpu.memref_squeeze %dma_start3A_102 : memref<1x128xi32, #tpu.memory_space<vmem>> -> memref<128xi32, #tpu.memory_space<vmem>>
    %dma_start3A_104 = arith.constant 0 : i32
    %dma_start3A_105 = tpu.memref_slice %arg4[%dma_start3A_104] : memref<41943040xf32, #tpu.memory_space<hbm>> -> memref<41943040xf32, #tpu.memory_space<hbm>>
    tpu.enqueue_indirect_dma source(%dma_start3A_100 : memref<128xf32, #tpu.memory_space<vmem>>) target(%dma_start3A_105 : memref<41943040xf32, #tpu.memory_space<hbm>>) offsets(%dma_start3A_103 : memref<128xi32, #tpu.memory_space<vmem>>) semaphore(%arg19 : memref<!tpu.dma_semaphore, #tpu.memory_space<semaphore_mem>>)
    %dma_start3A_106 = arith.constant 3 : i32
    %dma_start3A_107 = arith.constant 384 : i32
    %dma_start3A_108 = tpu.memref_slice %arg16[%dma_start3A_107] : memref<2048xf32, #tpu.memory_space<vmem>> -> memref<128xf32, #tpu.memory_space<vmem>>
    %dma_start3A_109 = arith.constant 0 : i32
    %dma_start3A_110 = tpu.memref_slice %arg17[%dma_start3A_106, %dma_start3A_109] : memref<16x128xi32, #tpu.memory_space<vmem>> -> memref<1x128xi32, #tpu.memory_space<vmem>>
    %dma_start3A_111 = tpu.memref_squeeze %dma_start3A_110 : memref<1x128xi32, #tpu.memory_space<vmem>> -> memref<128xi32, #tpu.memory_space<vmem>>
    %dma_start3A_112 = arith.constant 0 : i32
    %dma_start3A_113 = tpu.memref_slice %arg4[%dma_start3A_112] : memref<41943040xf32, #tpu.memory_space<hbm>> -> memref<41943040xf32, #tpu.memory_space<hbm>>
    tpu.enqueue_indirect_dma source(%dma_start3A_108 : memref<128xf32, #tpu.memory_space<vmem>>) target(%dma_start3A_113 : memref<41943040xf32, #tpu.memory_space<hbm>>) offsets(%dma_start3A_111 : memref<128xi32, #tpu.memory_space<vmem>>) semaphore(%arg19 : memref<!tpu.dma_semaphore, #tpu.memory_space<semaphore_mem>>)
    %dma_start3A_114 = arith.constant 4 : i32
    %dma_start3A_115 = arith.constant 512 : i32
    %dma_start3A_116 = tpu.memref_slice %arg16[%dma_start3A_115] : memref<2048xf32, #tpu.memory_space<vmem>> -> memref<128xf32, #tpu.memory_space<vmem>>
    %dma_start3A_117 = arith.constant 0 : i32
    %dma_start3A_118 = tpu.memref_slice %arg17[%dma_start3A_114, %dma_start3A_117] : memref<16x128xi32, #tpu.memory_space<vmem>> -> memref<1x128xi32, #tpu.memory_space<vmem>>
    %dma_start3A_119 = tpu.memref_squeeze %dma_start3A_118 : memref<1x128xi32, #tpu.memory_space<vmem>> -> memref<128xi32, #tpu.memory_space<vmem>>
    %dma_start3A_120 = arith.constant 0 : i32
    %dma_start3A_121 = tpu.memref_slice %arg4[%dma_start3A_120] : memref<41943040xf32, #tpu.memory_space<hbm>> -> memref<41943040xf32, #tpu.memory_space<hbm>>
    tpu.enqueue_indirect_dma source(%dma_start3A_116 : memref<128xf32, #tpu.memory_space<vmem>>) target(%dma_start3A_121 : memref<41943040xf32, #tpu.memory_space<hbm>>) offsets(%dma_start3A_119 : memref<128xi32, #tpu.memory_space<vmem>>) semaphore(%arg19 : memref<!tpu.dma_semaphore, #tpu.memory_space<semaphore_mem>>)
    %dma_start3A_122 = arith.constant 5 : i32
    %dma_start3A_123 = arith.constant 640 : i32
    %dma_start3A_124 = tpu.memref_slice %arg16[%dma_start3A_123] : memref<2048xf32, #tpu.memory_space<vmem>> -> memref<128xf32, #tpu.memory_space<vmem>>
    %dma_start3A_125 = arith.constant 0 : i32
    %dma_start3A_126 = tpu.memref_slice %arg17[%dma_start3A_122, %dma_start3A_125] : memref<16x128xi32, #tpu.memory_space<vmem>> -> memref<1x128xi32, #tpu.memory_space<vmem>>
    %dma_start3A_127 = tpu.memref_squeeze %dma_start3A_126 : memref<1x128xi32, #tpu.memory_space<vmem>> -> memref<128xi32, #tpu.memory_space<vmem>>
    %dma_start3A_128 = arith.constant 0 : i32
    %dma_start3A_129 = tpu.memref_slice %arg4[%dma_start3A_128] : memref<41943040xf32, #tpu.memory_space<hbm>> -> memref<41943040xf32, #tpu.memory_space<hbm>>
    tpu.enqueue_indirect_dma source(%dma_start3A_124 : memref<128xf32, #tpu.memory_space<vmem>>) target(%dma_start3A_129 : memref<41943040xf32, #tpu.memory_space<hbm>>) offsets(%dma_start3A_127 : memref<128xi32, #tpu.memory_space<vmem>>) semaphore(%arg19 : memref<!tpu.dma_semaphore, #tpu.memory_space<semaphore_mem>>)
    %dma_start3A_130 = arith.constant 6 : i32
    %dma_start3A_131 = arith.constant 768 : i32
    %dma_start3A_132 = tpu.memref_slice %arg16[%dma_start3A_131] : memref<2048xf32, #tpu.memory_space<vmem>> -> memref<128xf32, #tpu.memory_space<vmem>>
    %dma_start3A_133 = arith.constant 0 : i32
    %dma_start3A_134 = tpu.memref_slice %arg17[%dma_start3A_130, %dma_start3A_133] : memref<16x128xi32, #tpu.memory_space<vmem>> -> memref<1x128xi32, #tpu.memory_space<vmem>>
    %dma_start3A_135 = tpu.memref_squeeze %dma_start3A_134 : memref<1x128xi32, #tpu.memory_space<vmem>> -> memref<128xi32, #tpu.memory_space<vmem>>
    %dma_start3A_136 = arith.constant 0 : i32
    %dma_start3A_137 = tpu.memref_slice %arg4[%dma_start3A_136] : memref<41943040xf32, #tpu.memory_space<hbm>> -> memref<41943040xf32, #tpu.memory_space<hbm>>
    tpu.enqueue_indirect_dma source(%dma_start3A_132 : memref<128xf32, #tpu.memory_space<vmem>>) target(%dma_start3A_137 : memref<41943040xf32, #tpu.memory_space<hbm>>) offsets(%dma_start3A_135 : memref<128xi32, #tpu.memory_space<vmem>>) semaphore(%arg19 : memref<!tpu.dma_semaphore, #tpu.memory_space<semaphore_mem>>)
    %dma_start3A_138 = arith.constant 7 : i32
    %dma_start3A_139 = arith.constant 896 : i32
    %dma_start3A_140 = tpu.memref_slice %arg16[%dma_start3A_139] : memref<2048xf32, #tpu.memory_space<vmem>> -> memref<128xf32, #tpu.memory_space<vmem>>
    %dma_start3A_141 = arith.constant 0 : i32
    %dma_start3A_142 = tpu.memref_slice %arg17[%dma_start3A_138, %dma_start3A_141] : memref<16x128xi32, #tpu.memory_space<vmem>> -> memref<1x128xi32, #tpu.memory_space<vmem>>
    %dma_start3A_143 = tpu.memref_squeeze %dma_start3A_142 : memref<1x128xi32, #tpu.memory_space<vmem>> -> memref<128xi32, #tpu.memory_space<vmem>>
    %dma_start3A_144 = arith.constant 0 : i32
    %dma_start3A_145 = tpu.memref_slice %arg4[%dma_start3A_144] : memref<41943040xf32, #tpu.memory_space<hbm>> -> memref<41943040xf32, #tpu.memory_space<hbm>>
    tpu.enqueue_indirect_dma source(%dma_start3A_140 : memref<128xf32, #tpu.memory_space<vmem>>) target(%dma_start3A_145 : memref<41943040xf32, #tpu.memory_space<hbm>>) offsets(%dma_start3A_143 : memref<128xi32, #tpu.memory_space<vmem>>) semaphore(%arg19 : memref<!tpu.dma_semaphore, #tpu.memory_space<semaphore_mem>>)
    %dma_start3A_146 = arith.constant 8 : i32
    %dma_start3A_147 = arith.constant 1024 : i32
    %dma_start3A_148 = tpu.memref_slice %arg16[%dma_start3A_147] : memref<2048xf32, #tpu.memory_space<vmem>> -> memref<128xf32, #tpu.memory_space<vmem>>
    %dma_start3A_149 = arith.constant 0 : i32
    %dma_start3A_150 = tpu.memref_slice %arg17[%dma_start3A_146, %dma_start3A_149] : memref<16x128xi32, #tpu.memory_space<vmem>> -> memref<1x128xi32, #tpu.memory_space<vmem>>
    %dma_start3A_151 = tpu.memref_squeeze %dma_start3A_150 : memref<1x128xi32, #tpu.memory_space<vmem>> -> memref<128xi32, #tpu.memory_space<vmem>>
    %dma_start3A_152 = arith.constant 0 : i32
    %dma_start3A_153 = tpu.memref_slice %arg4[%dma_start3A_152] : memref<41943040xf32, #tpu.memory_space<hbm>> -> memref<41943040xf32, #tpu.memory_space<hbm>>
    tpu.enqueue_indirect_dma source(%dma_start3A_148 : memref<128xf32, #tpu.memory_space<vmem>>) target(%dma_start3A_153 : memref<41943040xf32, #tpu.memory_space<hbm>>) offsets(%dma_start3A_151 : memref<128xi32, #tpu.memory_space<vmem>>) semaphore(%arg19 : memref<!tpu.dma_semaphore, #tpu.memory_space<semaphore_mem>>)
    %dma_start3A_154 = arith.constant 9 : i32
    %dma_start3A_155 = arith.constant 1152 : i32
    %dma_start3A_156 = tpu.memref_slice %arg16[%dma_start3A_155] : memref<2048xf32, #tpu.memory_space<vmem>> -> memref<128xf32, #tpu.memory_space<vmem>>
    %dma_start3A_157 = arith.constant 0 : i32
    %dma_start3A_158 = tpu.memref_slice %arg17[%dma_start3A_154, %dma_start3A_157] : memref<16x128xi32, #tpu.memory_space<vmem>> -> memref<1x128xi32, #tpu.memory_space<vmem>>
    %dma_start3A_159 = tpu.memref_squeeze %dma_start3A_158 : memref<1x128xi32, #tpu.memory_space<vmem>> -> memref<128xi32, #tpu.memory_space<vmem>>
    %dma_start3A_160 = arith.constant 0 : i32
    %dma_start3A_161 = tpu.memref_slice %arg4[%dma_start3A_160] : memref<41943040xf32, #tpu.memory_space<hbm>> -> memref<41943040xf32, #tpu.memory_space<hbm>>
    tpu.enqueue_indirect_dma source(%dma_start3A_156 : memref<128xf32, #tpu.memory_space<vmem>>) target(%dma_start3A_161 : memref<41943040xf32, #tpu.memory_space<hbm>>) offsets(%dma_start3A_159 : memref<128xi32, #tpu.memory_space<vmem>>) semaphore(%arg19 : memref<!tpu.dma_semaphore, #tpu.memory_space<semaphore_mem>>)
    %dma_start3A_162 = arith.constant 10 : i32
    %dma_start3A_163 = arith.constant 1280 : i32
    %dma_start3A_164 = tpu.memref_slice %arg16[%dma_start3A_163] : memref<2048xf32, #tpu.memory_space<vmem>> -> memref<128xf32, #tpu.memory_space<vmem>>
    %dma_start3A_165 = arith.constant 0 : i32
    %dma_start3A_166 = tpu.memref_slice %arg17[%dma_start3A_162, %dma_start3A_165] : memref<16x128xi32, #tpu.memory_space<vmem>> -> memref<1x128xi32, #tpu.memory_space<vmem>>
    %dma_start3A_167 = tpu.memref_squeeze %dma_start3A_166 : memref<1x128xi32, #tpu.memory_space<vmem>> -> memref<128xi32, #tpu.memory_space<vmem>>
    %dma_start3A_168 = arith.constant 0 : i32
    %dma_start3A_169 = tpu.memref_slice %arg4[%dma_start3A_168] : memref<41943040xf32, #tpu.memory_space<hbm>> -> memref<41943040xf32, #tpu.memory_space<hbm>>
    tpu.enqueue_indirect_dma source(%dma_start3A_164 : memref<128xf32, #tpu.memory_space<vmem>>) target(%dma_start3A_169 : memref<41943040xf32, #tpu.memory_space<hbm>>) offsets(%dma_start3A_167 : memref<128xi32, #tpu.memory_space<vmem>>) semaphore(%arg19 : memref<!tpu.dma_semaphore, #tpu.memory_space<semaphore_mem>>)
    %dma_start3A_170 = arith.constant 11 : i32
    %dma_start3A_171 = arith.constant 1408 : i32
    %dma_start3A_172 = tpu.memref_slice %arg16[%dma_start3A_171] : memref<2048xf32, #tpu.memory_space<vmem>> -> memref<128xf32, #tpu.memory_space<vmem>>
    %dma_start3A_173 = arith.constant 0 : i32
    %dma_start3A_174 = tpu.memref_slice %arg17[%dma_start3A_170, %dma_start3A_173] : memref<16x128xi32, #tpu.memory_space<vmem>> -> memref<1x128xi32, #tpu.memory_space<vmem>>
    %dma_start3A_175 = tpu.memref_squeeze %dma_start3A_174 : memref<1x128xi32, #tpu.memory_space<vmem>> -> memref<128xi32, #tpu.memory_space<vmem>>
    %dma_start3A_176 = arith.constant 0 : i32
    %dma_start3A_177 = tpu.memref_slice %arg4[%dma_start3A_176] : memref<41943040xf32, #tpu.memory_space<hbm>> -> memref<41943040xf32, #tpu.memory_space<hbm>>
    tpu.enqueue_indirect_dma source(%dma_start3A_172 : memref<128xf32, #tpu.memory_space<vmem>>) target(%dma_start3A_177 : memref<41943040xf32, #tpu.memory_space<hbm>>) offsets(%dma_start3A_175 : memref<128xi32, #tpu.memory_space<vmem>>) semaphore(%arg19 : memref<!tpu.dma_semaphore, #tpu.memory_space<semaphore_mem>>)
    %dma_start3A_178 = arith.constant 12 : i32
    %dma_start3A_179 = arith.constant 1536 : i32
    %dma_start3A_180 = tpu.memref_slice %arg16[%dma_start3A_179] : memref<2048xf32, #tpu.memory_space<vmem>> -> memref<128xf32, #tpu.memory_space<vmem>>
    %dma_start3A_181 = arith.constant 0 : i32
    %dma_start3A_182 = tpu.memref_slice %arg17[%dma_start3A_178, %dma_start3A_181] : memref<16x128xi32, #tpu.memory_space<vmem>> -> memref<1x128xi32, #tpu.memory_space<vmem>>
    %dma_start3A_183 = tpu.memref_squeeze %dma_start3A_182 : memref<1x128xi32, #tpu.memory_space<vmem>> -> memref<128xi32, #tpu.memory_space<vmem>>
    %dma_start3A_184 = arith.constant 0 : i32
    %dma_start3A_185 = tpu.memref_slice %arg4[%dma_start3A_184] : memref<41943040xf32, #tpu.memory_space<hbm>> -> memref<41943040xf32, #tpu.memory_space<hbm>>
    tpu.enqueue_indirect_dma source(%dma_start3A_180 : memref<128xf32, #tpu.memory_space<vmem>>) target(%dma_start3A_185 : memref<41943040xf32, #tpu.memory_space<hbm>>) offsets(%dma_start3A_183 : memref<128xi32, #tpu.memory_space<vmem>>) semaphore(%arg19 : memref<!tpu.dma_semaphore, #tpu.memory_space<semaphore_mem>>)
    %dma_start3A_186 = arith.constant 13 : i32
    %dma_start3A_187 = arith.constant 1664 : i32
    %dma_start3A_188 = tpu.memref_slice %arg16[%dma_start3A_187] : memref<2048xf32, #tpu.memory_space<vmem>> -> memref<128xf32, #tpu.memory_space<vmem>>
    %dma_start3A_189 = arith.constant 0 : i32
    %dma_start3A_190 = tpu.memref_slice %arg17[%dma_start3A_186, %dma_start3A_189] : memref<16x128xi32, #tpu.memory_space<vmem>> -> memref<1x128xi32, #tpu.memory_space<vmem>>
    %dma_start3A_191 = tpu.memref_squeeze %dma_start3A_190 : memref<1x128xi32, #tpu.memory_space<vmem>> -> memref<128xi32, #tpu.memory_space<vmem>>
    %dma_start3A_192 = arith.constant 0 : i32
    %dma_start3A_193 = tpu.memref_slice %arg4[%dma_start3A_192] : memref<41943040xf32, #tpu.memory_space<hbm>> -> memref<41943040xf32, #tpu.memory_space<hbm>>
    tpu.enqueue_indirect_dma source(%dma_start3A_188 : memref<128xf32, #tpu.memory_space<vmem>>) target(%dma_start3A_193 : memref<41943040xf32, #tpu.memory_space<hbm>>) offsets(%dma_start3A_191 : memref<128xi32, #tpu.memory_space<vmem>>) semaphore(%arg19 : memref<!tpu.dma_semaphore, #tpu.memory_space<semaphore_mem>>)
    %dma_start3A_194 = arith.constant 14 : i32
    %dma_start3A_195 = arith.constant 1792 : i32
    %dma_start3A_196 = tpu.memref_slice %arg16[%dma_start3A_195] : memref<2048xf32, #tpu.memory_space<vmem>> -> memref<128xf32, #tpu.memory_space<vmem>>
    %dma_start3A_197 = arith.constant 0 : i32
    %dma_start3A_198 = tpu.memref_slice %arg17[%dma_start3A_194, %dma_start3A_197] : memref<16x128xi32, #tpu.memory_space<vmem>> -> memref<1x128xi32, #tpu.memory_space<vmem>>
    %dma_start3A_199 = tpu.memref_squeeze %dma_start3A_198 : memref<1x128xi32, #tpu.memory_space<vmem>> -> memref<128xi32, #tpu.memory_space<vmem>>
    %dma_start3A_200 = arith.constant 0 : i32
    %dma_start3A_201 = tpu.memref_slice %arg4[%dma_start3A_200] : memref<41943040xf32, #tpu.memory_space<hbm>> -> memref<41943040xf32, #tpu.memory_space<hbm>>
    tpu.enqueue_indirect_dma source(%dma_start3A_196 : memref<128xf32, #tpu.memory_space<vmem>>) target(%dma_start3A_201 : memref<41943040xf32, #tpu.memory_space<hbm>>) offsets(%dma_start3A_199 : memref<128xi32, #tpu.memory_space<vmem>>) semaphore(%arg19 : memref<!tpu.dma_semaphore, #tpu.memory_space<semaphore_mem>>)
    %dma_start3A_202 = arith.constant 15 : i32
    %dma_start3A_203 = arith.constant 1920 : i32
    %dma_start3A_204 = tpu.memref_slice %arg16[%dma_start3A_203] : memref<2048xf32, #tpu.memory_space<vmem>> -> memref<128xf32, #tpu.memory_space<vmem>>
    %dma_start3A_205 = arith.constant 0 : i32
    %dma_start3A_206 = tpu.memref_slice %arg17[%dma_start3A_202, %dma_start3A_205] : memref<16x128xi32, #tpu.memory_space<vmem>> -> memref<1x128xi32, #tpu.memory_space<vmem>>
    %dma_start3A_207 = tpu.memref_squeeze %dma_start3A_206 : memref<1x128xi32, #tpu.memory_space<vmem>> -> memref<128xi32, #tpu.memory_space<vmem>>
    %dma_start3A_208 = arith.constant 0 : i32
    %dma_start3A_209 = tpu.memref_slice %arg4[%dma_start3A_208] : memref<41943040xf32, #tpu.memory_space<hbm>> -> memref<41943040xf32, #tpu.memory_space<hbm>>
    tpu.enqueue_indirect_dma source(%dma_start3A_204 : memref<128xf32, #tpu.memory_space<vmem>>) target(%dma_start3A_209 : memref<41943040xf32, #tpu.memory_space<hbm>>) offsets(%dma_start3A_207 : memref<128xi32, #tpu.memory_space<vmem>>) semaphore(%arg19 : memref<!tpu.dma_semaphore, #tpu.memory_space<semaphore_mem>>)
    %dma_wait3A = arith.constant 0 : i32
    %dma_wait3A_210 = arith.constant 0 : i32
    %dma_wait3A_211 = tpu.memref_slice %arg16[%dma_wait3A_210] : memref<2048xf32, #tpu.memory_space<vmem>> -> memref<128xf32, #tpu.memory_space<vmem>>
    %dma_wait3A_212 = arith.constant 0 : i32
    %dma_wait3A_213 = tpu.memref_slice %arg17[%dma_wait3A, %dma_wait3A_212] : memref<16x128xi32, #tpu.memory_space<vmem>> -> memref<1x128xi32, #tpu.memory_space<vmem>>
    %dma_wait3A_214 = tpu.memref_squeeze %dma_wait3A_213 : memref<1x128xi32, #tpu.memory_space<vmem>> -> memref<128xi32, #tpu.memory_space<vmem>>
    %dma_wait3A_215 = arith.constant 0 : i32
    %dma_wait3A_216 = tpu.memref_slice %arg4[%dma_wait3A_215] : memref<41943040xf32, #tpu.memory_space<hbm>> -> memref<41943040xf32, #tpu.memory_space<hbm>>
    tpu.wait_indirect_dma semaphore(%arg19 : memref<!tpu.dma_semaphore, #tpu.memory_space<semaphore_mem>>) src(%dma_wait3A_211 : memref<128xf32, #tpu.memory_space<vmem>>) dst(%dma_wait3A_216 : memref<41943040xf32, #tpu.memory_space<hbm>>)
    %dma_wait3A_217 = arith.constant 1 : i32
    %dma_wait3A_218 = arith.constant 128 : i32
    %dma_wait3A_219 = tpu.memref_slice %arg16[%dma_wait3A_218] : memref<2048xf32, #tpu.memory_space<vmem>> -> memref<128xf32, #tpu.memory_space<vmem>>
    %dma_wait3A_220 = arith.constant 0 : i32
    %dma_wait3A_221 = tpu.memref_slice %arg17[%dma_wait3A_217, %dma_wait3A_220] : memref<16x128xi32, #tpu.memory_space<vmem>> -> memref<1x128xi32, #tpu.memory_space<vmem>>
    %dma_wait3A_222 = tpu.memref_squeeze %dma_wait3A_221 : memref<1x128xi32, #tpu.memory_space<vmem>> -> memref<128xi32, #tpu.memory_space<vmem>>
    %dma_wait3A_223 = arith.constant 0 : i32
    %dma_wait3A_224 = tpu.memref_slice %arg4[%dma_wait3A_223] : memref<41943040xf32, #tpu.memory_space<hbm>> -> memref<41943040xf32, #tpu.memory_space<hbm>>
    tpu.wait_indirect_dma semaphore(%arg19 : memref<!tpu.dma_semaphore, #tpu.memory_space<semaphore_mem>>) src(%dma_wait3A_219 : memref<128xf32, #tpu.memory_space<vmem>>) dst(%dma_wait3A_224 : memref<41943040xf32, #tpu.memory_space<hbm>>)
    %dma_wait3A_225 = arith.constant 2 : i32
    %dma_wait3A_226 = arith.constant 256 : i32
    %dma_wait3A_227 = tpu.memref_slice %arg16[%dma_wait3A_226] : memref<2048xf32, #tpu.memory_space<vmem>> -> memref<128xf32, #tpu.memory_space<vmem>>
    %dma_wait3A_228 = arith.constant 0 : i32
    %dma_wait3A_229 = tpu.memref_slice %arg17[%dma_wait3A_225, %dma_wait3A_228] : memref<16x128xi32, #tpu.memory_space<vmem>> -> memref<1x128xi32, #tpu.memory_space<vmem>>
    %dma_wait3A_230 = tpu.memref_squeeze %dma_wait3A_229 : memref<1x128xi32, #tpu.memory_space<vmem>> -> memref<128xi32, #tpu.memory_space<vmem>>
    %dma_wait3A_231 = arith.constant 0 : i32
    %dma_wait3A_232 = tpu.memref_slice %arg4[%dma_wait3A_231] : memref<41943040xf32, #tpu.memory_space<hbm>> -> memref<41943040xf32, #tpu.memory_space<hbm>>
    tpu.wait_indirect_dma semaphore(%arg19 : memref<!tpu.dma_semaphore, #tpu.memory_space<semaphore_mem>>) src(%dma_wait3A_227 : memref<128xf32, #tpu.memory_space<vmem>>) dst(%dma_wait3A_232 : memref<41943040xf32, #tpu.memory_space<hbm>>)
    %dma_wait3A_233 = arith.constant 3 : i32
    %dma_wait3A_234 = arith.constant 384 : i32
    %dma_wait3A_235 = tpu.memref_slice %arg16[%dma_wait3A_234] : memref<2048xf32, #tpu.memory_space<vmem>> -> memref<128xf32, #tpu.memory_space<vmem>>
    %dma_wait3A_236 = arith.constant 0 : i32
    %dma_wait3A_237 = tpu.memref_slice %arg17[%dma_wait3A_233, %dma_wait3A_236] : memref<16x128xi32, #tpu.memory_space<vmem>> -> memref<1x128xi32, #tpu.memory_space<vmem>>
    %dma_wait3A_238 = tpu.memref_squeeze %dma_wait3A_237 : memref<1x128xi32, #tpu.memory_space<vmem>> -> memref<128xi32, #tpu.memory_space<vmem>>
    %dma_wait3A_239 = arith.constant 0 : i32
    %dma_wait3A_240 = tpu.memref_slice %arg4[%dma_wait3A_239] : memref<41943040xf32, #tpu.memory_space<hbm>> -> memref<41943040xf32, #tpu.memory_space<hbm>>
    tpu.wait_indirect_dma semaphore(%arg19 : memref<!tpu.dma_semaphore, #tpu.memory_space<semaphore_mem>>) src(%dma_wait3A_235 : memref<128xf32, #tpu.memory_space<vmem>>) dst(%dma_wait3A_240 : memref<41943040xf32, #tpu.memory_space<hbm>>)
    %dma_wait3A_241 = arith.constant 4 : i32
    %dma_wait3A_242 = arith.constant 512 : i32
    %dma_wait3A_243 = tpu.memref_slice %arg16[%dma_wait3A_242] : memref<2048xf32, #tpu.memory_space<vmem>> -> memref<128xf32, #tpu.memory_space<vmem>>
    %dma_wait3A_244 = arith.constant 0 : i32
    %dma_wait3A_245 = tpu.memref_slice %arg17[%dma_wait3A_241, %dma_wait3A_244] : memref<16x128xi32, #tpu.memory_space<vmem>> -> memref<1x128xi32, #tpu.memory_space<vmem>>
    %dma_wait3A_246 = tpu.memref_squeeze %dma_wait3A_245 : memref<1x128xi32, #tpu.memory_space<vmem>> -> memref<128xi32, #tpu.memory_space<vmem>>
    %dma_wait3A_247 = arith.constant 0 : i32
    %dma_wait3A_248 = tpu.memref_slice %arg4[%dma_wait3A_247] : memref<41943040xf32, #tpu.memory_space<hbm>> -> memref<41943040xf32, #tpu.memory_space<hbm>>
    tpu.wait_indirect_dma semaphore(%arg19 : memref<!tpu.dma_semaphore, #tpu.memory_space<semaphore_mem>>) src(%dma_wait3A_243 : memref<128xf32, #tpu.memory_space<vmem>>) dst(%dma_wait3A_248 : memref<41943040xf32, #tpu.memory_space<hbm>>)
    %dma_wait3A_249 = arith.constant 5 : i32
    %dma_wait3A_250 = arith.constant 640 : i32
    %dma_wait3A_251 = tpu.memref_slice %arg16[%dma_wait3A_250] : memref<2048xf32, #tpu.memory_space<vmem>> -> memref<128xf32, #tpu.memory_space<vmem>>
    %dma_wait3A_252 = arith.constant 0 : i32
    %dma_wait3A_253 = tpu.memref_slice %arg17[%dma_wait3A_249, %dma_wait3A_252] : memref<16x128xi32, #tpu.memory_space<vmem>> -> memref<1x128xi32, #tpu.memory_space<vmem>>
    %dma_wait3A_254 = tpu.memref_squeeze %dma_wait3A_253 : memref<1x128xi32, #tpu.memory_space<vmem>> -> memref<128xi32, #tpu.memory_space<vmem>>
    %dma_wait3A_255 = arith.constant 0 : i32
    %dma_wait3A_256 = tpu.memref_slice %arg4[%dma_wait3A_255] : memref<41943040xf32, #tpu.memory_space<hbm>> -> memref<41943040xf32, #tpu.memory_space<hbm>>
    tpu.wait_indirect_dma semaphore(%arg19 : memref<!tpu.dma_semaphore, #tpu.memory_space<semaphore_mem>>) src(%dma_wait3A_251 : memref<128xf32, #tpu.memory_space<vmem>>) dst(%dma_wait3A_256 : memref<41943040xf32, #tpu.memory_space<hbm>>)
    %dma_wait3A_257 = arith.constant 6 : i32
    %dma_wait3A_258 = arith.constant 768 : i32
    %dma_wait3A_259 = tpu.memref_slice %arg16[%dma_wait3A_258] : memref<2048xf32, #tpu.memory_space<vmem>> -> memref<128xf32, #tpu.memory_space<vmem>>
    %dma_wait3A_260 = arith.constant 0 : i32
    %dma_wait3A_261 = tpu.memref_slice %arg17[%dma_wait3A_257, %dma_wait3A_260] : memref<16x128xi32, #tpu.memory_space<vmem>> -> memref<1x128xi32, #tpu.memory_space<vmem>>
    %dma_wait3A_262 = tpu.memref_squeeze %dma_wait3A_261 : memref<1x128xi32, #tpu.memory_space<vmem>> -> memref<128xi32, #tpu.memory_space<vmem>>
    %dma_wait3A_263 = arith.constant 0 : i32
    %dma_wait3A_264 = tpu.memref_slice %arg4[%dma_wait3A_263] : memref<41943040xf32, #tpu.memory_space<hbm>> -> memref<41943040xf32, #tpu.memory_space<hbm>>
    tpu.wait_indirect_dma semaphore(%arg19 : memref<!tpu.dma_semaphore, #tpu.memory_space<semaphore_mem>>) src(%dma_wait3A_259 : memref<128xf32, #tpu.memory_space<vmem>>) dst(%dma_wait3A_264 : memref<41943040xf32, #tpu.memory_space<hbm>>)
    %dma_wait3A_265 = arith.constant 7 : i32
    %dma_wait3A_266 = arith.constant 896 : i32
    %dma_wait3A_267 = tpu.memref_slice %arg16[%dma_wait3A_266] : memref<2048xf32, #tpu.memory_space<vmem>> -> memref<128xf32, #tpu.memory_space<vmem>>
    %dma_wait3A_268 = arith.constant 0 : i32
    %dma_wait3A_269 = tpu.memref_slice %arg17[%dma_wait3A_265, %dma_wait3A_268] : memref<16x128xi32, #tpu.memory_space<vmem>> -> memref<1x128xi32, #tpu.memory_space<vmem>>
    %dma_wait3A_270 = tpu.memref_squeeze %dma_wait3A_269 : memref<1x128xi32, #tpu.memory_space<vmem>> -> memref<128xi32, #tpu.memory_space<vmem>>
    %dma_wait3A_271 = arith.constant 0 : i32
    %dma_wait3A_272 = tpu.memref_slice %arg4[%dma_wait3A_271] : memref<41943040xf32, #tpu.memory_space<hbm>> -> memref<41943040xf32, #tpu.memory_space<hbm>>
    tpu.wait_indirect_dma semaphore(%arg19 : memref<!tpu.dma_semaphore, #tpu.memory_space<semaphore_mem>>) src(%dma_wait3A_267 : memref<128xf32, #tpu.memory_space<vmem>>) dst(%dma_wait3A_272 : memref<41943040xf32, #tpu.memory_space<hbm>>)
    %dma_wait3A_273 = arith.constant 8 : i32
    %dma_wait3A_274 = arith.constant 1024 : i32
    %dma_wait3A_275 = tpu.memref_slice %arg16[%dma_wait3A_274] : memref<2048xf32, #tpu.memory_space<vmem>> -> memref<128xf32, #tpu.memory_space<vmem>>
    %dma_wait3A_276 = arith.constant 0 : i32
    %dma_wait3A_277 = tpu.memref_slice %arg17[%dma_wait3A_273, %dma_wait3A_276] : memref<16x128xi32, #tpu.memory_space<vmem>> -> memref<1x128xi32, #tpu.memory_space<vmem>>
    %dma_wait3A_278 = tpu.memref_squeeze %dma_wait3A_277 : memref<1x128xi32, #tpu.memory_space<vmem>> -> memref<128xi32, #tpu.memory_space<vmem>>
    %dma_wait3A_279 = arith.constant 0 : i32
    %dma_wait3A_280 = tpu.memref_slice %arg4[%dma_wait3A_279] : memref<41943040xf32, #tpu.memory_space<hbm>> -> memref<41943040xf32, #tpu.memory_space<hbm>>
    tpu.wait_indirect_dma semaphore(%arg19 : memref<!tpu.dma_semaphore, #tpu.memory_space<semaphore_mem>>) src(%dma_wait3A_275 : memref<128xf32, #tpu.memory_space<vmem>>) dst(%dma_wait3A_280 : memref<41943040xf32, #tpu.memory_space<hbm>>)
    %dma_wait3A_281 = arith.constant 9 : i32
    %dma_wait3A_282 = arith.constant 1152 : i32
    %dma_wait3A_283 = tpu.memref_slice %arg16[%dma_wait3A_282] : memref<2048xf32, #tpu.memory_space<vmem>> -> memref<128xf32, #tpu.memory_space<vmem>>
    %dma_wait3A_284 = arith.constant 0 : i32
    %dma_wait3A_285 = tpu.memref_slice %arg17[%dma_wait3A_281, %dma_wait3A_284] : memref<16x128xi32, #tpu.memory_space<vmem>> -> memref<1x128xi32, #tpu.memory_space<vmem>>
    %dma_wait3A_286 = tpu.memref_squeeze %dma_wait3A_285 : memref<1x128xi32, #tpu.memory_space<vmem>> -> memref<128xi32, #tpu.memory_space<vmem>>
    %dma_wait3A_287 = arith.constant 0 : i32
    %dma_wait3A_288 = tpu.memref_slice %arg4[%dma_wait3A_287] : memref<41943040xf32, #tpu.memory_space<hbm>> -> memref<41943040xf32, #tpu.memory_space<hbm>>
    tpu.wait_indirect_dma semaphore(%arg19 : memref<!tpu.dma_semaphore, #tpu.memory_space<semaphore_mem>>) src(%dma_wait3A_283 : memref<128xf32, #tpu.memory_space<vmem>>) dst(%dma_wait3A_288 : memref<41943040xf32, #tpu.memory_space<hbm>>)
    %dma_wait3A_289 = arith.constant 10 : i32
    %dma_wait3A_290 = arith.constant 1280 : i32
    %dma_wait3A_291 = tpu.memref_slice %arg16[%dma_wait3A_290] : memref<2048xf32, #tpu.memory_space<vmem>> -> memref<128xf32, #tpu.memory_space<vmem>>
    %dma_wait3A_292 = arith.constant 0 : i32
    %dma_wait3A_293 = tpu.memref_slice %arg17[%dma_wait3A_289, %dma_wait3A_292] : memref<16x128xi32, #tpu.memory_space<vmem>> -> memref<1x128xi32, #tpu.memory_space<vmem>>
    %dma_wait3A_294 = tpu.memref_squeeze %dma_wait3A_293 : memref<1x128xi32, #tpu.memory_space<vmem>> -> memref<128xi32, #tpu.memory_space<vmem>>
    %dma_wait3A_295 = arith.constant 0 : i32
    %dma_wait3A_296 = tpu.memref_slice %arg4[%dma_wait3A_295] : memref<41943040xf32, #tpu.memory_space<hbm>> -> memref<41943040xf32, #tpu.memory_space<hbm>>
    tpu.wait_indirect_dma semaphore(%arg19 : memref<!tpu.dma_semaphore, #tpu.memory_space<semaphore_mem>>) src(%dma_wait3A_291 : memref<128xf32, #tpu.memory_space<vmem>>) dst(%dma_wait3A_296 : memref<41943040xf32, #tpu.memory_space<hbm>>)
    %dma_wait3A_297 = arith.constant 11 : i32
    %dma_wait3A_298 = arith.constant 1408 : i32
    %dma_wait3A_299 = tpu.memref_slice %arg16[%dma_wait3A_298] : memref<2048xf32, #tpu.memory_space<vmem>> -> memref<128xf32, #tpu.memory_space<vmem>>
    %dma_wait3A_300 = arith.constant 0 : i32
    %dma_wait3A_301 = tpu.memref_slice %arg17[%dma_wait3A_297, %dma_wait3A_300] : memref<16x128xi32, #tpu.memory_space<vmem>> -> memref<1x128xi32, #tpu.memory_space<vmem>>
    %dma_wait3A_302 = tpu.memref_squeeze %dma_wait3A_301 : memref<1x128xi32, #tpu.memory_space<vmem>> -> memref<128xi32, #tpu.memory_space<vmem>>
    %dma_wait3A_303 = arith.constant 0 : i32
    %dma_wait3A_304 = tpu.memref_slice %arg4[%dma_wait3A_303] : memref<41943040xf32, #tpu.memory_space<hbm>> -> memref<41943040xf32, #tpu.memory_space<hbm>>
    tpu.wait_indirect_dma semaphore(%arg19 : memref<!tpu.dma_semaphore, #tpu.memory_space<semaphore_mem>>) src(%dma_wait3A_299 : memref<128xf32, #tpu.memory_space<vmem>>) dst(%dma_wait3A_304 : memref<41943040xf32, #tpu.memory_space<hbm>>)
    %dma_wait3A_305 = arith.constant 12 : i32
    %dma_wait3A_306 = arith.constant 1536 : i32
    %dma_wait3A_307 = tpu.memref_slice %arg16[%dma_wait3A_306] : memref<2048xf32, #tpu.memory_space<vmem>> -> memref<128xf32, #tpu.memory_space<vmem>>
    %dma_wait3A_308 = arith.constant 0 : i32
    %dma_wait3A_309 = tpu.memref_slice %arg17[%dma_wait3A_305, %dma_wait3A_308] : memref<16x128xi32, #tpu.memory_space<vmem>> -> memref<1x128xi32, #tpu.memory_space<vmem>>
    %dma_wait3A_310 = tpu.memref_squeeze %dma_wait3A_309 : memref<1x128xi32, #tpu.memory_space<vmem>> -> memref<128xi32, #tpu.memory_space<vmem>>
    %dma_wait3A_311 = arith.constant 0 : i32
    %dma_wait3A_312 = tpu.memref_slice %arg4[%dma_wait3A_311] : memref<41943040xf32, #tpu.memory_space<hbm>> -> memref<41943040xf32, #tpu.memory_space<hbm>>
    tpu.wait_indirect_dma semaphore(%arg19 : memref<!tpu.dma_semaphore, #tpu.memory_space<semaphore_mem>>) src(%dma_wait3A_307 : memref<128xf32, #tpu.memory_space<vmem>>) dst(%dma_wait3A_312 : memref<41943040xf32, #tpu.memory_space<hbm>>)
    %dma_wait3A_313 = arith.constant 13 : i32
    %dma_wait3A_314 = arith.constant 1664 : i32
    %dma_wait3A_315 = tpu.memref_slice %arg16[%dma_wait3A_314] : memref<2048xf32, #tpu.memory_space<vmem>> -> memref<128xf32, #tpu.memory_space<vmem>>
    %dma_wait3A_316 = arith.constant 0 : i32
    %dma_wait3A_317 = tpu.memref_slice %arg17[%dma_wait3A_313, %dma_wait3A_316] : memref<16x128xi32, #tpu.memory_space<vmem>> -> memref<1x128xi32, #tpu.memory_space<vmem>>
    %dma_wait3A_318 = tpu.memref_squeeze %dma_wait3A_317 : memref<1x128xi32, #tpu.memory_space<vmem>> -> memref<128xi32, #tpu.memory_space<vmem>>
    %dma_wait3A_319 = arith.constant 0 : i32
    %dma_wait3A_320 = tpu.memref_slice %arg4[%dma_wait3A_319] : memref<41943040xf32, #tpu.memory_space<hbm>> -> memref<41943040xf32, #tpu.memory_space<hbm>>
    tpu.wait_indirect_dma semaphore(%arg19 : memref<!tpu.dma_semaphore, #tpu.memory_space<semaphore_mem>>) src(%dma_wait3A_315 : memref<128xf32, #tpu.memory_space<vmem>>) dst(%dma_wait3A_320 : memref<41943040xf32, #tpu.memory_space<hbm>>)
    %dma_wait3A_321 = arith.constant 14 : i32
    %dma_wait3A_322 = arith.constant 1792 : i32
    %dma_wait3A_323 = tpu.memref_slice %arg16[%dma_wait3A_322] : memref<2048xf32, #tpu.memory_space<vmem>> -> memref<128xf32, #tpu.memory_space<vmem>>
    %dma_wait3A_324 = arith.constant 0 : i32
    %dma_wait3A_325 = tpu.memref_slice %arg17[%dma_wait3A_321, %dma_wait3A_324] : memref<16x128xi32, #tpu.memory_space<vmem>> -> memref<1x128xi32, #tpu.memory_space<vmem>>
    %dma_wait3A_326 = tpu.memref_squeeze %dma_wait3A_325 : memref<1x128xi32, #tpu.memory_space<vmem>> -> memref<128xi32, #tpu.memory_space<vmem>>
    %dma_wait3A_327 = arith.constant 0 : i32
    %dma_wait3A_328 = tpu.memref_slice %arg4[%dma_wait3A_327] : memref<41943040xf32, #tpu.memory_space<hbm>> -> memref<41943040xf32, #tpu.memory_space<hbm>>
    tpu.wait_indirect_dma semaphore(%arg19 : memref<!tpu.dma_semaphore, #tpu.memory_space<semaphore_mem>>) src(%dma_wait3A_323 : memref<128xf32, #tpu.memory_space<vmem>>) dst(%dma_wait3A_328 : memref<41943040xf32, #tpu.memory_space<hbm>>)
    %dma_wait3A_329 = arith.constant 15 : i32
    %dma_wait3A_330 = arith.constant 1920 : i32
    %dma_wait3A_331 = tpu.memref_slice %arg16[%dma_wait3A_330] : memref<2048xf32, #tpu.memory_space<vmem>> -> memref<128xf32, #tpu.memory_space<vmem>>
    %dma_wait3A_332 = arith.constant 0 : i32
    %dma_wait3A_333 = tpu.memref_slice %arg17[%dma_wait3A_329, %dma_wait3A_332] : memref<16x128xi32, #tpu.memory_space<vmem>> -> memref<1x128xi32, #tpu.memory_space<vmem>>
    %dma_wait3A_334 = tpu.memref_squeeze %dma_wait3A_333 : memref<1x128xi32, #tpu.memory_space<vmem>> -> memref<128xi32, #tpu.memory_space<vmem>>
    %dma_wait3A_335 = arith.constant 0 : i32
    %dma_wait3A_336 = tpu.memref_slice %arg4[%dma_wait3A_335] : memref<41943040xf32, #tpu.memory_space<hbm>> -> memref<41943040xf32, #tpu.memory_space<hbm>>
    tpu.wait_indirect_dma semaphore(%arg19 : memref<!tpu.dma_semaphore, #tpu.memory_space<semaphore_mem>>) src(%dma_wait3A_331 : memref<128xf32, #tpu.memory_space<vmem>>) dst(%dma_wait3A_336 : memref<41943040xf32, #tpu.memory_space<hbm>>)
    return
  }
}

module attributes {stable_mosaic.version = 14 : i64} {
  func.func @_mm_kernel(%arg0: i32, %arg1: i32, %arg2: memref<256x512xf32, #tpu.memory_space<vmem>>, %arg3: memref<2560x512xf32, #tpu.memory_space<vmem>>, %arg4: memref<256x2560xf32, #tpu.memory_space<vmem>>) attributes {dimension_semantics = [#tpu.dimension_semantics<arbitrary>, #tpu.dimension_semantics<arbitrary>], iteration_bounds = array<i64: 8, 8>, scalar_prefetch = 0 : i64, scratch_operands = 0 : i64, tpu.core_type = #tpu.core_type<tc>, window_params = [{transform_indices = @transform_0, window_bounds = array<i64: 256, 512>}, {transform_indices = @transform_1, window_bounds = array<i64: 2560, 512>}, {transform_indices = @transform_2, window_bounds = array<i64: 256, 2560>}]} {
    %get3A = arith.constant 0 : index
    %get3A_0 = arith.constant 0 : index
    %get3A_1 = vector.load %arg2[%get3A, %get3A_0] : memref<256x512xf32, #tpu.memory_space<vmem>>, vector<256x512xf32>
    %convert_element_type3A = arith.truncf %get3A_1 : vector<256x512xf32> to vector<256x512xbf16>
    %get3A_2 = arith.constant 0 : index
    %get3A_3 = arith.constant 0 : index
    %get3A_4 = vector.load %arg3[%get3A_2, %get3A_3] : memref<2560x512xf32, #tpu.memory_space<vmem>>, vector<2560x512xf32>
    %convert_element_type3A_5 = arith.truncf %get3A_4 : vector<2560x512xf32> to vector<2560x512xbf16>
    %dot_general3A = arith.constant dense<0.000000e+00> : vector<256x2560xf32>
    %dot_general3A_6 = tpu.matmul %convert_element_type3A, %convert_element_type3A_5, %dot_general3A {dimension_numbers = #tpu.dot_dimension_numbers<[1], [1], [0], [0], [0, 0, 1, 0], [], []>, transpose_lhs_hint = false} : vector<256x512xbf16>, vector<2560x512xbf16>, vector<256x2560xf32> -> vector<256x2560xf32>
    %swap3A = arith.constant 0 : index
    %swap3A_7 = arith.constant 0 : index
    %swap3A_8 = vector.load %arg4[%swap3A, %swap3A_7] : memref<256x2560xf32, #tpu.memory_space<vmem>>, vector<256x2560xf32>
    tpu.vector_store %arg4[%swap3A, %swap3A_7], %dot_general3A_6 {strides = array<i32>} : memref<256x2560xf32, #tpu.memory_space<vmem>>, vector<256x2560xf32>,
    return
  }
  func.func @transform_0(%arg0: i32, %arg1: i32) -> (i32, i32) {
    %c0_i32 = arith.constant 0 : i32
    %c0_i32_0 = arith.constant 0 : i32
    return %arg1, %c0_i32 : i32, i32
  }
  func.func @transform_1(%arg0: i32, %arg1: i32) -> (i32, i32) {
    %c0_i32 = arith.constant 0 : i32
    %c0_i32_0 = arith.constant 0 : i32
    return %arg0, %c0_i32 : i32, i32
  }
  func.func @transform_2(%arg0: i32, %arg1: i32) -> (i32, i32) {
    %c0_i32 = arith.constant 0 : i32
    return %arg1, %arg0 : i32, i32
  }
}

module attributes {stable_mosaic.version = 14 : i64} {
  func.func @_cm_kernel(%arg0: i32, %arg1: memref<128x20480xf32, #tpu.memory_space<vmem>>, %arg2: memref<128x160xf32, #tpu.memory_space<vmem>>) attributes {dimension_semantics = [#tpu.dimension_semantics<arbitrary>], iteration_bounds = array<i64: 16>, scalar_prefetch = 0 : i64, scratch_operands = 0 : i64, tpu.core_type = #tpu.core_type<tc>, window_params = [{transform_indices = @transform_0, window_bounds = array<i64: 128, 20480>}, {transform_indices = @transform_1, window_bounds = array<i64: 128, 160>}]} {
    %get3A = arith.constant 0 : index
    %get3A_0 = arith.constant 0 : index
    %get3A_1 = vector.load %arg1[%get3A, %get3A_0] : memref<128x20480xf32, #tpu.memory_space<vmem>>, vector<128x20480xf32>
    %reshape3A = vector.shape_cast %get3A_1 : vector<128x20480xf32> to vector<128x160x128xf32>
    %reduce_max3A = arith.constant dense<0xFF800000> : vector<128x160xf32>
    %reduce_max3A_2 = vector.multi_reduction <maximumf>, %reshape3A, %reduce_max3A [2] : vector<128x160x128xf32> to vector<128x160xf32>
    %swap3A = arith.constant 0 : index
    %swap3A_3 = arith.constant 0 : index
    %swap3A_4 = vector.load %arg2[%swap3A, %swap3A_3] : memref<128x160xf32, #tpu.memory_space<vmem>>, vector<128x160xf32>
    tpu.vector_store %arg2[%swap3A, %swap3A_3], %reduce_max3A_2 {strides = array<i32>} : memref<128x160xf32, #tpu.memory_space<vmem>>, vector<128x160xf32>,
    return
  }
  func.func @transform_0(%arg0: i32) -> (i32, i32) {
    %c0_i32 = arith.constant 0 : i32
    %c0_i32_0 = arith.constant 0 : i32
    return %arg0, %c0_i32 : i32, i32
  }
  func.func @transform_1(%arg0: i32) -> (i32, i32) {
    %c0_i32 = arith.constant 0 : i32
    %c0_i32_0 = arith.constant 0 : i32
    return %arg0, %c0_i32 : i32, i32
  }
}

</mosaic_0001>

<sc_bundles>
// kernel: kernel.5.cloned.1.call-start
scs
__scs_entry_jumppad:
0x0: {  	(pc) =	sbr.rel $0x88, $3  }
0x1: {  	(tag) =	ssettag $0x0;
	lr =	simm.s32 $0x1  }
0x2: {  	[smem:$0x3F9F] =	sst lr;
	_ =	strace $0xD0000000  }
0x3: {  	_ = 	snop  }
0x4: {  	_ = 	snop  }
0x5: {  	_ = 	snop  }
0x6: {  	_ = 	snop  }
0x7: {  	_ = 	snop  }
__scs_overlays_trampoline_lowered:
0x8: {  	[smem:$0x3FAE] =	sst s0  }
0x9: {  	[smem:$0x3FAF] =	sst s1  }
0xa: {  	[smem:$0x3FB0] =	sst s2  }
0xb: {  	[smem:$0x3FB1] =	sst s3  }
0xc: {  	[smem:$0x3FB2] =	sst s4  }
0xd: {  	[smem:$0x3FB3] =	sst s5  }
0xe: {  	[smem:$0x3FB4] =	sst s6  }
0xf: {  	[smem:$0x3FB5] =	sst s7  }
0x10: {  	[smem:$0x3FB6] =	sst s8  }
0x11: {  	[smem:$0x3FB7] =	sst s9;
	s0 =	simm.s32 @!p0 $0x0  }
0x12: {  	s1 =	sld [smem:$0x3F9D];
	s0 =	simm.s32 @p0 $0x1  }
0x13: {  	[smem:$0x3FB8] =	sst s0;
	s0 =	simm.s32 @!p1 $0x0  }
0x14: {  	s2 =	sld [smem:$0x3F9C];
	s0 =	simm.s32 @p1 $0x1  }
0x15: {  	[smem:$0x3FB9] =	sst s0;
	s0 =	simm.s32 @!p2 $0x0  }
0x16: {  	s3 =	sld [smem:$0x3FDB];
	s0 =	simm.s32 @p2 $0x1  }
0x17: {  	s4 =	simm.s32 $0x1BF5;
	[smem:$0x3FBB] =	sst s0  }
0x18: {  	s0 =	sld [smem:$0x3F9E];
	_ =	swait.ge [sflag:s4], $0x0  }
0x19: {  	s7 =	sld [smem:$0x3F9F]  }
0x1a: {  	s8 =	sadd.s32 $0xFFFFE003, lr  }
0x1b: {  	s9 =	sadd.s32 $0xFFFFFEF7, lr;
	s5 =	simm.s32 $0xFFFFFFFF;
	p2 =	slt.u32 s8, $0xFFFFF086  }
0x1c: {  	p1 =	slt.u32 s9, $0xF7A;
	s5 =	simm.s32 @!p2 $0x0  }
0x1d: {  	s5 =	simm.s32 @p1 $0x1;
	p0 =	seq.s32 s7, s2  }
0x1e: {  	s7 =	smul.u32 @!p0 $0xF7A, s2;
	p2 =	seq.s32 @!p0 s5, $0x0  }
0x1f: {  	s9 =	smul.u32 $0xF7A, s1;
	s8 =	simm.s32 @!p0 $0x1BF5;
	p2 =	por !p2, p0  }
0x20: {  	[sflag:s8] =	ssyncset.s32 @!p0 $0xFFFFF086;
	s6 =	sadd.s32 @!p0 s3, s7;
	s7 =	simm.s32 @!p0 $0x108  }
0x21: {  	s3 =	sadd.s32 s3, s9;
	s6 =	sadd.s32 @!p0 $0x88, s6;
	s7 =	simm.s32 @p2 $0x1082  }
0x22: {  	[simem:s7], [sflag:s8] =	dma.local @!p0 [hbm:s6], $0xF7A  }
0x23: {  	s9 =	sor.u32 $0xD0000000, s2;
	s6 =	simm.s32 $0x108;
	_ =	swait.ge @!p0 [sflag:s8], $0x0  }
0x24: {  	s3 =	sadd.s32 $0x88, s3;
	s6 =	simm.s32 @!p1 $0x1082;
	[sflag:s4] =	ssyncset.s32 $0xFFFFF086  }
0x25: {  	[simem:s6], [sflag:s4] =	dma.local [hbm:s3], $0xF7A  }
0x26: {  	[smem:$0x3F9F] =	sst s1;
	(tag) =	ssettag s2;
	_ =	strace s9  }
0x27: {  	s1 =	sld [smem:$0x3FAF]  }
0x28: {  	s2 =	sld [smem:$0x3FB0]  }
0x29: {  	s4 =	sld [smem:$0x3FB2]  }
0x2a: {  	p0 =	seq.s32 s5, $0x0;
	s5 =	sld [smem:$0x3FB3]  }
0x2b: {  	s6 =	sld [smem:$0x3FB4]  }
0x2c: {  	s7 =	sld [smem:$0x3FB5]  }
0x2d: {  	s3 =	simm.s32 $0x108;
	s8 =	sld [smem:$0x3FB6]  }
0x2e: {  	s3 =	simm.s32 @!p0 $0x1082;
	s9 =	sld [smem:$0x3FB7]  }
0x2f: {  	lr =	sadd.s32 s0, s3;
	s0 =	sld [smem:$0x3FAE]  }
0x30: {  	s3 =	sld [smem:$0x3FB1]  }
0x31: {  	[smem:$0x3FBA] =	sst s10  }
0x32: {  	s10 =	sld [smem:$0x3FB8];
	_ =	sdelay $0x3  }
0x33: {  	p0 =	seq.s32 s10, $0x1;
	s10 =	sld [smem:$0x3FBA];
	_ =	sdelay $0x3  }
0x34: {  	[smem:$0x3FBA] =	sst s10  }
0x35: {  	s10 =	sld [smem:$0x3FB9];
	_ =	sdelay $0x3  }
0x36: {  	p1 =	seq.s32 s10, $0x1;
	s10 =	sld [smem:$0x3FBA];
	_ =	sdelay $0x3  }
0x37: {  	[smem:$0x3FBA] =	sst s10  }
0x38: {  	s10 =	sld [smem:$0x3FBB]  }
0x39: {  	_ = 	snop;
	(pc) =	sbr.ind lr, $3  }
0x3a: {  	_ = 	snop  }
0x3b: {  	_ = 	snop  }
0x3c: {  	p2 =	seq.s32 s10, $0x1;
	s10 =	sld [smem:$0x3FBA]  }
0x3d: {  	_ =	shalt  }
0x3e: {  	_ =	shalt  }
0x3f: {  	_ =	shalt  }
0x40: {  	_ =	shalt  }
0x41: {  	_ =	shalt  }
0x42: {  	_ =	shalt  }
0x43: {  	_ =	shalt  }
0x44: {  	_ =	shalt  }
0x45: {  	_ =	shalt  }
0x46: {  	_ =	shalt  }
0x47: {  	_ =	shalt  }
0x48: {  	_ =	shalt  }
0x49: {  	_ =	shalt  }
0x4a: {  	_ =	shalt  }
0x4b: {  	_ =	shalt  }
0x4c: {  	_ =	shalt  }
0x4d: {  	_ =	shalt  }
0x4e: {  	_ =	shalt  }
0x4f: {  	_ =	shalt  }
0x50: {  	_ =	shalt  }
0x51: {  	_ =	shalt  }
0x52: {  	_ =	shalt  }
0x53: {  	_ =	shalt  }
0x54: {  	_ =	shalt  }
0x55: {  	_ =	shalt  }
0x56: {  	_ =	shalt  }
0x57: {  	_ =	shalt  }
0x58: {  	_ =	shalt  }
0x59: {  	_ =	shalt  }
0x5a: {  	_ =	shalt  }
0x5b: {  	_ =	shalt  }
0x5c: {  	_ =	shalt  }
0x5d: {  	_ =	shalt  }
0x5e: {  	_ =	shalt  }
0x5f: {  	_ =	shalt  }
0x60: {  	_ =	shalt  }
0x61: {  	_ =	shalt  }
0x62: {  	_ =	shalt  }
0x63: {  	_ =	shalt  }
0x64: {  	_ =	shalt  }
0x65: {  	_ =	shalt  }
0x66: {  	_ =	shalt  }
0x67: {  	_ =	shalt  }
0x68: {  	_ =	shalt  }
0x69: {  	_ =	shalt  }
0x6a: {  	_ =	shalt  }
0x6b: {  	_ =	shalt  }
0x6c: {  	_ =	shalt  }
0x6d: {  	_ =	shalt  }
0x6e: {  	_ =	shalt  }
0x6f: {  	_ =	shalt  }
0x70: {  	_ =	shalt  }
0x71: {  	_ =	shalt  }
0x72: {  	_ =	shalt  }
0x73: {  	_ =	shalt  }
0x74: {  	_ =	shalt  }
0x75: {  	_ =	shalt  }
0x76: {  	_ =	shalt  }
0x77: {  	_ =	shalt  }
0x78: {  	_ =	shalt  }
0x79: {  	_ =	shalt  }
0x7a: {  	_ =	shalt  }
0x7b: {  	_ =	shalt  }
0x7c: {  	_ =	shalt  }
0x7d: {  	_ =	shalt  }
0x7e: {  	_ =	shalt  }
0x7f: {  	_ =	shalt  }
0x80: {  	_ =	shalt  }
0x81: {  	_ =	shalt  }
0x82: {  	_ =	shalt  }
0x83: {  	_ =	shalt  }
0x84: {  	_ =	shalt  }
0x85: {  	_ =	shalt  }
0x86: {  	_ =	shalt  }
0x87: {  	_ =	shalt  }
.Lfunc_end0:
.L_simem_size_0:
called_computation_lowered:
.L_overlay_start_0:
0x88: {  	s2 =	sld [smem:$0x3FD9]  }
0x89: {  	s3 =	sld [smem:$0x3FFE];
	_ =	sdelay $0x1  }
0x8a: {  	s1 =	srdreg.scid  }
0x8b: {  	s0 =	sand.u32 $0x1, s1  }
0x8c: {  	s17 =	sshll.u32 s0, $0xA;
	s2 =	sadd.s32 s3, s2  }
0x8d: {  	s2 =	sadd.s32 s2, s17  }
0x8e: {  	[smem:$0x3FC6] =	sst s2  }
0x8f: {  	_ = 	snop  }
0x90: {  	s2 =	sld [smem:$0x3FD0];
	(tm) =	ssettm $0x1  }
0x91: {  	s18 =	sld [smem:$0x3FFB];
	_ =	sdelay $0x3  }
0x92: {  	_ =	strace s18  }
0x93: {  	s3 =	sld [smem:$0x3FFC];
	_ =	sdelay $0x3  }
0x94: {  	_ =	strace s3  }
0x95: {  	s3 =	sld [smem:$0x3FFD];
	_ =	sdelay $0x3  }
0x96: {  	_ =	strace s3  }
0x97: {  	_ =	strace $0x8FFFFFFF  }
0x98: {  	s19 =	sld [smem:$0x3FDB];
	_ =	sdelay $0x1  }
0x99: {  	s4 =	simm.s32 $_scs_section_size  }
0x9a: {  	s5 =	simm.s32 $_size__tile_overlayer_lowered;
	s6 =	simm.s32 $_tile_overlayer_lowered  }
0x9b: {  	s22 =	simm.s32 $0x1BFF;
	s21 =	sshll.u32 s6, $0x1;
	s3 =	sadd.s32 s4, s19  }
0x9c: {  	s7 =	simm.s32 $0x0;
	s20 =	sshll.u32 s5, $0x1;
	s5 =	sadd.s32 s21, s3  }
0x9d: {  	[timem:s7], [sflag:s22] =	dma.local [hbm:s5], s20  }
0x9e: {  	_ =	swait.ge [sflag:s22], s20  }
0x9f: {  	s4 =	ssub.s32 $0x0, s20;
	[sflag:s22] =	ssyncset.done $0x0  }
0xa0: {  	[sflag:s22] =	ssyncadd.s32 s4;
	_ =	sdelay $0x1  }
0xa1: {  	s23 =	simm.s32 $0x1B8B  }
0xa2: {  	_ =	swait.ge [sflag:s23], $0x1  }
0xa3: {  	[sflag:s23] =	ssyncset.done $0x0  }
0xa4: {  	s25 =	simm.s32 $0x1B8E;
	s24 =	sld [smem:$0x3FFE];
	[sflag:s23] =	ssyncadd.s32 $0xFFFFFFFF  }
0xa5: {  	s26 =	simm.s32 $execute0_lowered;
	[smem:$0x3FD2] =	sst s25  }
0xa6: {  	s5 =	sshll.u32 s26, $0x1;
	_ =	strace $0x80000046;
	[dreg:$0x1] =	wrdreg $0xFFFFFFFF  }
0xa7: {  	s28 =	simm.s32 $_size_execute0_lowered;
	s3 =	sadd.s32 s3, s5;
	[dreg:$0x0] =	wrdreg $0x0  }
0xa8: {  	s5 =	sshll.u32 s28, $0x1;
	[dreg:$0x2] =	wrdreg s3  }
0xa9: {  	[dreg:$0x3] =	wrdreg s5  }
0xaa: {  	[dreg:$0x4] =	wrdreg $0xC0  }
0xab: {  	_ =	task [dreg:s7], $0x5FFFF  }
0xac: {  	[dreg:$0x1] =	wrdreg $0xFFFFFFFF  }
0xad: {  	[dreg:$0x0] =	wrdreg $0x60  }
0xae: {  	[dreg:$0x2] =	wrdreg s2  }
0xaf: {  	[dreg:$0x3] =	wrdreg s24  }
0xb0: {  	[dreg:$0x4] =	wrdreg $0x9  }
0xb1: {  	_ =	task.clear_ibuf [dreg:s7], $0x5FFFF;
	_ =	strace $0x90000046  }
0xb2: {  	s29 =	simm.s32 $0x9;
	_ =	strace $0x80000048  }
0xb3: {  	_ =	swait.ge [sflag:s29], $0x1  }
0xb4: {  	[sflag:s29] =	ssyncadd.s32 $0xFFFFFFFF  }
0xb5: {  	_ =	strace $0x90000048  }
0xb6: {  	_ =	sfence  }
0xb7: {  	s30 =	sld [smem:$0x0];
	_ =	sdelay $0x2  }
0xb8: {  	s31 =	sshll.u32 s1, $0xD;
	s1 =	sshrl.u32 s1, $0x2  }
0xb9: {  	s3 =	sand.u32 $0x4000, s31;
	s1 =	sadd.s32 s1, s30  }
0xba: {  	s0 =	sor.u32 s3, s0;
	s1 =	sshll.u32 s1, $0x11  }
0xbb: {  	s0 =	sor.u32 s1, s0  }
0xbc: {  	s0 =	sadd.s32 $0x8F2B, s0  }
0xbd: {  	[sflag:s0] =	ssyncadd.remote.s32 $0x1  }
0xbe: {  	_ =	sfence.sel $0xFFFF  }
0xbf: {  	[dreg:$0x0] =	wrdreg $0xFFFFFFFF;
	(pc) =	sbr.abs _section_cstart, $3  }
0xc0: {  	[dreg:$0x1] =	wrdreg $0xFFFFFFFF  }
0xc1: {  	_ =	task.clear_ibuf [dreg:s7], $0x2FFFF;
	_ =	strace $0x9FFFFFFF  }
0xc2: {  	(tm) =	ssettm $0x7FFFFFFF  }
0xc3: {  	_ =	shalt  }
tec
execute0_lowered:
.L_overlay_start_1:
0x0: {  	(tag) =	ssettag $0x1  }
0x1: {  	s0 =	srdreg.scid;
	s7 =	rddreg [dreg:$0x0]  }
0x2: {  	s2 =	stileid.u32;
	s1 =	rddreg [dreg:$0x1];
	s3 =	simm.s32 $0x0  }
0x3: {  	s14 =	simm.s32 $0x40000000;
	s15 =	simm.s32 $0x18000;
	s16 =	simm.s32 $0x18100  }
0x4: {  	s17 =	simm.s32 $0x18380;
	s18 =	simm.s32 $0x18080;
	s19 =	simm.s32 $0x18600  }
0x5: {  	s20 =	simm.s32 $0x18880;
	s21 =	simm.s32 $0x18B00;
	s0 =	sand.u32 $0x1, s0  }
0x6: {  	s22 =	simm.s32 $0x18B80;
	s2 =	sshll.u32 s2, $0x7;
	s4 =	sshll.u32 s0, $0x6  }
0x7: {  	[smem:$0x7FF] =	sst s3;
	s0 =	ssub.s32 $0x2, s0;
	s4 =	sor.u32 s4, s2  }
0x8: {  	s6 =	sshrl.u32 s0, $0x1;
	s2 =	sshrl.u32 s4, $0x3;
	[dreg:$0x3] =	wrdreg s4  }
0x9: {  	s5 =	sshll.u32 s4, $0x5;
	s0 =	ssub.s32 s0, s6;
	s2 =	smul.u32 $0x5000, s2  }
.Ltmp0:
0xa: {  	v0 =	vimm.s32 $0x0;
	s5 =	sadd.s32 s5, s1;
	s1 =	sadd.s32 $0x10800, s1;
	(pc) =	sbr.rel .LBB2_1-.Ltmp0, $4  }
0xb: {  	v1 =	vimm.s32 $0xFFFFFFFF;
	v2 =	vlaneseq.u32;
	v3 =	vimm.s32 $0xF;
	_ =	strace $0x80000047;
	s0 =	smax.u32 s0, $0x1;
	[dreg:$0x4] =	wrdreg s1  }
0xc: {  	v4 =	vor.u32 $0x10, v2;
	v5 =	vor.u32 $0x20, v2;
	v6 =	vor.u32 $0x30, v2;
	s31 =	sadd.s32 $0x800, s5;
	[dreg:$0x7] =	wrdreg s0;
	s6 =	sadd.s32 s7, s2  }
0xd: {  	v7 =	vor.u32 $0x40, v2;
	v8 =	vor.u32 $0x50, v2;
	v9 =	vor.u32 $0x60, v2;
	[dreg:$0x5] =	wrdreg s31;
	s2 =	simm.s32 $0x0;
	s4 =	sadd.s32 $0x30, s6  }
0xe: {  	v10 =	vor.u32 $0x70, v2;
	v11 =	vor.u32 $0x80, v2;
	v12 =	vor.u32 $0x90, v2;
	s8 =	sadd.s32 $0x10, s6;
	s9 =	sadd.s32 $0x20, s6;
	[dreg:$0x6] =	wrdreg s4  }
.LBB2_59:
0xf: {  	s0 =	rddreg [dreg:$0x4]  }
0x10: {  	s1 =	simm.s32 $0x80;
	s2 =	simm.s32 $0x19400;
	s4 =	simm.s32 $0x18C00  }
0x11: {  	[hbm4b:s0+s1] =	stream.indirect.scatter [tilespmem:s4], [sflag:$0x5], $0x1, s2, s1, $0xb8;
	[tilespmem:$0x19C00] =	vst v63  }
0x12: {  	s28 =	simm.s32 $0x19480;
	s29 =	simm.s32 $0x18C80  }
0x13: {  	[hbm4b:s0+s1] =	stream.indirect.scatter [tilespmem:s29], [sflag:$0x5], $0x1, s28, s1, $0xb8;
	[tilespmem:$0x19C00] =	vst v63  }
0x14: {  	s30 =	simm.s32 $0x19500;
	s31 =	simm.s32 $0x18D00  }
0x15: {  	[hbm4b:s0+s1] =	stream.indirect.scatter [tilespmem:s31], [sflag:$0x5], $0x1, s30, s1, $0xb8;
	[tilespmem:$0x19C00] =	vst v63  }
0x16: {  	s5 =	simm.s32 $0x19580;
	s7 =	simm.s32 $0x18D80  }
0x17: {  	[hbm4b:s0+s1] =	stream.indirect.scatter [tilespmem:s7], [sflag:$0x5], $0x1, s5, s1, $0xb8;
	[tilespmem:$0x19C00] =	vst v63  }
0x18: {  	s10 =	simm.s32 $0x19600;
	s11 =	simm.s32 $0x18E00  }
0x19: {  	[hbm4b:s0+s1] =	stream.indirect.scatter [tilespmem:s11], [sflag:$0x5], $0x1, s10, s1, $0xb8;
	[tilespmem:$0x19C00] =	vst v63  }
0x1a: {  	s12 =	simm.s32 $0x19680;
	s13 =	simm.s32 $0x18E80  }
0x1b: {  	[hbm4b:s0+s1] =	stream.indirect.scatter [tilespmem:s13], [sflag:$0x5], $0x1, s12, s1, $0xb8;
	[tilespmem:$0x19C00] =	vst v63  }
0x1c: {  	s23 =	simm.s32 $0x19700;
	s24 =	simm.s32 $0x18F00  }
0x1d: {  	[hbm4b:s0+s1] =	stream.indirect.scatter [tilespmem:s24], [sflag:$0x5], $0x1, s23, s1, $0xb8;
	[tilespmem:$0x19C00] =	vst v63  }
0x1e: {  	s25 =	simm.s32 $0x19780;
	s26 =	simm.s32 $0x18F80  }
0x1f: {  	[hbm4b:s0+s1] =	stream.indirect.scatter [tilespmem:s26], [sflag:$0x5], $0x1, s25, s1, $0xb8;
	[tilespmem:$0x19C00] =	vst v63  }
0x20: {  	s28 =	simm.s32 $0x19800;
	s29 =	simm.s32 $0x19000  }
0x21: {  	[hbm4b:s0+s1] =	stream.indirect.scatter [tilespmem:s29], [sflag:$0x5], $0x1, s28, s1, $0xb8;
	[tilespmem:$0x19C00] =	vst v63  }
0x22: {  	s30 =	simm.s32 $0x19880;
	s31 =	simm.s32 $0x19080  }
0x23: {  	[hbm4b:s0+s1] =	stream.indirect.scatter [tilespmem:s31], [sflag:$0x5], $0x1, s30, s1, $0xb8;
	[tilespmem:$0x19C00] =	vst v63  }
0x24: {  	s4 =	simm.s32 $0x19900;
	s5 =	simm.s32 $0x19100  }
0x25: {  	[hbm4b:s0+s1] =	stream.indirect.scatter [tilespmem:s5], [sflag:$0x5], $0x1, s4, s1, $0xb8;
	[tilespmem:$0x19C00] =	vst v63  }
0x26: {  	s7 =	simm.s32 $0x19980;
	s10 =	simm.s32 $0x19180  }
0x27: {  	[hbm4b:s0+s1] =	stream.indirect.scatter [tilespmem:s10], [sflag:$0x5], $0x1, s7, s1, $0xb8;
	[tilespmem:$0x19C00] =	vst v63  }
0x28: {  	s11 =	simm.s32 $0x19A00;
	s12 =	simm.s32 $0x19200  }
0x29: {  	[hbm4b:s0+s1] =	stream.indirect.scatter [tilespmem:s12], [sflag:$0x5], $0x1, s11, s1, $0xb8;
	[tilespmem:$0x19C00] =	vst v63  }
0x2a: {  	s13 =	simm.s32 $0x19A80;
	s23 =	simm.s32 $0x19280  }
0x2b: {  	[hbm4b:s0+s1] =	stream.indirect.scatter [tilespmem:s23], [sflag:$0x5], $0x1, s13, s1, $0xb8;
	[tilespmem:$0x19C00] =	vst v63  }
0x2c: {  	s24 =	simm.s32 $0x19B00;
	s25 =	simm.s32 $0x19300  }
0x2d: {  	[hbm4b:s0+s1] =	stream.indirect.scatter [tilespmem:s25], [sflag:$0x5], $0x1, s24, s1, $0xb8;
	[tilespmem:$0x19C00] =	vst v63  }
0x2e: {  	s26 =	simm.s32 $0x19B80;
	s28 =	simm.s32 $0x19380;
	s29 =	simm.s32 $0x5  }
0x2f: {  	[hbm4b:s0+s1] =	stream.indirect.scatter [tilespmem:s28], [sflag:$0x5], $0x1, s26, s1, $0xb8;
	[tilespmem:$0x19C00] =	vst v63  }
0x30: {  	_ =	swait.ge [sflag:s29], $0x80  }
0x31: {  	[sflag:s29] =	ssyncset.done $0x0  }
0x32: {  	[sflag:s29] =	ssyncadd.s32 $0xFFFFFF80  }
0x33: {  	_ =	swait.ge [sflag:s29], $0x80  }
0x34: {  	[sflag:s29] =	ssyncset.done $0x0  }
0x35: {  	[sflag:s29] =	ssyncadd.s32 $0xFFFFFF80  }
0x36: {  	_ =	swait.ge [sflag:s29], $0x80  }
0x37: {  	[sflag:s29] =	ssyncset.done $0x0  }
0x38: {  	[sflag:s29] =	ssyncadd.s32 $0xFFFFFF80  }
0x39: {  	_ =	swait.ge [sflag:s29], $0x80  }
0x3a: {  	[sflag:s29] =	ssyncset.done $0x0  }
0x3b: {  	[sflag:s29] =	ssyncadd.s32 $0xFFFFFF80  }
0x3c: {  	_ =	swait.ge [sflag:s29], $0x80  }
0x3d: {  	[sflag:s29] =	ssyncset.done $0x0  }
0x3e: {  	[sflag:s29] =	ssyncadd.s32 $0xFFFFFF80  }
0x3f: {  	_ =	swait.ge [sflag:s29], $0x80  }
0x40: {  	[sflag:s29] =	ssyncset.done $0x0  }
0x41: {  	[sflag:s29] =	ssyncadd.s32 $0xFFFFFF80  }
0x42: {  	_ =	swait.ge [sflag:s29], $0x80  }
0x43: {  	[sflag:s29] =	ssyncset.done $0x0  }
0x44: {  	[sflag:s29] =	ssyncadd.s32 $0xFFFFFF80  }
0x45: {  	_ =	swait.ge [sflag:s29], $0x80  }
0x46: {  	[sflag:s29] =	ssyncset.done $0x0  }
0x47: {  	[sflag:s29] =	ssyncadd.s32 $0xFFFFFF80  }
0x48: {  	_ =	swait.ge [sflag:s29], $0x80  }
0x49: {  	[sflag:s29] =	ssyncset.done $0x0  }
0x4a: {  	[sflag:s29] =	ssyncadd.s32 $0xFFFFFF80  }
0x4b: {  	_ =	swait.ge [sflag:s29], $0x80  }
0x4c: {  	[sflag:s29] =	ssyncset.done $0x0  }
0x4d: {  	[sflag:s29] =	ssyncadd.s32 $0xFFFFFF80  }
0x4e: {  	_ =	swait.ge [sflag:s29], $0x80  }
0x4f: {  	[sflag:s29] =	ssyncset.done $0x0  }
0x50: {  	[sflag:s29] =	ssyncadd.s32 $0xFFFFFF80  }
0x51: {  	_ =	swait.ge [sflag:s29], $0x80  }
0x52: {  	[sflag:s29] =	ssyncset.done $0x0  }
0x53: {  	[sflag:s29] =	ssyncadd.s32 $0xFFFFFF80  }
0x54: {  	_ =	swait.ge [sflag:s29], $0x80  }
0x55: {  	[sflag:s29] =	ssyncset.done $0x0  }
0x56: {  	[sflag:s29] =	ssyncadd.s32 $0xFFFFFF80  }
0x57: {  	_ =	swait.ge [sflag:s29], $0x80  }
0x58: {  	[sflag:s29] =	ssyncset.done $0x0  }
0x59: {  	[sflag:s29] =	ssyncadd.s32 $0xFFFFFF80  }
0x5a: {  	_ =	swait.ge [sflag:s29], $0x80  }
0x5b: {  	[sflag:s29] =	ssyncset.done $0x0  }
0x5c: {  	[sflag:s29] =	ssyncadd.s32 $0xFFFFFF80  }
0x5d: {  	_ =	swait.ge [sflag:s29], $0x80  }
0x5e: {  	s30 =	rddreg [dreg:$0x8]  }
0x5f: {  	s31 =	rddreg [dreg:$0x7];
	s2 =	sadd.s32 $0x1, s30  }
0x60: {  	p0 =	sne.s32 s2, s31  }
.Ltmp1:
0x61: {  	_ = 	snop;
	(pc) =	sbr.rel @!p0 .LBB2_60-.Ltmp1, $3  }
0x62: {  	_ =	sdelay $0x1  }
0x63: {  	[sflag:s29] =	ssyncset.done $0x0  }
0x64: {  	s4 =	rddreg [dreg:$0x6];
	[sflag:s29] =	ssyncadd.s32 $0xFFFFFF80  }
.LBB2_1:
0x65: {  	[dreg:$0x8] =	wrdreg s2  }
0x66: {  	s0 =	rddreg [dreg:$0x5];
	s1 =	simm.s32 $0x14000;
	s31 =	simm.s32 $0x6  }
0x67: {  	[tilespmem:s1], [sflag:$0x6] =	stream.linear.gather [hbm4b:s0+s3], $0x4000, $0x38;
	[tilespmem:$0x19C00] =	vst v63  }
0x68: {  	_ =	swait.ge [sflag:s31], $0x4000  }
0x69: {  	s5 =	sadd.s32 $0x0, s6;
	s2 =	simm.s32 $0x0;
	[sflag:s31] =	ssyncset.done $0x0  }
0x6a: {  	s0 =	simm.s32 $0x80;
	s1 =	simm.s32 $0x200;
	[sflag:s31] =	ssyncadd.s32 $0xFFFFC000  }
.LBB2_2:
0x6b: {  	[tilespmem:s2], [sflag:$0x1] =	stream.linear.gather [hbm4b:s5+s3], $0x80, $0x38;
	[tilespmem:$0x19C00] =	vst v63  }
0x6c: {  	s5 =	smov.u32 s0;
	s2 =	smov.u32 s1;
	p0 =	sne.s32 s0, $0x4F80  }
.Ltmp2:
0x6d: {  	s0 =	sadd.s32 $0x80, s0;
	(pc) =	sbr.rel @p0 .LBB2_2-.Ltmp2, $2  }
0x6e: {  	_ =	sdelay $0x2  }
0x6f: {  	s1 =	sadd.s32 $0x200, s1;
	s5 =	sadd.s32 s5, s6  }
0x70: {  	[tilespmem:s2], [sflag:$0x1] =	stream.linear.gather [hbm4b:s5+s3], $0x80, $0x38;
	[tilespmem:$0x19C00] =	vst v63  }
0x71: {  	s0 =	simm.s32 $0x80  }
0x72: {  	s1 =	simm.s32 $0x80;
	s5 =	sadd.s32 $0x0, s8;
	s2 =	simm.s32 $0x280  }
.LBB2_4:
0x73: {  	[tilespmem:s0], [sflag:$0x2] =	stream.linear.gather [hbm4b:s5+s3], $0x80, $0x38;
	[tilespmem:$0x19C00] =	vst v63  }
0x74: {  	s5 =	smov.u32 s1;
	s0 =	smov.u32 s2;
	p0 =	sne.s32 s1, $0x4F80  }
.Ltmp3:
0x75: {  	s1 =	sadd.s32 $0x80, s1;
	(pc) =	sbr.rel @p0 .LBB2_4-.Ltmp3, $2  }
0x76: {  	_ =	sdelay $0x2  }
0x77: {  	s2 =	sadd.s32 $0x200, s2;
	s5 =	sadd.s32 s5, s8  }
0x78: {  	[tilespmem:s0], [sflag:$0x2] =	stream.linear.gather [hbm4b:s5+s3], $0x80, $0x38;
	[tilespmem:$0x19C00] =	vst v63  }
0x79: {  	s0 =	simm.s32 $0x100  }
0x7a: {  	s1 =	simm.s32 $0x80;
	s5 =	sadd.s32 $0x0, s9;
	s2 =	simm.s32 $0x300  }
.LBB2_6:
0x7b: {  	[tilespmem:s0], [sflag:$0x3] =	stream.linear.gather [hbm4b:s5+s3], $0x80, $0x38;
	[tilespmem:$0x19C00] =	vst v63  }
0x7c: {  	s5 =	smov.u32 s1;
	s0 =	smov.u32 s2;
	p0 =	sne.s32 s1, $0x4F80  }
.Ltmp4:
0x7d: {  	s1 =	sadd.s32 $0x80, s1;
	(pc) =	sbr.rel @p0 .LBB2_6-.Ltmp4, $2  }
0x7e: {  	_ =	sdelay $0x2  }
0x7f: {  	s2 =	sadd.s32 $0x200, s2;
	s5 =	sadd.s32 s5, s9  }
0x80: {  	[tilespmem:s0], [sflag:$0x3] =	stream.linear.gather [hbm4b:s5+s3], $0x80, $0x38;
	[tilespmem:$0x19C00] =	vst v63  }
0x81: {  	s29 =	simm.s32 $0x0;
	s0 =	simm.s32 $0x180;
	s1 =	simm.s32 $0x0  }
.LBB2_8:
0x82: {  	p0 =	sne.s32 s1, $0x4F80  }
.Ltmp5:
0x83: {  	_ = 	snop;
	(pc) =	sbr.rel @p0 .LBB2_8-.Ltmp5, $4  }
0x84: {  	_ = 	snop  }
0x85: {  	s2 =	sadd.s32 s1, s4  }
0x86: {  	[tilespmem:s0], [sflag:$0x4] =	stream.linear.gather [hbm4b:s2+s29], $0x80, $0x38;
	[tilespmem:$0x19C00] =	vst v63  }
0x87: {  	s1 =	sadd.s32 $0x80, s1;
	s0 =	sadd.s32 $0x200, s0  }
.Ltmp6:
0x88: {  	(pc) =	sbr.rel .LBB2_10-.Ltmp6, $2  }
0x89: {  	_ =	sdelay $0x2  }
0x8a: {  	p0 =	por $0x0, $0x0  }
.LBB2_58:
0x8b: {  	s29 =	sadd.s32 $0x1, s29  }
0x8c: {  	p1 =	sne.s32 s29, $0x20  }
.Ltmp7:
0x8d: {  	_ = 	snop;
	(pc) =	sbr.rel @!p1 .LBB2_59-.Ltmp7, $2  }
0x8e: {  	_ =	sdelay $0x2  }
0x8f: {  	p0 =	por !p0, !p0  }
.LBB2_10:
0x90: {  	s24 =	sshll.u32 s29, $0x1  }
0x91: {  	s11 =	sand.u32 $0x2, s24  }
0x92: {  	s31 =	sor.u32 $0x1, s11  }
0x93: {  	_ =	swait.ge [sflag:s31], $0x5000  }
0x94: {  	[sflag:s31] =	ssyncset.done $0x0  }
0x95: {  	s0 =	sshll.u32 s29, $0x9;
	s30 =	sadd.s32 $0x2, s11;
	[sflag:s31] =	ssyncadd.s32 $0xFFFFB000  }
0x96: {  	s1 =	sshll.u32 s29, $0x8;
	s0 =	sand.u32 $0x3800, s0;
	_ =	swait.ge [sflag:s30], $0x5000  }
0x97: {  	s1 =	sand.u32 $0x300, s1;
	s5 =	sor.u32 $0x14000, s0;
	[sflag:s30] =	ssyncset.done $0x0  }
0x98: {  	s28 =	sor.u32 s1, s5;
	[sflag:s30] =	ssyncadd.s32 $0xFFFFB000  }
0x99: {  	v13 =	vld [tilespmem:s28+$0x0]  }
0x9a: {  	v21 =	vld [tilespmem:s28+$0x10]  }
0x9b: {  	v22 =	vld [tilespmem:s28+$0x20]  }
0x9c: {  	v20 =	vld [tilespmem:s28+$0x30]  }
0x9d: {  	s13 =	simm.s32 $0x0;
	s25 =	simm.s32 $0x40000000;
	v16 =	vld [tilespmem:s28+$0x40]  }
0x9e: {  	s2 =	sor.u32 s25, s13;
	v17 =	vld [tilespmem:s28+$0x50]  }
0x9f: {  	v14 =	vld [tilespmem:s28+$0x60];
	vm0 =	vge.s32 v13, s2;
	vm1 =	vge.s32 v21, s2  }
0xa0: {  	v15 =	vld [tilespmem:s28+$0x70];
	vm2 =	vge.s32 v22, s2;
	v19 =	vsel vm0, $0x1, v0;
	v23 =	vsel vm1, $0x1, v0  }
0xa1: {  	v18 =	vld [tilespmem:s28+$0x400];
	vm11 =	vge.s32 v20, s2;
	v24 =	vsel vm2, $0x1, v0;
	v23 =	vadd.s32 v19, v23  }
0xa2: {  	vm12 =	vge.s32 v16, s2;
	v19 =	vld [tilespmem:s28+$0x410];
	v23 =	vadd.s32 v24, v23;
	v24 =	vsel vm11, $0x1, v0  }
0xa3: {  	s0 =	sshllo.u32 s29, $0x1;
	vm13 =	vge.s32 v17, s2;
	v23 =	vadd.s32 v24, v23;
	v24 =	vsel vm12, $0x1, v0  }
0xa4: {  	s26 =	sshll.u32 s0, $0x7;
	vm14 =	vge.s32 v14, s2;
	v23 =	vadd.s32 v24, v23;
	v24 =	vsel vm13, $0x1, v0  }
0xa5: {  	s1 =	sand.u32 $0x380, s26;
	vm15 =	vge.s32 v15, s2;
	v23 =	vadd.s32 v24, v23;
	v24 =	vsel vm14, $0x1, v0  }
0xa6: {  	s25 =	sor.u32 s1, s5;
	vm4 =	vge.s32 v18, s2;
	v23 =	vadd.s32 v24, v23;
	v24 =	vsel vm15, $0x1, v0  }
0xa7: {  	v29 =	vld [tilespmem:s25+$0x0];
	vm5 =	vge.s32 v19, s2;
	v23 =	vadd.s32 v24, v23;
	v24 =	vsel vm4, $0x1, v0  }
0xa8: {  	v30 =	vld [tilespmem:s25+$0x10];
	v23 =	vadd.s32 v24, v23;
	v24 =	vsel vm5, $0x1, v0  }
0xa9: {  	v32 =	vld [tilespmem:s25+$0x20];
	v23 =	vadd.s32 v24, v23  }
0xaa: {  	v31 =	vld [tilespmem:s25+$0x30];
	(xrf0) =	vadd.scan.msk.s32 $0xffff, v23  }
0xab: {  	v27 =	vld [tilespmem:s25+$0x40];
	_ =	sdelay $0x1  }
0xac: {  	v25 =	vld [tilespmem:s25+$0x50]  }
0xad: {  	vm6 =	vge.s32 v29, s2;
	vm7 =	vge.s32 v30, s2;
	vm8 =	vge.s32 v32, s2;
	v23 =	vld [tilespmem:s25+$0x60]  }
0xae: {  	vm9 =	vge.s32 v31, s2;
	v26 =	vsel vm6, $0x1, v0;
	v33 =	vsel vm7, $0x1, v0;
	v24 =	vld [tilespmem:s25+$0x70]  }
0xaf: {  	v28 =	vld [tilespmem:s25+$0x400];
	vm10 =	vge.s32 v27, s2;
	v35 =	vsel vm8, $0x1, v0;
	v33 =	vadd.s32 v26, v33;
	v34, _, _ =	vpop (xrf0)  }
0xb0: {  	v57 =	vsel vm9, $0x1, v0;
	v26 =	vld [tilespmem:s25+$0x410];
	v33 =	vadd.s32 v35, v33;
	(v2sf) =	vpush v34, $0xF  }
0xb1: {  	v58 =	vsel vm10, $0x1, v0;
	vm11 =	vge.s32 v25, s2;
	v33 =	vadd.s32 v57, v33  }
0xb2: {  	v59 =	vsel vm11, $0x1, v0;
	v33 =	vadd.s32 v58, v33;
	vm12 =	vge.s32 v23, s2  }
0xb3: {  	v33 =	vadd.s32 v59, v33;
	vm13 =	vge.s32 v24, s2;
	v60 =	vsel vm12, $0x1, v0  }
0xb4: {  	vm14 =	vge.s32 v28, s2;
	v61 =	vsel vm13, $0x1, v0;
	v33 =	vadd.s32 v60, v33  }
0xb5: {  	v62 =	vsel vm14, $0x1, v0;
	vm15 =	vge.s32 v26, s2;
	v33 =	vadd.s32 v61, v33  }
0xb6: {  	v63 =	vsel vm15, $0x1, v0;
	v33 =	vadd.s32 v62, v33  }
0xb7: {  	v33 =	vadd.s32 v63, v33  }
0xb8: {  	(xrf0) =	vadd.scan.msk.s32 $0xffff, v33;
	_ =	sdelay $0x5  }
0xb9: {  	v33, _, _ =	vpop (xrf0)  }
0xba: {  	s7 =	spop (v2sf);
	(v2sf) =	vpush v33, $0xF  }
0xbb: {  	s1 =	simm.s32 $0x1  }
0xbc: {  	s10 =	simm.s32 $0x2;
	s1 =	simm.s32 @!p0 $0x0  }
0xbd: {  	s23 =	smov.u32 s2;
	s5 =	simm.s32 $0x1;
	s12 =	sshll.u32 s1, $0x8  }
0xbe: {  	s1 =	sor.u32 $0x80, s12;
	p2 =	sgt.s32 s7, $0x1F;
	s7 =	simm.s32 $0x0  }
.LBB2_11:
0xbf: {  	s4 =	sshrl.u32 s14, s5  }
0xc0: {  	s13 =	smov.u32 @p2 s2;
	s5 =	smov.u32 s10;
	s26 =	sadd.s32 $0x1, s10  }
0xc1: {  	p1 =	sne.s32 s10, $0xF;
	s2 =	sor.u32 s4, s13  }
0xc2: {  	vm0 =	vge.s32 v13, s2;
	vm1 =	vge.s32 v21, s2;
	vm2 =	vge.s32 v22, s2  }
0xc3: {  	v33 =	vsel vm0, $0x1, v0;
	v34 =	vsel vm1, $0x1, v0;
	vm0 =	vge.s32 v20, s2  }
0xc4: {  	vm1 =	vge.s32 v16, s2;
	v33 =	vadd.s32 v33, v34;
	v34 =	vsel vm2, $0x1, v0  }
0xc5: {  	v33 =	vadd.s32 v34, v33;
	v34 =	vsel vm0, $0x1, v0;
	vm0 =	vge.s32 v17, s2  }
0xc6: {  	v33 =	vadd.s32 v34, v33;
	v34 =	vsel vm1, $0x1, v0;
	vm1 =	vge.s32 v14, s2  }
0xc7: {  	v33 =	vadd.s32 v34, v33;
	v34 =	vsel vm0, $0x1, v0;
	vm0 =	vge.s32 v15, s2  }
0xc8: {  	v33 =	vadd.s32 v34, v33;
	v34 =	vsel vm1, $0x1, v0;
	vm1 =	vge.s32 v18, s2  }
0xc9: {  	v33 =	vadd.s32 v34, v33;
	v34 =	vsel vm0, $0x1, v0;
	vm0 =	vge.s32 v19, s2;
	s10 =	spop (v2sf)  }
0xca: {  	v33 =	vadd.s32 v34, v33;
	v34 =	vsel vm1, $0x1, v0;
	p2 =	sgt.s32 s10, $0x1F  }
0xcb: {  	v33 =	vadd.s32 v34, v33;
	v34 =	vsel vm0, $0x1, v0;
	s7 =	smov.u32 @p2 s23  }
0xcc: {  	s23 =	sor.u32 s4, s7;
	v33 =	vadd.s32 v34, v33  }
0xcd: {  	vm0 =	vge.s32 v29, s23;
	vm1 =	vge.s32 v30, s23;
	vm2 =	vge.s32 v32, s23;
	(xrf0) =	vadd.scan.msk.s32 $0xffff, v33  }
0xce: {  	v33 =	vsel vm0, $0x1, v0;
	v34 =	vsel vm1, $0x1, v0;
	vm0 =	vge.s32 v31, s23  }
0xcf: {  	vm1 =	vge.s32 v28, s23;
	v33 =	vadd.s32 v33, v34;
	v34 =	vsel vm2, $0x1, v0  }
0xd0: {  	v33 =	vadd.s32 v34, v33;
	v34 =	vsel vm0, $0x1, v0;
	vm0 =	vge.s32 v27, s23  }
0xd1: {  	v33 =	vadd.s32 v34, v33;
	v34 =	vsel vm0, $0x1, v0;
	vm0 =	vge.s32 v25, s23  }
0xd2: {  	v33 =	vadd.s32 v34, v33;
	v34 =	vsel vm0, $0x1, v0;
	vm0 =	vge.s32 v23, s23  }
0xd3: {  	v33 =	vadd.s32 v34, v33;
	v34 =	vsel vm0, $0x1, v0;
	vm0 =	vge.s32 v24, s23;
	v35, _, _ =	vpop (xrf0)  }
0xd4: {  	v33 =	vadd.s32 v34, v33;
	v34 =	vsel vm0, $0x1, v0;
	(v2sf) =	vpush v35, $0xF  }
0xd5: {  	vm0 =	vge.s32 v26, s23;
	v33 =	vadd.s32 v34, v33;
	v34 =	vsel vm1, $0x1, v0  }
0xd6: {  	v33 =	vadd.s32 v34, v33;
	v34 =	vsel vm0, $0x1, v0  }
0xd7: {  	v33 =	vadd.s32 v34, v33  }
0xd8: {  	(xrf0) =	vadd.scan.msk.s32 $0xffff, v33;
	_ =	sdelay $0x5  }
0xd9: {  	v33, _, _ =	vpop (xrf0)  }
0xda: {  	(v2sf) =	vpush v33, $0xF  }
.Ltmp8:
0xdb: {  	(pc) =	sbr.rel @p1 .LBB2_11-.Ltmp8, $3  }
0xdc: {  	_ =	sdelay $0x1  }
0xdd: {  	s4 =	spop (v2sf)  }
0xde: {  	s10 =	smov.u32 s26;
	p2 =	sgt.s32 s4, $0x1F  }
0xdf: {  	s4 =	sshrl.u32 s14, s5;
	s13 =	smov.u32 @p2 s2  }
0xe0: {  	s2 =	sor.u32 s4, s13  }
0xe1: {  	vm0 =	vge.s32 v13, s2;
	vm1 =	vge.s32 v21, s2  }
0xe2: {  	vm2 =	vge.s32 v22, s2;
	v47 =	vsel vm0, $0x1, v0;
	v48 =	vsel vm1, $0x1, v0  }
0xe3: {  	vm15 =	vge.s32 v20, s2;
	v50 =	vsel vm2, $0x1, v0;
	v49 =	vadd.s32 v47, v48  }
0xe4: {  	vm4 =	vge.s32 v16, s2;
	v52 =	vsel vm15, $0x1, v0;
	v51 =	vadd.s32 v50, v49  }
0xe5: {  	vm5 =	vge.s32 v17, s2;
	v53 =	vsel vm4, $0x1, v0;
	v16 =	vadd.s32 v52, v51  }
0xe6: {  	vm6 =	vge.s32 v14, s2;
	v54 =	vsel vm5, $0x1, v0;
	v14 =	vadd.s32 v53, v16  }
0xe7: {  	vm7 =	vge.s32 v15, s2;
	v15 =	vsel vm6, $0x1, v0;
	v14 =	vadd.s32 v54, v14  }
0xe8: {  	vm8 =	vge.s32 v18, s2;
	v14 =	vadd.s32 v15, v14;
	v15 =	vsel vm7, $0x1, v0  }
0xe9: {  	vm9 =	vge.s32 v19, s2;
	v14 =	vadd.s32 v15, v14;
	v15 =	vsel vm8, $0x1, v0  }
0xea: {  	v14 =	vadd.s32 v15, v14;
	v15 =	vsel vm9, $0x1, v0  }
0xeb: {  	v14 =	vadd.s32 v15, v14  }
0xec: {  	(xrf0) =	vadd.scan.msk.s32 $0xffff, v14;
	_ =	sdelay $0x5  }
0xed: {  	v14, _, _ =	vpop (xrf0)  }
0xee: {  	(v2sf) =	vpush v14, $0xF;
	_ =	sdelay $0x3  }
0xef: {  	s26 =	spop (v2sf)  }
0xf0: {  	p1 =	sgt.s32 s26, $0x1F  }
0xf1: {  	s7 =	smov.u32 @p1 s23  }
0xf2: {  	s23 =	sor.u32 s4, s7  }
0xf3: {  	vm10 =	vge.s32 v29, s23;
	vm11 =	vge.s32 v30, s23  }
0xf4: {  	vm12 =	vge.s32 v32, s23;
	v15 =	vsel vm11, $0x1, v0;
	v14 =	vsel vm10, $0x1, v0  }
0xf5: {  	vm13 =	vge.s32 v31, s23;
	v14 =	vadd.s32 v14, v15;
	v15 =	vsel vm12, $0x1, v0  }
0xf6: {  	vm14 =	vge.s32 v27, s23;
	v14 =	vadd.s32 v15, v14;
	v15 =	vsel vm13, $0x1, v0  }
0xf7: {  	vm15 =	vge.s32 v25, s23;
	v14 =	vadd.s32 v15, v14;
	v15 =	vsel vm14, $0x1, v0  }
0xf8: {  	vm4 =	vge.s32 v23, s23;
	v14 =	vadd.s32 v15, v14;
	v15 =	vsel vm15, $0x1, v0  }
0xf9: {  	vm5 =	vge.s32 v24, s23;
	v14 =	vadd.s32 v15, v14;
	v15 =	vsel vm4, $0x1, v0  }
0xfa: {  	vm6 =	vge.s32 v28, s23;
	v14 =	vadd.s32 v15, v14;
	v15 =	vsel vm5, $0x1, v0;
	s10 =	spop (v2sf)  }
0xfb: {  	vm7 =	vge.s32 v26, s23;
	v14 =	vadd.s32 v15, v14;
	v15 =	vsel vm6, $0x1, v0;
	p1 =	sgt.s32 s10, $0x1F  }
0xfc: {  	v14 =	vadd.s32 v15, v14;
	v15 =	vsel vm7, $0x1, v0;
	s13 =	smov.u32 @p1 s2  }
0xfd: {  	v14 =	vadd.s32 v15, v14;
	vm8 =	vge.s32 v13, s13  }
0xfe: {  	(xrf0) =	vadd.scan.msk.s32 $0xffff, v14;
	v13 =	vsel vm8, $0x1, v0  }
0xff: {  	(xrf0) =	vadd.scan.msk.s32 $0xffff, v13;
	_ =	sdelay $0x4  }
0x100: {  	v13, _, _ =	vpop (xrf0)  }
0x101: {  	v14, _, _ =	vpop (xrf0)  }
0x102: {  	v15 =	vadd.s32 $0xFFFFFFFF, v14  }
0x103: {  	vm9 =	vlt.s32 v15, $0x3F  }
0x104: {  	v15 =	vnsel vm9, $0x3F, v15;
	_ =	sdelay $0x4  }
0x105: {  	[tilespmem:v15+s15+$0x0] =	vst.idx.msk vm8, v2  }
0x106: {  	v15 =	vld [tilespmem:s28+$0x10];
	_ =	sdelay $0x4  }
0x107: {  	vm10 =	vge.s32 v15, s13  }
0x108: {  	v15 =	vsel vm10, $0x1, v0  }
0x109: {  	(xrf0) =	vadd.scan.msk.s32 $0xffff, v15;
	_ =	sdelay $0x4  }
0x10a: {  	v14 =	vperm.xlane v14, v3  }
0x10b: {  	v15, _, _ =	vpop (xrf0)  }
0x10c: {  	v55 =	vadd.s32 v15, v14  }
0x10d: {  	v16 =	vadd.s32 $0xFFFFFFFF, v55  }
0x10e: {  	vm11 =	vlt.s32 v16, $0x3F  }
0x10f: {  	v16 =	vnsel vm11, $0x3F, v16;
	_ =	sdelay $0x4  }
0x110: {  	[tilespmem:v16+s15+$0x0] =	vst.idx.msk vm10, v4  }
0x111: {  	v16 =	vld [tilespmem:s28+$0x20];
	_ =	sdelay $0x4  }
0x112: {  	vm12 =	vge.s32 v16, s13  }
0x113: {  	v16 =	vsel vm12, $0x1, v0  }
0x114: {  	(xrf0) =	vadd.scan.msk.s32 $0xffff, v16;
	_ =	sdelay $0x1  }
0x115: {  	v15 =	vperm.xlane v15, v3;
	_ =	sdelay $0x3  }
0x116: {  	v14 =	vadd.s32 v14, v15;
	v15, _, _ =	vpop (xrf0)  }
0x117: {  	v56 =	vadd.s32 v15, v14  }
0x118: {  	v16 =	vadd.s32 $0xFFFFFFFF, v56  }
0x119: {  	vm13 =	vlt.s32 v16, $0x3F  }
0x11a: {  	v16 =	vnsel vm13, $0x3F, v16;
	_ =	sdelay $0x4  }
0x11b: {  	[tilespmem:v16+s15+$0x0] =	vst.idx.msk vm12, v5  }
0x11c: {  	v16 =	vld [tilespmem:s28+$0x30];
	_ =	sdelay $0x4  }
0x11d: {  	vm14 =	vge.s32 v16, s13  }
0x11e: {  	v16 =	vsel vm14, $0x1, v0  }
0x11f: {  	(xrf0) =	vadd.scan.msk.s32 $0xffff, v16;
	_ =	sdelay $0x1  }
0x120: {  	v15 =	vperm.xlane v15, v3;
	_ =	sdelay $0x3  }
0x121: {  	v14 =	vadd.s32 v14, v15;
	v15, _, _ =	vpop (xrf0)  }
0x122: {  	v57 =	vadd.s32 v15, v14  }
0x123: {  	v16 =	vadd.s32 $0xFFFFFFFF, v57  }
0x124: {  	vm15 =	vlt.s32 v16, $0x3F  }
0x125: {  	v16 =	vnsel vm15, $0x3F, v16;
	_ =	sdelay $0x4  }
0x126: {  	[tilespmem:v16+s15+$0x0] =	vst.idx.msk vm14, v6  }
0x127: {  	v16 =	vld [tilespmem:s28+$0x40];
	_ =	sdelay $0x4  }
0x128: {  	vm4 =	vge.s32 v16, s13  }
0x129: {  	v16 =	vsel vm4, $0x1, v0  }
0x12a: {  	(xrf0) =	vadd.scan.msk.s32 $0xffff, v16;
	_ =	sdelay $0x1  }
0x12b: {  	v15 =	vperm.xlane v15, v3;
	_ =	sdelay $0x3  }
0x12c: {  	v14 =	vadd.s32 v14, v15;
	v15, _, _ =	vpop (xrf0)  }
0x12d: {  	v58 =	vadd.s32 v15, v14  }
0x12e: {  	v16 =	vadd.s32 $0xFFFFFFFF, v58  }
0x12f: {  	vm5 =	vlt.s32 v16, $0x3F  }
0x130: {  	v16 =	vnsel vm5, $0x3F, v16;
	_ =	sdelay $0x4  }
0x131: {  	[tilespmem:v16+s15+$0x0] =	vst.idx.msk vm4, v7  }
0x132: {  	v16 =	vld [tilespmem:s28+$0x50];
	_ =	sdelay $0x4  }
0x133: {  	vm6 =	vge.s32 v16, s13  }
0x134: {  	v16 =	vsel vm6, $0x1, v0  }
0x135: {  	(xrf0) =	vadd.scan.msk.s32 $0xffff, v16;
	_ =	sdelay $0x1  }
0x136: {  	v15 =	vperm.xlane v15, v3;
	_ =	sdelay $0x3  }
0x137: {  	v14 =	vadd.s32 v14, v15;
	v15, _, _ =	vpop (xrf0)  }
0x138: {  	v59 =	vadd.s32 v15, v14  }
0x139: {  	v16 =	vadd.s32 $0xFFFFFFFF, v59  }
0x13a: {  	vm7 =	vlt.s32 v16, $0x3F  }
0x13b: {  	v16 =	vnsel vm7, $0x3F, v16;
	_ =	sdelay $0x4  }
0x13c: {  	[tilespmem:v16+s15+$0x0] =	vst.idx.msk vm6, v8  }
0x13d: {  	v16 =	vld [tilespmem:s28+$0x60];
	_ =	sdelay $0x4  }
0x13e: {  	vm8 =	vge.s32 v16, s13  }
0x13f: {  	v16 =	vsel vm8, $0x1, v0  }
0x140: {  	(xrf0) =	vadd.scan.msk.s32 $0xffff, v16;
	_ =	sdelay $0x1  }
0x141: {  	v15 =	vperm.xlane v15, v3;
	_ =	sdelay $0x3  }
0x142: {  	v14 =	vadd.s32 v14, v15;
	v15, _, _ =	vpop (xrf0)  }
0x143: {  	v60 =	vadd.s32 v15, v14  }
0x144: {  	v16 =	vadd.s32 $0xFFFFFFFF, v60  }
0x145: {  	vm9 =	vlt.s32 v16, $0x3F  }
0x146: {  	v16 =	vnsel vm9, $0x3F, v16;
	_ =	sdelay $0x4  }
0x147: {  	[tilespmem:v16+s15+$0x0] =	vst.idx.msk vm8, v9  }
0x148: {  	v16 =	vld [tilespmem:s28+$0x70];
	_ =	sdelay $0x4  }
0x149: {  	vm10 =	vge.s32 v16, s13  }
0x14a: {  	v16 =	vsel vm10, $0x1, v0  }
0x14b: {  	(xrf0) =	vadd.scan.msk.s32 $0xffff, v16;
	_ =	sdelay $0x1  }
0x14c: {  	v15 =	vperm.xlane v15, v3;
	_ =	sdelay $0x3  }
0x14d: {  	v14 =	vadd.s32 v14, v15;
	v15, _, _ =	vpop (xrf0)  }
0x14e: {  	v61 =	vadd.s32 v15, v14  }
0x14f: {  	v16 =	vadd.s32 $0xFFFFFFFF, v61  }
0x150: {  	vm11 =	vlt.s32 v16, $0x3F  }
0x151: {  	v16 =	vnsel vm11, $0x3F, v16;
	_ =	sdelay $0x4  }
0x152: {  	[tilespmem:v16+s15+$0x0] =	vst.idx.msk vm10, v10  }
0x153: {  	v16 =	vld [tilespmem:s28+$0x400];
	_ =	sdelay $0x4  }
0x154: {  	vm12 =	vge.s32 v16, s13  }
0x155: {  	v16 =	vsel vm12, $0x1, v0  }
0x156: {  	(xrf0) =	vadd.scan.msk.s32 $0xffff, v16;
	_ =	sdelay $0x1  }
0x157: {  	v15 =	vperm.xlane v15, v3;
	_ =	sdelay $0x3  }
0x158: {  	v14 =	vadd.s32 v14, v15;
	v15, _, _ =	vpop (xrf0)  }
0x159: {  	v62 =	vadd.s32 v15, v14  }
0x15a: {  	v16 =	vadd.s32 $0xFFFFFFFF, v62  }
0x15b: {  	vm13 =	vlt.s32 v16, $0x3F  }
0x15c: {  	v16 =	vnsel vm13, $0x3F, v16;
	_ =	sdelay $0x4  }
0x15d: {  	[tilespmem:v16+s15+$0x0] =	vst.idx.msk vm12, v11  }
0x15e: {  	v16 =	vld [tilespmem:s28+$0x410];
	_ =	sdelay $0x4  }
0x15f: {  	vm14 =	vge.s32 v16, s13  }
0x160: {  	v16 =	vsel vm14, $0x1, v0  }
0x161: {  	(xrf0) =	vadd.scan.msk.s32 $0xffff, v16;
	_ =	sdelay $0x5  }
0x162: {  	v15 =	vperm.xlane v15, v3;
	v16, _, _ =	vpop (xrf0)  }
0x163: {  	v63 =	vperm.xlane v16, v3  }
0x164: {  	v14 =	vadd.s32 v14, v15  }
0x165: {  	v15 =	vadd.s32 v14, v63  }
0x166: {  	v15 =	vxor.u32 $0x80000000, v15  }
0x167: {  	(xrf0) =	vmax.scan.msk.u32 $0xffff, v15;
	_ =	sdelay $0x5  }
0x168: {  	(v2sf) =	vpush v13, $0xF;
	v13, _, _ =	vpop (xrf0)  }
0x169: {  	(v2sf) =	vpush v13, $0xF;
	_ =	sdelay $0x8  }
0x16a: {  	v13 =	vadd.s32 v16, v14  }
0x16b: {  	v13 =	vadd.s32 $0xFFFFFFFF, v13  }
0x16c: {  	vm15 =	vlt.s32 v13, $0x3F  }
0x16d: {  	v13 =	vnsel vm15, $0x3F, v13;
	_ =	sdelay $0x1  }
0x16e: {  	s26 =	spop (v2sf)  }
0x16f: {  	s28 =	spop (v2sf)  }
0x170: {  	s2 =	sxor.u32 $0x80000000, s28  }
0x171: {  	[tilespmem:v13+s15+$0x0] =	vst.idx.msk vm14, v12;
	p2 =	slt.s32 s2, $0x1  }
.Ltmp9:
0x172: {  	[tilespmem:$0x18100] =	vst v1;
	(pc) =	sbr.rel @p2 .LBB2_16-.Ltmp9, $4  }
0x173: {  	[tilespmem:$0x18110] =	vst v1  }
0x174: {  	[tilespmem:$0x18120] =	vst v1  }
0x175: {  	p1 =	sgt.s32 s26, $0x1F;
	[tilespmem:$0x18130] =	vst v1  }
0x176: {  	s7 =	smov.u32 @p1 s23;
	v14 =	vimm.s32 $0x80000000;
	v13 =	vimm.s32 $0x80000000;
	[tilespmem:$0x18140] =	vst v1  }
0x177: {  	v14 =	vmov s11  }
0x178: {  	v14 =	vshll.u32 v14, $0x7  }
0x179: {  	p1 =	slt.s32 s2, $0x40;
	v15 =	vand.u32 $0x100, v14  }
0x17a: {  	s11 =	simm.s32 $0x0;
	v16 =	vimm.s32 $0x0;
	s2 =	simm.s32 @!p1 $0x40;
	v14 =	vmov s13;
	v15 =	vbroadcast v15, $0x0  }
.LBB2_14:
0x17b: {  	v17 =	vmov s11;
	_ =	sdelay $0x4  }
0x17c: {  	v17 =	vld.idx.msk [tilespmem:v17+s15+$0x0], $0xffff;
	_ =	sdelay $0x4  }
0x17d: {  	v18 =	vshll.u32 v17, $0x9  }
0x17e: {  	v18 =	vor.u32 v15, v18  }
0x17f: {  	v19 =	vor.u32 v2, v18;
	_ =	sdelay $0x4  }
0x180: {  	v19 =	vld.idx.msk [tilespmem:v19+s3+$0x0], $0xffff;
	_ =	sdelay $0x4  }
0x181: {  	vm0 =	vle.s32 v14, v19  }
0x182: {  	v20 =	vsel vm0, $0x1, v0  }
0x183: {  	(xrf0) =	vadd.scan.msk.s32 $0xffff, v20;
	_ =	sdelay $0x5  }
0x184: {  	v20, _, _ =	vpop (xrf0)  }
0x185: {  	v21 =	vadd.s32 v20, v16  }
0x186: {  	v21 =	vadd.s32 $0xFFFFFFFF, v21  }
0x187: {  	vm1 =	vlt.s32 v21, $0x1FF  }
0x188: {  	v21 =	vnsel vm1, $0x1FF, v21;
	_ =	sdelay $0x1  }
0x189: {  	v22 =	vor.u32 v4, v18;
	_ =	sdelay $0x1  }
0x18a: {  	v17 =	vshll.u32 v17, $0x7  }
0x18b: {  	[tilespmem:v21+s16+$0x0] =	vst.idx.msk vm0, v19;
	v19 =	vor.u32 v2, v17  }
0x18c: {  	[tilespmem:v21+s17+$0x0] =	vst.idx.msk vm0, v19  }
0x18d: {  	v19 =	vld.idx.msk [tilespmem:v22+s3+$0x0], $0xffff;
	_ =	sdelay $0x4  }
0x18e: {  	vm14 =	vle.s32 v14, v19  }
0x18f: {  	v39 =	vsel vm14, $0x1, v0  }
0x190: {  	(xrf0) =	vadd.scan.msk.s32 $0xffff, v39;
	_ =	sdelay $0x3  }
0x191: {  	v20 =	vperm.xlane v20, v3;
	_ =	sdelay $0x1  }
0x192: {  	v16 =	vadd.s32 v16, v20;
	v40, _, _ =	vpop (xrf0)  }
0x193: {  	v41 =	vadd.s32 v40, v16  }
0x194: {  	v21 =	vadd.s32 $0xFFFFFFFF, v41  }
0x195: {  	vm15 =	vlt.s32 v21, $0x1FF  }
0x196: {  	v21 =	vnsel vm15, $0x1FF, v21;
	_ =	sdelay $0x1  }
0x197: {  	v42 =	vor.u32 v5, v18;
	_ =	sdelay $0x2  }
0x198: {  	[tilespmem:v21+s16+$0x0] =	vst.idx.msk vm14, v19;
	v19 =	vor.u32 v4, v17  }
0x199: {  	[tilespmem:v21+s17+$0x0] =	vst.idx.msk vm14, v19  }
0x19a: {  	v19 =	vld.idx.msk [tilespmem:v42+s3+$0x0], $0xffff;
	_ =	sdelay $0x4  }
0x19b: {  	vm4 =	vle.s32 v14, v19  }
0x19c: {  	v43 =	vsel vm4, $0x1, v0  }
0x19d: {  	(xrf0) =	vadd.scan.msk.s32 $0xffff, v43;
	_ =	sdelay $0x3  }
0x19e: {  	v20 =	vperm.xlane v40, v3;
	_ =	sdelay $0x1  }
0x19f: {  	v16 =	vadd.s32 v16, v20;
	v44, _, _ =	vpop (xrf0)  }
0x1a0: {  	v45 =	vadd.s32 v44, v16  }
0x1a1: {  	v21 =	vadd.s32 $0xFFFFFFFF, v45  }
0x1a2: {  	vm5 =	vlt.s32 v21, $0x1FF  }
0x1a3: {  	v21 =	vnsel vm5, $0x1FF, v21;
	_ =	sdelay $0x1  }
0x1a4: {  	v46 =	vor.u32 v6, v18;
	_ =	sdelay $0x2  }
0x1a5: {  	[tilespmem:v21+s16+$0x0] =	vst.idx.msk vm4, v19;
	v19 =	vor.u32 v5, v17  }
0x1a6: {  	[tilespmem:v21+s17+$0x0] =	vst.idx.msk vm4, v19  }
0x1a7: {  	v19 =	vld.idx.msk [tilespmem:v46+s3+$0x0], $0xffff;
	_ =	sdelay $0x4  }
0x1a8: {  	vm6 =	vle.s32 v14, v19  }
0x1a9: {  	v47 =	vsel vm6, $0x1, v0  }
0x1aa: {  	(xrf0) =	vadd.scan.msk.s32 $0xffff, v47;
	_ =	sdelay $0x3  }
0x1ab: {  	v20 =	vperm.xlane v44, v3;
	_ =	sdelay $0x1  }
0x1ac: {  	v16 =	vadd.s32 v16, v20;
	v48, _, _ =	vpop (xrf0)  }
0x1ad: {  	v49 =	vadd.s32 v48, v16  }
0x1ae: {  	v21 =	vadd.s32 $0xFFFFFFFF, v49  }
0x1af: {  	vm7 =	vlt.s32 v21, $0x1FF  }
0x1b0: {  	v21 =	vnsel vm7, $0x1FF, v21;
	_ =	sdelay $0x1  }
0x1b1: {  	v50 =	vor.u32 v7, v18;
	_ =	sdelay $0x2  }
0x1b2: {  	[tilespmem:v21+s16+$0x0] =	vst.idx.msk vm6, v19;
	v19 =	vor.u32 v6, v17  }
0x1b3: {  	[tilespmem:v21+s17+$0x0] =	vst.idx.msk vm6, v19  }
0x1b4: {  	v19 =	vld.idx.msk [tilespmem:v50+s3+$0x0], $0xffff;
	_ =	sdelay $0x4  }
0x1b5: {  	vm8 =	vle.s32 v14, v19  }
0x1b6: {  	v51 =	vsel vm8, $0x1, v0  }
0x1b7: {  	(xrf0) =	vadd.scan.msk.s32 $0xffff, v51;
	_ =	sdelay $0x3  }
0x1b8: {  	v20 =	vperm.xlane v48, v3;
	_ =	sdelay $0x1  }
0x1b9: {  	v16 =	vadd.s32 v16, v20;
	v52, _, _ =	vpop (xrf0)  }
0x1ba: {  	v53 =	vadd.s32 v52, v16  }
0x1bb: {  	v21 =	vadd.s32 $0xFFFFFFFF, v53  }
0x1bc: {  	vm9 =	vlt.s32 v21, $0x1FF  }
0x1bd: {  	v21 =	vnsel vm9, $0x1FF, v21;
	_ =	sdelay $0x1  }
0x1be: {  	v54 =	vor.u32 v8, v18;
	_ =	sdelay $0x2  }
0x1bf: {  	[tilespmem:v21+s16+$0x0] =	vst.idx.msk vm8, v19;
	v19 =	vor.u32 v7, v17  }
0x1c0: {  	[tilespmem:v21+s17+$0x0] =	vst.idx.msk vm8, v19  }
0x1c1: {  	v19 =	vld.idx.msk [tilespmem:v54+s3+$0x0], $0xffff;
	_ =	sdelay $0x4  }
0x1c2: {  	vm10 =	vle.s32 v14, v19  }
0x1c3: {  	v55 =	vsel vm10, $0x1, v0  }
0x1c4: {  	(xrf0) =	vadd.scan.msk.s32 $0xffff, v55;
	_ =	sdelay $0x3  }
0x1c5: {  	v20 =	vperm.xlane v52, v3;
	_ =	sdelay $0x1  }
0x1c6: {  	v16 =	vadd.s32 v16, v20;
	v56, _, _ =	vpop (xrf0)  }
0x1c7: {  	v57 =	vadd.s32 v56, v16  }
0x1c8: {  	v21 =	vadd.s32 $0xFFFFFFFF, v57  }
0x1c9: {  	vm11 =	vlt.s32 v21, $0x1FF  }
0x1ca: {  	v21 =	vnsel vm11, $0x1FF, v21;
	_ =	sdelay $0x1  }
0x1cb: {  	v58 =	vor.u32 v9, v18;
	_ =	sdelay $0x2  }
0x1cc: {  	[tilespmem:v21+s16+$0x0] =	vst.idx.msk vm10, v19;
	v19 =	vor.u32 v8, v17  }
0x1cd: {  	[tilespmem:v21+s17+$0x0] =	vst.idx.msk vm10, v19  }
0x1ce: {  	v19 =	vld.idx.msk [tilespmem:v58+s3+$0x0], $0xffff;
	_ =	sdelay $0x4  }
0x1cf: {  	vm12 =	vle.s32 v14, v19  }
0x1d0: {  	v59 =	vsel vm12, $0x1, v0  }
0x1d1: {  	(xrf0) =	vadd.scan.msk.s32 $0xffff, v59;
	_ =	sdelay $0x3  }
0x1d2: {  	v20 =	vperm.xlane v56, v3;
	_ =	sdelay $0x1  }
0x1d3: {  	v16 =	vadd.s32 v16, v20;
	v60, _, _ =	vpop (xrf0)  }
0x1d4: {  	v61 =	vadd.s32 v60, v16  }
0x1d5: {  	v21 =	vadd.s32 $0xFFFFFFFF, v61  }
0x1d6: {  	vm13 =	vlt.s32 v21, $0x1FF  }
0x1d7: {  	v21 =	vnsel vm13, $0x1FF, v21;
	_ =	sdelay $0x1  }
0x1d8: {  	v18 =	vor.u32 v10, v18;
	_ =	sdelay $0x2  }
0x1d9: {  	v62 =	vor.u32 v9, v17;
	[tilespmem:v21+s16+$0x0] =	vst.idx.msk vm12, v19  }
0x1da: {  	[tilespmem:v21+s17+$0x0] =	vst.idx.msk vm12, v62  }
0x1db: {  	v18 =	vld.idx.msk [tilespmem:v18+s3+$0x0], $0xffff;
	_ =	sdelay $0x4  }
0x1dc: {  	vm14 =	vle.s32 v14, v18  }
0x1dd: {  	v19 =	vsel vm14, $0x1, v0  }
0x1de: {  	(xrf0) =	vadd.scan.msk.s32 $0xffff, v19;
	_ =	sdelay $0x1  }
0x1df: {  	v19 =	vperm.xlane v60, v3;
	_ =	sdelay $0x3  }
0x1e0: {  	v16 =	vadd.s32 v16, v19;
	v19, _, _ =	vpop (xrf0)  }
0x1e1: {  	v63 =	vadd.s32 v19, v16  }
0x1e2: {  	v20 =	vadd.s32 $0xFFFFFFFF, v63  }
0x1e3: {  	vm15 =	vlt.s32 v20, $0x1FF  }
0x1e4: {  	s11 =	sadd.s32 $0x1, s11;
	v20 =	vnsel vm15, $0x1FF, v20  }
0x1e5: {  	p1 =	sne.s32 s2, s11  }
.Ltmp10:
0x1e6: {  	_ = 	snop;
	(pc) =	sbr.rel @p1 .LBB2_14-.Ltmp10, $4  }
0x1e7: {  	_ = 	snop  }
0x1e8: {  	v19 =	vperm.xlane v19, v3  }
0x1e9: {  	v17 =	vor.u32 v10, v17;
	[tilespmem:v20+s16+$0x0] =	vst.idx.msk vm14, v18  }
0x1ea: {  	v16 =	vadd.s32 v16, v19;
	[tilespmem:v20+s17+$0x0] =	vst.idx.msk vm14, v17  }
0x1eb: {  	v14 =	vxor.u32 $0x80000000, v16  }
.LBB2_16:
0x1ec: {  	(xrf0) =	vmax.scan.msk.u32 $0xffff, v14;
	_ =	sdelay $0x5  }
0x1ed: {  	v14, _, _ =	vpop (xrf0)  }
0x1ee: {  	(v2sf) =	vpush v14, $0xF;
	_ =	sdelay $0xe  }
0x1ef: {  	s2 =	spop (v2sf)  }
0x1f0: {  	s11 =	sxor.u32 $0x80000000, s2  }
0x1f1: {  	p1 =	slt.s32 s11, $0x200;
	s13 =	smov.u32 s11  }
0x1f2: {  	s13 =	simm.s32 @!p1 $0x200  }
0x1f3: {  	[tilespmem:s13+$0x18100] =	vst v1  }
0x1f4: {  	v14 =	vld [tilespmem:s25+$0x0];
	_ =	sdelay $0x4  }
0x1f5: {  	vm0 =	vge.s32 v14, s7  }
0x1f6: {  	v14 =	vsel vm0, $0x1, v0  }
0x1f7: {  	(xrf0) =	vadd.scan.msk.s32 $0xffff, v14;
	_ =	sdelay $0x5  }
0x1f8: {  	v14, _, _ =	vpop (xrf0)  }
0x1f9: {  	v15 =	vadd.s32 $0xFFFFFFFF, v14  }
0x1fa: {  	vm1 =	vlt.s32 v15, $0x3F  }
0x1fb: {  	v15 =	vnsel vm1, $0x3F, v15;
	_ =	sdelay $0x4  }
0x1fc: {  	[tilespmem:v15+s18+$0x0] =	vst.idx.msk vm0, v2  }
0x1fd: {  	v15 =	vld [tilespmem:s25+$0x10];
	_ =	sdelay $0x4  }
0x1fe: {  	vm10 =	vge.s32 v15, s7  }
0x1ff: {  	v15 =	vsel vm10, $0x1, v0  }
0x200: {  	(xrf0) =	vadd.scan.msk.s32 $0xffff, v15;
	_ =	sdelay $0x4  }
0x201: {  	v14 =	vperm.xlane v14, v3  }
0x202: {  	v15, _, _ =	vpop (xrf0)  }
0x203: {  	v16 =	vadd.s32 v15, v14  }
0x204: {  	v16 =	vadd.s32 $0xFFFFFFFF, v16  }
0x205: {  	vm11 =	vlt.s32 v16, $0x3F  }
0x206: {  	v16 =	vnsel vm11, $0x3F, v16;
	_ =	sdelay $0x4  }
0x207: {  	[tilespmem:v16+s18+$0x0] =	vst.idx.msk vm10, v4  }
0x208: {  	v16 =	vld [tilespmem:s25+$0x20];
	_ =	sdelay $0x4  }
0x209: {  	vm12 =	vge.s32 v16, s7  }
0x20a: {  	v16 =	vsel vm12, $0x1, v0  }
0x20b: {  	(xrf0) =	vadd.scan.msk.s32 $0xffff, v16;
	_ =	sdelay $0x1  }
0x20c: {  	v15 =	vperm.xlane v15, v3;
	_ =	sdelay $0x3  }
0x20d: {  	v14 =	vadd.s32 v14, v15;
	v15, _, _ =	vpop (xrf0)  }
0x20e: {  	v57 =	vadd.s32 v15, v14  }
0x20f: {  	v16 =	vadd.s32 $0xFFFFFFFF, v57  }
0x210: {  	vm13 =	vlt.s32 v16, $0x3F  }
0x211: {  	v16 =	vnsel vm13, $0x3F, v16;
	_ =	sdelay $0x4  }
0x212: {  	[tilespmem:v16+s18+$0x0] =	vst.idx.msk vm12, v5  }
0x213: {  	v16 =	vld [tilespmem:s25+$0x30];
	_ =	sdelay $0x4  }
0x214: {  	vm14 =	vge.s32 v16, s7  }
0x215: {  	v16 =	vsel vm14, $0x1, v0  }
0x216: {  	(xrf0) =	vadd.scan.msk.s32 $0xffff, v16;
	_ =	sdelay $0x1  }
0x217: {  	v15 =	vperm.xlane v15, v3;
	_ =	sdelay $0x3  }
0x218: {  	v14 =	vadd.s32 v14, v15;
	v15, _, _ =	vpop (xrf0)  }
0x219: {  	v58 =	vadd.s32 v15, v14  }
0x21a: {  	v16 =	vadd.s32 $0xFFFFFFFF, v58  }
0x21b: {  	vm15 =	vlt.s32 v16, $0x3F  }
0x21c: {  	v16 =	vnsel vm15, $0x3F, v16;
	_ =	sdelay $0x4  }
0x21d: {  	[tilespmem:v16+s18+$0x0] =	vst.idx.msk vm14, v6  }
0x21e: {  	v16 =	vld [tilespmem:s25+$0x40];
	_ =	sdelay $0x4  }
0x21f: {  	vm4 =	vge.s32 v16, s7  }
0x220: {  	v16 =	vsel vm4, $0x1, v0  }
0x221: {  	(xrf0) =	vadd.scan.msk.s32 $0xffff, v16;
	_ =	sdelay $0x1  }
0x222: {  	v15 =	vperm.xlane v15, v3;
	_ =	sdelay $0x3  }
0x223: {  	v14 =	vadd.s32 v14, v15;
	v15, _, _ =	vpop (xrf0)  }
0x224: {  	v59 =	vadd.s32 v15, v14  }
0x225: {  	v16 =	vadd.s32 $0xFFFFFFFF, v59  }
0x226: {  	vm5 =	vlt.s32 v16, $0x3F  }
0x227: {  	v16 =	vnsel vm5, $0x3F, v16;
	_ =	sdelay $0x4  }
0x228: {  	[tilespmem:v16+s18+$0x0] =	vst.idx.msk vm4, v7  }
0x229: {  	v16 =	vld [tilespmem:s25+$0x50];
	_ =	sdelay $0x4  }
0x22a: {  	vm6 =	vge.s32 v16, s7  }
0x22b: {  	v16 =	vsel vm6, $0x1, v0  }
0x22c: {  	(xrf0) =	vadd.scan.msk.s32 $0xffff, v16;
	_ =	sdelay $0x1  }
0x22d: {  	v15 =	vperm.xlane v15, v3;
	_ =	sdelay $0x3  }
0x22e: {  	v14 =	vadd.s32 v14, v15;
	v15, _, _ =	vpop (xrf0)  }
0x22f: {  	v60 =	vadd.s32 v15, v14  }
0x230: {  	v16 =	vadd.s32 $0xFFFFFFFF, v60  }
0x231: {  	vm7 =	vlt.s32 v16, $0x3F  }
0x232: {  	v16 =	vnsel vm7, $0x3F, v16;
	_ =	sdelay $0x4  }
0x233: {  	[tilespmem:v16+s18+$0x0] =	vst.idx.msk vm6, v8  }
0x234: {  	v16 =	vld [tilespmem:s25+$0x60];
	_ =	sdelay $0x4  }
0x235: {  	vm8 =	vge.s32 v16, s7  }
0x236: {  	v16 =	vsel vm8, $0x1, v0  }
0x237: {  	(xrf0) =	vadd.scan.msk.s32 $0xffff, v16;
	_ =	sdelay $0x1  }
0x238: {  	v15 =	vperm.xlane v15, v3;
	_ =	sdelay $0x3  }
0x239: {  	v14 =	vadd.s32 v14, v15;
	v15, _, _ =	vpop (xrf0)  }
0x23a: {  	v61 =	vadd.s32 v15, v14  }
0x23b: {  	v16 =	vadd.s32 $0xFFFFFFFF, v61  }
0x23c: {  	vm9 =	vlt.s32 v16, $0x3F  }
0x23d: {  	v16 =	vnsel vm9, $0x3F, v16;
	_ =	sdelay $0x4  }
0x23e: {  	[tilespmem:v16+s18+$0x0] =	vst.idx.msk vm8, v9  }
0x23f: {  	v16 =	vld [tilespmem:s25+$0x70];
	_ =	sdelay $0x4  }
0x240: {  	vm10 =	vge.s32 v16, s7  }
0x241: {  	v16 =	vsel vm10, $0x1, v0  }
0x242: {  	(xrf0) =	vadd.scan.msk.s32 $0xffff, v16;
	_ =	sdelay $0x1  }
0x243: {  	v15 =	vperm.xlane v15, v3;
	_ =	sdelay $0x3  }
0x244: {  	v14 =	vadd.s32 v14, v15;
	v15, _, _ =	vpop (xrf0)  }
0x245: {  	v62 =	vadd.s32 v15, v14  }
0x246: {  	v16 =	vadd.s32 $0xFFFFFFFF, v62  }
0x247: {  	vm11 =	vlt.s32 v16, $0x3F  }
0x248: {  	v16 =	vnsel vm11, $0x3F, v16;
	_ =	sdelay $0x4  }
0x249: {  	[tilespmem:v16+s18+$0x0] =	vst.idx.msk vm10, v10  }
0x24a: {  	v16 =	vld [tilespmem:s25+$0x400];
	_ =	sdelay $0x4  }
0x24b: {  	vm12 =	vge.s32 v16, s7  }
0x24c: {  	v16 =	vsel vm12, $0x1, v0  }
0x24d: {  	(xrf0) =	vadd.scan.msk.s32 $0xffff, v16;
	_ =	sdelay $0x1  }
0x24e: {  	v15 =	vperm.xlane v15, v3;
	_ =	sdelay $0x3  }
0x24f: {  	v14 =	vadd.s32 v14, v15;
	v15, _, _ =	vpop (xrf0)  }
0x250: {  	v63 =	vadd.s32 v15, v14  }
0x251: {  	v16 =	vadd.s32 $0xFFFFFFFF, v63  }
0x252: {  	vm13 =	vlt.s32 v16, $0x3F  }
0x253: {  	v16 =	vnsel vm13, $0x3F, v16;
	_ =	sdelay $0x4  }
0x254: {  	[tilespmem:v16+s18+$0x0] =	vst.idx.msk vm12, v11  }
0x255: {  	v16 =	vld [tilespmem:s25+$0x410];
	_ =	sdelay $0x4  }
0x256: {  	vm14 =	vge.s32 v16, s7  }
0x257: {  	v16 =	vsel vm14, $0x1, v0  }
0x258: {  	(xrf0) =	vadd.scan.msk.s32 $0xffff, v16;
	_ =	sdelay $0x5  }
0x259: {  	v15 =	vperm.xlane v15, v3;
	v16, _, _ =	vpop (xrf0)  }
0x25a: {  	v17 =	vperm.xlane v16, v3  }
0x25b: {  	v14 =	vadd.s32 v14, v15  }
0x25c: {  	v15 =	vadd.s32 v14, v17  }
0x25d: {  	v15 =	vxor.u32 $0x80000000, v15  }
0x25e: {  	(xrf0) =	vmax.scan.msk.u32 $0xffff, v15;
	_ =	sdelay $0x5  }
0x25f: {  	v15, _, _ =	vpop (xrf0)  }
0x260: {  	(v2sf) =	vpush v15, $0xF;
	_ =	sdelay $0x8  }
0x261: {  	v14 =	vadd.s32 v16, v14  }
0x262: {  	v14 =	vadd.s32 $0xFFFFFFFF, v14  }
0x263: {  	vm15 =	vlt.s32 v14, $0x3F  }
0x264: {  	v14 =	vnsel vm15, $0x3F, v14;
	_ =	sdelay $0x2  }
0x265: {  	s28 =	spop (v2sf)  }
0x266: {  	s2 =	sxor.u32 $0x80000000, s28  }
0x267: {  	[tilespmem:v14+s18+$0x0] =	vst.idx.msk vm14, v12;
	p1 =	slt.s32 s2, $0x1  }
.Ltmp11:
0x268: {  	[tilespmem:$0x18600] =	vst v1;
	(pc) =	sbr.rel @p1 .LBB2_20-.Ltmp11, $4  }
0x269: {  	[tilespmem:$0x18610] =	vst v1  }
0x26a: {  	[tilespmem:$0x18620] =	vst v1  }
0x26b: {  	[tilespmem:$0x18630] =	vst v1  }
0x26c: {  	[tilespmem:$0x18640] =	vst v1  }
0x26d: {  	v13 =	vmov s31  }
0x26e: {  	p1 =	slt.s32 s2, $0x40;
	v14 =	vshll.u32 v13, $0x7  }
0x26f: {  	v15 =	vimm.s32 $0x0;
	v13 =	vmov s7;
	s2 =	simm.s32 @!p1 $0x40;
	s7 =	simm.s32 $0x0;
	v14 =	vbroadcast v14, $0x0  }
.LBB2_18:
0x270: {  	v16 =	vmov s7;
	_ =	sdelay $0x4  }
0x271: {  	v16 =	vld.idx.msk [tilespmem:v16+s18+$0x0], $0xffff;
	_ =	sdelay $0x4  }
0x272: {  	v17 =	vshll.u32 v16, $0x9  }
0x273: {  	v17 =	vor.u32 v14, v17  }
0x274: {  	v18 =	vor.u32 v2, v17;
	_ =	sdelay $0x4  }
0x275: {  	v18 =	vld.idx.msk [tilespmem:v18+s3+$0x0], $0xffff;
	_ =	sdelay $0x4  }
0x276: {  	vm0 =	vle.s32 v13, v18  }
0x277: {  	v19 =	vsel vm0, $0x1, v0  }
0x278: {  	(xrf0) =	vadd.scan.msk.s32 $0xffff, v19;
	_ =	sdelay $0x5  }
0x279: {  	v19, _, _ =	vpop (xrf0)  }
0x27a: {  	v20 =	vadd.s32 v19, v15  }
0x27b: {  	v20 =	vadd.s32 $0xFFFFFFFF, v20  }
0x27c: {  	vm1 =	vlt.s32 v20, $0x1FF  }
0x27d: {  	v20 =	vnsel vm1, $0x1FF, v20;
	_ =	sdelay $0x1  }
0x27e: {  	v21 =	vor.u32 v4, v17;
	_ =	sdelay $0x1  }
0x27f: {  	v16 =	vshll.u32 v16, $0x7  }
0x280: {  	v30 =	vor.u32 v2, v16;
	[tilespmem:v20+s19+$0x0] =	vst.idx.msk vm0, v18  }
0x281: {  	[tilespmem:v20+s20+$0x0] =	vst.idx.msk vm0, v30  }
0x282: {  	v18 =	vld.idx.msk [tilespmem:v21+s3+$0x0], $0xffff;
	_ =	sdelay $0x4  }
0x283: {  	vm14 =	vle.s32 v13, v18  }
0x284: {  	v31 =	vsel vm14, $0x1, v0  }
0x285: {  	(xrf0) =	vadd.scan.msk.s32 $0xffff, v31;
	_ =	sdelay $0x3  }
0x286: {  	v19 =	vperm.xlane v19, v3;
	_ =	sdelay $0x1  }
0x287: {  	v15 =	vadd.s32 v15, v19;
	v32, _, _ =	vpop (xrf0)  }
0x288: {  	v33 =	vadd.s32 v32, v15  }
0x289: {  	v20 =	vadd.s32 $0xFFFFFFFF, v33  }
0x28a: {  	vm15 =	vlt.s32 v20, $0x1FF  }
0x28b: {  	v20 =	vnsel vm15, $0x1FF, v20;
	_ =	sdelay $0x1  }
0x28c: {  	v34 =	vor.u32 v5, v17;
	_ =	sdelay $0x2  }
0x28d: {  	v35 =	vor.u32 v4, v16;
	[tilespmem:v20+s19+$0x0] =	vst.idx.msk vm14, v18  }
0x28e: {  	[tilespmem:v20+s20+$0x0] =	vst.idx.msk vm14, v35  }
0x28f: {  	v18 =	vld.idx.msk [tilespmem:v34+s3+$0x0], $0xffff;
	_ =	sdelay $0x4  }
0x290: {  	vm4 =	vle.s32 v13, v18  }
0x291: {  	v36 =	vsel vm4, $0x1, v0  }
0x292: {  	(xrf0) =	vadd.scan.msk.s32 $0xffff, v36;
	_ =	sdelay $0x3  }
0x293: {  	v19 =	vperm.xlane v32, v3;
	_ =	sdelay $0x1  }
0x294: {  	v15 =	vadd.s32 v15, v19;
	v37, _, _ =	vpop (xrf0)  }
0x295: {  	v38 =	vadd.s32 v37, v15  }
0x296: {  	v20 =	vadd.s32 $0xFFFFFFFF, v38  }
0x297: {  	vm5 =	vlt.s32 v20, $0x1FF  }
0x298: {  	v20 =	vnsel vm5, $0x1FF, v20;
	_ =	sdelay $0x1  }
0x299: {  	v39 =	vor.u32 v6, v17;
	_ =	sdelay $0x2  }
0x29a: {  	v40 =	vor.u32 v5, v16;
	[tilespmem:v20+s19+$0x0] =	vst.idx.msk vm4, v18  }
0x29b: {  	[tilespmem:v20+s20+$0x0] =	vst.idx.msk vm4, v40  }
0x29c: {  	v18 =	vld.idx.msk [tilespmem:v39+s3+$0x0], $0xffff;
	_ =	sdelay $0x4  }
0x29d: {  	vm6 =	vle.s32 v13, v18  }
0x29e: {  	v41 =	vsel vm6, $0x1, v0  }
0x29f: {  	(xrf0) =	vadd.scan.msk.s32 $0xffff, v41;
	_ =	sdelay $0x3  }
0x2a0: {  	v19 =	vperm.xlane v37, v3;
	_ =	sdelay $0x1  }
0x2a1: {  	v15 =	vadd.s32 v15, v19;
	v42, _, _ =	vpop (xrf0)  }
0x2a2: {  	v43 =	vadd.s32 v42, v15  }
0x2a3: {  	v20 =	vadd.s32 $0xFFFFFFFF, v43  }
0x2a4: {  	vm7 =	vlt.s32 v20, $0x1FF  }
0x2a5: {  	v20 =	vnsel vm7, $0x1FF, v20;
	_ =	sdelay $0x1  }
0x2a6: {  	v44 =	vor.u32 v7, v17;
	_ =	sdelay $0x2  }
0x2a7: {  	v45 =	vor.u32 v6, v16;
	[tilespmem:v20+s19+$0x0] =	vst.idx.msk vm6, v18  }
0x2a8: {  	[tilespmem:v20+s20+$0x0] =	vst.idx.msk vm6, v45  }
0x2a9: {  	v18 =	vld.idx.msk [tilespmem:v44+s3+$0x0], $0xffff;
	_ =	sdelay $0x4  }
0x2aa: {  	vm8 =	vle.s32 v13, v18  }
0x2ab: {  	v46 =	vsel vm8, $0x1, v0  }
0x2ac: {  	(xrf0) =	vadd.scan.msk.s32 $0xffff, v46;
	_ =	sdelay $0x3  }
0x2ad: {  	v19 =	vperm.xlane v42, v3;
	_ =	sdelay $0x1  }
0x2ae: {  	v15 =	vadd.s32 v15, v19;
	v47, _, _ =	vpop (xrf0)  }
0x2af: {  	v48 =	vadd.s32 v47, v15  }
0x2b0: {  	v20 =	vadd.s32 $0xFFFFFFFF, v48  }
0x2b1: {  	vm9 =	vlt.s32 v20, $0x1FF  }
0x2b2: {  	v20 =	vnsel vm9, $0x1FF, v20;
	_ =	sdelay $0x1  }
0x2b3: {  	v49 =	vor.u32 v8, v17;
	_ =	sdelay $0x2  }
0x2b4: {  	v50 =	vor.u32 v7, v16;
	[tilespmem:v20+s19+$0x0] =	vst.idx.msk vm8, v18  }
0x2b5: {  	[tilespmem:v20+s20+$0x0] =	vst.idx.msk vm8, v50  }
0x2b6: {  	v18 =	vld.idx.msk [tilespmem:v49+s3+$0x0], $0xffff;
	_ =	sdelay $0x4  }
0x2b7: {  	vm10 =	vle.s32 v13, v18  }
0x2b8: {  	v51 =	vsel vm10, $0x1, v0  }
0x2b9: {  	(xrf0) =	vadd.scan.msk.s32 $0xffff, v51;
	_ =	sdelay $0x3  }
0x2ba: {  	v19 =	vperm.xlane v47, v3;
	_ =	sdelay $0x1  }
0x2bb: {  	v15 =	vadd.s32 v15, v19;
	v52, _, _ =	vpop (xrf0)  }
0x2bc: {  	v53 =	vadd.s32 v52, v15  }
0x2bd: {  	v20 =	vadd.s32 $0xFFFFFFFF, v53  }
0x2be: {  	vm11 =	vlt.s32 v20, $0x1FF  }
0x2bf: {  	v20 =	vnsel vm11, $0x1FF, v20;
	_ =	sdelay $0x1  }
0x2c0: {  	v54 =	vor.u32 v9, v17;
	_ =	sdelay $0x2  }
0x2c1: {  	v55 =	vor.u32 v8, v16;
	[tilespmem:v20+s19+$0x0] =	vst.idx.msk vm10, v18  }
0x2c2: {  	[tilespmem:v20+s20+$0x0] =	vst.idx.msk vm10, v55  }
0x2c3: {  	v18 =	vld.idx.msk [tilespmem:v54+s3+$0x0], $0xffff;
	_ =	sdelay $0x4  }
0x2c4: {  	vm12 =	vle.s32 v13, v18  }
0x2c5: {  	v56 =	vsel vm12, $0x1, v0  }
0x2c6: {  	(xrf0) =	vadd.scan.msk.s32 $0xffff, v56;
	_ =	sdelay $0x3  }
0x2c7: {  	v19 =	vperm.xlane v52, v3;
	_ =	sdelay $0x1  }
0x2c8: {  	v15 =	vadd.s32 v15, v19;
	v57, _, _ =	vpop (xrf0)  }
0x2c9: {  	v58 =	vadd.s32 v57, v15  }
0x2ca: {  	v20 =	vadd.s32 $0xFFFFFFFF, v58  }
0x2cb: {  	vm13 =	vlt.s32 v20, $0x1FF  }
0x2cc: {  	v20 =	vnsel vm13, $0x1FF, v20;
	_ =	sdelay $0x1  }
0x2cd: {  	v17 =	vor.u32 v10, v17;
	_ =	sdelay $0x2  }
0x2ce: {  	v59 =	vor.u32 v9, v16;
	[tilespmem:v20+s19+$0x0] =	vst.idx.msk vm12, v18  }
0x2cf: {  	[tilespmem:v20+s20+$0x0] =	vst.idx.msk vm12, v59  }
0x2d0: {  	v17 =	vld.idx.msk [tilespmem:v17+s3+$0x0], $0xffff;
	_ =	sdelay $0x4  }
0x2d1: {  	vm14 =	vle.s32 v13, v17  }
0x2d2: {  	v60 =	vsel vm14, $0x1, v0  }
0x2d3: {  	(xrf0) =	vadd.scan.msk.s32 $0xffff, v60;
	_ =	sdelay $0x3  }
0x2d4: {  	v61 =	vperm.xlane v57, v3;
	_ =	sdelay $0x1  }
0x2d5: {  	v15 =	vadd.s32 v15, v61;
	v62, _, _ =	vpop (xrf0)  }
0x2d6: {  	v63 =	vadd.s32 v62, v15  }
0x2d7: {  	v19 =	vadd.s32 $0xFFFFFFFF, v63  }
0x2d8: {  	vm15 =	vlt.s32 v19, $0x1FF  }
0x2d9: {  	s7 =	sadd.s32 $0x1, s7;
	v19 =	vnsel vm15, $0x1FF, v19  }
0x2da: {  	p1 =	sne.s32 s2, s7  }
.Ltmp12:
0x2db: {  	_ = 	snop;
	(pc) =	sbr.rel @p1 .LBB2_18-.Ltmp12, $4  }
0x2dc: {  	_ = 	snop  }
0x2dd: {  	v18 =	vperm.xlane v62, v3  }
0x2de: {  	v16 =	vor.u32 v10, v16;
	[tilespmem:v19+s19+$0x0] =	vst.idx.msk vm14, v17  }
0x2df: {  	v15 =	vadd.s32 v15, v18;
	[tilespmem:v19+s20+$0x0] =	vst.idx.msk vm14, v16  }
0x2e0: {  	v13 =	vxor.u32 $0x80000000, v15  }
.LBB2_20:
0x2e1: {  	(xrf0) =	vmax.scan.msk.u32 $0xffff, v13;
	_ =	sdelay $0x5  }
0x2e2: {  	v13, _, _ =	vpop (xrf0)  }
0x2e3: {  	(v2sf) =	vpush v13, $0xF;
	_ =	sdelay $0xc  }
0x2e4: {  	s2 =	sadd.s32 $0xF, s13  }
0x2e5: {  	p1 =	slt.s32 s11, $0xFFFFFFF2;
	s26 =	rddreg [dreg:$0x3];
	s5 =	sand.u32 $0xF, s2  }
0x2e6: {  	s4 =	sshra.s32 s2, $0x1F;
	p2 =	sne.s32 s5, $0x0;
	s7 =	spop (v2sf)  }
0x2e7: {  	s4 =	sshrl.u32 s4, $0x1C;
	p2 =	por !p1, !p2;
	s5 =	sxor.u32 $0x80000000, s7  }
0x2e8: {  	s2 =	sadd.s32 s4, s2;
	s4 =	simm.s32 $0xFFFFFFFF;
	p3 =	slt.s32 s5, $0x200  }
0x2e9: {  	p2 =	por !p2, !p2;
	p5 =	slt.s32 s5, $0xFFFFFFF2;
	s5 =	simm.s32 @!p3 $0x200  }
0x2ea: {  	s11 =	simm.s32 $0x0;
	s2 =	sshra.s32 s2, $0x4;
	s4 =	simm.s32 @!p2 $0x0;
	[tilespmem:s5+$0x18600] =	vst v1  }
0x2eb: {  	s24 =	sor.u32 s26, s24;
	s4 =	sadd.s32 s4, s2;
	s5 =	sadd.s32 $0xF, s5;
	v14 =	vld [tilespmem:$0x18100]  }
0x2ec: {  	s13 =	sadd.s32 $0xFFFFFFFC, s4;
	s7 =	simm.s32 $0x1;
	s10 =	sand.u32 $0xF, s5;
	v13 =	vld [tilespmem:$0x18110]  }
0x2ed: {  	s7 =	simm.s32 @!p2 $0x0;
	s28 =	sshra.s32 s5, $0x1F;
	v15 =	vld [tilespmem:$0x18120];
	p6 =	sne.s32 s10, $0x0  }
.Ltmp13:
0x2ee: {  	v16 =	vld [tilespmem:$0x18130];
	s10 =	sshrl.u32 s28, $0x1C;
	p1 =	por !p5, !p6;
	(pc) =	sbr.rel .LBB2_21-.Ltmp13, $4  }
0x2ef: {  	v17 =	vld [tilespmem:$0x18600];
	s5 =	sadd.s32 s10, s5;
	s10 =	simm.s32 $0x1;
	p1 =	por !p1, !p1  }
0x2f0: {  	s2 =	ssub.s32 s2, s7;
	v18 =	vld [tilespmem:$0x18610];
	s5 =	sshra.s32 s5, $0x4;
	s10 =	simm.s32 @!p1 $0x0  }
0x2f1: {  	p2 =	slt.s32 s2, $0x5;
	s2 =	simm.s32 $0x0;
	v19 =	vld [tilespmem:$0x18620];
	s5 =	ssub.s32 s5, s10  }
0x2f2: {  	v20 =	vld [tilespmem:$0x18630];
	s7 =	sadd.s32 $0xFFFFFFFC, s5;
	p1 =	slt.s32 s5, $0x5;
	s5 =	simm.s32 $0x0  }
.LBB2_28:
0x2f3: {  	v22 =	vsel vm0, $0x1, v0  }
0x2f4: {  	v21 =	vadd.s32 v22, v21  }
.LBB2_29:
0x2f5: {  	(xrf0) =	vadd.scan.msk.s32 $0xffff, v21;
	_ =	sdelay $0x5  }
0x2f6: {  	v21, _, _ =	vpop (xrf0)  }
0x2f7: {  	(v2sf) =	vpush v21, $0xF;
	_ =	sdelay $0xa  }
0x2f8: {  	s5 =	sadd.s32 $0x1, s5  }
0x2f9: {  	p5 =	sne.s32 s5, $0x1F  }
.Ltmp14:
0x2fa: {  	_ = 	snop;
	(pc) =	sbr.rel @!p5 .LBB2_30-.Ltmp14, $4  }
0x2fb: {  	_ = 	snop  }
0x2fc: {  	s4 =	spop (v2sf)  }
0x2fd: {  	p3 =	sgt.s32 s26, $0x1F;
	p4 =	sgt.s32 s4, $0x1F  }
0x2fe: {  	s2 =	smov.u32 @p3 s23;
	s11 =	smov.u32 @p4 s25  }
.LBB2_21:
0x2ff: {  	s25 =	sshrl.u32 s14, s5  }
0x300: {  	s23 =	sor.u32 s25, s2  }
.Ltmp15:
0x301: {  	vm0 =	vge.s32 v14, s23;
	vm1 =	vge.s32 v13, s23;
	(pc) =	sbr.rel @p2 .LBB2_25-.Ltmp15, $4  }
0x302: {  	vm14 =	vge.s32 v15, s23;
	v21 =	vsel vm0, $0x1, v0;
	v22 =	vsel vm1, $0x1, v0  }
0x303: {  	vm15 =	vge.s32 v16, s23;
	v21 =	vadd.s32 v21, v22;
	v22 =	vsel vm14, $0x1, v0  }
0x304: {  	v21 =	vadd.s32 v22, v21;
	v22 =	vsel vm15, $0x1, v0  }
0x305: {  	v21 =	vadd.s32 v22, v21  }
0x306: {  	s4 =	simm.s32 $0x18140  }
0x307: {  	p3 =	sne.s32 s13, $0x1;
	v23 =	vld [tilespmem:s4+$0x0]  }
.Ltmp16:
0x308: {  	_ = 	snop;
	(pc) =	sbr.rel @!p3 .LBB2_24-.Ltmp16, $3  }
0x309: {  	_ =	sdelay $0x1  }
0x30a: {  	v22 =	vmov s23  }
0x30b: {  	s26 =	sadd.s32 $0xFFFFFFFF, s13;
	s28 =	simm.s32 $0x18150;
	vm0 =	vge.s32 v23, v22  }
.LBB2_23:
0x30c: {  	v23 =	vld [tilespmem:s28+$0x0];
	p3 =	sne.s32 s26, $0x1;
	s26 =	sadd.s32 $0xFFFFFFFF, s26;
	v24 =	vsel vm0, $0x1, v0  }
.Ltmp17:
0x30d: {  	v21 =	vadd.s32 v24, v21;
	(pc) =	sbr.rel @p3 .LBB2_23-.Ltmp17, $2  }
0x30e: {  	_ =	sdelay $0x2  }
0x30f: {  	s28 =	sadd.s32 $0x10, s28;
	vm0 =	vge.s32 v23, v22  }
.LBB2_24:
0x310: {  	v22 =	vsel vm0, $0x1, v0  }
0x311: {  	v21 =	vadd.s32 v22, v21  }
.LBB2_25:
0x312: {  	(xrf0) =	vadd.scan.msk.s32 $0xffff, v21;
	_ =	sdelay $0x5  }
0x313: {  	v21, _, _ =	vpop (xrf0)  }
0x314: {  	(v2sf) =	vpush v21, $0xF;
	_ =	sdelay $0x9  }
0x315: {  	s25 =	sor.u32 s25, s11  }
.Ltmp18:
0x316: {  	vm0 =	vge.s32 v17, s25;
	vm1 =	vge.s32 v18, s25;
	(pc) =	sbr.rel @p1 .LBB2_29-.Ltmp18, $4  }
0x317: {  	vm14 =	vge.s32 v19, s25;
	v22 =	vsel vm1, $0x1, v0;
	v21 =	vsel vm0, $0x1, v0  }
0x318: {  	vm15 =	vge.s32 v20, s25;
	v21 =	vadd.s32 v21, v22;
	v22 =	vsel vm14, $0x1, v0  }
0x319: {  	v21 =	vadd.s32 v22, v21;
	v22 =	vsel vm15, $0x1, v0  }
0x31a: {  	v21 =	vadd.s32 v22, v21;
	s26 =	spop (v2sf)  }
0x31b: {  	s4 =	simm.s32 $0x18640  }
0x31c: {  	p3 =	sne.s32 s7, $0x1;
	v23 =	vld [tilespmem:s4+$0x0]  }
.Ltmp19:
0x31d: {  	_ = 	snop;
	(pc) =	sbr.rel @!p3 .LBB2_28-.Ltmp19, $3  }
0x31e: {  	_ =	sdelay $0x1  }
0x31f: {  	v22 =	vmov s25  }
0x320: {  	s28 =	sadd.s32 $0xFFFFFFFF, s7;
	s10 =	simm.s32 $0x18650;
	vm0 =	vge.s32 v23, v22  }
.LBB2_27:
0x321: {  	v23 =	vld [tilespmem:s10+$0x0];
	p3 =	sne.s32 s28, $0x1;
	s28 =	sadd.s32 $0xFFFFFFFF, s28;
	v24 =	vsel vm0, $0x1, v0  }
.Ltmp20:
0x322: {  	v21 =	vadd.s32 v24, v21;
	(pc) =	sbr.rel @p3 .LBB2_27-.Ltmp20, $2  }
0x323: {  	_ =	sdelay $0x2  }
0x324: {  	s10 =	sadd.s32 $0x10, s10;
	vm0 =	vge.s32 v23, v22  }
.Ltmp21:
0x325: {  	_ = 	snop;
	(pc) =	sbr.rel .LBB2_28-.Ltmp21, $1  }
0x326: {  	_ =	sdelay $0x3  }
.LBB2_30:
.Ltmp22:
0x327: {  	vm0 =	vgt.s32 v14, s2;
	vm1 =	vgt.s32 v13, s2;
	(pc) =	sbr.rel @p2 .LBB2_34-.Ltmp22, $4  }
0x328: {  	vm14 =	vgt.s32 v15, s2;
	v13 =	vsel vm0, $0x1, v0;
	v17 =	vsel vm1, $0x1, v0  }
0x329: {  	vm15 =	vgt.s32 v16, s2;
	v15 =	vsel vm14, $0x1, v0;
	v13 =	vadd.s32 v13, v17  }
0x32a: {  	v16 =	vsel vm15, $0x1, v0;
	v15 =	vadd.s32 v15, v13  }
0x32b: {  	s5 =	simm.s32 $0x18140;
	v13 =	vmov s2;
	v15 =	vadd.s32 v16, v15  }
0x32c: {  	v16 =	vld [tilespmem:s5+$0x0];
	p3 =	sne.s32 s13, $0x1  }
.Ltmp23:
0x32d: {  	_ = 	snop;
	(pc) =	sbr.rel @!p3 .LBB2_33-.Ltmp23, $2  }
0x32e: {  	_ =	sdelay $0x2  }
0x32f: {  	s2 =	sadd.s32 $0xFFFFFFFF, s13;
	s5 =	sadd.s32 $0x10, s5;
	vm0 =	vgt.s32 v16, v13  }
.LBB2_32:
0x330: {  	v16 =	vld [tilespmem:s5+$0x0];
	p3 =	sne.s32 s2, $0x1;
	s2 =	sadd.s32 $0xFFFFFFFF, s2;
	v17 =	vsel vm0, $0x1, v0  }
.Ltmp24:
0x331: {  	v15 =	vadd.s32 v17, v15;
	(pc) =	sbr.rel @p3 .LBB2_32-.Ltmp24, $2  }
0x332: {  	_ =	sdelay $0x2  }
0x333: {  	s5 =	sadd.s32 $0x10, s5;
	vm0 =	vgt.s32 v16, v13  }
.LBB2_33:
0x334: {  	v16 =	vsel vm0, $0x1, v0  }
0x335: {  	v15 =	vadd.s32 v16, v15  }
.LBB2_34:
0x336: {  	(xrf0) =	vadd.scan.msk.s32 $0xffff, v15;
	_ =	sdelay $0x5  }
0x337: {  	v15, _, _ =	vpop (xrf0)  }
0x338: {  	(v2sf) =	vpush v15, $0xF;
	_ =	sdelay $0x7  }
0x339: {  	vm0 =	veq.s32 v14, v13  }
0x33a: {  	v15 =	vsel vm0, $0x1, v0  }
0x33b: {  	(xrf0) =	vadd.scan.msk.s32 $0xffff, v15;
	_ =	sdelay $0x4  }
0x33c: {  	s2 =	spop (v2sf)  }
0x33d: {  	v15, _, _ =	vpop (xrf0);
	s2 =	ssub.s32 $0x20, s2  }
0x33e: {  	vm1 =	vle.s32 v15, s2  }
0x33f: {  	vm2 =	vgt.s32 v14, v13;
	vm0 =	vmand vm0, vm1  }
0x340: {  	vm0 =	vmor vm2, vm0  }
0x341: {  	v16 =	vsel vm0, $0x1, v0  }
0x342: {  	(xrf0) =	vadd.scan.msk.s32 $0xffff, v16;
	_ =	sdelay $0x5  }
0x343: {  	v16, _, _ =	vpop (xrf0)  }
0x344: {  	v17 =	vadd.s32 $0xFFFFFFFF, v16  }
0x345: {  	vm15 =	vlt.s32 v17, $0x2F  }
0x346: {  	v17 =	vnsel vm15, $0x2F, v17  }
0x347: {  	v18 =	vld [tilespmem:$0x18380];
	_ =	sdelay $0x3  }
0x348: {  	[tilespmem:v17+s21+$0x0] =	vst.idx.msk vm0, v14  }
0x349: {  	[tilespmem:v17+s22+$0x0] =	vst.idx.msk vm0, v18  }
0x34a: {  	v14 =	vld [tilespmem:$0x18110];
	_ =	sdelay $0x4  }
0x34b: {  	vm4 =	veq.s32 v14, v13  }
0x34c: {  	v17 =	vsel vm4, $0x1, v0  }
0x34d: {  	(xrf0) =	vadd.scan.msk.s32 $0xffff, v17;
	_ =	sdelay $0x4  }
0x34e: {  	v15 =	vperm.xlane v15, v3  }
0x34f: {  	v17, _, _ =	vpop (xrf0)  }
0x350: {  	v18 =	vadd.s32 v15, v17  }
0x351: {  	vm5 =	vle.s32 v18, s2  }
0x352: {  	vm6 =	vgt.s32 v14, v13;
	vm0 =	vmand vm4, vm5  }
0x353: {  	vm0 =	vmor vm6, vm0  }
0x354: {  	v18 =	vsel vm0, $0x1, v0  }
0x355: {  	(xrf0) =	vadd.scan.msk.s32 $0xffff, v18;
	_ =	sdelay $0x4  }
0x356: {  	v16 =	vperm.xlane v16, v3  }
0x357: {  	v18, _, _ =	vpop (xrf0)  }
0x358: {  	v19 =	vadd.s32 v18, v16  }
0x359: {  	v19 =	vadd.s32 $0xFFFFFFFF, v19  }
0x35a: {  	vm7 =	vlt.s32 v19, $0x2F  }
0x35b: {  	v19 =	vnsel vm7, $0x2F, v19  }
0x35c: {  	v20 =	vld [tilespmem:$0x18390];
	_ =	sdelay $0x3  }
0x35d: {  	[tilespmem:v19+s21+$0x0] =	vst.idx.msk vm0, v14  }
0x35e: {  	[tilespmem:v19+s22+$0x0] =	vst.idx.msk vm0, v20  }
0x35f: {  	v14 =	vld [tilespmem:$0x18120];
	_ =	sdelay $0x4  }
0x360: {  	vm8 =	veq.s32 v14, v13  }
0x361: {  	v19 =	vsel vm8, $0x1, v0  }
0x362: {  	(xrf0) =	vadd.scan.msk.s32 $0xffff, v19;
	_ =	sdelay $0x1  }
0x363: {  	v17 =	vperm.xlane v17, v3;
	_ =	sdelay $0x3  }
0x364: {  	v15 =	vadd.s32 v15, v17;
	v17, _, _ =	vpop (xrf0)  }
0x365: {  	v19 =	vadd.s32 v15, v17  }
0x366: {  	vm9 =	vle.s32 v19, s2  }
0x367: {  	vm10 =	vgt.s32 v14, v13;
	vm0 =	vmand vm8, vm9  }
0x368: {  	vm0 =	vmor vm10, vm0  }
0x369: {  	v19 =	vsel vm0, $0x1, v0  }
0x36a: {  	(xrf0) =	vadd.scan.msk.s32 $0xffff, v19;
	_ =	sdelay $0x1  }
0x36b: {  	v18 =	vperm.xlane v18, v3;
	_ =	sdelay $0x3  }
0x36c: {  	v16 =	vadd.s32 v16, v18;
	v18, _, _ =	vpop (xrf0)  }
0x36d: {  	v19 =	vadd.s32 v18, v16  }
0x36e: {  	v19 =	vadd.s32 $0xFFFFFFFF, v19  }
0x36f: {  	vm11 =	vlt.s32 v19, $0x2F  }
0x370: {  	v19 =	vnsel vm11, $0x2F, v19  }
0x371: {  	v20 =	vld [tilespmem:$0x183A0];
	_ =	sdelay $0x3  }
0x372: {  	[tilespmem:v19+s21+$0x0] =	vst.idx.msk vm0, v14  }
0x373: {  	[tilespmem:v19+s22+$0x0] =	vst.idx.msk vm0, v20  }
0x374: {  	v19 =	vld [tilespmem:$0x18130];
	_ =	sdelay $0x4  }
0x375: {  	vm12 =	veq.s32 v19, v13  }
0x376: {  	v14 =	vsel vm12, $0x1, v0  }
0x377: {  	(xrf0) =	vadd.scan.msk.s32 $0xffff, v14;
	_ =	sdelay $0x3  }
0x378: {  	v14 =	vperm.xlane v17, v3;
	_ =	sdelay $0x1  }
0x379: {  	v14 =	vadd.s32 v15, v14;
	v15, _, _ =	vpop (xrf0)  }
0x37a: {  	v17 =	vadd.s32 v14, v15  }
0x37b: {  	vm13 =	vle.s32 v17, s2  }
0x37c: {  	vm14 =	vgt.s32 v19, v13;
	vm0 =	vmand vm12, vm13  }
0x37d: {  	vm0 =	vmor vm14, vm0  }
0x37e: {  	v17 =	vsel vm0, $0x1, v0  }
0x37f: {  	(xrf0) =	vadd.scan.msk.s32 $0xffff, v17;
	_ =	sdelay $0x3  }
0x380: {  	v17 =	vperm.xlane v18, v3;
	_ =	sdelay $0x1  }
0x381: {  	v17 =	vadd.s32 v16, v17;
	v16, _, _ =	vpop (xrf0)  }
0x382: {  	v18 =	vadd.s32 v16, v17  }
0x383: {  	v18 =	vadd.s32 $0xFFFFFFFF, v18  }
0x384: {  	vm15 =	vlt.s32 v18, $0x2F  }
0x385: {  	v18 =	vnsel vm15, $0x2F, v18  }
0x386: {  	v20 =	vld [tilespmem:$0x183B0]  }
.Ltmp25:
0x387: {  	_ = 	snop;
	(pc) =	sbr.rel @p2 .LBB2_41-.Ltmp25, $3  }
0x388: {  	_ =	sdelay $0x1  }
0x389: {  	[tilespmem:v18+s21+$0x0] =	vst.idx.msk vm0, v19  }
0x38a: {  	[tilespmem:v18+s22+$0x0] =	vst.idx.msk vm0, v20  }
0x38b: {  	p3 =	sne.s32 s13, $0x1  }
.Ltmp26:
0x38c: {  	_ = 	snop;
	(pc) =	sbr.rel @!p3 .LBB2_36-.Ltmp26, $4  }
0x38d: {  	_ = 	snop  }
0x38e: {  	v18 =	vperm.xlane v16, v3;
	v16 =	vperm.xlane v15, v3  }
0x38f: {  	s4 =	simm.s32 $0x18140  }
0x390: {  	v15 =	vmov s2;
	s2 =	simm.s32 $0x183C0;
	s5 =	sadd.s32 $0xFFFFFFFF, s13;
	p2 =	por $0x0, $0x0;
	v16 =	vadd.s32 v14, v16;
	v14 =	vadd.s32 v17, v18;
	v17 =	vld [tilespmem:s4+$0x0]  }
0x391: {  	_ =	sdelay $0x3  }
0x392: {  	vm0 =	veq.s32 v17, v13  }
0x393: {  	v18 =	vsel vm0, $0x1, v0  }
0x394: {  	(xrf0) =	vadd.scan.msk.s32 $0xffff, v18;
	_ =	sdelay $0x5  }
0x395: {  	v18, _, _ =	vpop (xrf0)  }
0x396: {  	v19 =	vadd.s32 v16, v18  }
0x397: {  	vm1 =	vle.s32 v19, v15  }
0x398: {  	vm2 =	vgt.s32 v17, v13;
	vm0 =	vmand vm0, vm1  }
0x399: {  	vm0 =	vmor vm2, vm0  }
0x39a: {  	v19 =	vsel vm0, $0x1, v0  }
0x39b: {  	(xrf0) =	vadd.scan.msk.s32 $0xffff, v19;
	_ =	sdelay $0x5  }
0x39c: {  	v19, _, _ =	vpop (xrf0)  }
0x39d: {  	v20 =	vadd.s32 v19, v14  }
0x39e: {  	v20 =	vadd.s32 $0xFFFFFFFF, v20  }
0x39f: {  	vm15 =	vlt.s32 v20, $0x2F  }
0x3a0: {  	v20 =	vnsel vm15, $0x2F, v20  }
0x3a1: {  	v21 =	vld [tilespmem:s2+$0x0];
	_ =	sdelay $0x1  }
0x3a2: {  	p3 =	sne.s32 s5, $0x1  }
.Ltmp27:
0x3a3: {  	_ = 	snop;
	(pc) =	sbr.rel @!p3 .LBB2_38-.Ltmp27, $4  }
0x3a4: {  	[tilespmem:v20+s21+$0x0] =	vst.idx.msk vm0, v17;
	v17 =	vperm.xlane v18, v3  }
0x3a5: {  	s13 =	simm.s32 $0x18150;
	v18 =	vperm.xlane v19, v3;
	[tilespmem:v20+s22+$0x0] =	vst.idx.msk vm0, v21  }
0x3a6: {  	v16 =	vadd.s32 v16, v17;
	v17 =	vld [tilespmem:s13+$0x0]  }
0x3a7: {  	s23 =	sadd.s32 $0xFFFFFFFF, s5;
	p2 =	por $0x1, $0x1;
	s5 =	simm.s32 $0x183C0;
	v14 =	vadd.s32 v14, v18  }
.LBB2_39:
0x3a8: {  	p3 =	sne.s32 s23, $0x1;
	_ =	sdelay $0x2  }
0x3a9: {  	vm0 =	vgt.s32 v17, v13;
	vm1 =	veq.s32 v17, v13  }
0x3aa: {  	v18 =	vsel vm1, $0x1, v0  }
0x3ab: {  	(xrf0) =	vadd.scan.msk.s32 $0xffff, v18;
	_ =	sdelay $0x5  }
0x3ac: {  	v18, _, _ =	vpop (xrf0)  }
0x3ad: {  	v19 =	vadd.s32 v16, v18;
	v18 =	vperm.xlane v18, v3  }
0x3ae: {  	vm2 =	vle.s32 v19, v15  }
0x3af: {  	vm1 =	vmand vm1, vm2;
	v16 =	vadd.s32 v16, v18  }
0x3b0: {  	vm0 =	vmor vm0, vm1  }
0x3b1: {  	v18 =	vsel vm0, $0x1, v0  }
0x3b2: {  	(xrf0) =	vadd.scan.msk.s32 $0xffff, v18;
	_ =	sdelay $0x5  }
0x3b3: {  	v18, _, _ =	vpop (xrf0)  }
0x3b4: {  	v19 =	vadd.s32 v18, v14;
	v18 =	vperm.xlane v18, v3  }
0x3b5: {  	v19 =	vadd.s32 $0xFFFFFFFF, v19  }
0x3b6: {  	vm1 =	vlt.s32 v19, $0x2F;
	v14 =	vadd.s32 v14, v18  }
0x3b7: {  	s5 =	sadd.s32 $0x10, s5;
	v18 =	vnsel vm1, $0x2F, v19  }
0x3b8: {  	v19 =	vld [tilespmem:s5+$0x0];
	_ =	sdelay $0x2  }
.Ltmp28:
0x3b9: {  	(pc) =	sbr.rel @p3 .LBB2_39-.Ltmp28, $4  }
0x3ba: {  	[tilespmem:v18+s21+$0x0] =	vst.idx.msk vm0, v17  }
0x3bb: {  	s13 =	sadd.s32 $0x10, s13;
	[tilespmem:v18+s22+$0x0] =	vst.idx.msk vm0, v19  }
0x3bc: {  	v17 =	vld [tilespmem:s13+$0x0]  }
0x3bd: {  	s23 =	sadd.s32 $0xFFFFFFFF, s23  }
.LBB2_40:
0x3be: {  	_ =	sdelay $0x2  }
0x3bf: {  	vm0 =	veq.s32 v17, v13  }
0x3c0: {  	v18 =	vsel vm0, $0x1, v0  }
0x3c1: {  	(xrf0) =	vadd.scan.msk.s32 $0xffff, v18;
	_ =	sdelay $0x5  }
0x3c2: {  	v18, _, _ =	vpop (xrf0)  }
0x3c3: {  	v16 =	vadd.s32 v16, v18  }
0x3c4: {  	vm1 =	vle.s32 v16, v15  }
0x3c5: {  	vm2 =	vgt.s32 v17, v13;
	vm0 =	vmand vm0, vm1  }
0x3c6: {  	vm0 =	vmor vm2, vm0  }
0x3c7: {  	v13 =	vsel vm0, $0x1, v0  }
0x3c8: {  	(xrf0) =	vadd.scan.msk.s32 $0xffff, v13;
	_ =	sdelay $0x5  }
0x3c9: {  	v13, _, _ =	vpop (xrf0)  }
0x3ca: {  	v13 =	vadd.s32 v13, v14  }
0x3cb: {  	v13 =	vadd.s32 $0xFFFFFFFF, v13  }
0x3cc: {  	s4 =	sadd.s32 @p2 $0x10, s5;
	vm15 =	vlt.s32 v13, $0x2F  }
0x3cd: {  	s2 =	smov.u32 @p2 s4;
	v13 =	vnsel vm15, $0x2F, v13  }
0x3ce: {  	v14 =	vld [tilespmem:s2+$0x0];
	_ =	sdelay $0x3  }
0x3cf: {  	[tilespmem:v13+s21+$0x0] =	vst.idx.msk vm0, v17  }
0x3d0: {  	[tilespmem:v13+s22+$0x0] =	vst.idx.msk vm0, v14  }
.LBB2_41:
0x3d1: {  	v13 =	vld [tilespmem:$0x18B00]  }
0x3d2: {  	v14 =	vld [tilespmem:$0x18B80];
	_ =	sdelay $0x1  }
0x3d3: {  	s2 =	sshll.u32 s29, $0x6  }
0x3d4: {  	s4 =	smul.u32 $0x5000, s24;
	s5 =	sand.u32 $0x780, s2  }
0x3d5: {  	s10 =	sand.u32 $0x40, s2;
	s13 =	sadd.s32 $0x19400, s5  }
0x3d6: {  	s5 =	sor.u32 s10, s13;
	v14 =	vadd.s32 s4, v14;
	[tilespmem:s2+$0x18C00] =	vst v13  }
0x3d7: {  	[tilespmem:s5+$0x0] =	vst v14  }
0x3d8: {  	v13 =	vld [tilespmem:$0x18B10]  }
0x3d9: {  	v14 =	vld [tilespmem:$0x18B90];
	_ =	sdelay $0x4  }
0x3da: {  	v14 =	vadd.s32 s4, v14;
	[tilespmem:s2+$0x18C10] =	vst v13  }
0x3db: {  	[tilespmem:s5+$0x10] =	vst v14  }
0x3dc: {  	v14 =	vld [tilespmem:$0x18600]  }
0x3dd: {  	v13 =	vld [tilespmem:$0x18610]  }
0x3de: {  	v15 =	vld [tilespmem:$0x18620]  }
0x3df: {  	v16 =	vld [tilespmem:$0x18630];
	_ =	sdelay $0x2  }
.Ltmp29:
0x3e0: {  	vm0 =	vgt.s32 v14, s11;
	vm1 =	vgt.s32 v13, s11;
	(pc) =	sbr.rel @p1 .LBB2_45-.Ltmp29, $4  }
0x3e1: {  	vm14 =	vgt.s32 v15, s11;
	v13 =	vsel vm0, $0x1, v0;
	v17 =	vsel vm1, $0x1, v0  }
0x3e2: {  	vm15 =	vgt.s32 v16, s11;
	v15 =	vsel vm14, $0x1, v0;
	v13 =	vadd.s32 v13, v17  }
0x3e3: {  	v16 =	vsel vm15, $0x1, v0;
	v15 =	vadd.s32 v15, v13  }
0x3e4: {  	s5 =	simm.s32 $0x18640;
	v13 =	vmov s11;
	v15 =	vadd.s32 v16, v15  }
0x3e5: {  	v16 =	vld [tilespmem:s5+$0x0];
	p2 =	sne.s32 s7, $0x1  }
.Ltmp30:
0x3e6: {  	_ = 	snop;
	(pc) =	sbr.rel @!p2 .LBB2_44-.Ltmp30, $2  }
0x3e7: {  	_ =	sdelay $0x2  }
0x3e8: {  	s2 =	sadd.s32 $0xFFFFFFFF, s7;
	s5 =	sadd.s32 $0x10, s5;
	vm0 =	vgt.s32 v16, v13  }
.LBB2_43:
0x3e9: {  	v16 =	vld [tilespmem:s5+$0x0];
	p2 =	sne.s32 s2, $0x1;
	s2 =	sadd.s32 $0xFFFFFFFF, s2;
	v17 =	vsel vm0, $0x1, v0  }
.Ltmp31:
0x3ea: {  	v15 =	vadd.s32 v17, v15;
	(pc) =	sbr.rel @p2 .LBB2_43-.Ltmp31, $2  }
0x3eb: {  	_ =	sdelay $0x2  }
0x3ec: {  	s5 =	sadd.s32 $0x10, s5;
	vm0 =	vgt.s32 v16, v13  }
.LBB2_44:
0x3ed: {  	v16 =	vsel vm0, $0x1, v0  }
0x3ee: {  	v15 =	vadd.s32 v16, v15  }
.LBB2_45:
0x3ef: {  	(xrf0) =	vadd.scan.msk.s32 $0xffff, v15;
	_ =	sdelay $0x5  }
0x3f0: {  	v15, _, _ =	vpop (xrf0)  }
0x3f1: {  	(v2sf) =	vpush v15, $0xF;
	_ =	sdelay $0x7  }
0x3f2: {  	vm0 =	veq.s32 v14, v13  }
0x3f3: {  	v15 =	vsel vm0, $0x1, v0  }
0x3f4: {  	(xrf0) =	vadd.scan.msk.s32 $0xffff, v15;
	_ =	sdelay $0x4  }
0x3f5: {  	s2 =	spop (v2sf)  }
0x3f6: {  	v15, _, _ =	vpop (xrf0);
	s2 =	ssub.s32 $0x20, s2  }
0x3f7: {  	vm1 =	vle.s32 v15, s2  }
0x3f8: {  	vm2 =	vgt.s32 v14, v13;
	vm0 =	vmand vm0, vm1  }
0x3f9: {  	vm0 =	vmor vm2, vm0  }
0x3fa: {  	v16 =	vsel vm0, $0x1, v0  }
0x3fb: {  	(xrf0) =	vadd.scan.msk.s32 $0xffff, v16;
	_ =	sdelay $0x5  }
0x3fc: {  	v16, _, _ =	vpop (xrf0)  }
0x3fd: {  	v17 =	vadd.s32 $0xFFFFFFFF, v16  }
0x3fe: {  	vm15 =	vlt.s32 v17, $0x2F  }
0x3ff: {  	v17 =	vnsel vm15, $0x2F, v17  }
0x400: {  	v18 =	vld [tilespmem:$0x18880];
	_ =	sdelay $0x3  }
0x401: {  	[tilespmem:v17+s21+$0x0] =	vst.idx.msk vm0, v14  }
0x402: {  	[tilespmem:v17+s22+$0x0] =	vst.idx.msk vm0, v18  }
0x403: {  	v14 =	vld [tilespmem:$0x18610];
	_ =	sdelay $0x4  }
0x404: {  	vm4 =	veq.s32 v14, v13  }
0x405: {  	v17 =	vsel vm4, $0x1, v0  }
0x406: {  	(xrf0) =	vadd.scan.msk.s32 $0xffff, v17;
	_ =	sdelay $0x4  }
0x407: {  	v15 =	vperm.xlane v15, v3  }
0x408: {  	v17, _, _ =	vpop (xrf0)  }
0x409: {  	v18 =	vadd.s32 v15, v17  }
0x40a: {  	vm5 =	vle.s32 v18, s2  }
0x40b: {  	vm6 =	vgt.s32 v14, v13;
	vm0 =	vmand vm4, vm5  }
0x40c: {  	vm0 =	vmor vm6, vm0  }
0x40d: {  	v18 =	vsel vm0, $0x1, v0  }
0x40e: {  	(xrf0) =	vadd.scan.msk.s32 $0xffff, v18;
	_ =	sdelay $0x4  }
0x40f: {  	v16 =	vperm.xlane v16, v3  }
0x410: {  	v18, _, _ =	vpop (xrf0)  }
0x411: {  	v19 =	vadd.s32 v18, v16  }
0x412: {  	v19 =	vadd.s32 $0xFFFFFFFF, v19  }
0x413: {  	vm7 =	vlt.s32 v19, $0x2F  }
0x414: {  	v19 =	vnsel vm7, $0x2F, v19  }
0x415: {  	v20 =	vld [tilespmem:$0x18890];
	_ =	sdelay $0x3  }
0x416: {  	[tilespmem:v19+s21+$0x0] =	vst.idx.msk vm0, v14  }
0x417: {  	[tilespmem:v19+s22+$0x0] =	vst.idx.msk vm0, v20  }
0x418: {  	v14 =	vld [tilespmem:$0x18620];
	_ =	sdelay $0x4  }
0x419: {  	vm8 =	veq.s32 v14, v13  }
0x41a: {  	v19 =	vsel vm8, $0x1, v0  }
0x41b: {  	(xrf0) =	vadd.scan.msk.s32 $0xffff, v19;
	_ =	sdelay $0x1  }
0x41c: {  	v17 =	vperm.xlane v17, v3;
	_ =	sdelay $0x3  }
0x41d: {  	v15 =	vadd.s32 v15, v17;
	v17, _, _ =	vpop (xrf0)  }
0x41e: {  	v19 =	vadd.s32 v15, v17  }
0x41f: {  	vm9 =	vle.s32 v19, s2  }
0x420: {  	vm10 =	vgt.s32 v14, v13;
	vm0 =	vmand vm8, vm9  }
0x421: {  	vm0 =	vmor vm10, vm0  }
0x422: {  	v19 =	vsel vm0, $0x1, v0  }
0x423: {  	(xrf0) =	vadd.scan.msk.s32 $0xffff, v19;
	_ =	sdelay $0x1  }
0x424: {  	v18 =	vperm.xlane v18, v3;
	_ =	sdelay $0x3  }
0x425: {  	v16 =	vadd.s32 v16, v18;
	v18, _, _ =	vpop (xrf0)  }
0x426: {  	v19 =	vadd.s32 v18, v16  }
0x427: {  	v19 =	vadd.s32 $0xFFFFFFFF, v19  }
0x428: {  	vm11 =	vlt.s32 v19, $0x2F  }
0x429: {  	v19 =	vnsel vm11, $0x2F, v19  }
0x42a: {  	v20 =	vld [tilespmem:$0x188A0];
	_ =	sdelay $0x3  }
0x42b: {  	[tilespmem:v19+s21+$0x0] =	vst.idx.msk vm0, v14  }
0x42c: {  	[tilespmem:v19+s22+$0x0] =	vst.idx.msk vm0, v20  }
0x42d: {  	v19 =	vld [tilespmem:$0x18630];
	_ =	sdelay $0x4  }
0x42e: {  	vm12 =	veq.s32 v19, v13  }
0x42f: {  	v14 =	vsel vm12, $0x1, v0  }
0x430: {  	(xrf0) =	vadd.scan.msk.s32 $0xffff, v14;
	_ =	sdelay $0x3  }
0x431: {  	v14 =	vperm.xlane v17, v3;
	_ =	sdelay $0x1  }
0x432: {  	v14 =	vadd.s32 v15, v14;
	v15, _, _ =	vpop (xrf0)  }
0x433: {  	v17 =	vadd.s32 v14, v15  }
0x434: {  	vm13 =	vle.s32 v17, s2  }
0x435: {  	vm14 =	vgt.s32 v19, v13;
	vm0 =	vmand vm12, vm13  }
0x436: {  	vm0 =	vmor vm14, vm0  }
0x437: {  	v17 =	vsel vm0, $0x1, v0  }
0x438: {  	(xrf0) =	vadd.scan.msk.s32 $0xffff, v17;
	_ =	sdelay $0x3  }
0x439: {  	v17 =	vperm.xlane v18, v3;
	_ =	sdelay $0x1  }
0x43a: {  	v17 =	vadd.s32 v16, v17;
	v16, _, _ =	vpop (xrf0)  }
0x43b: {  	v18 =	vadd.s32 v16, v17  }
0x43c: {  	v18 =	vadd.s32 $0xFFFFFFFF, v18  }
0x43d: {  	vm15 =	vlt.s32 v18, $0x2F  }
0x43e: {  	v18 =	vnsel vm15, $0x2F, v18  }
0x43f: {  	v20 =	vld [tilespmem:$0x188B0]  }
.Ltmp32:
0x440: {  	_ = 	snop;
	(pc) =	sbr.rel @p1 .LBB2_52-.Ltmp32, $3  }
0x441: {  	_ =	sdelay $0x1  }
0x442: {  	[tilespmem:v18+s21+$0x0] =	vst.idx.msk vm0, v19  }
0x443: {  	[tilespmem:v18+s22+$0x0] =	vst.idx.msk vm0, v20  }
0x444: {  	p2 =	sne.s32 s7, $0x1  }
.Ltmp33:
0x445: {  	_ = 	snop;
	(pc) =	sbr.rel @!p2 .LBB2_47-.Ltmp33, $4  }
0x446: {  	_ = 	snop  }
0x447: {  	v18 =	vperm.xlane v16, v3;
	v16 =	vperm.xlane v15, v3  }
0x448: {  	s4 =	simm.s32 $0x18640  }
0x449: {  	v15 =	vmov s2;
	s2 =	simm.s32 $0x188C0;
	s5 =	sadd.s32 $0xFFFFFFFF, s7;
	p1 =	por $0x0, $0x0;
	v16 =	vadd.s32 v14, v16;
	v14 =	vadd.s32 v17, v18;
	v17 =	vld [tilespmem:s4+$0x0]  }
0x44a: {  	_ =	sdelay $0x3  }
0x44b: {  	vm0 =	veq.s32 v17, v13  }
0x44c: {  	v18 =	vsel vm0, $0x1, v0  }
0x44d: {  	(xrf0) =	vadd.scan.msk.s32 $0xffff, v18;
	_ =	sdelay $0x5  }
0x44e: {  	v18, _, _ =	vpop (xrf0)  }
0x44f: {  	v19 =	vadd.s32 v16, v18  }
0x450: {  	vm1 =	vle.s32 v19, v15  }
0x451: {  	vm2 =	vgt.s32 v17, v13;
	vm0 =	vmand vm0, vm1  }
0x452: {  	vm0 =	vmor vm2, vm0  }
0x453: {  	v19 =	vsel vm0, $0x1, v0  }
0x454: {  	(xrf0) =	vadd.scan.msk.s32 $0xffff, v19;
	_ =	sdelay $0x5  }
0x455: {  	v19, _, _ =	vpop (xrf0)  }
0x456: {  	v20 =	vadd.s32 v19, v14  }
0x457: {  	v20 =	vadd.s32 $0xFFFFFFFF, v20  }
0x458: {  	vm15 =	vlt.s32 v20, $0x2F  }
0x459: {  	v20 =	vnsel vm15, $0x2F, v20  }
0x45a: {  	v21 =	vld [tilespmem:s2+$0x0];
	_ =	sdelay $0x1  }
0x45b: {  	p2 =	sne.s32 s5, $0x1  }
.Ltmp34:
0x45c: {  	_ = 	snop;
	(pc) =	sbr.rel @!p2 .LBB2_49-.Ltmp34, $4  }
0x45d: {  	[tilespmem:v20+s21+$0x0] =	vst.idx.msk vm0, v17;
	v17 =	vperm.xlane v18, v3  }
0x45e: {  	s7 =	simm.s32 $0x18650;
	v18 =	vperm.xlane v19, v3;
	[tilespmem:v20+s22+$0x0] =	vst.idx.msk vm0, v21  }
0x45f: {  	v16 =	vadd.s32 v16, v17;
	v17 =	vld [tilespmem:s7+$0x0]  }
0x460: {  	s11 =	sadd.s32 $0xFFFFFFFF, s5;
	p1 =	por $0x1, $0x1;
	s5 =	simm.s32 $0x188C0;
	v14 =	vadd.s32 v14, v18  }
.LBB2_50:
0x461: {  	p2 =	sne.s32 s11, $0x1;
	_ =	sdelay $0x2  }
0x462: {  	vm0 =	vgt.s32 v17, v13;
	vm1 =	veq.s32 v17, v13  }
0x463: {  	v18 =	vsel vm1, $0x1, v0  }
0x464: {  	(xrf0) =	vadd.scan.msk.s32 $0xffff, v18;
	_ =	sdelay $0x5  }
0x465: {  	v18, _, _ =	vpop (xrf0)  }
0x466: {  	v19 =	vadd.s32 v16, v18;
	v18 =	vperm.xlane v18, v3  }
0x467: {  	vm2 =	vle.s32 v19, v15  }
0x468: {  	vm1 =	vmand vm1, vm2;
	v16 =	vadd.s32 v16, v18  }
0x469: {  	vm0 =	vmor vm0, vm1  }
0x46a: {  	v18 =	vsel vm0, $0x1, v0  }
0x46b: {  	(xrf0) =	vadd.scan.msk.s32 $0xffff, v18;
	_ =	sdelay $0x5  }
0x46c: {  	v18, _, _ =	vpop (xrf0)  }
0x46d: {  	v19 =	vadd.s32 v18, v14;
	v18 =	vperm.xlane v18, v3  }
0x46e: {  	v19 =	vadd.s32 $0xFFFFFFFF, v19  }
0x46f: {  	vm1 =	vlt.s32 v19, $0x2F;
	v14 =	vadd.s32 v14, v18  }
0x470: {  	s5 =	sadd.s32 $0x10, s5;
	v18 =	vnsel vm1, $0x2F, v19  }
0x471: {  	v19 =	vld [tilespmem:s5+$0x0];
	_ =	sdelay $0x2  }
.Ltmp35:
0x472: {  	(pc) =	sbr.rel @p2 .LBB2_50-.Ltmp35, $4  }
0x473: {  	[tilespmem:v18+s21+$0x0] =	vst.idx.msk vm0, v17  }
0x474: {  	s7 =	sadd.s32 $0x10, s7;
	[tilespmem:v18+s22+$0x0] =	vst.idx.msk vm0, v19  }
0x475: {  	v17 =	vld [tilespmem:s7+$0x0]  }
0x476: {  	s11 =	sadd.s32 $0xFFFFFFFF, s11  }
.LBB2_51:
0x477: {  	_ =	sdelay $0x2  }
0x478: {  	vm0 =	veq.s32 v17, v13  }
0x479: {  	v18 =	vsel vm0, $0x1, v0  }
0x47a: {  	(xrf0) =	vadd.scan.msk.s32 $0xffff, v18;
	_ =	sdelay $0x5  }
0x47b: {  	v18, _, _ =	vpop (xrf0)  }
0x47c: {  	v16 =	vadd.s32 v16, v18  }
0x47d: {  	vm1 =	vle.s32 v16, v15  }
0x47e: {  	vm2 =	vgt.s32 v17, v13;
	vm0 =	vmand vm0, vm1  }
0x47f: {  	vm0 =	vmor vm2, vm0  }
0x480: {  	v13 =	vsel vm0, $0x1, v0  }
0x481: {  	(xrf0) =	vadd.scan.msk.s32 $0xffff, v13;
	_ =	sdelay $0x5  }
0x482: {  	v13, _, _ =	vpop (xrf0)  }
0x483: {  	v13 =	vadd.s32 v13, v14  }
0x484: {  	v13 =	vadd.s32 $0xFFFFFFFF, v13  }
0x485: {  	s4 =	sadd.s32 @p1 $0x10, s5;
	vm15 =	vlt.s32 v13, $0x2F  }
0x486: {  	s2 =	smov.u32 @p1 s4;
	v13 =	vnsel vm15, $0x2F, v13  }
0x487: {  	v14 =	vld [tilespmem:s2+$0x0];
	_ =	sdelay $0x3  }
0x488: {  	[tilespmem:v13+s21+$0x0] =	vst.idx.msk vm0, v17  }
0x489: {  	[tilespmem:v13+s22+$0x0] =	vst.idx.msk vm0, v14  }
.LBB2_52:
0x48a: {  	v13 =	vld [tilespmem:$0x18B00]  }
0x48b: {  	v14 =	vld [tilespmem:$0x18B80]  }
0x48c: {  	s2 =	rddreg [dreg:$0x3]  }
0x48d: {  	s2 =	sadd.s32 s2, s0  }
0x48e: {  	s28 =	sshll.u32 s0, $0x5;
	s2 =	smul.u32 $0x5000, s2  }
0x48f: {  	s4 =	sand.u32 $0x60, s28  }
0x490: {  	s4 =	sadd.s32 s4, s13;
	v14 =	vadd.s32 s2, v14;
	[tilespmem:s28+$0x18C00] =	vst v13  }
0x491: {  	[tilespmem:s4+$0x0] =	vst v14  }
0x492: {  	v13 =	vld [tilespmem:$0x18B10]  }
0x493: {  	v14 =	vld [tilespmem:$0x18B90]  }
0x494: {  	p1 =	sgt.u32 s29, $0x1D  }
.Ltmp36:
0x495: {  	_ = 	snop;
	(pc) =	sbr.rel @p1 .LBB2_58-.Ltmp36, $3  }
0x496: {  	_ =	sdelay $0x1  }
0x497: {  	v14 =	vadd.s32 s2, v14;
	[tilespmem:s28+$0x18C10] =	vst v13  }
0x498: {  	[tilespmem:s4+$0x10] =	vst v14  }
0x499: {  	s0 =	sadd.s32 $0x4, s24  }
0x49a: {  	s2 =	sshrl.u32 s0, $0x3  }
0x49b: {  	s0 =	sshll.u32 s0, $0x7;
	s2 =	smul.u32 $0x28000, s2  }
0x49c: {  	s0 =	sand.u32 $0x300, s0  }
0x49d: {  	s0 =	sor.u32 s0, s2  }
0x49e: {  	s28 =	rddreg [dreg:$0x0];
	s0 =	sshrl.u32 s0, $0x3  }
0x49f: {  	s0 =	sadd.s32 s28, s0  }
0x4a0: {  	s5 =	sadd.s32 $0x200, s12;
	s2 =	simm.s32 $0x80;
	s7 =	sadd.s32 $0x0, s0  }
.LBB2_54:
0x4a1: {  	[tilespmem:s12], [sflag:s31] =	stream.linear.gather [hbm4b:s7+s3], $0x80, $0x38;
	[tilespmem:$0x19C00] =	vst v63  }
0x4a2: {  	s4 =	smov.u32 s2;
	s12 =	smov.u32 s5;
	p1 =	sne.s32 s2, $0x4F80  }
.Ltmp37:
0x4a3: {  	s2 =	sadd.s32 $0x80, s2;
	(pc) =	sbr.rel @p1 .LBB2_54-.Ltmp37, $2  }
0x4a4: {  	_ =	sdelay $0x2  }
0x4a5: {  	s5 =	sadd.s32 $0x200, s5;
	s7 =	sadd.s32 s4, s0  }
0x4a6: {  	[tilespmem:s12], [sflag:s31] =	stream.linear.gather [hbm4b:s7+s3], $0x80, $0x38;
	[tilespmem:$0x19C00] =	vst v63  }
0x4a7: {  	s0 =	sadd.s32 $0x5, s24  }
0x4a8: {  	s2 =	sshrl.u32 s0, $0x3  }
0x4a9: {  	s0 =	sshll.u32 s0, $0x7;
	s2 =	smul.u32 $0x28000, s2  }
0x4aa: {  	s0 =	sand.u32 $0x380, s0  }
0x4ab: {  	s0 =	sor.u32 s0, s2  }
0x4ac: {  	s31 =	rddreg [dreg:$0x0];
	s0 =	sshrl.u32 s0, $0x3  }
0x4ad: {  	s0 =	sadd.s32 s31, s0  }
0x4ae: {  	s5 =	sadd.s32 $0x200, s1;
	s2 =	simm.s32 $0x80;
	s7 =	sadd.s32 $0x0, s0  }
.LBB2_56:
0x4af: {  	[tilespmem:s1], [sflag:s30] =	stream.linear.gather [hbm4b:s7+s3], $0x80, $0x38;
	[tilespmem:$0x19C00] =	vst v63  }
0x4b0: {  	s4 =	smov.u32 s2;
	s1 =	smov.u32 s5;
	p1 =	sne.s32 s2, $0x4F80  }
.Ltmp38:
0x4b1: {  	s2 =	sadd.s32 $0x80, s2;
	(pc) =	sbr.rel @p1 .LBB2_56-.Ltmp38, $2  }
0x4b2: {  	_ =	sdelay $0x2  }
0x4b3: {  	s5 =	sadd.s32 $0x200, s5;
	s7 =	sadd.s32 s4, s0  }
.Ltmp39:
0x4b4: {  	(pc) =	sbr.rel .LBB2_58-.Ltmp39, $2  }
0x4b5: {  	_ =	sdelay $0x2  }
0x4b6: {  	[tilespmem:s1], [sflag:s30] =	stream.linear.gather [hbm4b:s7+s3], $0x80, $0x38;
	[tilespmem:$0x19C00] =	vst v63  }
.LBB2_36:
.Ltmp40:
0x4b7: {  	(pc) =	sbr.rel .LBB2_40-.Ltmp40, $2  }
0x4b8: {  	_ =	sdelay $0x2  }
0x4b9: {  	s5 =	simm.s32 $0x183C0  }
.LBB2_47:
.Ltmp41:
0x4ba: {  	(pc) =	sbr.rel .LBB2_51-.Ltmp41, $2  }
0x4bb: {  	_ =	sdelay $0x2  }
0x4bc: {  	s5 =	simm.s32 $0x188C0  }
.LBB2_38:
.Ltmp42:
0x4bd: {  	(pc) =	sbr.rel .LBB2_40-.Ltmp42, $2  }
0x4be: {  	_ =	sdelay $0x2  }
0x4bf: {  	s5 =	simm.s32 $0x183C0  }
.LBB2_49:
.Ltmp43:
0x4c0: {  	(pc) =	sbr.rel .LBB2_51-.Ltmp43, $2  }
0x4c1: {  	_ =	sdelay $0x2  }
0x4c2: {  	s5 =	simm.s32 $0x188C0  }
.LBB2_60:
0x4c3: {  	_ =	sfence.sel $0x180000  }
0x4c4: {  	[bflag:$0x0] =	sbarrier.arrive $0xFFFF  }
0x4c5: {  	_ =	strace $0x90000047  }
0x4c6: {  	s0 =	stileid.u32;
	[bflag:$0x2] =	sbarrier.arrive $0xFFFF  }
0x4c7: {  	p0 =	sne.s32 s0, $0x0;
	s0 =	rddreg [dreg:$0x2]  }
0x4c8: {  	s0 =	sadd.s32 @!p0 $0x100000, s0  }
0x4c9: {  	[sflag:s0] =	ssyncadd.tile.s32 @!p0 $0x1;
	_ =	shalt  }
.Lfunc_end2:
_tile_overlayer_lowered:
.L_overlay_start_2:
0x4ca: {  	(tag) =	ssettag $0x2  }
0x4cb: {  	s0 =	rddreg [dreg:$0x0];
	s2 =	stileid.u32  }
0x4cc: {  	s1 =	rddreg [dreg:$0x1];
	p0 =	sne.s32 s2, $0x0  }
0x4cd: {  	s3 =	rddreg [dreg:$0x2];
	[bflag:$0x3] =	sbarrier.arrive $0xFFFF;
	s2 =	simm.s32 @!p0 $0x1C06  }
0x4ce: {  	[timem:s3], [sflag:s2] =	dma.local @!p0 [hbm:s0], s1  }
0x4cf: {  	s0 =	simm.s32 @!p0 $0x6  }
0x4d0: {  	_ =	swait.ge @!p0 [sflag:s0], s1  }
0x4d1: {  	s1 =	ssub.s32 @!p0 $0x0, s1;
	[sflag:s0] =	ssyncset.done @!p0 $0x0  }
0x4d2: {  	[sflag:s0] =	ssyncadd.s32 @!p0 s1  }
0x4d3: {  	[bflag:$0x3] =	sbarrier.arrive $0xFFFF  }
0x4d4: {  	_ =	shalt  }

</sc_bundles>
